<compile_context>
chip_gen: v7x
topology: tpu7x:2x2x1
jax: 0.10.2.dev20260603
libtpu: 0.0.44.dev20260713+nightly
codegen_flags: <defaults>
</compile_context>

<pallas_src>
import functools

import jax
import jax.numpy as jnp
from jax import lax
from jax.experimental import pallas as pl
from jax.experimental.pallas import tpu as pltpu
from jax.experimental.pallas import tpu_sc as plsc

B, C, H, W = 16, 96, 224, 224
NPIX = H * W
TOTAL = B * NPIX
NC, NS, L = 2, 16, 16
NW = NC * NS
PER_W = TOTAL // NW
CHUNK = 64
NCHUNK = PER_W // CHUNK
HB = 16
NHB = H // HB
SCALE = 2.0 / (W - 1.0)
CP = 128



def _tc_body(x_ref, wl_ref, bl_ref, flat_ref, theta_ref, acc_ref):
    b = pl.program_id(0)
    i = pl.program_id(1)
    xb = x_ref[0].reshape(C, HB * W)
    xt = xb.T
    flat_ref[0, 0] = jnp.concatenate(
        [xt, jnp.zeros((HB * W, CP - C), jnp.float32)], axis=1)
    part = jnp.sum(xb, axis=1)

    @pl.when(i == 0)
    def _():
        acc_ref[...] = part

    @pl.when(i > 0)
    def _():
        acc_ref[...] = acc_ref[...] + part

    @pl.when(i == NHB - 1)
    def _():
        pooled = acc_ref[...] * jnp.float32(1.0 / NPIX)
        pooled_b = pooled.astype(jnp.bfloat16).astype(jnp.float32)
        wl_b = wl_ref[...].astype(jnp.bfloat16).astype(jnp.float32)
        th = jax.lax.dot_general(
            pooled_b.reshape(1, C), wl_b, (((1,), (0,)), ((), ())),
            preferred_element_type=jnp.float32,
            precision=jax.lax.Precision.HIGHEST)
        theta_ref[pl.ds(b, 1), :] = th + bl_ref[...]


def _stage_a(X, W_loc, b_loc):
    flat, theta = pl.pallas_call(
        _tc_body,
        grid=(B, NHB),
        in_specs=[
            pl.BlockSpec((1, C, HB, W), lambda b, i: (b, 0, i, 0)),
            pl.BlockSpec((C, 6), lambda b, i: (0, 0)),
            pl.BlockSpec((1, 6), lambda b, i: (0, 0)),
        ],
        out_specs=[
            pl.BlockSpec((1, 1, HB * W, CP), lambda b, i: (b, i, 0, 0)),
            pl.BlockSpec((B, 6), lambda b, i: (0, 0)),
        ],
        out_shape=[
            jax.ShapeDtypeStruct((B, NHB, HB * W, CP), jnp.float32),
            jax.ShapeDtypeStruct((B, 6), jnp.float32),
        ],
        scratch_shapes=[pltpu.VMEM((C,), jnp.float32)],
    )(X, W_loc, b_loc.reshape(1, 6))
    return flat.reshape(TOTAL, CP), theta.reshape(B * 6)



def _splat(ref, idx_scalar):
    return plsc.load_gather(ref, [jnp.full((L,), idx_scalar, jnp.int32)])


def _bf16r(v):
    u = plsc.bitcast(v, jnp.uint32)
    r = (u + jnp.uint32(0x7FFF) + ((u >> jnp.uint32(16)) & jnp.uint32(1)))
    r = r & jnp.uint32(0xFFFF0000)
    return plsc.bitcast(r, jnp.float32)


def _sc_body(flat_hbm, theta_hbm, out_hbm,
             theta_v, iac_v, ibd_v, wa_v, wb_v, wc_v, wd_v,
             gac_v, gbd_v, outt_v, sem0, sem1):
    wid = lax.axis_index("s") * NC + lax.axis_index("c")
    b = wid // 2
    half = wid % 2
    bbase = b * NPIX

    pltpu.sync_copy(theta_hbm, theta_v)
    t00 = _bf16r(_splat(theta_v, b * 6 + 0))
    t01 = _bf16r(_splat(theta_v, b * 6 + 1))
    t02 = _bf16r(_splat(theta_v, b * 6 + 2))
    t10 = _bf16r(_splat(theta_v, b * 6 + 3))
    t11 = _bf16r(_splat(theta_v, b * 6 + 4))
    t12 = _bf16r(_splat(theta_v, b * 6 + 5))
    lane = lax.iota(jnp.int32, L)
    ch_idx = [lane + k * L for k in range(6)]
    sems = (sem0, sem1)

    def compute_idx(g, buf):
        col0 = half * PER_W + g * CHUNK
        fb = jnp.full((L,), buf, jnp.int32)
        for v in range(CHUNK // L):
            pix = jnp.full((L,), col0 + v * L, jnp.int32) + lane
            irow = pix // W
            jcol = pix - irow * W
            xt = _bf16r(jcol.astype(jnp.float32) * SCALE - 1.0)
            yt = _bf16r(irow.astype(jnp.float32) * SCALE - 1.0)
            x = (t00 * xt + t01 * yt + t02 + 1.0) * jnp.float32(W / 2.0)
            y = (t10 * xt + t11 * yt + t12 + 1.0) * jnp.float32(H / 2.0)
            tx = x.astype(jnp.int32)
            x0u = jnp.where(tx.astype(jnp.float32) > x, tx - 1, tx)
            ty = y.astype(jnp.int32)
            y0u = jnp.where(ty.astype(jnp.float32) > y, ty - 1, ty)
            x0 = jnp.clip(x0u, 0, W - 1)
            x1 = jnp.clip(x0u + 1, 0, W - 1)
            y0 = jnp.clip(y0u, 0, H - 1)
            y1 = jnp.clip(y0u + 1, 0, H - 1)
            x0f = x0.astype(jnp.float32)
            x1f = x1.astype(jnp.float32)
            y0f = y0.astype(jnp.float32)
            y1f = y1.astype(jnp.float32)
            sl = pl.ds(v * L, L)
            wa_v[buf, sl] = (x1f - x) * (y1f - y)
            wb_v[buf, sl] = (x1f - x) * (y - y0f)
            wc_v[buf, sl] = (x - x0f) * (y1f - y)
            wd_v[buf, sl] = (x - x0f) * (y - y0f)
            row0 = bbase + y0 * W
            row1 = bbase + y1 * W
            pos = (lane + v * L) * 2
            plsc.store_scatter(iac_v, [fb, pos], row0 + x0)
            plsc.store_scatter(iac_v, [fb, pos + 1], row0 + x1)
            plsc.store_scatter(ibd_v, [fb, pos], row1 + x0)
            plsc.store_scatter(ibd_v, [fb, pos + 1], row1 + x1)

    def fire(buf):
        pltpu.make_async_copy(
            flat_hbm.at[iac_v.at[buf]], gac_v.at[buf], sems[buf]).start()
        pltpu.make_async_copy(
            flat_hbm.at[ibd_v.at[buf]], gbd_v.at[buf], sems[buf]).start()

    def drain(buf):
        pltpu.make_async_copy(
            flat_hbm.at[iac_v.at[buf]], gac_v.at[buf], sems[buf]).wait()
        pltpu.make_async_copy(
            flat_hbm.at[ibd_v.at[buf]], gbd_v.at[buf], sems[buf]).wait()

    def combine(buf):
        @plsc.parallel_loop(0, CHUNK, unroll=4)
        def _(r):
            fb = jnp.full((L,), buf, jnp.int32)
            fr = jnp.full((L,), r, jnp.int32)
            wa = plsc.load_gather(wa_v, [fb, fr])
            wb = plsc.load_gather(wb_v, [fb, fr])
            wc = plsc.load_gather(wc_v, [fb, fr])
            wd = plsc.load_gather(wd_v, [fb, fr])
            r2 = r * 2
            for k in range(6):
                ck = pl.ds(k * L, L)
                acc = (wa * gac_v[buf, r2, ck] + wc * gac_v[buf, r2 + 1, ck]
                       + wb * gbd_v[buf, r2, ck] + wd * gbd_v[buf, r2 + 1, ck])
                plsc.store_scatter(outt_v, [ch_idx[k], fr + buf * CHUNK], acc)

    compute_idx(0, 0)
    fire(0)

    def outer_body(o, carry):
        for p in (0, 1):
            g = o * 2 + p

            @pl.when(g + 1 < NCHUNK)
            def _():
                compute_idx(g + 1, 1 - p)
                fire(1 - p)

            drain(p)
            combine(p)
        col0 = half * PER_W + o * (2 * CHUNK)
        pltpu.sync_copy(outt_v, out_hbm.at[pl.ds(b * C, C), pl.ds(col0, 2 * CHUNK)])
        return carry

    lax.fori_loop(0, NCHUNK // 2, outer_body, 0, unroll=False)


@functools.cache
def _get_sc_call():
    return pl.kernel(
        _sc_body,
        out_type=jax.ShapeDtypeStruct((B * C, NPIX), jnp.float32),
        mesh=plsc.VectorSubcoreMesh(core_axis_name="c", subcore_axis_name="s",
                                    num_cores=NC, num_subcores=NS),
        compiler_params=pltpu.CompilerParams(needs_layout_passes=False),
        scratch_types=[
            pltpu.VMEM((B * 6,), jnp.float32),
            pltpu.VMEM((2, 2 * CHUNK), jnp.int32),
            pltpu.VMEM((2, 2 * CHUNK), jnp.int32),
            pltpu.VMEM((2, CHUNK), jnp.float32),
            pltpu.VMEM((2, CHUNK), jnp.float32),
            pltpu.VMEM((2, CHUNK), jnp.float32),
            pltpu.VMEM((2, CHUNK), jnp.float32),
            pltpu.VMEM((2, 2 * CHUNK, CP), jnp.float32),
            pltpu.VMEM((2, 2 * CHUNK, CP), jnp.float32),
            pltpu.VMEM((C, 2 * CHUNK), jnp.float32),
            pltpu.SemaphoreType.DMA,
            pltpu.SemaphoreType.DMA,
        ],
    )


def kernel(X, W_loc, b_loc):
    flat, theta = _stage_a(X, W_loc, b_loc)
    out = _get_sc_call()(flat, theta)
    return out.reshape(B, C, H, W)

# --- scband reference (transcript-rebuilt; emitter-appended) ---
"""Pipeline reference for scband-spatial-transformer-5248450036346 (READ-ONLY COPY).

The authoritative reference and input builder live on the scoring server;
editing this copy changes nothing except your own understanding.
"""

import jax, jax.numpy as jnp
import numpy as np

DOWNSAMPLE = 1

def _meshgrid(out_h, out_w):
    x_t = jnp.tile(jnp.linspace(-1.0, 1.0, out_w)[None, :], (out_h, 1))
    y_t = jnp.tile(jnp.linspace(-1.0, 1.0, out_h)[:, None], (1, out_w))
    ones = jnp.ones_like(x_t)
    grid = jnp.stack([x_t.ravel(), y_t.ravel(), ones.ravel()], axis=0)
    return grid.astype(jnp.float32)

def _interpolate(im, x, y):
    # im: [B, H, W, C] (NHWC), x/y: flat sampling coords in [-1, 1]
    B, H, W, C = im.shape
    out_h = H // DOWNSAMPLE
    out_w = W // DOWNSAMPLE
    max_y = H - 1
    max_x = W - 1
    x = (x + 1.0) * W / 2.0
    y = (y + 1.0) * H / 2.0
    x0 = jnp.floor(x).astype(jnp.int32)
    x1 = x0 + 1
    y0 = jnp.floor(y).astype(jnp.int32)
    y1 = y0 + 1
    x0 = jnp.clip(x0, 0, max_x)
    x1 = jnp.clip(x1, 0, max_x)
    y0 = jnp.clip(y0, 0, max_y)
    y1 = jnp.clip(y1, 0, max_y)
    dim2 = W
    dim1 = W * H
    base = jnp.repeat(jnp.arange(B, dtype=jnp.int32) * dim1, out_h * out_w)
    base_y0 = base + y0 * dim2
    base_y1 = base + y1 * dim2
    idx_a = base_y0 + x0
    idx_b = base_y1 + x0
    idx_c = base_y0 + x1
    idx_d = base_y1 + x1
    im_flat = im.reshape(-1, C)
    Ia = jnp.take(im_flat, idx_a, axis=0)
    Ib = jnp.take(im_flat, idx_b, axis=0)
    Ic = jnp.take(im_flat, idx_c, axis=0)
    Id = jnp.take(im_flat, idx_d, axis=0)
    x0_f = x0.astype(jnp.float32)
    x1_f = x1.astype(jnp.float32)
    y0_f = y0.astype(jnp.float32)
    y1_f = y1.astype(jnp.float32)
    wa = ((x1_f - x) * (y1_f - y))[:, None]
    wb = ((x1_f - x) * (y - y0_f))[:, None]
    wc = ((x - x0_f) * (y1_f - y))[:, None]
    wd = ((x - x0_f) * (y - y0_f))[:, None]
    return wa * Ia + wb * Ib + wc * Ic + wd * Id

def setup_inputs(seed: int = 0) -> dict:
    key = jax.random.key(seed)
    k1, k2 = jax.random.split(key)
    X = jax.random.normal(k1, (16, 96, 224, 224), dtype=jnp.float32)
    # localization net surrogate: global-avg-pool -> linear, bias = identity affine
    W_loc = 0.01 * jax.random.normal(k2, (96, 6), dtype=jnp.float32)
    b_loc = jnp.array([1.0, 0.0, 0.0, 0.0, 1.0, 0.0], dtype=jnp.float32)
    return {"X": X, "W_loc": W_loc, "b_loc": b_loc}

def reference(X, W_loc, b_loc):
    B, C, H, W = X.shape
    pooled = jnp.mean(X, axis=(2, 3))            # [B, C] localization-net features
    theta = (pooled @ W_loc + b_loc).reshape(B, 2, 3)
    out_h = H // DOWNSAMPLE
    out_w = W // DOWNSAMPLE
    grid = _meshgrid(out_h, out_w)               # [3, out_h*out_w]
    T_g = jnp.einsum('bij,jk->bik', theta, grid) # [B, 2, out_h*out_w]
    x_s = T_g[:, 0].reshape(-1)
    y_s = T_g[:, 1].reshape(-1)
    im = jnp.transpose(X, (0, 2, 3, 1))          # NHWC
    out = _interpolate(im, x_s, y_s)             # [B*out_h*out_w, C]
    out = out.reshape(B, out_h, out_w, C)
    out = jnp.transpose(out, (0, 3, 1, 2))       # NCHW
    return out

if __name__ == "__main__":
    import jax
    _d = setup_inputs()
    print(jax.jit(kernel)(*tuple(_d.values())))

</pallas_src>

<mosaic_0001>
#map = affine_map<(d0, d1) -> (0, 0)>
#map1 = affine_map<(d0, d1) -> (0)>
module attributes {stable_mosaic.version = 14 : i64} {
  func.func @_sc_body(%arg0: i32, %arg1: i32, %arg2: memref<802816x128xf32, #tpu.memory_space<hbm>>, %arg3: memref<96xf32, #tpu.memory_space<hbm>>, %arg4: memref<1536x50176xf32, #tpu.memory_space<hbm>>, %arg5: memref<96xf32, #tpu.memory_space<vmem>>, %arg6: memref<2x128xi32, #tpu.memory_space<vmem>>, %arg7: memref<2x128xi32, #tpu.memory_space<vmem>>, %arg8: memref<2x64xf32, #tpu.memory_space<vmem>>, %arg9: memref<2x64xf32, #tpu.memory_space<vmem>>, %arg10: memref<2x64xf32, #tpu.memory_space<vmem>>, %arg11: memref<2x64xf32, #tpu.memory_space<vmem>>, %arg12: memref<2x128x128xf32, #tpu.memory_space<vmem>>, %arg13: memref<2x128x128xf32, #tpu.memory_space<vmem>>, %arg14: memref<96x128xf32, #tpu.memory_space<vmem>>, %arg15: memref<!tpu.dma_semaphore, #tpu.memory_space<semaphore_mem>>, %arg16: memref<!tpu.dma_semaphore, #tpu.memory_space<semaphore_mem>>) attributes {dimension_semantics = [#tpu.dimension_semantics<core_parallel>, #tpu.dimension_semantics<subcore_parallel>], iteration_bounds = array<i64: 2, 16>, scalar_prefetch = 0 : i64, scratch_operands = 12 : i64, tpu.core_type = #tpu.core_type<sc_vector_subcore>, window_params = [{transform_indices = #map}, {transform_indices = #map1}, {transform_indices = #map}]} {
    %mul3A = arith.constant 2 : i32
    %mul3A_0 = arith.muli %arg1, %mul3A : i32
    %add3A = arith.addi %mul3A_0, %arg0 : i32
    %jit3A = arith.constant 2 : i32
    %div3A = arith.divsi %add3A, %jit3A : i32
    %sign3A = arith.constant 0 : i32
    %sign3A_1 = arith.cmpi sgt, %add3A, %sign3A : i32
    %sign3A_2 = arith.extui %sign3A_1 : i1 to i32
    %sign3A_3 = arith.constant 0 : i32
    %sign3A_4 = arith.cmpi slt, %add3A, %sign3A_3 : i32
    %sign3A_5 = arith.extui %sign3A_4 : i1 to i32
    %sign3A_6 = arith.subi %sign3A_2, %sign3A_5 : i32
    %sign3A_7 = arith.constant 0 : i32
    %sign3A_8 = arith.cmpi sgt, %jit3A, %sign3A_7 : i32
    %sign3A_9 = arith.extui %sign3A_8 : i1 to i32
    %sign3A_10 = arith.constant 0 : i32
    %sign3A_11 = arith.cmpi slt, %jit3A, %sign3A_10 : i32
    %sign3A_12 = arith.extui %sign3A_11 : i1 to i32
    %sign3A_13 = arith.subi %sign3A_9, %sign3A_12 : i32
    %ne3A = arith.cmpi ne, %sign3A_6, %sign3A_13 : i32
    %rem3A = arith.remsi %add3A, %jit3A : i32
    %ne3A_14 = arith.constant 0 : i32
    %ne3A_15 = arith.cmpi ne, %rem3A, %ne3A_14 : i32
    %and3A = arith.andi %ne3A, %ne3A_15 : i1
    %sub3A = arith.constant 1 : i32
    %sub3A_16 = arith.subi %div3A, %sub3A : i32
    %select_n3A = arith.select %and3A, %sub3A_16, %div3A : i32
    %jit3A_17 = arith.constant 2 : i32
    %eq3A = arith.constant 0 : i32
    %eq3A_18 = arith.cmpi eq, %jit3A_17, %eq3A : i32
    %jit3A_19 = arith.constant 1 : i32
    %select_n3A_20 = arith.select %eq3A_18, %jit3A_19, %jit3A_17 : i32
    %rem3A_21 = arith.remsi %add3A, %select_n3A_20 : i32
    %ne3A_22 = arith.constant 0 : i32
    %ne3A_23 = arith.cmpi ne, %rem3A_21, %ne3A_22 : i32
    %lt3A = arith.constant 0 : i32
    %lt3A_24 = arith.cmpi slt, %rem3A_21, %lt3A : i32
    %lt3A_25 = arith.constant 0 : i32
    %lt3A_26 = arith.cmpi slt, %select_n3A_20, %lt3A_25 : i32
    %ne3A_27 = arith.xori %lt3A_24, %lt3A_26 : i1
    %and3A_28 = arith.andi %ne3A_27, %ne3A_23 : i1
    %add3A_29 = arith.addi %rem3A_21, %select_n3A_20 : i32
    %select_n3A_30 = arith.select %and3A_28, %add3A_29, %rem3A_21 : i32
    %mul3A_31 = arith.constant 50176 : i32
    %mul3A_32 = arith.muli %select_n3A, %mul3A_31 : i32
    "tpu.region"() ({
      %run_scoped3A = tpu.sem_alloc : memref<!tpu.dma_semaphore, #tpu.memory_space<semaphore_mem>>
      tpu.enqueue_dma source(%arg3 : memref<96xf32, #tpu.memory_space<hbm>>) target(%arg5 : memref<96xf32, #tpu.memory_space<vmem>>) target_semaphore(%run_scoped3A : memref<!tpu.dma_semaphore, #tpu.memory_space<semaphore_mem>>)
      tpu.wait_dma2 semaphore(%run_scoped3A : memref<!tpu.dma_semaphore, #tpu.memory_space<semaphore_mem>>) src(%arg3 : memref<96xf32, #tpu.memory_space<hbm>>) dst(%arg5 : memref<96xf32, #tpu.memory_space<vmem>>)
      tpu.yield
    }) : () -> ()
    %mul3A_33 = arith.constant 6 : i32
    %mul3A_34 = arith.muli %select_n3A, %mul3A_33 : i32
    %add3A_35 = arith.constant 0 : i32
    %add3A_36 = arith.addi %mul3A_34, %add3A_35 : i32
    %broadcast_in_dim3A = vector.broadcast %add3A_36 : i32 to vector<16xi32>
    %gather3A = tpu.vector_load_idx %arg5[%broadcast_in_dim3A] : memref<96xf32, #tpu.memory_space<vmem>>[vector<16xi32>], vector<16xf32>,
    %bitcast3A = vector.bitcast %gather3A : vector<16xf32> to vector<16xi32>
    %add3A_37 = arith.constant 32767 : i32
    %add3A_38 = vector.broadcast %add3A_37 : i32 to vector<16xi32>
    %add3A_39 = arith.addi %bitcast3A, %add3A_38 : vector<16xi32>
    %shift_right_logical3A = arith.constant 16 : i32
    %shift_right_logical3A_40 = vector.broadcast %shift_right_logical3A : i32 to vector<16xi32>
    %shift_right_logical3A_41 = arith.shrui %bitcast3A, %shift_right_logical3A_40 : vector<16xi32>
    %and3A_42 = arith.constant 1 : i32
    %and3A_43 = vector.broadcast %and3A_42 : i32 to vector<16xi32>
    %and3A_44 = arith.andi %shift_right_logical3A_41, %and3A_43 : vector<16xi32>
    %add3A_45 = arith.addi %add3A_39, %and3A_44 : vector<16xi32>
    %and3A_46 = arith.constant -65536 : i32
    %and3A_47 = vector.broadcast %and3A_46 : i32 to vector<16xi32>
    %and3A_48 = arith.andi %add3A_45, %and3A_47 : vector<16xi32>
    %bitcast3A_49 = vector.bitcast %and3A_48 : vector<16xi32> to vector<16xf32>
    %mul3A_50 = arith.constant 6 : i32
    %mul3A_51 = arith.muli %select_n3A, %mul3A_50 : i32
    %add3A_52 = arith.constant 1 : i32
    %add3A_53 = arith.addi %mul3A_51, %add3A_52 : i32
    %broadcast_in_dim3A_54 = vector.broadcast %add3A_53 : i32 to vector<16xi32>
    %gather3A_55 = tpu.vector_load_idx %arg5[%broadcast_in_dim3A_54] : memref<96xf32, #tpu.memory_space<vmem>>[vector<16xi32>], vector<16xf32>,
    %bitcast3A_56 = vector.bitcast %gather3A_55 : vector<16xf32> to vector<16xi32>
    %add3A_57 = arith.constant 32767 : i32
    %add3A_58 = vector.broadcast %add3A_57 : i32 to vector<16xi32>
    %add3A_59 = arith.addi %bitcast3A_56, %add3A_58 : vector<16xi32>
    %shift_right_logical3A_60 = arith.constant 16 : i32
    %shift_right_logical3A_61 = vector.broadcast %shift_right_logical3A_60 : i32 to vector<16xi32>
    %shift_right_logical3A_62 = arith.shrui %bitcast3A_56, %shift_right_logical3A_61 : vector<16xi32>
    %and3A_63 = arith.constant 1 : i32
    %and3A_64 = vector.broadcast %and3A_63 : i32 to vector<16xi32>
    %and3A_65 = arith.andi %shift_right_logical3A_62, %and3A_64 : vector<16xi32>
    %add3A_66 = arith.addi %add3A_59, %and3A_65 : vector<16xi32>
    %and3A_67 = arith.constant -65536 : i32
    %and3A_68 = vector.broadcast %and3A_67 : i32 to vector<16xi32>
    %and3A_69 = arith.andi %add3A_66, %and3A_68 : vector<16xi32>
    %bitcast3A_70 = vector.bitcast %and3A_69 : vector<16xi32> to vector<16xf32>
    %mul3A_71 = arith.constant 6 : i32
    %mul3A_72 = arith.muli %select_n3A, %mul3A_71 : i32
    %add3A_73 = arith.constant 2 : i32
    %add3A_74 = arith.addi %mul3A_72, %add3A_73 : i32
    %broadcast_in_dim3A_75 = vector.broadcast %add3A_74 : i32 to vector<16xi32>
    %gather3A_76 = tpu.vector_load_idx %arg5[%broadcast_in_dim3A_75] : memref<96xf32, #tpu.memory_space<vmem>>[vector<16xi32>], vector<16xf32>,
    %bitcast3A_77 = vector.bitcast %gather3A_76 : vector<16xf32> to vector<16xi32>
    %add3A_78 = arith.constant 32767 : i32
    %add3A_79 = vector.broadcast %add3A_78 : i32 to vector<16xi32>
    %add3A_80 = arith.addi %bitcast3A_77, %add3A_79 : vector<16xi32>
    %shift_right_logical3A_81 = arith.constant 16 : i32
    %shift_right_logical3A_82 = vector.broadcast %shift_right_logical3A_81 : i32 to vector<16xi32>
    %shift_right_logical3A_83 = arith.shrui %bitcast3A_77, %shift_right_logical3A_82 : vector<16xi32>
    %and3A_84 = arith.constant 1 : i32
    %and3A_85 = vector.broadcast %and3A_84 : i32 to vector<16xi32>
    %and3A_86 = arith.andi %shift_right_logical3A_83, %and3A_85 : vector<16xi32>
    %add3A_87 = arith.addi %add3A_80, %and3A_86 : vector<16xi32>
    %and3A_88 = arith.constant -65536 : i32
    %and3A_89 = vector.broadcast %and3A_88 : i32 to vector<16xi32>
    %and3A_90 = arith.andi %add3A_87, %and3A_89 : vector<16xi32>
    %bitcast3A_91 = vector.bitcast %and3A_90 : vector<16xi32> to vector<16xf32>
    %mul3A_92 = arith.constant 6 : i32
    %mul3A_93 = arith.muli %select_n3A, %mul3A_92 : i32
    %add3A_94 = arith.constant 3 : i32
    %add3A_95 = arith.addi %mul3A_93, %add3A_94 : i32
    %broadcast_in_dim3A_96 = vector.broadcast %add3A_95 : i32 to vector<16xi32>
    %gather3A_97 = tpu.vector_load_idx %arg5[%broadcast_in_dim3A_96] : memref<96xf32, #tpu.memory_space<vmem>>[vector<16xi32>], vector<16xf32>,
    %bitcast3A_98 = vector.bitcast %gather3A_97 : vector<16xf32> to vector<16xi32>
    %add3A_99 = arith.constant 32767 : i32
    %add3A_100 = vector.broadcast %add3A_99 : i32 to vector<16xi32>
    %add3A_101 = arith.addi %bitcast3A_98, %add3A_100 : vector<16xi32>
    %shift_right_logical3A_102 = arith.constant 16 : i32
    %shift_right_logical3A_103 = vector.broadcast %shift_right_logical3A_102 : i32 to vector<16xi32>
    %shift_right_logical3A_104 = arith.shrui %bitcast3A_98, %shift_right_logical3A_103 : vector<16xi32>
    %and3A_105 = arith.constant 1 : i32
    %and3A_106 = vector.broadcast %and3A_105 : i32 to vector<16xi32>
    %and3A_107 = arith.andi %shift_right_logical3A_104, %and3A_106 : vector<16xi32>
    %add3A_108 = arith.addi %add3A_101, %and3A_107 : vector<16xi32>
    %and3A_109 = arith.constant -65536 : i32
    %and3A_110 = vector.broadcast %and3A_109 : i32 to vector<16xi32>
    %and3A_111 = arith.andi %add3A_108, %and3A_110 : vector<16xi32>
    %bitcast3A_112 = vector.bitcast %and3A_111 : vector<16xi32> to vector<16xf32>
    %mul3A_113 = arith.constant 6 : i32
    %mul3A_114 = arith.muli %select_n3A, %mul3A_113 : i32
    %add3A_115 = arith.constant 4 : i32
    %add3A_116 = arith.addi %mul3A_114, %add3A_115 : i32
    %broadcast_in_dim3A_117 = vector.broadcast %add3A_116 : i32 to vector<16xi32>
    %gather3A_118 = tpu.vector_load_idx %arg5[%broadcast_in_dim3A_117] : memref<96xf32, #tpu.memory_space<vmem>>[vector<16xi32>], vector<16xf32>,
    %bitcast3A_119 = vector.bitcast %gather3A_118 : vector<16xf32> to vector<16xi32>
    %add3A_120 = arith.constant 32767 : i32
    %add3A_121 = vector.broadcast %add3A_120 : i32 to vector<16xi32>
    %add3A_122 = arith.addi %bitcast3A_119, %add3A_121 : vector<16xi32>
    %shift_right_logical3A_123 = arith.constant 16 : i32
    %shift_right_logical3A_124 = vector.broadcast %shift_right_logical3A_123 : i32 to vector<16xi32>
    %shift_right_logical3A_125 = arith.shrui %bitcast3A_119, %shift_right_logical3A_124 : vector<16xi32>
    %and3A_126 = arith.constant 1 : i32
    %and3A_127 = vector.broadcast %and3A_126 : i32 to vector<16xi32>
    %and3A_128 = arith.andi %shift_right_logical3A_125, %and3A_127 : vector<16xi32>
    %add3A_129 = arith.addi %add3A_122, %and3A_128 : vector<16xi32>
    %and3A_130 = arith.constant -65536 : i32
    %and3A_131 = vector.broadcast %and3A_130 : i32 to vector<16xi32>
    %and3A_132 = arith.andi %add3A_129, %and3A_131 : vector<16xi32>
    %bitcast3A_133 = vector.bitcast %and3A_132 : vector<16xi32> to vector<16xf32>
    %mul3A_134 = arith.constant 6 : i32
    %mul3A_135 = arith.muli %select_n3A, %mul3A_134 : i32
    %add3A_136 = arith.constant 5 : i32
    %add3A_137 = arith.addi %mul3A_135, %add3A_136 : i32
    %broadcast_in_dim3A_138 = vector.broadcast %add3A_137 : i32 to vector<16xi32>
    %gather3A_139 = tpu.vector_load_idx %arg5[%broadcast_in_dim3A_138] : memref<96xf32, #tpu.memory_space<vmem>>[vector<16xi32>], vector<16xf32>,
    %bitcast3A_140 = vector.bitcast %gather3A_139 : vector<16xf32> to vector<16xi32>
    %add3A_141 = arith.constant 32767 : i32
    %add3A_142 = vector.broadcast %add3A_141 : i32 to vector<16xi32>
    %add3A_143 = arith.addi %bitcast3A_140, %add3A_142 : vector<16xi32>
    %shift_right_logical3A_144 = arith.constant 16 : i32
    %shift_right_logical3A_145 = vector.broadcast %shift_right_logical3A_144 : i32 to vector<16xi32>
    %shift_right_logical3A_146 = arith.shrui %bitcast3A_140, %shift_right_logical3A_145 : vector<16xi32>
    %and3A_147 = arith.constant 1 : i32
    %and3A_148 = vector.broadcast %and3A_147 : i32 to vector<16xi32>
    %and3A_149 = arith.andi %shift_right_logical3A_146, %and3A_148 : vector<16xi32>
    %add3A_150 = arith.addi %add3A_143, %and3A_149 : vector<16xi32>
    %and3A_151 = arith.constant -65536 : i32
    %and3A_152 = vector.broadcast %and3A_151 : i32 to vector<16xi32>
    %and3A_153 = arith.andi %add3A_150, %and3A_152 : vector<16xi32>
    %bitcast3A_154 = vector.bitcast %and3A_153 : vector<16xi32> to vector<16xf32>
    %iota3A = tpu.iota {dimensions = array<i32: 0>} : vector<16xi32>
    %add3A_155 = arith.constant 0 : i32
    %add3A_156 = vector.broadcast %add3A_155 : i32 to vector<16xi32>
    %add3A_157 = arith.addi %iota3A, %add3A_156 : vector<16xi32>
    %add3A_158 = arith.constant 16 : i32
    %add3A_159 = vector.broadcast %add3A_158 : i32 to vector<16xi32>
    %add3A_160 = arith.addi %iota3A, %add3A_159 : vector<16xi32>
    %add3A_161 = arith.constant 32 : i32
    %add3A_162 = vector.broadcast %add3A_161 : i32 to vector<16xi32>
    %add3A_163 = arith.addi %iota3A, %add3A_162 : vector<16xi32>
    %add3A_164 = arith.constant 48 : i32
    %add3A_165 = vector.broadcast %add3A_164 : i32 to vector<16xi32>
    %add3A_166 = arith.addi %iota3A, %add3A_165 : vector<16xi32>
    %add3A_167 = arith.constant 64 : i32
    %add3A_168 = vector.broadcast %add3A_167 : i32 to vector<16xi32>
    %add3A_169 = arith.addi %iota3A, %add3A_168 : vector<16xi32>
    %add3A_170 = arith.constant 80 : i32
    %add3A_171 = vector.broadcast %add3A_170 : i32 to vector<16xi32>
    %add3A_172 = arith.addi %iota3A, %add3A_171 : vector<16xi32>
    %mul3A_173 = arith.constant 25088 : i32
    %mul3A_174 = arith.muli %select_n3A_30, %mul3A_173 : i32
    %add3A_175 = arith.constant 0 : i32
    %add3A_176 = arith.addi %mul3A_174, %add3A_175 : i32
    %broadcast_in_dim3A_177 = arith.constant 0 : i32
    %broadcast_in_dim3A_178 = vector.broadcast %broadcast_in_dim3A_177 : i32 to vector<16xi32>
    %add3A_179 = arith.constant 0 : i32
    %add3A_180 = arith.addi %add3A_176, %add3A_179 : i32
    %broadcast_in_dim3A_181 = vector.broadcast %add3A_180 : i32 to vector<16xi32>
    %add3A_182 = arith.addi %broadcast_in_dim3A_181, %iota3A : vector<16xi32>
    %jit3A_183 = arith.constant 224 : i32
    %div3A_184 = vector.broadcast %jit3A_183 : i32 to vector<16xi32>
    %div3A_185 = arith.divsi %add3A_182, %div3A_184 : vector<16xi32>
    %sign3A_186 = arith.constant 0 : i32
    %sign3A_187 = vector.broadcast %sign3A_186 : i32 to vector<16xi32>
    %sign3A_188 = arith.cmpi sgt, %add3A_182, %sign3A_187 : vector<16xi32>
    %sign3A_189 = arith.extui %sign3A_188 : vector<16xi1> to vector<16xi32>
    %sign3A_190 = arith.constant 0 : i32
    %sign3A_191 = vector.broadcast %sign3A_190 : i32 to vector<16xi32>
    %sign3A_192 = arith.cmpi slt, %add3A_182, %sign3A_191 : vector<16xi32>
    %sign3A_193 = arith.extui %sign3A_192 : vector<16xi1> to vector<16xi32>
    %sign3A_194 = arith.subi %sign3A_189, %sign3A_193 : vector<16xi32>
    %sign3A_195 = arith.constant 0 : i32
    %sign3A_196 = arith.cmpi sgt, %jit3A_183, %sign3A_195 : i32
    %sign3A_197 = arith.extui %sign3A_196 : i1 to i32
    %sign3A_198 = arith.constant 0 : i32
    %sign3A_199 = arith.cmpi slt, %jit3A_183, %sign3A_198 : i32
    %sign3A_200 = arith.extui %sign3A_199 : i1 to i32
    %sign3A_201 = arith.subi %sign3A_197, %sign3A_200 : i32
    %ne3A_202 = vector.broadcast %sign3A_201 : i32 to vector<16xi32>
    %ne3A_203 = arith.cmpi ne, %sign3A_194, %ne3A_202 : vector<16xi32>
    %rem3A_204 = vector.broadcast %jit3A_183 : i32 to vector<16xi32>
    %rem3A_205 = arith.remsi %add3A_182, %rem3A_204 : vector<16xi32>
    %ne3A_206 = arith.constant 0 : i32
    %ne3A_207 = vector.broadcast %ne3A_206 : i32 to vector<16xi32>
    %ne3A_208 = arith.cmpi ne, %rem3A_205, %ne3A_207 : vector<16xi32>
    %and3A_209 = arith.andi %ne3A_203, %ne3A_208 : vector<16xi1>
    %sub3A_210 = arith.constant 1 : i32
    %sub3A_211 = vector.broadcast %sub3A_210 : i32 to vector<16xi32>
    %sub3A_212 = arith.subi %div3A_185, %sub3A_211 : vector<16xi32>
    %select_n3A_213 = arith.select %and3A_209, %sub3A_212, %div3A_185 : vector<16xi1>, vector<16xi32>
    %mul3A_214 = arith.constant 224 : i32
    %mul3A_215 = vector.broadcast %mul3A_214 : i32 to vector<16xi32>
    %mul3A_216 = arith.muli %select_n3A_213, %mul3A_215 : vector<16xi32>
    %sub3A_217 = arith.subi %add3A_182, %mul3A_216 : vector<16xi32>
    %convert_element_type3A = arith.sitofp %sub3A_217 : vector<16xi32> to vector<16xf32>
    %mul3A_218 = arith.constant 8.968610e-03 : f32
    %mul3A_219 = vector.broadcast %mul3A_218 : f32 to vector<16xf32>
    %mul3A_220 = arith.mulf %convert_element_type3A, %mul3A_219 : vector<16xf32>
    %sub3A_221 = arith.constant 1.000000e+00 : f32
    %sub3A_222 = vector.broadcast %sub3A_221 : f32 to vector<16xf32>
    %sub3A_223 = arith.subf %mul3A_220, %sub3A_222 : vector<16xf32>
    %bitcast3A_224 = vector.bitcast %sub3A_223 : vector<16xf32> to vector<16xi32>
    %add3A_225 = arith.constant 32767 : i32
    %add3A_226 = vector.broadcast %add3A_225 : i32 to vector<16xi32>
    %add3A_227 = arith.addi %bitcast3A_224, %add3A_226 : vector<16xi32>
    %shift_right_logical3A_228 = arith.constant 16 : i32
    %shift_right_logical3A_229 = vector.broadcast %shift_right_logical3A_228 : i32 to vector<16xi32>
    %shift_right_logical3A_230 = arith.shrui %bitcast3A_224, %shift_right_logical3A_229 : vector<16xi32>
    %and3A_231 = arith.constant 1 : i32
    %and3A_232 = vector.broadcast %and3A_231 : i32 to vector<16xi32>
    %and3A_233 = arith.andi %shift_right_logical3A_230, %and3A_232 : vector<16xi32>
    %add3A_234 = arith.addi %add3A_227, %and3A_233 : vector<16xi32>
    %and3A_235 = arith.constant -65536 : i32
    %and3A_236 = vector.broadcast %and3A_235 : i32 to vector<16xi32>
    %and3A_237 = arith.andi %add3A_234, %and3A_236 : vector<16xi32>
    %bitcast3A_238 = vector.bitcast %and3A_237 : vector<16xi32> to vector<16xf32>
    %convert_element_type3A_239 = arith.sitofp %select_n3A_213 : vector<16xi32> to vector<16xf32>
    %mul3A_240 = arith.constant 8.968610e-03 : f32
    %mul3A_241 = vector.broadcast %mul3A_240 : f32 to vector<16xf32>
    %mul3A_242 = arith.mulf %convert_element_type3A_239, %mul3A_241 : vector<16xf32>
    %sub3A_243 = arith.constant 1.000000e+00 : f32
    %sub3A_244 = vector.broadcast %sub3A_243 : f32 to vector<16xf32>
    %sub3A_245 = arith.subf %mul3A_242, %sub3A_244 : vector<16xf32>
    %bitcast3A_246 = vector.bitcast %sub3A_245 : vector<16xf32> to vector<16xi32>
    %add3A_247 = arith.constant 32767 : i32
    %add3A_248 = vector.broadcast %add3A_247 : i32 to vector<16xi32>
    %add3A_249 = arith.addi %bitcast3A_246, %add3A_248 : vector<16xi32>
    %shift_right_logical3A_250 = arith.constant 16 : i32
    %shift_right_logical3A_251 = vector.broadcast %shift_right_logical3A_250 : i32 to vector<16xi32>
    %shift_right_logical3A_252 = arith.shrui %bitcast3A_246, %shift_right_logical3A_251 : vector<16xi32>
    %and3A_253 = arith.constant 1 : i32
    %and3A_254 = vector.broadcast %and3A_253 : i32 to vector<16xi32>
    %and3A_255 = arith.andi %shift_right_logical3A_252, %and3A_254 : vector<16xi32>
    %add3A_256 = arith.addi %add3A_249, %and3A_255 : vector<16xi32>
    %and3A_257 = arith.constant -65536 : i32
    %and3A_258 = vector.broadcast %and3A_257 : i32 to vector<16xi32>
    %and3A_259 = arith.andi %add3A_256, %and3A_258 : vector<16xi32>
    %bitcast3A_260 = vector.bitcast %and3A_259 : vector<16xi32> to vector<16xf32>
    %mul3A_261 = arith.mulf %bitcast3A_49, %bitcast3A_238 : vector<16xf32>
    %mul3A_262 = arith.mulf %bitcast3A_70, %bitcast3A_260 : vector<16xf32>
    %add3A_263 = arith.addf %mul3A_261, %mul3A_262 : vector<16xf32>
    %add3A_264 = arith.addf %add3A_263, %bitcast3A_91 : vector<16xf32>
    %add3A_265 = arith.constant 1.000000e+00 : f32
    %add3A_266 = vector.broadcast %add3A_265 : f32 to vector<16xf32>
    %add3A_267 = arith.addf %add3A_264, %add3A_266 : vector<16xf32>
    %mul3A_268 = arith.constant 1.120000e+02 : f32
    %mul3A_269 = vector.broadcast %mul3A_268 : f32 to vector<16xf32>
    %mul3A_270 = arith.mulf %add3A_267, %mul3A_269 : vector<16xf32>
    %mul3A_271 = arith.mulf %bitcast3A_112, %bitcast3A_238 : vector<16xf32>
    %mul3A_272 = arith.mulf %bitcast3A_133, %bitcast3A_260 : vector<16xf32>
    %add3A_273 = arith.addf %mul3A_271, %mul3A_272 : vector<16xf32>
    %add3A_274 = arith.addf %add3A_273, %bitcast3A_154 : vector<16xf32>
    %add3A_275 = arith.constant 1.000000e+00 : f32
    %add3A_276 = vector.broadcast %add3A_275 : f32 to vector<16xf32>
    %add3A_277 = arith.addf %add3A_274, %add3A_276 : vector<16xf32>
    %mul3A_278 = arith.constant 1.120000e+02 : f32
    %mul3A_279 = vector.broadcast %mul3A_278 : f32 to vector<16xf32>
    %mul3A_280 = arith.mulf %add3A_277, %mul3A_279 : vector<16xf32>
    %convert_element_type3A_281 = arith.fptosi %mul3A_270 : vector<16xf32> to vector<16xi32>
    %convert_element_type3A_282 = arith.sitofp %convert_element_type3A_281 : vector<16xi32> to vector<16xf32>
    %gt3A = arith.cmpf ogt, %convert_element_type3A_282, %mul3A_270 : vector<16xf32>
    %sub3A_283 = arith.constant 1 : i32
    %sub3A_284 = vector.broadcast %sub3A_283 : i32 to vector<16xi32>
    %sub3A_285 = arith.subi %convert_element_type3A_281, %sub3A_284 : vector<16xi32>
    %select_n3A_286 = arith.select %gt3A, %sub3A_285, %convert_element_type3A_281 : vector<16xi1>, vector<16xi32>
    %convert_element_type3A_287 = arith.fptosi %mul3A_280 : vector<16xf32> to vector<16xi32>
    %convert_element_type3A_288 = arith.sitofp %convert_element_type3A_287 : vector<16xi32> to vector<16xf32>
    %gt3A_289 = arith.cmpf ogt, %convert_element_type3A_288, %mul3A_280 : vector<16xf32>
    %sub3A_290 = arith.constant 1 : i32
    %sub3A_291 = vector.broadcast %sub3A_290 : i32 to vector<16xi32>
    %sub3A_292 = arith.subi %convert_element_type3A_287, %sub3A_291 : vector<16xi32>
    %select_n3A_293 = arith.select %gt3A_289, %sub3A_292, %convert_element_type3A_287 : vector<16xi1>, vector<16xi32>
    %jit3A_294 = arith.constant 0 : i32
    %jit3A_295 = arith.constant 223 : i32
    %max3A = vector.broadcast %jit3A_294 : i32 to vector<16xi32>
    %max3A_296 = arith.maxsi %max3A, %select_n3A_286 : vector<16xi32>
    %min3A = vector.broadcast %jit3A_295 : i32 to vector<16xi32>
    %min3A_297 = arith.minsi %min3A, %max3A_296 : vector<16xi32>
    %add3A_298 = arith.constant 1 : i32
    %add3A_299 = vector.broadcast %add3A_298 : i32 to vector<16xi32>
    %add3A_300 = arith.addi %select_n3A_286, %add3A_299 : vector<16xi32>
    %jit3A_301 = arith.constant 0 : i32
    %jit3A_302 = arith.constant 223 : i32
    %max3A_303 = vector.broadcast %jit3A_301 : i32 to vector<16xi32>
    %max3A_304 = arith.maxsi %max3A_303, %add3A_300 : vector<16xi32>
    %min3A_305 = vector.broadcast %jit3A_302 : i32 to vector<16xi32>
    %min3A_306 = arith.minsi %min3A_305, %max3A_304 : vector<16xi32>
    %jit3A_307 = arith.constant 0 : i32
    %jit3A_308 = arith.constant 223 : i32
    %max3A_309 = vector.broadcast %jit3A_307 : i32 to vector<16xi32>
    %max3A_310 = arith.maxsi %max3A_309, %select_n3A_293 : vector<16xi32>
    %min3A_311 = vector.broadcast %jit3A_308 : i32 to vector<16xi32>
    %min3A_312 = arith.minsi %min3A_311, %max3A_310 : vector<16xi32>
    %add3A_313 = arith.constant 1 : i32
    %add3A_314 = vector.broadcast %add3A_313 : i32 to vector<16xi32>
    %add3A_315 = arith.addi %select_n3A_293, %add3A_314 : vector<16xi32>
    %jit3A_316 = arith.constant 0 : i32
    %jit3A_317 = arith.constant 223 : i32
    %max3A_318 = vector.broadcast %jit3A_316 : i32 to vector<16xi32>
    %max3A_319 = arith.maxsi %max3A_318, %add3A_315 : vector<16xi32>
    %min3A_320 = vector.broadcast %jit3A_317 : i32 to vector<16xi32>
    %min3A_321 = arith.minsi %min3A_320, %max3A_319 : vector<16xi32>
    %convert_element_type3A_322 = arith.sitofp %min3A_297 : vector<16xi32> to vector<16xf32>
    %convert_element_type3A_323 = arith.sitofp %min3A_306 : vector<16xi32> to vector<16xf32>
    %convert_element_type3A_324 = arith.sitofp %min3A_312 : vector<16xi32> to vector<16xf32>
    %convert_element_type3A_325 = arith.sitofp %min3A_321 : vector<16xi32> to vector<16xf32>
    %sub3A_326 = arith.subf %convert_element_type3A_323, %mul3A_270 : vector<16xf32>
    %sub3A_327 = arith.subf %convert_element_type3A_325, %mul3A_280 : vector<16xf32>
    %mul3A_328 = arith.mulf %sub3A_326, %sub3A_327 : vector<16xf32>
    %swap3A = arith.constant 0 : i32
    %swap3A_329 = arith.index_cast %swap3A : i32 to index
    %swap3A_330 = arith.constant 0 : index
    %swap3A_331 = tpu.vector_load %arg8[%swap3A_329, %swap3A_330] {strides = array<i32>} : memref<2x64xf32, #tpu.memory_space<vmem>>, vector<16xf32>,
    tpu.vector_store %arg8[%swap3A_329, %swap3A_330], %mul3A_328 {strides = array<i32>} : memref<2x64xf32, #tpu.memory_space<vmem>>, vector<16xf32>,
    %sub3A_332 = arith.subf %convert_element_type3A_323, %mul3A_270 : vector<16xf32>
    %sub3A_333 = arith.subf %mul3A_280, %convert_element_type3A_324 : vector<16xf32>
    %mul3A_334 = arith.mulf %sub3A_332, %sub3A_333 : vector<16xf32>
    %swap3A_335 = arith.constant 0 : i32
    %swap3A_336 = arith.index_cast %swap3A_335 : i32 to index
    %swap3A_337 = arith.constant 0 : index
    %swap3A_338 = tpu.vector_load %arg9[%swap3A_336, %swap3A_337] {strides = array<i32>} : memref<2x64xf32, #tpu.memory_space<vmem>>, vector<16xf32>,
    tpu.vector_store %arg9[%swap3A_336, %swap3A_337], %mul3A_334 {strides = array<i32>} : memref<2x64xf32, #tpu.memory_space<vmem>>, vector<16xf32>,
    %sub3A_339 = arith.subf %mul3A_270, %convert_element_type3A_322 : vector<16xf32>
    %sub3A_340 = arith.subf %convert_element_type3A_325, %mul3A_280 : vector<16xf32>
    %mul3A_341 = arith.mulf %sub3A_339, %sub3A_340 : vector<16xf32>
    %swap3A_342 = arith.constant 0 : i32
    %swap3A_343 = arith.index_cast %swap3A_342 : i32 to index
    %swap3A_344 = arith.constant 0 : index
    %swap3A_345 = tpu.vector_load %arg10[%swap3A_343, %swap3A_344] {strides = array<i32>} : memref<2x64xf32, #tpu.memory_space<vmem>>, vector<16xf32>,
    tpu.vector_store %arg10[%swap3A_343, %swap3A_344], %mul3A_341 {strides = array<i32>} : memref<2x64xf32, #tpu.memory_space<vmem>>, vector<16xf32>,
    %sub3A_346 = arith.subf %mul3A_270, %convert_element_type3A_322 : vector<16xf32>
    %sub3A_347 = arith.subf %mul3A_280, %convert_element_type3A_324 : vector<16xf32>
    %mul3A_348 = arith.mulf %sub3A_346, %sub3A_347 : vector<16xf32>
    %swap3A_349 = arith.constant 0 : i32
    %swap3A_350 = arith.index_cast %swap3A_349 : i32 to index
    %swap3A_351 = arith.constant 0 : index
    %swap3A_352 = tpu.vector_load %arg11[%swap3A_350, %swap3A_351] {strides = array<i32>} : memref<2x64xf32, #tpu.memory_space<vmem>>, vector<16xf32>,
    tpu.vector_store %arg11[%swap3A_350, %swap3A_351], %mul3A_348 {strides = array<i32>} : memref<2x64xf32, #tpu.memory_space<vmem>>, vector<16xf32>,
    %mul3A_353 = arith.constant 224 : i32
    %mul3A_354 = vector.broadcast %mul3A_353 : i32 to vector<16xi32>
    %mul3A_355 = arith.muli %min3A_312, %mul3A_354 : vector<16xi32>
    %add3A_356 = vector.broadcast %mul3A_32 : i32 to vector<16xi32>
    %add3A_357 = arith.addi %add3A_356, %mul3A_355 : vector<16xi32>
    %mul3A_358 = arith.constant 224 : i32
    %mul3A_359 = vector.broadcast %mul3A_358 : i32 to vector<16xi32>
    %mul3A_360 = arith.muli %min3A_321, %mul3A_359 : vector<16xi32>
    %add3A_361 = vector.broadcast %mul3A_32 : i32 to vector<16xi32>
    %add3A_362 = arith.addi %add3A_361, %mul3A_360 : vector<16xi32>
    %add3A_363 = arith.constant 0 : i32
    %add3A_364 = vector.broadcast %add3A_363 : i32 to vector<16xi32>
    %add3A_365 = arith.addi %iota3A, %add3A_364 : vector<16xi32>
    %mul3A_366 = arith.constant 2 : i32
    %mul3A_367 = vector.broadcast %mul3A_366 : i32 to vector<16xi32>
    %mul3A_368 = arith.muli %add3A_365, %mul3A_367 : vector<16xi32>
    %add3A_369 = arith.addi %add3A_357, %min3A_297 : vector<16xi32>
    tpu.vector_store_idx %arg6[%broadcast_in_dim3A_178, %mul3A_368], %add3A_369 : memref<2x128xi32, #tpu.memory_space<vmem>>[vector<16xi32>, vector<16xi32>], vector<16xi32>,
    %add3A_370 = arith.constant 1 : i32
    %add3A_371 = vector.broadcast %add3A_370 : i32 to vector<16xi32>
    %add3A_372 = arith.addi %mul3A_368, %add3A_371 : vector<16xi32>
    %add3A_373 = arith.addi %add3A_357, %min3A_306 : vector<16xi32>
    tpu.vector_store_idx %arg6[%broadcast_in_dim3A_178, %add3A_372], %add3A_373 : memref<2x128xi32, #tpu.memory_space<vmem>>[vector<16xi32>, vector<16xi32>], vector<16xi32>,
    %add3A_374 = arith.addi %add3A_362, %min3A_297 : vector<16xi32>
    tpu.vector_store_idx %arg7[%broadcast_in_dim3A_178, %mul3A_368], %add3A_374 : memref<2x128xi32, #tpu.memory_space<vmem>>[vector<16xi32>, vector<16xi32>], vector<16xi32>,
    %add3A_375 = arith.constant 1 : i32
    %add3A_376 = vector.broadcast %add3A_375 : i32 to vector<16xi32>
    %add3A_377 = arith.addi %mul3A_368, %add3A_376 : vector<16xi32>
    %add3A_378 = arith.addi %add3A_362, %min3A_306 : vector<16xi32>
    tpu.vector_store_idx %arg7[%broadcast_in_dim3A_178, %add3A_377], %add3A_378 : memref<2x128xi32, #tpu.memory_space<vmem>>[vector<16xi32>, vector<16xi32>], vector<16xi32>,
    %add3A_379 = arith.constant 16 : i32
    %add3A_380 = arith.addi %add3A_176, %add3A_379 : i32
    %broadcast_in_dim3A_381 = vector.broadcast %add3A_380 : i32 to vector<16xi32>
    %add3A_382 = arith.addi %broadcast_in_dim3A_381, %iota3A : vector<16xi32>
    %jit3A_383 = arith.constant 224 : i32
    %div3A_384 = vector.broadcast %jit3A_383 : i32 to vector<16xi32>
    %div3A_385 = arith.divsi %add3A_382, %div3A_384 : vector<16xi32>
    %sign3A_386 = arith.constant 0 : i32
    %sign3A_387 = vector.broadcast %sign3A_386 : i32 to vector<16xi32>
    %sign3A_388 = arith.cmpi sgt, %add3A_382, %sign3A_387 : vector<16xi32>
    %sign3A_389 = arith.extui %sign3A_388 : vector<16xi1> to vector<16xi32>
    %sign3A_390 = arith.constant 0 : i32
    %sign3A_391 = vector.broadcast %sign3A_390 : i32 to vector<16xi32>
    %sign3A_392 = arith.cmpi slt, %add3A_382, %sign3A_391 : vector<16xi32>
    %sign3A_393 = arith.extui %sign3A_392 : vector<16xi1> to vector<16xi32>
    %sign3A_394 = arith.subi %sign3A_389, %sign3A_393 : vector<16xi32>
    %sign3A_395 = arith.constant 0 : i32
    %sign3A_396 = arith.cmpi sgt, %jit3A_383, %sign3A_395 : i32
    %sign3A_397 = arith.extui %sign3A_396 : i1 to i32
    %sign3A_398 = arith.constant 0 : i32
    %sign3A_399 = arith.cmpi slt, %jit3A_383, %sign3A_398 : i32
    %sign3A_400 = arith.extui %sign3A_399 : i1 to i32
    %sign3A_401 = arith.subi %sign3A_397, %sign3A_400 : i32
    %ne3A_402 = vector.broadcast %sign3A_401 : i32 to vector<16xi32>
    %ne3A_403 = arith.cmpi ne, %sign3A_394, %ne3A_402 : vector<16xi32>
    %rem3A_404 = vector.broadcast %jit3A_383 : i32 to vector<16xi32>
    %rem3A_405 = arith.remsi %add3A_382, %rem3A_404 : vector<16xi32>
    %ne3A_406 = arith.constant 0 : i32
    %ne3A_407 = vector.broadcast %ne3A_406 : i32 to vector<16xi32>
    %ne3A_408 = arith.cmpi ne, %rem3A_405, %ne3A_407 : vector<16xi32>
    %and3A_409 = arith.andi %ne3A_403, %ne3A_408 : vector<16xi1>
    %sub3A_410 = arith.constant 1 : i32
    %sub3A_411 = vector.broadcast %sub3A_410 : i32 to vector<16xi32>
    %sub3A_412 = arith.subi %div3A_385, %sub3A_411 : vector<16xi32>
    %select_n3A_413 = arith.select %and3A_409, %sub3A_412, %div3A_385 : vector<16xi1>, vector<16xi32>
    %mul3A_414 = arith.constant 224 : i32
    %mul3A_415 = vector.broadcast %mul3A_414 : i32 to vector<16xi32>
    %mul3A_416 = arith.muli %select_n3A_413, %mul3A_415 : vector<16xi32>
    %sub3A_417 = arith.subi %add3A_382, %mul3A_416 : vector<16xi32>
    %convert_element_type3A_418 = arith.sitofp %sub3A_417 : vector<16xi32> to vector<16xf32>
    %mul3A_419 = arith.constant 8.968610e-03 : f32
    %mul3A_420 = vector.broadcast %mul3A_419 : f32 to vector<16xf32>
    %mul3A_421 = arith.mulf %convert_element_type3A_418, %mul3A_420 : vector<16xf32>
    %sub3A_422 = arith.constant 1.000000e+00 : f32
    %sub3A_423 = vector.broadcast %sub3A_422 : f32 to vector<16xf32>
    %sub3A_424 = arith.subf %mul3A_421, %sub3A_423 : vector<16xf32>
    %bitcast3A_425 = vector.bitcast %sub3A_424 : vector<16xf32> to vector<16xi32>
    %add3A_426 = arith.constant 32767 : i32
    %add3A_427 = vector.broadcast %add3A_426 : i32 to vector<16xi32>
    %add3A_428 = arith.addi %bitcast3A_425, %add3A_427 : vector<16xi32>
    %shift_right_logical3A_429 = arith.constant 16 : i32
    %shift_right_logical3A_430 = vector.broadcast %shift_right_logical3A_429 : i32 to vector<16xi32>
    %shift_right_logical3A_431 = arith.shrui %bitcast3A_425, %shift_right_logical3A_430 : vector<16xi32>
    %and3A_432 = arith.constant 1 : i32
    %and3A_433 = vector.broadcast %and3A_432 : i32 to vector<16xi32>
    %and3A_434 = arith.andi %shift_right_logical3A_431, %and3A_433 : vector<16xi32>
    %add3A_435 = arith.addi %add3A_428, %and3A_434 : vector<16xi32>
    %and3A_436 = arith.constant -65536 : i32
    %and3A_437 = vector.broadcast %and3A_436 : i32 to vector<16xi32>
    %and3A_438 = arith.andi %add3A_435, %and3A_437 : vector<16xi32>
    %bitcast3A_439 = vector.bitcast %and3A_438 : vector<16xi32> to vector<16xf32>
    %convert_element_type3A_440 = arith.sitofp %select_n3A_413 : vector<16xi32> to vector<16xf32>
    %mul3A_441 = arith.constant 8.968610e-03 : f32
    %mul3A_442 = vector.broadcast %mul3A_441 : f32 to vector<16xf32>
    %mul3A_443 = arith.mulf %convert_element_type3A_440, %mul3A_442 : vector<16xf32>
    %sub3A_444 = arith.constant 1.000000e+00 : f32
    %sub3A_445 = vector.broadcast %sub3A_444 : f32 to vector<16xf32>
    %sub3A_446 = arith.subf %mul3A_443, %sub3A_445 : vector<16xf32>
    %bitcast3A_447 = vector.bitcast %sub3A_446 : vector<16xf32> to vector<16xi32>
    %add3A_448 = arith.constant 32767 : i32
    %add3A_449 = vector.broadcast %add3A_448 : i32 to vector<16xi32>
    %add3A_450 = arith.addi %bitcast3A_447, %add3A_449 : vector<16xi32>
    %shift_right_logical3A_451 = arith.constant 16 : i32
    %shift_right_logical3A_452 = vector.broadcast %shift_right_logical3A_451 : i32 to vector<16xi32>
    %shift_right_logical3A_453 = arith.shrui %bitcast3A_447, %shift_right_logical3A_452 : vector<16xi32>
    %and3A_454 = arith.constant 1 : i32
    %and3A_455 = vector.broadcast %and3A_454 : i32 to vector<16xi32>
    %and3A_456 = arith.andi %shift_right_logical3A_453, %and3A_455 : vector<16xi32>
    %add3A_457 = arith.addi %add3A_450, %and3A_456 : vector<16xi32>
    %and3A_458 = arith.constant -65536 : i32
    %and3A_459 = vector.broadcast %and3A_458 : i32 to vector<16xi32>
    %and3A_460 = arith.andi %add3A_457, %and3A_459 : vector<16xi32>
    %bitcast3A_461 = vector.bitcast %and3A_460 : vector<16xi32> to vector<16xf32>
    %mul3A_462 = arith.mulf %bitcast3A_49, %bitcast3A_439 : vector<16xf32>
    %mul3A_463 = arith.mulf %bitcast3A_70, %bitcast3A_461 : vector<16xf32>
    %add3A_464 = arith.addf %mul3A_462, %mul3A_463 : vector<16xf32>
    %add3A_465 = arith.addf %add3A_464, %bitcast3A_91 : vector<16xf32>
    %add3A_466 = arith.constant 1.000000e+00 : f32
    %add3A_467 = vector.broadcast %add3A_466 : f32 to vector<16xf32>
    %add3A_468 = arith.addf %add3A_465, %add3A_467 : vector<16xf32>
    %mul3A_469 = arith.constant 1.120000e+02 : f32
    %mul3A_470 = vector.broadcast %mul3A_469 : f32 to vector<16xf32>
    %mul3A_471 = arith.mulf %add3A_468, %mul3A_470 : vector<16xf32>
    %mul3A_472 = arith.mulf %bitcast3A_112, %bitcast3A_439 : vector<16xf32>
    %mul3A_473 = arith.mulf %bitcast3A_133, %bitcast3A_461 : vector<16xf32>
    %add3A_474 = arith.addf %mul3A_472, %mul3A_473 : vector<16xf32>
    %add3A_475 = arith.addf %add3A_474, %bitcast3A_154 : vector<16xf32>
    %add3A_476 = arith.constant 1.000000e+00 : f32
    %add3A_477 = vector.broadcast %add3A_476 : f32 to vector<16xf32>
    %add3A_478 = arith.addf %add3A_475, %add3A_477 : vector<16xf32>
    %mul3A_479 = arith.constant 1.120000e+02 : f32
    %mul3A_480 = vector.broadcast %mul3A_479 : f32 to vector<16xf32>
    %mul3A_481 = arith.mulf %add3A_478, %mul3A_480 : vector<16xf32>
    %convert_element_type3A_482 = arith.fptosi %mul3A_471 : vector<16xf32> to vector<16xi32>
    %convert_element_type3A_483 = arith.sitofp %convert_element_type3A_482 : vector<16xi32> to vector<16xf32>
    %gt3A_484 = arith.cmpf ogt, %convert_element_type3A_483, %mul3A_471 : vector<16xf32>
    %sub3A_485 = arith.constant 1 : i32
    %sub3A_486 = vector.broadcast %sub3A_485 : i32 to vector<16xi32>
    %sub3A_487 = arith.subi %convert_element_type3A_482, %sub3A_486 : vector<16xi32>
    %select_n3A_488 = arith.select %gt3A_484, %sub3A_487, %convert_element_type3A_482 : vector<16xi1>, vector<16xi32>
    %convert_element_type3A_489 = arith.fptosi %mul3A_481 : vector<16xf32> to vector<16xi32>
    %convert_element_type3A_490 = arith.sitofp %convert_element_type3A_489 : vector<16xi32> to vector<16xf32>
    %gt3A_491 = arith.cmpf ogt, %convert_element_type3A_490, %mul3A_481 : vector<16xf32>
    %sub3A_492 = arith.constant 1 : i32
    %sub3A_493 = vector.broadcast %sub3A_492 : i32 to vector<16xi32>
    %sub3A_494 = arith.subi %convert_element_type3A_489, %sub3A_493 : vector<16xi32>
    %select_n3A_495 = arith.select %gt3A_491, %sub3A_494, %convert_element_type3A_489 : vector<16xi1>, vector<16xi32>
    %jit3A_496 = arith.constant 0 : i32
    %jit3A_497 = arith.constant 223 : i32
    %max3A_498 = vector.broadcast %jit3A_496 : i32 to vector<16xi32>
    %max3A_499 = arith.maxsi %max3A_498, %select_n3A_488 : vector<16xi32>
    %min3A_500 = vector.broadcast %jit3A_497 : i32 to vector<16xi32>
    %min3A_501 = arith.minsi %min3A_500, %max3A_499 : vector<16xi32>
    %add3A_502 = arith.constant 1 : i32
    %add3A_503 = vector.broadcast %add3A_502 : i32 to vector<16xi32>
    %add3A_504 = arith.addi %select_n3A_488, %add3A_503 : vector<16xi32>
    %jit3A_505 = arith.constant 0 : i32
    %jit3A_506 = arith.constant 223 : i32
    %max3A_507 = vector.broadcast %jit3A_505 : i32 to vector<16xi32>
    %max3A_508 = arith.maxsi %max3A_507, %add3A_504 : vector<16xi32>
    %min3A_509 = vector.broadcast %jit3A_506 : i32 to vector<16xi32>
    %min3A_510 = arith.minsi %min3A_509, %max3A_508 : vector<16xi32>
    %jit3A_511 = arith.constant 0 : i32
    %jit3A_512 = arith.constant 223 : i32
    %max3A_513 = vector.broadcast %jit3A_511 : i32 to vector<16xi32>
    %max3A_514 = arith.maxsi %max3A_513, %select_n3A_495 : vector<16xi32>
    %min3A_515 = vector.broadcast %jit3A_512 : i32 to vector<16xi32>
    %min3A_516 = arith.minsi %min3A_515, %max3A_514 : vector<16xi32>
    %add3A_517 = arith.constant 1 : i32
    %add3A_518 = vector.broadcast %add3A_517 : i32 to vector<16xi32>
    %add3A_519 = arith.addi %select_n3A_495, %add3A_518 : vector<16xi32>
    %jit3A_520 = arith.constant 0 : i32
    %jit3A_521 = arith.constant 223 : i32
    %max3A_522 = vector.broadcast %jit3A_520 : i32 to vector<16xi32>
    %max3A_523 = arith.maxsi %max3A_522, %add3A_519 : vector<16xi32>
    %min3A_524 = vector.broadcast %jit3A_521 : i32 to vector<16xi32>
    %min3A_525 = arith.minsi %min3A_524, %max3A_523 : vector<16xi32>
    %convert_element_type3A_526 = arith.sitofp %min3A_501 : vector<16xi32> to vector<16xf32>
    %convert_element_type3A_527 = arith.sitofp %min3A_510 : vector<16xi32> to vector<16xf32>
    %convert_element_type3A_528 = arith.sitofp %min3A_516 : vector<16xi32> to vector<16xf32>
    %convert_element_type3A_529 = arith.sitofp %min3A_525 : vector<16xi32> to vector<16xf32>
    %sub3A_530 = arith.subf %convert_element_type3A_527, %mul3A_471 : vector<16xf32>
    %sub3A_531 = arith.subf %convert_element_type3A_529, %mul3A_481 : vector<16xf32>
    %mul3A_532 = arith.mulf %sub3A_530, %sub3A_531 : vector<16xf32>
    %swap3A_533 = arith.constant 0 : i32
    %swap3A_534 = arith.index_cast %swap3A_533 : i32 to index
    %swap3A_535 = arith.constant 16 : index
    %swap3A_536 = tpu.vector_load %arg8[%swap3A_534, %swap3A_535] {strides = array<i32>} : memref<2x64xf32, #tpu.memory_space<vmem>>, vector<16xf32>,
    tpu.vector_store %arg8[%swap3A_534, %swap3A_535], %mul3A_532 {strides = array<i32>} : memref<2x64xf32, #tpu.memory_space<vmem>>, vector<16xf32>,
    %sub3A_537 = arith.subf %convert_element_type3A_527, %mul3A_471 : vector<16xf32>
    %sub3A_538 = arith.subf %mul3A_481, %convert_element_type3A_528 : vector<16xf32>
    %mul3A_539 = arith.mulf %sub3A_537, %sub3A_538 : vector<16xf32>
    %swap3A_540 = arith.constant 0 : i32
    %swap3A_541 = arith.index_cast %swap3A_540 : i32 to index
    %swap3A_542 = arith.constant 16 : index
    %swap3A_543 = tpu.vector_load %arg9[%swap3A_541, %swap3A_542] {strides = array<i32>} : memref<2x64xf32, #tpu.memory_space<vmem>>, vector<16xf32>,
    tpu.vector_store %arg9[%swap3A_541, %swap3A_542], %mul3A_539 {strides = array<i32>} : memref<2x64xf32, #tpu.memory_space<vmem>>, vector<16xf32>,
    %sub3A_544 = arith.subf %mul3A_471, %convert_element_type3A_526 : vector<16xf32>
    %sub3A_545 = arith.subf %convert_element_type3A_529, %mul3A_481 : vector<16xf32>
    %mul3A_546 = arith.mulf %sub3A_544, %sub3A_545 : vector<16xf32>
    %swap3A_547 = arith.constant 0 : i32
    %swap3A_548 = arith.index_cast %swap3A_547 : i32 to index
    %swap3A_549 = arith.constant 16 : index
    %swap3A_550 = tpu.vector_load %arg10[%swap3A_548, %swap3A_549] {strides = array<i32>} : memref<2x64xf32, #tpu.memory_space<vmem>>, vector<16xf32>,
    tpu.vector_store %arg10[%swap3A_548, %swap3A_549], %mul3A_546 {strides = array<i32>} : memref<2x64xf32, #tpu.memory_space<vmem>>, vector<16xf32>,
    %sub3A_551 = arith.subf %mul3A_471, %convert_element_type3A_526 : vector<16xf32>
    %sub3A_552 = arith.subf %mul3A_481, %convert_element_type3A_528 : vector<16xf32>
    %mul3A_553 = arith.mulf %sub3A_551, %sub3A_552 : vector<16xf32>
    %swap3A_554 = arith.constant 0 : i32
    %swap3A_555 = arith.index_cast %swap3A_554 : i32 to index
    %swap3A_556 = arith.constant 16 : index
    %swap3A_557 = tpu.vector_load %arg11[%swap3A_555, %swap3A_556] {strides = array<i32>} : memref<2x64xf32, #tpu.memory_space<vmem>>, vector<16xf32>,
    tpu.vector_store %arg11[%swap3A_555, %swap3A_556], %mul3A_553 {strides = array<i32>} : memref<2x64xf32, #tpu.memory_space<vmem>>, vector<16xf32>,
    %mul3A_558 = arith.constant 224 : i32
    %mul3A_559 = vector.broadcast %mul3A_558 : i32 to vector<16xi32>
    %mul3A_560 = arith.muli %min3A_516, %mul3A_559 : vector<16xi32>
    %add3A_561 = vector.broadcast %mul3A_32 : i32 to vector<16xi32>
    %add3A_562 = arith.addi %add3A_561, %mul3A_560 : vector<16xi32>
    %mul3A_563 = arith.constant 224 : i32
    %mul3A_564 = vector.broadcast %mul3A_563 : i32 to vector<16xi32>
    %mul3A_565 = arith.muli %min3A_525, %mul3A_564 : vector<16xi32>
    %add3A_566 = vector.broadcast %mul3A_32 : i32 to vector<16xi32>
    %add3A_567 = arith.addi %add3A_566, %mul3A_565 : vector<16xi32>
    %add3A_568 = arith.constant 16 : i32
    %add3A_569 = vector.broadcast %add3A_568 : i32 to vector<16xi32>
    %add3A_570 = arith.addi %iota3A, %add3A_569 : vector<16xi32>
    %mul3A_571 = arith.constant 2 : i32
    %mul3A_572 = vector.broadcast %mul3A_571 : i32 to vector<16xi32>
    %mul3A_573 = arith.muli %add3A_570, %mul3A_572 : vector<16xi32>
    %add3A_574 = arith.addi %add3A_562, %min3A_501 : vector<16xi32>
    tpu.vector_store_idx %arg6[%broadcast_in_dim3A_178, %mul3A_573], %add3A_574 : memref<2x128xi32, #tpu.memory_space<vmem>>[vector<16xi32>, vector<16xi32>], vector<16xi32>,
    %add3A_575 = arith.constant 1 : i32
    %add3A_576 = vector.broadcast %add3A_575 : i32 to vector<16xi32>
    %add3A_577 = arith.addi %mul3A_573, %add3A_576 : vector<16xi32>
    %add3A_578 = arith.addi %add3A_562, %min3A_510 : vector<16xi32>
    tpu.vector_store_idx %arg6[%broadcast_in_dim3A_178, %add3A_577], %add3A_578 : memref<2x128xi32, #tpu.memory_space<vmem>>[vector<16xi32>, vector<16xi32>], vector<16xi32>,
    %add3A_579 = arith.addi %add3A_567, %min3A_501 : vector<16xi32>
    tpu.vector_store_idx %arg7[%broadcast_in_dim3A_178, %mul3A_573], %add3A_579 : memref<2x128xi32, #tpu.memory_space<vmem>>[vector<16xi32>, vector<16xi32>], vector<16xi32>,
    %add3A_580 = arith.constant 1 : i32
    %add3A_581 = vector.broadcast %add3A_580 : i32 to vector<16xi32>
    %add3A_582 = arith.addi %mul3A_573, %add3A_581 : vector<16xi32>
    %add3A_583 = arith.addi %add3A_567, %min3A_510 : vector<16xi32>
    tpu.vector_store_idx %arg7[%broadcast_in_dim3A_178, %add3A_582], %add3A_583 : memref<2x128xi32, #tpu.memory_space<vmem>>[vector<16xi32>, vector<16xi32>], vector<16xi32>,
    %add3A_584 = arith.constant 32 : i32
    %add3A_585 = arith.addi %add3A_176, %add3A_584 : i32
    %broadcast_in_dim3A_586 = vector.broadcast %add3A_585 : i32 to vector<16xi32>
    %add3A_587 = arith.addi %broadcast_in_dim3A_586, %iota3A : vector<16xi32>
    %jit3A_588 = arith.constant 224 : i32
    %div3A_589 = vector.broadcast %jit3A_588 : i32 to vector<16xi32>
    %div3A_590 = arith.divsi %add3A_587, %div3A_589 : vector<16xi32>
    %sign3A_591 = arith.constant 0 : i32
    %sign3A_592 = vector.broadcast %sign3A_591 : i32 to vector<16xi32>
    %sign3A_593 = arith.cmpi sgt, %add3A_587, %sign3A_592 : vector<16xi32>
    %sign3A_594 = arith.extui %sign3A_593 : vector<16xi1> to vector<16xi32>
    %sign3A_595 = arith.constant 0 : i32
    %sign3A_596 = vector.broadcast %sign3A_595 : i32 to vector<16xi32>
    %sign3A_597 = arith.cmpi slt, %add3A_587, %sign3A_596 : vector<16xi32>
    %sign3A_598 = arith.extui %sign3A_597 : vector<16xi1> to vector<16xi32>
    %sign3A_599 = arith.subi %sign3A_594, %sign3A_598 : vector<16xi32>
    %sign3A_600 = arith.constant 0 : i32
    %sign3A_601 = arith.cmpi sgt, %jit3A_588, %sign3A_600 : i32
    %sign3A_602 = arith.extui %sign3A_601 : i1 to i32
    %sign3A_603 = arith.constant 0 : i32
    %sign3A_604 = arith.cmpi slt, %jit3A_588, %sign3A_603 : i32
    %sign3A_605 = arith.extui %sign3A_604 : i1 to i32
    %sign3A_606 = arith.subi %sign3A_602, %sign3A_605 : i32
    %ne3A_607 = vector.broadcast %sign3A_606 : i32 to vector<16xi32>
    %ne3A_608 = arith.cmpi ne, %sign3A_599, %ne3A_607 : vector<16xi32>
    %rem3A_609 = vector.broadcast %jit3A_588 : i32 to vector<16xi32>
    %rem3A_610 = arith.remsi %add3A_587, %rem3A_609 : vector<16xi32>
    %ne3A_611 = arith.constant 0 : i32
    %ne3A_612 = vector.broadcast %ne3A_611 : i32 to vector<16xi32>
    %ne3A_613 = arith.cmpi ne, %rem3A_610, %ne3A_612 : vector<16xi32>
    %and3A_614 = arith.andi %ne3A_608, %ne3A_613 : vector<16xi1>
    %sub3A_615 = arith.constant 1 : i32
    %sub3A_616 = vector.broadcast %sub3A_615 : i32 to vector<16xi32>
    %sub3A_617 = arith.subi %div3A_590, %sub3A_616 : vector<16xi32>
    %select_n3A_618 = arith.select %and3A_614, %sub3A_617, %div3A_590 : vector<16xi1>, vector<16xi32>
    %mul3A_619 = arith.constant 224 : i32
    %mul3A_620 = vector.broadcast %mul3A_619 : i32 to vector<16xi32>
    %mul3A_621 = arith.muli %select_n3A_618, %mul3A_620 : vector<16xi32>
    %sub3A_622 = arith.subi %add3A_587, %mul3A_621 : vector<16xi32>
    %convert_element_type3A_623 = arith.sitofp %sub3A_622 : vector<16xi32> to vector<16xf32>
    %mul3A_624 = arith.constant 8.968610e-03 : f32
    %mul3A_625 = vector.broadcast %mul3A_624 : f32 to vector<16xf32>
    %mul3A_626 = arith.mulf %convert_element_type3A_623, %mul3A_625 : vector<16xf32>
    %sub3A_627 = arith.constant 1.000000e+00 : f32
    %sub3A_628 = vector.broadcast %sub3A_627 : f32 to vector<16xf32>
    %sub3A_629 = arith.subf %mul3A_626, %sub3A_628 : vector<16xf32>
    %bitcast3A_630 = vector.bitcast %sub3A_629 : vector<16xf32> to vector<16xi32>
    %add3A_631 = arith.constant 32767 : i32
    %add3A_632 = vector.broadcast %add3A_631 : i32 to vector<16xi32>
    %add3A_633 = arith.addi %bitcast3A_630, %add3A_632 : vector<16xi32>
    %shift_right_logical3A_634 = arith.constant 16 : i32
    %shift_right_logical3A_635 = vector.broadcast %shift_right_logical3A_634 : i32 to vector<16xi32>
    %shift_right_logical3A_636 = arith.shrui %bitcast3A_630, %shift_right_logical3A_635 : vector<16xi32>
    %and3A_637 = arith.constant 1 : i32
    %and3A_638 = vector.broadcast %and3A_637 : i32 to vector<16xi32>
    %and3A_639 = arith.andi %shift_right_logical3A_636, %and3A_638 : vector<16xi32>
    %add3A_640 = arith.addi %add3A_633, %and3A_639 : vector<16xi32>
    %and3A_641 = arith.constant -65536 : i32
    %and3A_642 = vector.broadcast %and3A_641 : i32 to vector<16xi32>
    %and3A_643 = arith.andi %add3A_640, %and3A_642 : vector<16xi32>
    %bitcast3A_644 = vector.bitcast %and3A_643 : vector<16xi32> to vector<16xf32>
    %convert_element_type3A_645 = arith.sitofp %select_n3A_618 : vector<16xi32> to vector<16xf32>
    %mul3A_646 = arith.constant 8.968610e-03 : f32
    %mul3A_647 = vector.broadcast %mul3A_646 : f32 to vector<16xf32>
    %mul3A_648 = arith.mulf %convert_element_type3A_645, %mul3A_647 : vector<16xf32>
    %sub3A_649 = arith.constant 1.000000e+00 : f32
    %sub3A_650 = vector.broadcast %sub3A_649 : f32 to vector<16xf32>
    %sub3A_651 = arith.subf %mul3A_648, %sub3A_650 : vector<16xf32>
    %bitcast3A_652 = vector.bitcast %sub3A_651 : vector<16xf32> to vector<16xi32>
    %add3A_653 = arith.constant 32767 : i32
    %add3A_654 = vector.broadcast %add3A_653 : i32 to vector<16xi32>
    %add3A_655 = arith.addi %bitcast3A_652, %add3A_654 : vector<16xi32>
    %shift_right_logical3A_656 = arith.constant 16 : i32
    %shift_right_logical3A_657 = vector.broadcast %shift_right_logical3A_656 : i32 to vector<16xi32>
    %shift_right_logical3A_658 = arith.shrui %bitcast3A_652, %shift_right_logical3A_657 : vector<16xi32>
    %and3A_659 = arith.constant 1 : i32
    %and3A_660 = vector.broadcast %and3A_659 : i32 to vector<16xi32>
    %and3A_661 = arith.andi %shift_right_logical3A_658, %and3A_660 : vector<16xi32>
    %add3A_662 = arith.addi %add3A_655, %and3A_661 : vector<16xi32>
    %and3A_663 = arith.constant -65536 : i32
    %and3A_664 = vector.broadcast %and3A_663 : i32 to vector<16xi32>
    %and3A_665 = arith.andi %add3A_662, %and3A_664 : vector<16xi32>
    %bitcast3A_666 = vector.bitcast %and3A_665 : vector<16xi32> to vector<16xf32>
    %mul3A_667 = arith.mulf %bitcast3A_49, %bitcast3A_644 : vector<16xf32>
    %mul3A_668 = arith.mulf %bitcast3A_70, %bitcast3A_666 : vector<16xf32>
    %add3A_669 = arith.addf %mul3A_667, %mul3A_668 : vector<16xf32>
    %add3A_670 = arith.addf %add3A_669, %bitcast3A_91 : vector<16xf32>
    %add3A_671 = arith.constant 1.000000e+00 : f32
    %add3A_672 = vector.broadcast %add3A_671 : f32 to vector<16xf32>
    %add3A_673 = arith.addf %add3A_670, %add3A_672 : vector<16xf32>
    %mul3A_674 = arith.constant 1.120000e+02 : f32
    %mul3A_675 = vector.broadcast %mul3A_674 : f32 to vector<16xf32>
    %mul3A_676 = arith.mulf %add3A_673, %mul3A_675 : vector<16xf32>
    %mul3A_677 = arith.mulf %bitcast3A_112, %bitcast3A_644 : vector<16xf32>
    %mul3A_678 = arith.mulf %bitcast3A_133, %bitcast3A_666 : vector<16xf32>
    %add3A_679 = arith.addf %mul3A_677, %mul3A_678 : vector<16xf32>
    %add3A_680 = arith.addf %add3A_679, %bitcast3A_154 : vector<16xf32>
    %add3A_681 = arith.constant 1.000000e+00 : f32
    %add3A_682 = vector.broadcast %add3A_681 : f32 to vector<16xf32>
    %add3A_683 = arith.addf %add3A_680, %add3A_682 : vector<16xf32>
    %mul3A_684 = arith.constant 1.120000e+02 : f32
    %mul3A_685 = vector.broadcast %mul3A_684 : f32 to vector<16xf32>
    %mul3A_686 = arith.mulf %add3A_683, %mul3A_685 : vector<16xf32>
    %convert_element_type3A_687 = arith.fptosi %mul3A_676 : vector<16xf32> to vector<16xi32>
    %convert_element_type3A_688 = arith.sitofp %convert_element_type3A_687 : vector<16xi32> to vector<16xf32>
    %gt3A_689 = arith.cmpf ogt, %convert_element_type3A_688, %mul3A_676 : vector<16xf32>
    %sub3A_690 = arith.constant 1 : i32
    %sub3A_691 = vector.broadcast %sub3A_690 : i32 to vector<16xi32>
    %sub3A_692 = arith.subi %convert_element_type3A_687, %sub3A_691 : vector<16xi32>
    %select_n3A_693 = arith.select %gt3A_689, %sub3A_692, %convert_element_type3A_687 : vector<16xi1>, vector<16xi32>
    %convert_element_type3A_694 = arith.fptosi %mul3A_686 : vector<16xf32> to vector<16xi32>
    %convert_element_type3A_695 = arith.sitofp %convert_element_type3A_694 : vector<16xi32> to vector<16xf32>
    %gt3A_696 = arith.cmpf ogt, %convert_element_type3A_695, %mul3A_686 : vector<16xf32>
    %sub3A_697 = arith.constant 1 : i32
    %sub3A_698 = vector.broadcast %sub3A_697 : i32 to vector<16xi32>
    %sub3A_699 = arith.subi %convert_element_type3A_694, %sub3A_698 : vector<16xi32>
    %select_n3A_700 = arith.select %gt3A_696, %sub3A_699, %convert_element_type3A_694 : vector<16xi1>, vector<16xi32>
    %jit3A_701 = arith.constant 0 : i32
    %jit3A_702 = arith.constant 223 : i32
    %max3A_703 = vector.broadcast %jit3A_701 : i32 to vector<16xi32>
    %max3A_704 = arith.maxsi %max3A_703, %select_n3A_693 : vector<16xi32>
    %min3A_705 = vector.broadcast %jit3A_702 : i32 to vector<16xi32>
    %min3A_706 = arith.minsi %min3A_705, %max3A_704 : vector<16xi32>
    %add3A_707 = arith.constant 1 : i32
    %add3A_708 = vector.broadcast %add3A_707 : i32 to vector<16xi32>
    %add3A_709 = arith.addi %select_n3A_693, %add3A_708 : vector<16xi32>
    %jit3A_710 = arith.constant 0 : i32
    %jit3A_711 = arith.constant 223 : i32
    %max3A_712 = vector.broadcast %jit3A_710 : i32 to vector<16xi32>
    %max3A_713 = arith.maxsi %max3A_712, %add3A_709 : vector<16xi32>
    %min3A_714 = vector.broadcast %jit3A_711 : i32 to vector<16xi32>
    %min3A_715 = arith.minsi %min3A_714, %max3A_713 : vector<16xi32>
    %jit3A_716 = arith.constant 0 : i32
    %jit3A_717 = arith.constant 223 : i32
    %max3A_718 = vector.broadcast %jit3A_716 : i32 to vector<16xi32>
    %max3A_719 = arith.maxsi %max3A_718, %select_n3A_700 : vector<16xi32>
    %min3A_720 = vector.broadcast %jit3A_717 : i32 to vector<16xi32>
    %min3A_721 = arith.minsi %min3A_720, %max3A_719 : vector<16xi32>
    %add3A_722 = arith.constant 1 : i32
    %add3A_723 = vector.broadcast %add3A_722 : i32 to vector<16xi32>
    %add3A_724 = arith.addi %select_n3A_700, %add3A_723 : vector<16xi32>
    %jit3A_725 = arith.constant 0 : i32
    %jit3A_726 = arith.constant 223 : i32
    %max3A_727 = vector.broadcast %jit3A_725 : i32 to vector<16xi32>
    %max3A_728 = arith.maxsi %max3A_727, %add3A_724 : vector<16xi32>
    %min3A_729 = vector.broadcast %jit3A_726 : i32 to vector<16xi32>
    %min3A_730 = arith.minsi %min3A_729, %max3A_728 : vector<16xi32>
    %convert_element_type3A_731 = arith.sitofp %min3A_706 : vector<16xi32> to vector<16xf32>
    %convert_element_type3A_732 = arith.sitofp %min3A_715 : vector<16xi32> to vector<16xf32>
    %convert_element_type3A_733 = arith.sitofp %min3A_721 : vector<16xi32> to vector<16xf32>
    %convert_element_type3A_734 = arith.sitofp %min3A_730 : vector<16xi32> to vector<16xf32>
    %sub3A_735 = arith.subf %convert_element_type3A_732, %mul3A_676 : vector<16xf32>
    %sub3A_736 = arith.subf %convert_element_type3A_734, %mul3A_686 : vector<16xf32>
    %mul3A_737 = arith.mulf %sub3A_735, %sub3A_736 : vector<16xf32>
    %swap3A_738 = arith.constant 0 : i32
    %swap3A_739 = arith.index_cast %swap3A_738 : i32 to index
    %swap3A_740 = arith.constant 32 : index
    %swap3A_741 = tpu.vector_load %arg8[%swap3A_739, %swap3A_740] {strides = array<i32>} : memref<2x64xf32, #tpu.memory_space<vmem>>, vector<16xf32>,
    tpu.vector_store %arg8[%swap3A_739, %swap3A_740], %mul3A_737 {strides = array<i32>} : memref<2x64xf32, #tpu.memory_space<vmem>>, vector<16xf32>,
    %sub3A_742 = arith.subf %convert_element_type3A_732, %mul3A_676 : vector<16xf32>
    %sub3A_743 = arith.subf %mul3A_686, %convert_element_type3A_733 : vector<16xf32>
    %mul3A_744 = arith.mulf %sub3A_742, %sub3A_743 : vector<16xf32>
    %swap3A_745 = arith.constant 0 : i32
    %swap3A_746 = arith.index_cast %swap3A_745 : i32 to index
    %swap3A_747 = arith.constant 32 : index
    %swap3A_748 = tpu.vector_load %arg9[%swap3A_746, %swap3A_747] {strides = array<i32>} : memref<2x64xf32, #tpu.memory_space<vmem>>, vector<16xf32>,
    tpu.vector_store %arg9[%swap3A_746, %swap3A_747], %mul3A_744 {strides = array<i32>} : memref<2x64xf32, #tpu.memory_space<vmem>>, vector<16xf32>,
    %sub3A_749 = arith.subf %mul3A_676, %convert_element_type3A_731 : vector<16xf32>
    %sub3A_750 = arith.subf %convert_element_type3A_734, %mul3A_686 : vector<16xf32>
    %mul3A_751 = arith.mulf %sub3A_749, %sub3A_750 : vector<16xf32>
    %swap3A_752 = arith.constant 0 : i32
    %swap3A_753 = arith.index_cast %swap3A_752 : i32 to index
    %swap3A_754 = arith.constant 32 : index
    %swap3A_755 = tpu.vector_load %arg10[%swap3A_753, %swap3A_754] {strides = array<i32>} : memref<2x64xf32, #tpu.memory_space<vmem>>, vector<16xf32>,
    tpu.vector_store %arg10[%swap3A_753, %swap3A_754], %mul3A_751 {strides = array<i32>} : memref<2x64xf32, #tpu.memory_space<vmem>>, vector<16xf32>,
    %sub3A_756 = arith.subf %mul3A_676, %convert_element_type3A_731 : vector<16xf32>
    %sub3A_757 = arith.subf %mul3A_686, %convert_element_type3A_733 : vector<16xf32>
    %mul3A_758 = arith.mulf %sub3A_756, %sub3A_757 : vector<16xf32>
    %swap3A_759 = arith.constant 0 : i32
    %swap3A_760 = arith.index_cast %swap3A_759 : i32 to index
    %swap3A_761 = arith.constant 32 : index
    %swap3A_762 = tpu.vector_load %arg11[%swap3A_760, %swap3A_761] {strides = array<i32>} : memref<2x64xf32, #tpu.memory_space<vmem>>, vector<16xf32>,
    tpu.vector_store %arg11[%swap3A_760, %swap3A_761], %mul3A_758 {strides = array<i32>} : memref<2x64xf32, #tpu.memory_space<vmem>>, vector<16xf32>,
    %mul3A_763 = arith.constant 224 : i32
    %mul3A_764 = vector.broadcast %mul3A_763 : i32 to vector<16xi32>
    %mul3A_765 = arith.muli %min3A_721, %mul3A_764 : vector<16xi32>
    %add3A_766 = vector.broadcast %mul3A_32 : i32 to vector<16xi32>
    %add3A_767 = arith.addi %add3A_766, %mul3A_765 : vector<16xi32>
    %mul3A_768 = arith.constant 224 : i32
    %mul3A_769 = vector.broadcast %mul3A_768 : i32 to vector<16xi32>
    %mul3A_770 = arith.muli %min3A_730, %mul3A_769 : vector<16xi32>
    %add3A_771 = vector.broadcast %mul3A_32 : i32 to vector<16xi32>
    %add3A_772 = arith.addi %add3A_771, %mul3A_770 : vector<16xi32>
    %add3A_773 = arith.constant 32 : i32
    %add3A_774 = vector.broadcast %add3A_773 : i32 to vector<16xi32>
    %add3A_775 = arith.addi %iota3A, %add3A_774 : vector<16xi32>
    %mul3A_776 = arith.constant 2 : i32
    %mul3A_777 = vector.broadcast %mul3A_776 : i32 to vector<16xi32>
    %mul3A_778 = arith.muli %add3A_775, %mul3A_777 : vector<16xi32>
    %add3A_779 = arith.addi %add3A_767, %min3A_706 : vector<16xi32>
    tpu.vector_store_idx %arg6[%broadcast_in_dim3A_178, %mul3A_778], %add3A_779 : memref<2x128xi32, #tpu.memory_space<vmem>>[vector<16xi32>, vector<16xi32>], vector<16xi32>,
    %add3A_780 = arith.constant 1 : i32
    %add3A_781 = vector.broadcast %add3A_780 : i32 to vector<16xi32>
    %add3A_782 = arith.addi %mul3A_778, %add3A_781 : vector<16xi32>
    %add3A_783 = arith.addi %add3A_767, %min3A_715 : vector<16xi32>
    tpu.vector_store_idx %arg6[%broadcast_in_dim3A_178, %add3A_782], %add3A_783 : memref<2x128xi32, #tpu.memory_space<vmem>>[vector<16xi32>, vector<16xi32>], vector<16xi32>,
    %add3A_784 = arith.addi %add3A_772, %min3A_706 : vector<16xi32>
    tpu.vector_store_idx %arg7[%broadcast_in_dim3A_178, %mul3A_778], %add3A_784 : memref<2x128xi32, #tpu.memory_space<vmem>>[vector<16xi32>, vector<16xi32>], vector<16xi32>,
    %add3A_785 = arith.constant 1 : i32
    %add3A_786 = vector.broadcast %add3A_785 : i32 to vector<16xi32>
    %add3A_787 = arith.addi %mul3A_778, %add3A_786 : vector<16xi32>
    %add3A_788 = arith.addi %add3A_772, %min3A_715 : vector<16xi32>
    tpu.vector_store_idx %arg7[%broadcast_in_dim3A_178, %add3A_787], %add3A_788 : memref<2x128xi32, #tpu.memory_space<vmem>>[vector<16xi32>, vector<16xi32>], vector<16xi32>,
    %add3A_789 = arith.constant 48 : i32
    %add3A_790 = arith.addi %add3A_176, %add3A_789 : i32
    %broadcast_in_dim3A_791 = vector.broadcast %add3A_790 : i32 to vector<16xi32>
    %add3A_792 = arith.addi %broadcast_in_dim3A_791, %iota3A : vector<16xi32>
    %jit3A_793 = arith.constant 224 : i32
    %div3A_794 = vector.broadcast %jit3A_793 : i32 to vector<16xi32>
    %div3A_795 = arith.divsi %add3A_792, %div3A_794 : vector<16xi32>
    %sign3A_796 = arith.constant 0 : i32
    %sign3A_797 = vector.broadcast %sign3A_796 : i32 to vector<16xi32>
    %sign3A_798 = arith.cmpi sgt, %add3A_792, %sign3A_797 : vector<16xi32>
    %sign3A_799 = arith.extui %sign3A_798 : vector<16xi1> to vector<16xi32>
    %sign3A_800 = arith.constant 0 : i32
    %sign3A_801 = vector.broadcast %sign3A_800 : i32 to vector<16xi32>
    %sign3A_802 = arith.cmpi slt, %add3A_792, %sign3A_801 : vector<16xi32>
    %sign3A_803 = arith.extui %sign3A_802 : vector<16xi1> to vector<16xi32>
    %sign3A_804 = arith.subi %sign3A_799, %sign3A_803 : vector<16xi32>
    %sign3A_805 = arith.constant 0 : i32
    %sign3A_806 = arith.cmpi sgt, %jit3A_793, %sign3A_805 : i32
    %sign3A_807 = arith.extui %sign3A_806 : i1 to i32
    %sign3A_808 = arith.constant 0 : i32
    %sign3A_809 = arith.cmpi slt, %jit3A_793, %sign3A_808 : i32
    %sign3A_810 = arith.extui %sign3A_809 : i1 to i32
    %sign3A_811 = arith.subi %sign3A_807, %sign3A_810 : i32
    %ne3A_812 = vector.broadcast %sign3A_811 : i32 to vector<16xi32>
    %ne3A_813 = arith.cmpi ne, %sign3A_804, %ne3A_812 : vector<16xi32>
    %rem3A_814 = vector.broadcast %jit3A_793 : i32 to vector<16xi32>
    %rem3A_815 = arith.remsi %add3A_792, %rem3A_814 : vector<16xi32>
    %ne3A_816 = arith.constant 0 : i32
    %ne3A_817 = vector.broadcast %ne3A_816 : i32 to vector<16xi32>
    %ne3A_818 = arith.cmpi ne, %rem3A_815, %ne3A_817 : vector<16xi32>
    %and3A_819 = arith.andi %ne3A_813, %ne3A_818 : vector<16xi1>
    %sub3A_820 = arith.constant 1 : i32
    %sub3A_821 = vector.broadcast %sub3A_820 : i32 to vector<16xi32>
    %sub3A_822 = arith.subi %div3A_795, %sub3A_821 : vector<16xi32>
    %select_n3A_823 = arith.select %and3A_819, %sub3A_822, %div3A_795 : vector<16xi1>, vector<16xi32>
    %mul3A_824 = arith.constant 224 : i32
    %mul3A_825 = vector.broadcast %mul3A_824 : i32 to vector<16xi32>
    %mul3A_826 = arith.muli %select_n3A_823, %mul3A_825 : vector<16xi32>
    %sub3A_827 = arith.subi %add3A_792, %mul3A_826 : vector<16xi32>
    %convert_element_type3A_828 = arith.sitofp %sub3A_827 : vector<16xi32> to vector<16xf32>
    %mul3A_829 = arith.constant 8.968610e-03 : f32
    %mul3A_830 = vector.broadcast %mul3A_829 : f32 to vector<16xf32>
    %mul3A_831 = arith.mulf %convert_element_type3A_828, %mul3A_830 : vector<16xf32>
    %sub3A_832 = arith.constant 1.000000e+00 : f32
    %sub3A_833 = vector.broadcast %sub3A_832 : f32 to vector<16xf32>
    %sub3A_834 = arith.subf %mul3A_831, %sub3A_833 : vector<16xf32>
    %bitcast3A_835 = vector.bitcast %sub3A_834 : vector<16xf32> to vector<16xi32>
    %add3A_836 = arith.constant 32767 : i32
    %add3A_837 = vector.broadcast %add3A_836 : i32 to vector<16xi32>
    %add3A_838 = arith.addi %bitcast3A_835, %add3A_837 : vector<16xi32>
    %shift_right_logical3A_839 = arith.constant 16 : i32
    %shift_right_logical3A_840 = vector.broadcast %shift_right_logical3A_839 : i32 to vector<16xi32>
    %shift_right_logical3A_841 = arith.shrui %bitcast3A_835, %shift_right_logical3A_840 : vector<16xi32>
    %and3A_842 = arith.constant 1 : i32
    %and3A_843 = vector.broadcast %and3A_842 : i32 to vector<16xi32>
    %and3A_844 = arith.andi %shift_right_logical3A_841, %and3A_843 : vector<16xi32>
    %add3A_845 = arith.addi %add3A_838, %and3A_844 : vector<16xi32>
    %and3A_846 = arith.constant -65536 : i32
    %and3A_847 = vector.broadcast %and3A_846 : i32 to vector<16xi32>
    %and3A_848 = arith.andi %add3A_845, %and3A_847 : vector<16xi32>
    %bitcast3A_849 = vector.bitcast %and3A_848 : vector<16xi32> to vector<16xf32>
    %convert_element_type3A_850 = arith.sitofp %select_n3A_823 : vector<16xi32> to vector<16xf32>
    %mul3A_851 = arith.constant 8.968610e-03 : f32
    %mul3A_852 = vector.broadcast %mul3A_851 : f32 to vector<16xf32>
    %mul3A_853 = arith.mulf %convert_element_type3A_850, %mul3A_852 : vector<16xf32>
    %sub3A_854 = arith.constant 1.000000e+00 : f32
    %sub3A_855 = vector.broadcast %sub3A_854 : f32 to vector<16xf32>
    %sub3A_856 = arith.subf %mul3A_853, %sub3A_855 : vector<16xf32>
    %bitcast3A_857 = vector.bitcast %sub3A_856 : vector<16xf32> to vector<16xi32>
    %add3A_858 = arith.constant 32767 : i32
    %add3A_859 = vector.broadcast %add3A_858 : i32 to vector<16xi32>
    %add3A_860 = arith.addi %bitcast3A_857, %add3A_859 : vector<16xi32>
    %shift_right_logical3A_861 = arith.constant 16 : i32
    %shift_right_logical3A_862 = vector.broadcast %shift_right_logical3A_861 : i32 to vector<16xi32>
    %shift_right_logical3A_863 = arith.shrui %bitcast3A_857, %shift_right_logical3A_862 : vector<16xi32>
    %and3A_864 = arith.constant 1 : i32
    %and3A_865 = vector.broadcast %and3A_864 : i32 to vector<16xi32>
    %and3A_866 = arith.andi %shift_right_logical3A_863, %and3A_865 : vector<16xi32>
    %add3A_867 = arith.addi %add3A_860, %and3A_866 : vector<16xi32>
    %and3A_868 = arith.constant -65536 : i32
    %and3A_869 = vector.broadcast %and3A_868 : i32 to vector<16xi32>
    %and3A_870 = arith.andi %add3A_867, %and3A_869 : vector<16xi32>
    %bitcast3A_871 = vector.bitcast %and3A_870 : vector<16xi32> to vector<16xf32>
    %mul3A_872 = arith.mulf %bitcast3A_49, %bitcast3A_849 : vector<16xf32>
    %mul3A_873 = arith.mulf %bitcast3A_70, %bitcast3A_871 : vector<16xf32>
    %add3A_874 = arith.addf %mul3A_872, %mul3A_873 : vector<16xf32>
    %add3A_875 = arith.addf %add3A_874, %bitcast3A_91 : vector<16xf32>
    %add3A_876 = arith.constant 1.000000e+00 : f32
    %add3A_877 = vector.broadcast %add3A_876 : f32 to vector<16xf32>
    %add3A_878 = arith.addf %add3A_875, %add3A_877 : vector<16xf32>
    %mul3A_879 = arith.constant 1.120000e+02 : f32
    %mul3A_880 = vector.broadcast %mul3A_879 : f32 to vector<16xf32>
    %mul3A_881 = arith.mulf %add3A_878, %mul3A_880 : vector<16xf32>
    %mul3A_882 = arith.mulf %bitcast3A_112, %bitcast3A_849 : vector<16xf32>
    %mul3A_883 = arith.mulf %bitcast3A_133, %bitcast3A_871 : vector<16xf32>
    %add3A_884 = arith.addf %mul3A_882, %mul3A_883 : vector<16xf32>
    %add3A_885 = arith.addf %add3A_884, %bitcast3A_154 : vector<16xf32>
    %add3A_886 = arith.constant 1.000000e+00 : f32
    %add3A_887 = vector.broadcast %add3A_886 : f32 to vector<16xf32>
    %add3A_888 = arith.addf %add3A_885, %add3A_887 : vector<16xf32>
    %mul3A_889 = arith.constant 1.120000e+02 : f32
    %mul3A_890 = vector.broadcast %mul3A_889 : f32 to vector<16xf32>
    %mul3A_891 = arith.mulf %add3A_888, %mul3A_890 : vector<16xf32>
    %convert_element_type3A_892 = arith.fptosi %mul3A_881 : vector<16xf32> to vector<16xi32>
    %convert_element_type3A_893 = arith.sitofp %convert_element_type3A_892 : vector<16xi32> to vector<16xf32>
    %gt3A_894 = arith.cmpf ogt, %convert_element_type3A_893, %mul3A_881 : vector<16xf32>
    %sub3A_895 = arith.constant 1 : i32
    %sub3A_896 = vector.broadcast %sub3A_895 : i32 to vector<16xi32>
    %sub3A_897 = arith.subi %convert_element_type3A_892, %sub3A_896 : vector<16xi32>
    %select_n3A_898 = arith.select %gt3A_894, %sub3A_897, %convert_element_type3A_892 : vector<16xi1>, vector<16xi32>
    %convert_element_type3A_899 = arith.fptosi %mul3A_891 : vector<16xf32> to vector<16xi32>
    %convert_element_type3A_900 = arith.sitofp %convert_element_type3A_899 : vector<16xi32> to vector<16xf32>
    %gt3A_901 = arith.cmpf ogt, %convert_element_type3A_900, %mul3A_891 : vector<16xf32>
    %sub3A_902 = arith.constant 1 : i32
    %sub3A_903 = vector.broadcast %sub3A_902 : i32 to vector<16xi32>
    %sub3A_904 = arith.subi %convert_element_type3A_899, %sub3A_903 : vector<16xi32>
    %select_n3A_905 = arith.select %gt3A_901, %sub3A_904, %convert_element_type3A_899 : vector<16xi1>, vector<16xi32>
    %jit3A_906 = arith.constant 0 : i32
    %jit3A_907 = arith.constant 223 : i32
    %max3A_908 = vector.broadcast %jit3A_906 : i32 to vector<16xi32>
    %max3A_909 = arith.maxsi %max3A_908, %select_n3A_898 : vector<16xi32>
    %min3A_910 = vector.broadcast %jit3A_907 : i32 to vector<16xi32>
    %min3A_911 = arith.minsi %min3A_910, %max3A_909 : vector<16xi32>
    %add3A_912 = arith.constant 1 : i32
    %add3A_913 = vector.broadcast %add3A_912 : i32 to vector<16xi32>
    %add3A_914 = arith.addi %select_n3A_898, %add3A_913 : vector<16xi32>
    %jit3A_915 = arith.constant 0 : i32
    %jit3A_916 = arith.constant 223 : i32
    %max3A_917 = vector.broadcast %jit3A_915 : i32 to vector<16xi32>
    %max3A_918 = arith.maxsi %max3A_917, %add3A_914 : vector<16xi32>
    %min3A_919 = vector.broadcast %jit3A_916 : i32 to vector<16xi32>
    %min3A_920 = arith.minsi %min3A_919, %max3A_918 : vector<16xi32>
    %jit3A_921 = arith.constant 0 : i32
    %jit3A_922 = arith.constant 223 : i32
    %max3A_923 = vector.broadcast %jit3A_921 : i32 to vector<16xi32>
    %max3A_924 = arith.maxsi %max3A_923, %select_n3A_905 : vector<16xi32>
    %min3A_925 = vector.broadcast %jit3A_922 : i32 to vector<16xi32>
    %min3A_926 = arith.minsi %min3A_925, %max3A_924 : vector<16xi32>
    %add3A_927 = arith.constant 1 : i32
    %add3A_928 = vector.broadcast %add3A_927 : i32 to vector<16xi32>
    %add3A_929 = arith.addi %select_n3A_905, %add3A_928 : vector<16xi32>
    %jit3A_930 = arith.constant 0 : i32
    %jit3A_931 = arith.constant 223 : i32
    %max3A_932 = vector.broadcast %jit3A_930 : i32 to vector<16xi32>
    %max3A_933 = arith.maxsi %max3A_932, %add3A_929 : vector<16xi32>
    %min3A_934 = vector.broadcast %jit3A_931 : i32 to vector<16xi32>
    %min3A_935 = arith.minsi %min3A_934, %max3A_933 : vector<16xi32>
    %convert_element_type3A_936 = arith.sitofp %min3A_911 : vector<16xi32> to vector<16xf32>
    %convert_element_type3A_937 = arith.sitofp %min3A_920 : vector<16xi32> to vector<16xf32>
    %convert_element_type3A_938 = arith.sitofp %min3A_926 : vector<16xi32> to vector<16xf32>
    %convert_element_type3A_939 = arith.sitofp %min3A_935 : vector<16xi32> to vector<16xf32>
    %sub3A_940 = arith.subf %convert_element_type3A_937, %mul3A_881 : vector<16xf32>
    %sub3A_941 = arith.subf %convert_element_type3A_939, %mul3A_891 : vector<16xf32>
    %mul3A_942 = arith.mulf %sub3A_940, %sub3A_941 : vector<16xf32>
    %swap3A_943 = arith.constant 0 : i32
    %swap3A_944 = arith.index_cast %swap3A_943 : i32 to index
    %swap3A_945 = arith.constant 48 : index
    %swap3A_946 = tpu.vector_load %arg8[%swap3A_944, %swap3A_945] {strides = array<i32>} : memref<2x64xf32, #tpu.memory_space<vmem>>, vector<16xf32>,
    tpu.vector_store %arg8[%swap3A_944, %swap3A_945], %mul3A_942 {strides = array<i32>} : memref<2x64xf32, #tpu.memory_space<vmem>>, vector<16xf32>,
    %sub3A_947 = arith.subf %convert_element_type3A_937, %mul3A_881 : vector<16xf32>
    %sub3A_948 = arith.subf %mul3A_891, %convert_element_type3A_938 : vector<16xf32>
    %mul3A_949 = arith.mulf %sub3A_947, %sub3A_948 : vector<16xf32>
    %swap3A_950 = arith.constant 0 : i32
    %swap3A_951 = arith.index_cast %swap3A_950 : i32 to index
    %swap3A_952 = arith.constant 48 : index
    %swap3A_953 = tpu.vector_load %arg9[%swap3A_951, %swap3A_952] {strides = array<i32>} : memref<2x64xf32, #tpu.memory_space<vmem>>, vector<16xf32>,
    tpu.vector_store %arg9[%swap3A_951, %swap3A_952], %mul3A_949 {strides = array<i32>} : memref<2x64xf32, #tpu.memory_space<vmem>>, vector<16xf32>,
    %sub3A_954 = arith.subf %mul3A_881, %convert_element_type3A_936 : vector<16xf32>
    %sub3A_955 = arith.subf %convert_element_type3A_939, %mul3A_891 : vector<16xf32>
    %mul3A_956 = arith.mulf %sub3A_954, %sub3A_955 : vector<16xf32>
    %swap3A_957 = arith.constant 0 : i32
    %swap3A_958 = arith.index_cast %swap3A_957 : i32 to index
    %swap3A_959 = arith.constant 48 : index
    %swap3A_960 = tpu.vector_load %arg10[%swap3A_958, %swap3A_959] {strides = array<i32>} : memref<2x64xf32, #tpu.memory_space<vmem>>, vector<16xf32>,
    tpu.vector_store %arg10[%swap3A_958, %swap3A_959], %mul3A_956 {strides = array<i32>} : memref<2x64xf32, #tpu.memory_space<vmem>>, vector<16xf32>,
    %sub3A_961 = arith.subf %mul3A_881, %convert_element_type3A_936 : vector<16xf32>
    %sub3A_962 = arith.subf %mul3A_891, %convert_element_type3A_938 : vector<16xf32>
    %mul3A_963 = arith.mulf %sub3A_961, %sub3A_962 : vector<16xf32>
    %swap3A_964 = arith.constant 0 : i32
    %swap3A_965 = arith.index_cast %swap3A_964 : i32 to index
    %swap3A_966 = arith.constant 48 : index
    %swap3A_967 = tpu.vector_load %arg11[%swap3A_965, %swap3A_966] {strides = array<i32>} : memref<2x64xf32, #tpu.memory_space<vmem>>, vector<16xf32>,
    tpu.vector_store %arg11[%swap3A_965, %swap3A_966], %mul3A_963 {strides = array<i32>} : memref<2x64xf32, #tpu.memory_space<vmem>>, vector<16xf32>,
    %mul3A_968 = arith.constant 224 : i32
    %mul3A_969 = vector.broadcast %mul3A_968 : i32 to vector<16xi32>
    %mul3A_970 = arith.muli %min3A_926, %mul3A_969 : vector<16xi32>
    %add3A_971 = vector.broadcast %mul3A_32 : i32 to vector<16xi32>
    %add3A_972 = arith.addi %add3A_971, %mul3A_970 : vector<16xi32>
    %mul3A_973 = arith.constant 224 : i32
    %mul3A_974 = vector.broadcast %mul3A_973 : i32 to vector<16xi32>
    %mul3A_975 = arith.muli %min3A_935, %mul3A_974 : vector<16xi32>
    %add3A_976 = vector.broadcast %mul3A_32 : i32 to vector<16xi32>
    %add3A_977 = arith.addi %add3A_976, %mul3A_975 : vector<16xi32>
    %add3A_978 = arith.constant 48 : i32
    %add3A_979 = vector.broadcast %add3A_978 : i32 to vector<16xi32>
    %add3A_980 = arith.addi %iota3A, %add3A_979 : vector<16xi32>
    %mul3A_981 = arith.constant 2 : i32
    %mul3A_982 = vector.broadcast %mul3A_981 : i32 to vector<16xi32>
    %mul3A_983 = arith.muli %add3A_980, %mul3A_982 : vector<16xi32>
    %add3A_984 = arith.addi %add3A_972, %min3A_911 : vector<16xi32>
    tpu.vector_store_idx %arg6[%broadcast_in_dim3A_178, %mul3A_983], %add3A_984 : memref<2x128xi32, #tpu.memory_space<vmem>>[vector<16xi32>, vector<16xi32>], vector<16xi32>,
    %add3A_985 = arith.constant 1 : i32
    %add3A_986 = vector.broadcast %add3A_985 : i32 to vector<16xi32>
    %add3A_987 = arith.addi %mul3A_983, %add3A_986 : vector<16xi32>
    %add3A_988 = arith.addi %add3A_972, %min3A_920 : vector<16xi32>
    tpu.vector_store_idx %arg6[%broadcast_in_dim3A_178, %add3A_987], %add3A_988 : memref<2x128xi32, #tpu.memory_space<vmem>>[vector<16xi32>, vector<16xi32>], vector<16xi32>,
    %add3A_989 = arith.addi %add3A_977, %min3A_911 : vector<16xi32>
    tpu.vector_store_idx %arg7[%broadcast_in_dim3A_178, %mul3A_983], %add3A_989 : memref<2x128xi32, #tpu.memory_space<vmem>>[vector<16xi32>, vector<16xi32>], vector<16xi32>,
    %add3A_990 = arith.constant 1 : i32
    %add3A_991 = vector.broadcast %add3A_990 : i32 to vector<16xi32>
    %add3A_992 = arith.addi %mul3A_983, %add3A_991 : vector<16xi32>
    %add3A_993 = arith.addi %add3A_977, %min3A_920 : vector<16xi32>
    tpu.vector_store_idx %arg7[%broadcast_in_dim3A_178, %add3A_992], %add3A_993 : memref<2x128xi32, #tpu.memory_space<vmem>>[vector<16xi32>, vector<16xi32>], vector<16xi32>,
    %dma_start3A = arith.constant 0 : i32
    %dma_start3A_994 = arith.constant 0 : i32
    %dma_start3A_995 = arith.constant 0 : i32
    %dma_start3A_996 = arith.constant 0 : i32
    %dma_start3A_997 = tpu.memref_slice %arg12[%dma_start3A_994, %dma_start3A_995, %dma_start3A_996] : memref<2x128x128xf32, #tpu.memory_space<vmem>> -> memref<1x128x128xf32, #tpu.memory_space<vmem>>
    %dma_start3A_998 = tpu.memref_squeeze %dma_start3A_997 : memref<1x128x128xf32, #tpu.memory_space<vmem>> -> memref<128x128xf32, #tpu.memory_space<vmem>>
    %dma_start3A_999 = arith.constant 0 : i32
    %dma_start3A_1000 = tpu.memref_slice %arg6[%dma_start3A, %dma_start3A_999] : memref<2x128xi32, #tpu.memory_space<vmem>> -> memref<1x128xi32, #tpu.memory_space<vmem>>
    %dma_start3A_1001 = tpu.memref_squeeze %dma_start3A_1000 : memref<1x128xi32, #tpu.memory_space<vmem>> -> memref<128xi32, #tpu.memory_space<vmem>>
    %dma_start3A_1002 = arith.constant 0 : i32
    %dma_start3A_1003 = arith.constant 0 : i32
    %dma_start3A_1004 = tpu.memref_slice %arg2[%dma_start3A_1002, %dma_start3A_1003] : memref<802816x128xf32, #tpu.memory_space<hbm>> -> memref<802816x128xf32, #tpu.memory_space<hbm>>
    tpu.enqueue_indirect_dma source(%dma_start3A_1004 : memref<802816x128xf32, #tpu.memory_space<hbm>>) target(%dma_start3A_998 : memref<128x128xf32, #tpu.memory_space<vmem>>) offsets(%dma_start3A_1001 : memref<128xi32, #tpu.memory_space<vmem>>) semaphore(%arg15 : memref<!tpu.dma_semaphore, #tpu.memory_space<semaphore_mem>>)
    %dma_start3A_1005 = arith.constant 0 : i32
    %dma_start3A_1006 = arith.constant 0 : i32
    %dma_start3A_1007 = arith.constant 0 : i32
    %dma_start3A_1008 = arith.constant 0 : i32
    %dma_start3A_1009 = tpu.memref_slice %arg13[%dma_start3A_1006, %dma_start3A_1007, %dma_start3A_1008] : memref<2x128x128xf32, #tpu.memory_space<vmem>> -> memref<1x128x128xf32, #tpu.memory_space<vmem>>
    %dma_start3A_1010 = tpu.memref_squeeze %dma_start3A_1009 : memref<1x128x128xf32, #tpu.memory_space<vmem>> -> memref<128x128xf32, #tpu.memory_space<vmem>>
    %dma_start3A_1011 = arith.constant 0 : i32
    %dma_start3A_1012 = tpu.memref_slice %arg7[%dma_start3A_1005, %dma_start3A_1011] : memref<2x128xi32, #tpu.memory_space<vmem>> -> memref<1x128xi32, #tpu.memory_space<vmem>>
    %dma_start3A_1013 = tpu.memref_squeeze %dma_start3A_1012 : memref<1x128xi32, #tpu.memory_space<vmem>> -> memref<128xi32, #tpu.memory_space<vmem>>
    %dma_start3A_1014 = arith.constant 0 : i32
    %dma_start3A_1015 = arith.constant 0 : i32
    %dma_start3A_1016 = tpu.memref_slice %arg2[%dma_start3A_1014, %dma_start3A_1015] : memref<802816x128xf32, #tpu.memory_space<hbm>> -> memref<802816x128xf32, #tpu.memory_space<hbm>>
    tpu.enqueue_indirect_dma source(%dma_start3A_1016 : memref<802816x128xf32, #tpu.memory_space<hbm>>) target(%dma_start3A_1010 : memref<128x128xf32, #tpu.memory_space<vmem>>) offsets(%dma_start3A_1013 : memref<128xi32, #tpu.memory_space<vmem>>) semaphore(%arg15 : memref<!tpu.dma_semaphore, #tpu.memory_space<semaphore_mem>>)
    %scan3A = arith.constant 0 : i32
    %scan3A_1017 = arith.constant 0 : i32
    %scan3A_1018 = arith.constant 196 : i32
    %scan3A_1019 = arith.addi %scan3A_1017, %scan3A_1018 : i32
    %scan3A_1020 = arith.constant 1 : i32
    scf.for %scan3A_1022 = %scan3A_1017 to %scan3A_1019 step %scan3A_1020  : i32 {
      %mul3A_1023 = arith.constant 2 : i32
      %mul3A_1024 = arith.muli %scan3A_1022, %mul3A_1023 : i32
      %add3A_1025 = arith.constant 0 : i32
      %add3A_1026 = arith.addi %mul3A_1024, %add3A_1025 : i32
      %add3A_1027 = arith.constant 1 : i32
      %add3A_1028 = arith.addi %add3A_1026, %add3A_1027 : i32
      %lt3A_1029 = arith.constant 392 : i32
      %lt3A_1030 = arith.cmpi slt, %add3A_1028, %lt3A_1029 : i32
      %convert_element_type3A_1031 = arith.extui %lt3A_1030 : i1 to i32
      %cond3A = arith.constant 0 : i32
      %cond3A_1032 = arith.cmpi ne, %convert_element_type3A_1031, %cond3A : i32
      scf.if %cond3A_1032 {
        %add3A_1103 = arith.constant 1 : i32
        %add3A_1104 = arith.addi %add3A_1026, %add3A_1103 : i32
        %mul3A_1105 = arith.constant 25088 : i32
        %mul3A_1106 = arith.muli %select_n3A_30, %mul3A_1105 : i32
        %mul3A_1107 = arith.constant 64 : i32
        %mul3A_1108 = arith.muli %add3A_1104, %mul3A_1107 : i32
        %add3A_1109 = arith.addi %mul3A_1106, %mul3A_1108 : i32
        %broadcast_in_dim3A_1110 = arith.constant 1 : i32
        %broadcast_in_dim3A_1111 = vector.broadcast %broadcast_in_dim3A_1110 : i32 to vector<16xi32>
        %add3A_1112 = arith.constant 0 : i32
        %add3A_1113 = arith.addi %add3A_1109, %add3A_1112 : i32
        %broadcast_in_dim3A_1114 = vector.broadcast %add3A_1113 : i32 to vector<16xi32>
        %add3A_1115 = arith.addi %broadcast_in_dim3A_1114, %iota3A : vector<16xi32>
        %jit3A_1116 = arith.constant 224 : i32
        %div3A_1117 = vector.broadcast %jit3A_1116 : i32 to vector<16xi32>
        %div3A_1118 = arith.divsi %add3A_1115, %div3A_1117 : vector<16xi32>
        %sign3A_1119 = arith.constant 0 : i32
        %sign3A_1120 = vector.broadcast %sign3A_1119 : i32 to vector<16xi32>
        %sign3A_1121 = arith.cmpi sgt, %add3A_1115, %sign3A_1120 : vector<16xi32>
        %sign3A_1122 = arith.extui %sign3A_1121 : vector<16xi1> to vector<16xi32>
        %sign3A_1123 = arith.constant 0 : i32
        %sign3A_1124 = vector.broadcast %sign3A_1123 : i32 to vector<16xi32>
        %sign3A_1125 = arith.cmpi slt, %add3A_1115, %sign3A_1124 : vector<16xi32>
        %sign3A_1126 = arith.extui %sign3A_1125 : vector<16xi1> to vector<16xi32>
        %sign3A_1127 = arith.subi %sign3A_1122, %sign3A_1126 : vector<16xi32>
        %sign3A_1128 = arith.constant 0 : i32
        %sign3A_1129 = arith.cmpi sgt, %jit3A_1116, %sign3A_1128 : i32
        %sign3A_1130 = arith.extui %sign3A_1129 : i1 to i32
        %sign3A_1131 = arith.constant 0 : i32
        %sign3A_1132 = arith.cmpi slt, %jit3A_1116, %sign3A_1131 : i32
        %sign3A_1133 = arith.extui %sign3A_1132 : i1 to i32
        %sign3A_1134 = arith.subi %sign3A_1130, %sign3A_1133 : i32
        %ne3A_1135 = vector.broadcast %sign3A_1134 : i32 to vector<16xi32>
        %ne3A_1136 = arith.cmpi ne, %sign3A_1127, %ne3A_1135 : vector<16xi32>
        %rem3A_1137 = vector.broadcast %jit3A_1116 : i32 to vector<16xi32>
        %rem3A_1138 = arith.remsi %add3A_1115, %rem3A_1137 : vector<16xi32>
        %ne3A_1139 = arith.constant 0 : i32
        %ne3A_1140 = vector.broadcast %ne3A_1139 : i32 to vector<16xi32>
        %ne3A_1141 = arith.cmpi ne, %rem3A_1138, %ne3A_1140 : vector<16xi32>
        %and3A_1142 = arith.andi %ne3A_1136, %ne3A_1141 : vector<16xi1>
        %sub3A_1143 = arith.constant 1 : i32
        %sub3A_1144 = vector.broadcast %sub3A_1143 : i32 to vector<16xi32>
        %sub3A_1145 = arith.subi %div3A_1118, %sub3A_1144 : vector<16xi32>
        %select_n3A_1146 = arith.select %and3A_1142, %sub3A_1145, %div3A_1118 : vector<16xi1>, vector<16xi32>
        %mul3A_1147 = arith.constant 224 : i32
        %mul3A_1148 = vector.broadcast %mul3A_1147 : i32 to vector<16xi32>
        %mul3A_1149 = arith.muli %select_n3A_1146, %mul3A_1148 : vector<16xi32>
        %sub3A_1150 = arith.subi %add3A_1115, %mul3A_1149 : vector<16xi32>
        %convert_element_type3A_1151 = arith.sitofp %sub3A_1150 : vector<16xi32> to vector<16xf32>
        %mul3A_1152 = arith.constant 8.968610e-03 : f32
        %mul3A_1153 = vector.broadcast %mul3A_1152 : f32 to vector<16xf32>
        %mul3A_1154 = arith.mulf %convert_element_type3A_1151, %mul3A_1153 : vector<16xf32>
        %sub3A_1155 = arith.constant 1.000000e+00 : f32
        %sub3A_1156 = vector.broadcast %sub3A_1155 : f32 to vector<16xf32>
        %sub3A_1157 = arith.subf %mul3A_1154, %sub3A_1156 : vector<16xf32>
        %bitcast3A_1158 = vector.bitcast %sub3A_1157 : vector<16xf32> to vector<16xi32>
        %add3A_1159 = arith.constant 32767 : i32
        %add3A_1160 = vector.broadcast %add3A_1159 : i32 to vector<16xi32>
        %add3A_1161 = arith.addi %bitcast3A_1158, %add3A_1160 : vector<16xi32>
        %shift_right_logical3A_1162 = arith.constant 16 : i32
        %shift_right_logical3A_1163 = vector.broadcast %shift_right_logical3A_1162 : i32 to vector<16xi32>
        %shift_right_logical3A_1164 = arith.shrui %bitcast3A_1158, %shift_right_logical3A_1163 : vector<16xi32>
        %and3A_1165 = arith.constant 1 : i32
        %and3A_1166 = vector.broadcast %and3A_1165 : i32 to vector<16xi32>
        %and3A_1167 = arith.andi %shift_right_logical3A_1164, %and3A_1166 : vector<16xi32>
        %add3A_1168 = arith.addi %add3A_1161, %and3A_1167 : vector<16xi32>
        %and3A_1169 = arith.constant -65536 : i32
        %and3A_1170 = vector.broadcast %and3A_1169 : i32 to vector<16xi32>
        %and3A_1171 = arith.andi %add3A_1168, %and3A_1170 : vector<16xi32>
        %bitcast3A_1172 = vector.bitcast %and3A_1171 : vector<16xi32> to vector<16xf32>
        %convert_element_type3A_1173 = arith.sitofp %select_n3A_1146 : vector<16xi32> to vector<16xf32>
        %mul3A_1174 = arith.constant 8.968610e-03 : f32
        %mul3A_1175 = vector.broadcast %mul3A_1174 : f32 to vector<16xf32>
        %mul3A_1176 = arith.mulf %convert_element_type3A_1173, %mul3A_1175 : vector<16xf32>
        %sub3A_1177 = arith.constant 1.000000e+00 : f32
        %sub3A_1178 = vector.broadcast %sub3A_1177 : f32 to vector<16xf32>
        %sub3A_1179 = arith.subf %mul3A_1176, %sub3A_1178 : vector<16xf32>
        %bitcast3A_1180 = vector.bitcast %sub3A_1179 : vector<16xf32> to vector<16xi32>
        %add3A_1181 = arith.constant 32767 : i32
        %add3A_1182 = vector.broadcast %add3A_1181 : i32 to vector<16xi32>
        %add3A_1183 = arith.addi %bitcast3A_1180, %add3A_1182 : vector<16xi32>
        %shift_right_logical3A_1184 = arith.constant 16 : i32
        %shift_right_logical3A_1185 = vector.broadcast %shift_right_logical3A_1184 : i32 to vector<16xi32>
        %shift_right_logical3A_1186 = arith.shrui %bitcast3A_1180, %shift_right_logical3A_1185 : vector<16xi32>
        %and3A_1187 = arith.constant 1 : i32
        %and3A_1188 = vector.broadcast %and3A_1187 : i32 to vector<16xi32>
        %and3A_1189 = arith.andi %shift_right_logical3A_1186, %and3A_1188 : vector<16xi32>
        %add3A_1190 = arith.addi %add3A_1183, %and3A_1189 : vector<16xi32>
        %and3A_1191 = arith.constant -65536 : i32
        %and3A_1192 = vector.broadcast %and3A_1191 : i32 to vector<16xi32>
        %and3A_1193 = arith.andi %add3A_1190, %and3A_1192 : vector<16xi32>
        %bitcast3A_1194 = vector.bitcast %and3A_1193 : vector<16xi32> to vector<16xf32>
        %mul3A_1195 = arith.mulf %bitcast3A_49, %bitcast3A_1172 : vector<16xf32>
        %mul3A_1196 = arith.mulf %bitcast3A_70, %bitcast3A_1194 : vector<16xf32>
        %add3A_1197 = arith.addf %mul3A_1195, %mul3A_1196 : vector<16xf32>
        %add3A_1198 = arith.addf %add3A_1197, %bitcast3A_91 : vector<16xf32>
        %add3A_1199 = arith.constant 1.000000e+00 : f32
        %add3A_1200 = vector.broadcast %add3A_1199 : f32 to vector<16xf32>
        %add3A_1201 = arith.addf %add3A_1198, %add3A_1200 : vector<16xf32>
        %mul3A_1202 = arith.constant 1.120000e+02 : f32
        %mul3A_1203 = vector.broadcast %mul3A_1202 : f32 to vector<16xf32>
        %mul3A_1204 = arith.mulf %add3A_1201, %mul3A_1203 : vector<16xf32>
        %mul3A_1205 = arith.mulf %bitcast3A_112, %bitcast3A_1172 : vector<16xf32>
        %mul3A_1206 = arith.mulf %bitcast3A_133, %bitcast3A_1194 : vector<16xf32>
        %add3A_1207 = arith.addf %mul3A_1205, %mul3A_1206 : vector<16xf32>
        %add3A_1208 = arith.addf %add3A_1207, %bitcast3A_154 : vector<16xf32>
        %add3A_1209 = arith.constant 1.000000e+00 : f32
        %add3A_1210 = vector.broadcast %add3A_1209 : f32 to vector<16xf32>
        %add3A_1211 = arith.addf %add3A_1208, %add3A_1210 : vector<16xf32>
        %mul3A_1212 = arith.constant 1.120000e+02 : f32
        %mul3A_1213 = vector.broadcast %mul3A_1212 : f32 to vector<16xf32>
        %mul3A_1214 = arith.mulf %add3A_1211, %mul3A_1213 : vector<16xf32>
        %convert_element_type3A_1215 = arith.fptosi %mul3A_1204 : vector<16xf32> to vector<16xi32>
        %convert_element_type3A_1216 = arith.sitofp %convert_element_type3A_1215 : vector<16xi32> to vector<16xf32>
        %gt3A_1217 = arith.cmpf ogt, %convert_element_type3A_1216, %mul3A_1204 : vector<16xf32>
        %sub3A_1218 = arith.constant 1 : i32
        %sub3A_1219 = vector.broadcast %sub3A_1218 : i32 to vector<16xi32>
        %sub3A_1220 = arith.subi %convert_element_type3A_1215, %sub3A_1219 : vector<16xi32>
        %select_n3A_1221 = arith.select %gt3A_1217, %sub3A_1220, %convert_element_type3A_1215 : vector<16xi1>, vector<16xi32>
        %convert_element_type3A_1222 = arith.fptosi %mul3A_1214 : vector<16xf32> to vector<16xi32>
        %convert_element_type3A_1223 = arith.sitofp %convert_element_type3A_1222 : vector<16xi32> to vector<16xf32>
        %gt3A_1224 = arith.cmpf ogt, %convert_element_type3A_1223, %mul3A_1214 : vector<16xf32>
        %sub3A_1225 = arith.constant 1 : i32
        %sub3A_1226 = vector.broadcast %sub3A_1225 : i32 to vector<16xi32>
        %sub3A_1227 = arith.subi %convert_element_type3A_1222, %sub3A_1226 : vector<16xi32>
        %select_n3A_1228 = arith.select %gt3A_1224, %sub3A_1227, %convert_element_type3A_1222 : vector<16xi1>, vector<16xi32>
        %jit3A_1229 = arith.constant 0 : i32
        %jit3A_1230 = arith.constant 223 : i32
        %max3A_1231 = vector.broadcast %jit3A_1229 : i32 to vector<16xi32>
        %max3A_1232 = arith.maxsi %max3A_1231, %select_n3A_1221 : vector<16xi32>
        %min3A_1233 = vector.broadcast %jit3A_1230 : i32 to vector<16xi32>
        %min3A_1234 = arith.minsi %min3A_1233, %max3A_1232 : vector<16xi32>
        %add3A_1235 = arith.constant 1 : i32
        %add3A_1236 = vector.broadcast %add3A_1235 : i32 to vector<16xi32>
        %add3A_1237 = arith.addi %select_n3A_1221, %add3A_1236 : vector<16xi32>
        %jit3A_1238 = arith.constant 0 : i32
        %jit3A_1239 = arith.constant 223 : i32
        %max3A_1240 = vector.broadcast %jit3A_1238 : i32 to vector<16xi32>
        %max3A_1241 = arith.maxsi %max3A_1240, %add3A_1237 : vector<16xi32>
        %min3A_1242 = vector.broadcast %jit3A_1239 : i32 to vector<16xi32>
        %min3A_1243 = arith.minsi %min3A_1242, %max3A_1241 : vector<16xi32>
        %jit3A_1244 = arith.constant 0 : i32
        %jit3A_1245 = arith.constant 223 : i32
        %max3A_1246 = vector.broadcast %jit3A_1244 : i32 to vector<16xi32>
        %max3A_1247 = arith.maxsi %max3A_1246, %select_n3A_1228 : vector<16xi32>
        %min3A_1248 = vector.broadcast %jit3A_1245 : i32 to vector<16xi32>
        %min3A_1249 = arith.minsi %min3A_1248, %max3A_1247 : vector<16xi32>
        %add3A_1250 = arith.constant 1 : i32
        %add3A_1251 = vector.broadcast %add3A_1250 : i32 to vector<16xi32>
        %add3A_1252 = arith.addi %select_n3A_1228, %add3A_1251 : vector<16xi32>
        %jit3A_1253 = arith.constant 0 : i32
        %jit3A_1254 = arith.constant 223 : i32
        %max3A_1255 = vector.broadcast %jit3A_1253 : i32 to vector<16xi32>
        %max3A_1256 = arith.maxsi %max3A_1255, %add3A_1252 : vector<16xi32>
        %min3A_1257 = vector.broadcast %jit3A_1254 : i32 to vector<16xi32>
        %min3A_1258 = arith.minsi %min3A_1257, %max3A_1256 : vector<16xi32>
        %convert_element_type3A_1259 = arith.sitofp %min3A_1234 : vector<16xi32> to vector<16xf32>
        %convert_element_type3A_1260 = arith.sitofp %min3A_1243 : vector<16xi32> to vector<16xf32>
        %convert_element_type3A_1261 = arith.sitofp %min3A_1249 : vector<16xi32> to vector<16xf32>
        %convert_element_type3A_1262 = arith.sitofp %min3A_1258 : vector<16xi32> to vector<16xf32>
        %sub3A_1263 = arith.subf %convert_element_type3A_1260, %mul3A_1204 : vector<16xf32>
        %sub3A_1264 = arith.subf %convert_element_type3A_1262, %mul3A_1214 : vector<16xf32>
        %mul3A_1265 = arith.mulf %sub3A_1263, %sub3A_1264 : vector<16xf32>
        %swap3A_1266 = arith.constant 1 : i32
        %swap3A_1267 = arith.index_cast %swap3A_1266 : i32 to index
        %swap3A_1268 = arith.constant 0 : index
        %swap3A_1269 = tpu.vector_load %arg8[%swap3A_1267, %swap3A_1268] {strides = array<i32>} : memref<2x64xf32, #tpu.memory_space<vmem>>, vector<16xf32>,
        tpu.vector_store %arg8[%swap3A_1267, %swap3A_1268], %mul3A_1265 {strides = array<i32>} : memref<2x64xf32, #tpu.memory_space<vmem>>, vector<16xf32>,
        %sub3A_1270 = arith.subf %convert_element_type3A_1260, %mul3A_1204 : vector<16xf32>
        %sub3A_1271 = arith.subf %mul3A_1214, %convert_element_type3A_1261 : vector<16xf32>
        %mul3A_1272 = arith.mulf %sub3A_1270, %sub3A_1271 : vector<16xf32>
        %swap3A_1273 = arith.constant 1 : i32
        %swap3A_1274 = arith.index_cast %swap3A_1273 : i32 to index
        %swap3A_1275 = arith.constant 0 : index
        %swap3A_1276 = tpu.vector_load %arg9[%swap3A_1274, %swap3A_1275] {strides = array<i32>} : memref<2x64xf32, #tpu.memory_space<vmem>>, vector<16xf32>,
        tpu.vector_store %arg9[%swap3A_1274, %swap3A_1275], %mul3A_1272 {strides = array<i32>} : memref<2x64xf32, #tpu.memory_space<vmem>>, vector<16xf32>,
        %sub3A_1277 = arith.subf %mul3A_1204, %convert_element_type3A_1259 : vector<16xf32>
        %sub3A_1278 = arith.subf %convert_element_type3A_1262, %mul3A_1214 : vector<16xf32>
        %mul3A_1279 = arith.mulf %sub3A_1277, %sub3A_1278 : vector<16xf32>
        %swap3A_1280 = arith.constant 1 : i32
        %swap3A_1281 = arith.index_cast %swap3A_1280 : i32 to index
        %swap3A_1282 = arith.constant 0 : index
        %swap3A_1283 = tpu.vector_load %arg10[%swap3A_1281, %swap3A_1282] {strides = array<i32>} : memref<2x64xf32, #tpu.memory_space<vmem>>, vector<16xf32>,
        tpu.vector_store %arg10[%swap3A_1281, %swap3A_1282], %mul3A_1279 {strides = array<i32>} : memref<2x64xf32, #tpu.memory_space<vmem>>, vector<16xf32>,
        %sub3A_1284 = arith.subf %mul3A_1204, %convert_element_type3A_1259 : vector<16xf32>
        %sub3A_1285 = arith.subf %mul3A_1214, %convert_element_type3A_1261 : vector<16xf32>
        %mul3A_1286 = arith.mulf %sub3A_1284, %sub3A_1285 : vector<16xf32>
        %swap3A_1287 = arith.constant 1 : i32
        %swap3A_1288 = arith.index_cast %swap3A_1287 : i32 to index
        %swap3A_1289 = arith.constant 0 : index
        %swap3A_1290 = tpu.vector_load %arg11[%swap3A_1288, %swap3A_1289] {strides = array<i32>} : memref<2x64xf32, #tpu.memory_space<vmem>>, vector<16xf32>,
        tpu.vector_store %arg11[%swap3A_1288, %swap3A_1289], %mul3A_1286 {strides = array<i32>} : memref<2x64xf32, #tpu.memory_space<vmem>>, vector<16xf32>,
        %mul3A_1291 = arith.constant 224 : i32
        %mul3A_1292 = vector.broadcast %mul3A_1291 : i32 to vector<16xi32>
        %mul3A_1293 = arith.muli %min3A_1249, %mul3A_1292 : vector<16xi32>
        %add3A_1294 = vector.broadcast %mul3A_32 : i32 to vector<16xi32>
        %add3A_1295 = arith.addi %add3A_1294, %mul3A_1293 : vector<16xi32>
        %mul3A_1296 = arith.constant 224 : i32
        %mul3A_1297 = vector.broadcast %mul3A_1296 : i32 to vector<16xi32>
        %mul3A_1298 = arith.muli %min3A_1258, %mul3A_1297 : vector<16xi32>
        %add3A_1299 = vector.broadcast %mul3A_32 : i32 to vector<16xi32>
        %add3A_1300 = arith.addi %add3A_1299, %mul3A_1298 : vector<16xi32>
        %add3A_1301 = arith.constant 0 : i32
        %add3A_1302 = vector.broadcast %add3A_1301 : i32 to vector<16xi32>
        %add3A_1303 = arith.addi %iota3A, %add3A_1302 : vector<16xi32>
        %mul3A_1304 = arith.constant 2 : i32
        %mul3A_1305 = vector.broadcast %mul3A_1304 : i32 to vector<16xi32>
        %mul3A_1306 = arith.muli %add3A_1303, %mul3A_1305 : vector<16xi32>
        %add3A_1307 = arith.addi %add3A_1295, %min3A_1234 : vector<16xi32>
        tpu.vector_store_idx %arg6[%broadcast_in_dim3A_1111, %mul3A_1306], %add3A_1307 : memref<2x128xi32, #tpu.memory_space<vmem>>[vector<16xi32>, vector<16xi32>], vector<16xi32>,
        %add3A_1308 = arith.constant 1 : i32
        %add3A_1309 = vector.broadcast %add3A_1308 : i32 to vector<16xi32>
        %add3A_1310 = arith.addi %mul3A_1306, %add3A_1309 : vector<16xi32>
        %add3A_1311 = arith.addi %add3A_1295, %min3A_1243 : vector<16xi32>
        tpu.vector_store_idx %arg6[%broadcast_in_dim3A_1111, %add3A_1310], %add3A_1311 : memref<2x128xi32, #tpu.memory_space<vmem>>[vector<16xi32>, vector<16xi32>], vector<16xi32>,
        %add3A_1312 = arith.addi %add3A_1300, %min3A_1234 : vector<16xi32>
        tpu.vector_store_idx %arg7[%broadcast_in_dim3A_1111, %mul3A_1306], %add3A_1312 : memref<2x128xi32, #tpu.memory_space<vmem>>[vector<16xi32>, vector<16xi32>], vector<16xi32>,
        %add3A_1313 = arith.constant 1 : i32
        %add3A_1314 = vector.broadcast %add3A_1313 : i32 to vector<16xi32>
        %add3A_1315 = arith.addi %mul3A_1306, %add3A_1314 : vector<16xi32>
        %add3A_1316 = arith.addi %add3A_1300, %min3A_1243 : vector<16xi32>
        tpu.vector_store_idx %arg7[%broadcast_in_dim3A_1111, %add3A_1315], %add3A_1316 : memref<2x128xi32, #tpu.memory_space<vmem>>[vector<16xi32>, vector<16xi32>], vector<16xi32>,
        %add3A_1317 = arith.constant 16 : i32
        %add3A_1318 = arith.addi %add3A_1109, %add3A_1317 : i32
        %broadcast_in_dim3A_1319 = vector.broadcast %add3A_1318 : i32 to vector<16xi32>
        %add3A_1320 = arith.addi %broadcast_in_dim3A_1319, %iota3A : vector<16xi32>
        %jit3A_1321 = arith.constant 224 : i32
        %div3A_1322 = vector.broadcast %jit3A_1321 : i32 to vector<16xi32>
        %div3A_1323 = arith.divsi %add3A_1320, %div3A_1322 : vector<16xi32>
        %sign3A_1324 = arith.constant 0 : i32
        %sign3A_1325 = vector.broadcast %sign3A_1324 : i32 to vector<16xi32>
        %sign3A_1326 = arith.cmpi sgt, %add3A_1320, %sign3A_1325 : vector<16xi32>
        %sign3A_1327 = arith.extui %sign3A_1326 : vector<16xi1> to vector<16xi32>
        %sign3A_1328 = arith.constant 0 : i32
        %sign3A_1329 = vector.broadcast %sign3A_1328 : i32 to vector<16xi32>
        %sign3A_1330 = arith.cmpi slt, %add3A_1320, %sign3A_1329 : vector<16xi32>
        %sign3A_1331 = arith.extui %sign3A_1330 : vector<16xi1> to vector<16xi32>
        %sign3A_1332 = arith.subi %sign3A_1327, %sign3A_1331 : vector<16xi32>
        %sign3A_1333 = arith.constant 0 : i32
        %sign3A_1334 = arith.cmpi sgt, %jit3A_1321, %sign3A_1333 : i32
        %sign3A_1335 = arith.extui %sign3A_1334 : i1 to i32
        %sign3A_1336 = arith.constant 0 : i32
        %sign3A_1337 = arith.cmpi slt, %jit3A_1321, %sign3A_1336 : i32
        %sign3A_1338 = arith.extui %sign3A_1337 : i1 to i32
        %sign3A_1339 = arith.subi %sign3A_1335, %sign3A_1338 : i32
        %ne3A_1340 = vector.broadcast %sign3A_1339 : i32 to vector<16xi32>
        %ne3A_1341 = arith.cmpi ne, %sign3A_1332, %ne3A_1340 : vector<16xi32>
        %rem3A_1342 = vector.broadcast %jit3A_1321 : i32 to vector<16xi32>
        %rem3A_1343 = arith.remsi %add3A_1320, %rem3A_1342 : vector<16xi32>
        %ne3A_1344 = arith.constant 0 : i32
        %ne3A_1345 = vector.broadcast %ne3A_1344 : i32 to vector<16xi32>
        %ne3A_1346 = arith.cmpi ne, %rem3A_1343, %ne3A_1345 : vector<16xi32>
        %and3A_1347 = arith.andi %ne3A_1341, %ne3A_1346 : vector<16xi1>
        %sub3A_1348 = arith.constant 1 : i32
        %sub3A_1349 = vector.broadcast %sub3A_1348 : i32 to vector<16xi32>
        %sub3A_1350 = arith.subi %div3A_1323, %sub3A_1349 : vector<16xi32>
        %select_n3A_1351 = arith.select %and3A_1347, %sub3A_1350, %div3A_1323 : vector<16xi1>, vector<16xi32>
        %mul3A_1352 = arith.constant 224 : i32
        %mul3A_1353 = vector.broadcast %mul3A_1352 : i32 to vector<16xi32>
        %mul3A_1354 = arith.muli %select_n3A_1351, %mul3A_1353 : vector<16xi32>
        %sub3A_1355 = arith.subi %add3A_1320, %mul3A_1354 : vector<16xi32>
        %convert_element_type3A_1356 = arith.sitofp %sub3A_1355 : vector<16xi32> to vector<16xf32>
        %mul3A_1357 = arith.constant 8.968610e-03 : f32
        %mul3A_1358 = vector.broadcast %mul3A_1357 : f32 to vector<16xf32>
        %mul3A_1359 = arith.mulf %convert_element_type3A_1356, %mul3A_1358 : vector<16xf32>
        %sub3A_1360 = arith.constant 1.000000e+00 : f32
        %sub3A_1361 = vector.broadcast %sub3A_1360 : f32 to vector<16xf32>
        %sub3A_1362 = arith.subf %mul3A_1359, %sub3A_1361 : vector<16xf32>
        %bitcast3A_1363 = vector.bitcast %sub3A_1362 : vector<16xf32> to vector<16xi32>
        %add3A_1364 = arith.constant 32767 : i32
        %add3A_1365 = vector.broadcast %add3A_1364 : i32 to vector<16xi32>
        %add3A_1366 = arith.addi %bitcast3A_1363, %add3A_1365 : vector<16xi32>
        %shift_right_logical3A_1367 = arith.constant 16 : i32
        %shift_right_logical3A_1368 = vector.broadcast %shift_right_logical3A_1367 : i32 to vector<16xi32>
        %shift_right_logical3A_1369 = arith.shrui %bitcast3A_1363, %shift_right_logical3A_1368 : vector<16xi32>
        %and3A_1370 = arith.constant 1 : i32
        %and3A_1371 = vector.broadcast %and3A_1370 : i32 to vector<16xi32>
        %and3A_1372 = arith.andi %shift_right_logical3A_1369, %and3A_1371 : vector<16xi32>
        %add3A_1373 = arith.addi %add3A_1366, %and3A_1372 : vector<16xi32>
        %and3A_1374 = arith.constant -65536 : i32
        %and3A_1375 = vector.broadcast %and3A_1374 : i32 to vector<16xi32>
        %and3A_1376 = arith.andi %add3A_1373, %and3A_1375 : vector<16xi32>
        %bitcast3A_1377 = vector.bitcast %and3A_1376 : vector<16xi32> to vector<16xf32>
        %convert_element_type3A_1378 = arith.sitofp %select_n3A_1351 : vector<16xi32> to vector<16xf32>
        %mul3A_1379 = arith.constant 8.968610e-03 : f32
        %mul3A_1380 = vector.broadcast %mul3A_1379 : f32 to vector<16xf32>
        %mul3A_1381 = arith.mulf %convert_element_type3A_1378, %mul3A_1380 : vector<16xf32>
        %sub3A_1382 = arith.constant 1.000000e+00 : f32
        %sub3A_1383 = vector.broadcast %sub3A_1382 : f32 to vector<16xf32>
        %sub3A_1384 = arith.subf %mul3A_1381, %sub3A_1383 : vector<16xf32>
        %bitcast3A_1385 = vector.bitcast %sub3A_1384 : vector<16xf32> to vector<16xi32>
        %add3A_1386 = arith.constant 32767 : i32
        %add3A_1387 = vector.broadcast %add3A_1386 : i32 to vector<16xi32>
        %add3A_1388 = arith.addi %bitcast3A_1385, %add3A_1387 : vector<16xi32>
        %shift_right_logical3A_1389 = arith.constant 16 : i32
        %shift_right_logical3A_1390 = vector.broadcast %shift_right_logical3A_1389 : i32 to vector<16xi32>
        %shift_right_logical3A_1391 = arith.shrui %bitcast3A_1385, %shift_right_logical3A_1390 : vector<16xi32>
        %and3A_1392 = arith.constant 1 : i32
        %and3A_1393 = vector.broadcast %and3A_1392 : i32 to vector<16xi32>
        %and3A_1394 = arith.andi %shift_right_logical3A_1391, %and3A_1393 : vector<16xi32>
        %add3A_1395 = arith.addi %add3A_1388, %and3A_1394 : vector<16xi32>
        %and3A_1396 = arith.constant -65536 : i32
        %and3A_1397 = vector.broadcast %and3A_1396 : i32 to vector<16xi32>
        %and3A_1398 = arith.andi %add3A_1395, %and3A_1397 : vector<16xi32>
        %bitcast3A_1399 = vector.bitcast %and3A_1398 : vector<16xi32> to vector<16xf32>
        %mul3A_1400 = arith.mulf %bitcast3A_49, %bitcast3A_1377 : vector<16xf32>
        %mul3A_1401 = arith.mulf %bitcast3A_70, %bitcast3A_1399 : vector<16xf32>
        %add3A_1402 = arith.addf %mul3A_1400, %mul3A_1401 : vector<16xf32>
        %add3A_1403 = arith.addf %add3A_1402, %bitcast3A_91 : vector<16xf32>
        %add3A_1404 = arith.constant 1.000000e+00 : f32
        %add3A_1405 = vector.broadcast %add3A_1404 : f32 to vector<16xf32>
        %add3A_1406 = arith.addf %add3A_1403, %add3A_1405 : vector<16xf32>
        %mul3A_1407 = arith.constant 1.120000e+02 : f32
        %mul3A_1408 = vector.broadcast %mul3A_1407 : f32 to vector<16xf32>
        %mul3A_1409 = arith.mulf %add3A_1406, %mul3A_1408 : vector<16xf32>
        %mul3A_1410 = arith.mulf %bitcast3A_112, %bitcast3A_1377 : vector<16xf32>
        %mul3A_1411 = arith.mulf %bitcast3A_133, %bitcast3A_1399 : vector<16xf32>
        %add3A_1412 = arith.addf %mul3A_1410, %mul3A_1411 : vector<16xf32>
        %add3A_1413 = arith.addf %add3A_1412, %bitcast3A_154 : vector<16xf32>
        %add3A_1414 = arith.constant 1.000000e+00 : f32
        %add3A_1415 = vector.broadcast %add3A_1414 : f32 to vector<16xf32>
        %add3A_1416 = arith.addf %add3A_1413, %add3A_1415 : vector<16xf32>
        %mul3A_1417 = arith.constant 1.120000e+02 : f32
        %mul3A_1418 = vector.broadcast %mul3A_1417 : f32 to vector<16xf32>
        %mul3A_1419 = arith.mulf %add3A_1416, %mul3A_1418 : vector<16xf32>
        %convert_element_type3A_1420 = arith.fptosi %mul3A_1409 : vector<16xf32> to vector<16xi32>
        %convert_element_type3A_1421 = arith.sitofp %convert_element_type3A_1420 : vector<16xi32> to vector<16xf32>
        %gt3A_1422 = arith.cmpf ogt, %convert_element_type3A_1421, %mul3A_1409 : vector<16xf32>
        %sub3A_1423 = arith.constant 1 : i32
        %sub3A_1424 = vector.broadcast %sub3A_1423 : i32 to vector<16xi32>
        %sub3A_1425 = arith.subi %convert_element_type3A_1420, %sub3A_1424 : vector<16xi32>
        %select_n3A_1426 = arith.select %gt3A_1422, %sub3A_1425, %convert_element_type3A_1420 : vector<16xi1>, vector<16xi32>
        %convert_element_type3A_1427 = arith.fptosi %mul3A_1419 : vector<16xf32> to vector<16xi32>
        %convert_element_type3A_1428 = arith.sitofp %convert_element_type3A_1427 : vector<16xi32> to vector<16xf32>
        %gt3A_1429 = arith.cmpf ogt, %convert_element_type3A_1428, %mul3A_1419 : vector<16xf32>
        %sub3A_1430 = arith.constant 1 : i32
        %sub3A_1431 = vector.broadcast %sub3A_1430 : i32 to vector<16xi32>
        %sub3A_1432 = arith.subi %convert_element_type3A_1427, %sub3A_1431 : vector<16xi32>
        %select_n3A_1433 = arith.select %gt3A_1429, %sub3A_1432, %convert_element_type3A_1427 : vector<16xi1>, vector<16xi32>
        %jit3A_1434 = arith.constant 0 : i32
        %jit3A_1435 = arith.constant 223 : i32
        %max3A_1436 = vector.broadcast %jit3A_1434 : i32 to vector<16xi32>
        %max3A_1437 = arith.maxsi %max3A_1436, %select_n3A_1426 : vector<16xi32>
        %min3A_1438 = vector.broadcast %jit3A_1435 : i32 to vector<16xi32>
        %min3A_1439 = arith.minsi %min3A_1438, %max3A_1437 : vector<16xi32>
        %add3A_1440 = arith.constant 1 : i32
        %add3A_1441 = vector.broadcast %add3A_1440 : i32 to vector<16xi32>
        %add3A_1442 = arith.addi %select_n3A_1426, %add3A_1441 : vector<16xi32>
        %jit3A_1443 = arith.constant 0 : i32
        %jit3A_1444 = arith.constant 223 : i32
        %max3A_1445 = vector.broadcast %jit3A_1443 : i32 to vector<16xi32>
        %max3A_1446 = arith.maxsi %max3A_1445, %add3A_1442 : vector<16xi32>
        %min3A_1447 = vector.broadcast %jit3A_1444 : i32 to vector<16xi32>
        %min3A_1448 = arith.minsi %min3A_1447, %max3A_1446 : vector<16xi32>
        %jit3A_1449 = arith.constant 0 : i32
        %jit3A_1450 = arith.constant 223 : i32
        %max3A_1451 = vector.broadcast %jit3A_1449 : i32 to vector<16xi32>
        %max3A_1452 = arith.maxsi %max3A_1451, %select_n3A_1433 : vector<16xi32>
        %min3A_1453 = vector.broadcast %jit3A_1450 : i32 to vector<16xi32>
        %min3A_1454 = arith.minsi %min3A_1453, %max3A_1452 : vector<16xi32>
        %add3A_1455 = arith.constant 1 : i32
        %add3A_1456 = vector.broadcast %add3A_1455 : i32 to vector<16xi32>
        %add3A_1457 = arith.addi %select_n3A_1433, %add3A_1456 : vector<16xi32>
        %jit3A_1458 = arith.constant 0 : i32
        %jit3A_1459 = arith.constant 223 : i32
        %max3A_1460 = vector.broadcast %jit3A_1458 : i32 to vector<16xi32>
        %max3A_1461 = arith.maxsi %max3A_1460, %add3A_1457 : vector<16xi32>
        %min3A_1462 = vector.broadcast %jit3A_1459 : i32 to vector<16xi32>
        %min3A_1463 = arith.minsi %min3A_1462, %max3A_1461 : vector<16xi32>
        %convert_element_type3A_1464 = arith.sitofp %min3A_1439 : vector<16xi32> to vector<16xf32>
        %convert_element_type3A_1465 = arith.sitofp %min3A_1448 : vector<16xi32> to vector<16xf32>
        %convert_element_type3A_1466 = arith.sitofp %min3A_1454 : vector<16xi32> to vector<16xf32>
        %convert_element_type3A_1467 = arith.sitofp %min3A_1463 : vector<16xi32> to vector<16xf32>
        %sub3A_1468 = arith.subf %convert_element_type3A_1465, %mul3A_1409 : vector<16xf32>
        %sub3A_1469 = arith.subf %convert_element_type3A_1467, %mul3A_1419 : vector<16xf32>
        %mul3A_1470 = arith.mulf %sub3A_1468, %sub3A_1469 : vector<16xf32>
        %swap3A_1471 = arith.constant 1 : i32
        %swap3A_1472 = arith.index_cast %swap3A_1471 : i32 to index
        %swap3A_1473 = arith.constant 16 : index
        %swap3A_1474 = tpu.vector_load %arg8[%swap3A_1472, %swap3A_1473] {strides = array<i32>} : memref<2x64xf32, #tpu.memory_space<vmem>>, vector<16xf32>,
        tpu.vector_store %arg8[%swap3A_1472, %swap3A_1473], %mul3A_1470 {strides = array<i32>} : memref<2x64xf32, #tpu.memory_space<vmem>>, vector<16xf32>,
        %sub3A_1475 = arith.subf %convert_element_type3A_1465, %mul3A_1409 : vector<16xf32>
        %sub3A_1476 = arith.subf %mul3A_1419, %convert_element_type3A_1466 : vector<16xf32>
        %mul3A_1477 = arith.mulf %sub3A_1475, %sub3A_1476 : vector<16xf32>
        %swap3A_1478 = arith.constant 1 : i32
        %swap3A_1479 = arith.index_cast %swap3A_1478 : i32 to index
        %swap3A_1480 = arith.constant 16 : index
        %swap3A_1481 = tpu.vector_load %arg9[%swap3A_1479, %swap3A_1480] {strides = array<i32>} : memref<2x64xf32, #tpu.memory_space<vmem>>, vector<16xf32>,
        tpu.vector_store %arg9[%swap3A_1479, %swap3A_1480], %mul3A_1477 {strides = array<i32>} : memref<2x64xf32, #tpu.memory_space<vmem>>, vector<16xf32>,
        %sub3A_1482 = arith.subf %mul3A_1409, %convert_element_type3A_1464 : vector<16xf32>
        %sub3A_1483 = arith.subf %convert_element_type3A_1467, %mul3A_1419 : vector<16xf32>
        %mul3A_1484 = arith.mulf %sub3A_1482, %sub3A_1483 : vector<16xf32>
        %swap3A_1485 = arith.constant 1 : i32
        %swap3A_1486 = arith.index_cast %swap3A_1485 : i32 to index
        %swap3A_1487 = arith.constant 16 : index
        %swap3A_1488 = tpu.vector_load %arg10[%swap3A_1486, %swap3A_1487] {strides = array<i32>} : memref<2x64xf32, #tpu.memory_space<vmem>>, vector<16xf32>,
        tpu.vector_store %arg10[%swap3A_1486, %swap3A_1487], %mul3A_1484 {strides = array<i32>} : memref<2x64xf32, #tpu.memory_space<vmem>>, vector<16xf32>,
        %sub3A_1489 = arith.subf %mul3A_1409, %convert_element_type3A_1464 : vector<16xf32>
        %sub3A_1490 = arith.subf %mul3A_1419, %convert_element_type3A_1466 : vector<16xf32>
        %mul3A_1491 = arith.mulf %sub3A_1489, %sub3A_1490 : vector<16xf32>
        %swap3A_1492 = arith.constant 1 : i32
        %swap3A_1493 = arith.index_cast %swap3A_1492 : i32 to index
        %swap3A_1494 = arith.constant 16 : index
        %swap3A_1495 = tpu.vector_load %arg11[%swap3A_1493, %swap3A_1494] {strides = array<i32>} : memref<2x64xf32, #tpu.memory_space<vmem>>, vector<16xf32>,
        tpu.vector_store %arg11[%swap3A_1493, %swap3A_1494], %mul3A_1491 {strides = array<i32>} : memref<2x64xf32, #tpu.memory_space<vmem>>, vector<16xf32>,
        %mul3A_1496 = arith.constant 224 : i32
        %mul3A_1497 = vector.broadcast %mul3A_1496 : i32 to vector<16xi32>
        %mul3A_1498 = arith.muli %min3A_1454, %mul3A_1497 : vector<16xi32>
        %add3A_1499 = vector.broadcast %mul3A_32 : i32 to vector<16xi32>
        %add3A_1500 = arith.addi %add3A_1499, %mul3A_1498 : vector<16xi32>
        %mul3A_1501 = arith.constant 224 : i32
        %mul3A_1502 = vector.broadcast %mul3A_1501 : i32 to vector<16xi32>
        %mul3A_1503 = arith.muli %min3A_1463, %mul3A_1502 : vector<16xi32>
        %add3A_1504 = vector.broadcast %mul3A_32 : i32 to vector<16xi32>
        %add3A_1505 = arith.addi %add3A_1504, %mul3A_1503 : vector<16xi32>
        %add3A_1506 = arith.constant 16 : i32
        %add3A_1507 = vector.broadcast %add3A_1506 : i32 to vector<16xi32>
        %add3A_1508 = arith.addi %iota3A, %add3A_1507 : vector<16xi32>
        %mul3A_1509 = arith.constant 2 : i32
        %mul3A_1510 = vector.broadcast %mul3A_1509 : i32 to vector<16xi32>
        %mul3A_1511 = arith.muli %add3A_1508, %mul3A_1510 : vector<16xi32>
        %add3A_1512 = arith.addi %add3A_1500, %min3A_1439 : vector<16xi32>
        tpu.vector_store_idx %arg6[%broadcast_in_dim3A_1111, %mul3A_1511], %add3A_1512 : memref<2x128xi32, #tpu.memory_space<vmem>>[vector<16xi32>, vector<16xi32>], vector<16xi32>,
        %add3A_1513 = arith.constant 1 : i32
        %add3A_1514 = vector.broadcast %add3A_1513 : i32 to vector<16xi32>
        %add3A_1515 = arith.addi %mul3A_1511, %add3A_1514 : vector<16xi32>
        %add3A_1516 = arith.addi %add3A_1500, %min3A_1448 : vector<16xi32>
        tpu.vector_store_idx %arg6[%broadcast_in_dim3A_1111, %add3A_1515], %add3A_1516 : memref<2x128xi32, #tpu.memory_space<vmem>>[vector<16xi32>, vector<16xi32>], vector<16xi32>,
        %add3A_1517 = arith.addi %add3A_1505, %min3A_1439 : vector<16xi32>
        tpu.vector_store_idx %arg7[%broadcast_in_dim3A_1111, %mul3A_1511], %add3A_1517 : memref<2x128xi32, #tpu.memory_space<vmem>>[vector<16xi32>, vector<16xi32>], vector<16xi32>,
        %add3A_1518 = arith.constant 1 : i32
        %add3A_1519 = vector.broadcast %add3A_1518 : i32 to vector<16xi32>
        %add3A_1520 = arith.addi %mul3A_1511, %add3A_1519 : vector<16xi32>
        %add3A_1521 = arith.addi %add3A_1505, %min3A_1448 : vector<16xi32>
        tpu.vector_store_idx %arg7[%broadcast_in_dim3A_1111, %add3A_1520], %add3A_1521 : memref<2x128xi32, #tpu.memory_space<vmem>>[vector<16xi32>, vector<16xi32>], vector<16xi32>,
        %add3A_1522 = arith.constant 32 : i32
        %add3A_1523 = arith.addi %add3A_1109, %add3A_1522 : i32
        %broadcast_in_dim3A_1524 = vector.broadcast %add3A_1523 : i32 to vector<16xi32>
        %add3A_1525 = arith.addi %broadcast_in_dim3A_1524, %iota3A : vector<16xi32>
        %jit3A_1526 = arith.constant 224 : i32
        %div3A_1527 = vector.broadcast %jit3A_1526 : i32 to vector<16xi32>
        %div3A_1528 = arith.divsi %add3A_1525, %div3A_1527 : vector<16xi32>
        %sign3A_1529 = arith.constant 0 : i32
        %sign3A_1530 = vector.broadcast %sign3A_1529 : i32 to vector<16xi32>
        %sign3A_1531 = arith.cmpi sgt, %add3A_1525, %sign3A_1530 : vector<16xi32>
        %sign3A_1532 = arith.extui %sign3A_1531 : vector<16xi1> to vector<16xi32>
        %sign3A_1533 = arith.constant 0 : i32
        %sign3A_1534 = vector.broadcast %sign3A_1533 : i32 to vector<16xi32>
        %sign3A_1535 = arith.cmpi slt, %add3A_1525, %sign3A_1534 : vector<16xi32>
        %sign3A_1536 = arith.extui %sign3A_1535 : vector<16xi1> to vector<16xi32>
        %sign3A_1537 = arith.subi %sign3A_1532, %sign3A_1536 : vector<16xi32>
        %sign3A_1538 = arith.constant 0 : i32
        %sign3A_1539 = arith.cmpi sgt, %jit3A_1526, %sign3A_1538 : i32
        %sign3A_1540 = arith.extui %sign3A_1539 : i1 to i32
        %sign3A_1541 = arith.constant 0 : i32
        %sign3A_1542 = arith.cmpi slt, %jit3A_1526, %sign3A_1541 : i32
        %sign3A_1543 = arith.extui %sign3A_1542 : i1 to i32
        %sign3A_1544 = arith.subi %sign3A_1540, %sign3A_1543 : i32
        %ne3A_1545 = vector.broadcast %sign3A_1544 : i32 to vector<16xi32>
        %ne3A_1546 = arith.cmpi ne, %sign3A_1537, %ne3A_1545 : vector<16xi32>
        %rem3A_1547 = vector.broadcast %jit3A_1526 : i32 to vector<16xi32>
        %rem3A_1548 = arith.remsi %add3A_1525, %rem3A_1547 : vector<16xi32>
        %ne3A_1549 = arith.constant 0 : i32
        %ne3A_1550 = vector.broadcast %ne3A_1549 : i32 to vector<16xi32>
        %ne3A_1551 = arith.cmpi ne, %rem3A_1548, %ne3A_1550 : vector<16xi32>
        %and3A_1552 = arith.andi %ne3A_1546, %ne3A_1551 : vector<16xi1>
        %sub3A_1553 = arith.constant 1 : i32
        %sub3A_1554 = vector.broadcast %sub3A_1553 : i32 to vector<16xi32>
        %sub3A_1555 = arith.subi %div3A_1528, %sub3A_1554 : vector<16xi32>
        %select_n3A_1556 = arith.select %and3A_1552, %sub3A_1555, %div3A_1528 : vector<16xi1>, vector<16xi32>
        %mul3A_1557 = arith.constant 224 : i32
        %mul3A_1558 = vector.broadcast %mul3A_1557 : i32 to vector<16xi32>
        %mul3A_1559 = arith.muli %select_n3A_1556, %mul3A_1558 : vector<16xi32>
        %sub3A_1560 = arith.subi %add3A_1525, %mul3A_1559 : vector<16xi32>
        %convert_element_type3A_1561 = arith.sitofp %sub3A_1560 : vector<16xi32> to vector<16xf32>
        %mul3A_1562 = arith.constant 8.968610e-03 : f32
        %mul3A_1563 = vector.broadcast %mul3A_1562 : f32 to vector<16xf32>
        %mul3A_1564 = arith.mulf %convert_element_type3A_1561, %mul3A_1563 : vector<16xf32>
        %sub3A_1565 = arith.constant 1.000000e+00 : f32
        %sub3A_1566 = vector.broadcast %sub3A_1565 : f32 to vector<16xf32>
        %sub3A_1567 = arith.subf %mul3A_1564, %sub3A_1566 : vector<16xf32>
        %bitcast3A_1568 = vector.bitcast %sub3A_1567 : vector<16xf32> to vector<16xi32>
        %add3A_1569 = arith.constant 32767 : i32
        %add3A_1570 = vector.broadcast %add3A_1569 : i32 to vector<16xi32>
        %add3A_1571 = arith.addi %bitcast3A_1568, %add3A_1570 : vector<16xi32>
        %shift_right_logical3A_1572 = arith.constant 16 : i32
        %shift_right_logical3A_1573 = vector.broadcast %shift_right_logical3A_1572 : i32 to vector<16xi32>
        %shift_right_logical3A_1574 = arith.shrui %bitcast3A_1568, %shift_right_logical3A_1573 : vector<16xi32>
        %and3A_1575 = arith.constant 1 : i32
        %and3A_1576 = vector.broadcast %and3A_1575 : i32 to vector<16xi32>
        %and3A_1577 = arith.andi %shift_right_logical3A_1574, %and3A_1576 : vector<16xi32>
        %add3A_1578 = arith.addi %add3A_1571, %and3A_1577 : vector<16xi32>
        %and3A_1579 = arith.constant -65536 : i32
        %and3A_1580 = vector.broadcast %and3A_1579 : i32 to vector<16xi32>
        %and3A_1581 = arith.andi %add3A_1578, %and3A_1580 : vector<16xi32>
        %bitcast3A_1582 = vector.bitcast %and3A_1581 : vector<16xi32> to vector<16xf32>
        %convert_element_type3A_1583 = arith.sitofp %select_n3A_1556 : vector<16xi32> to vector<16xf32>
        %mul3A_1584 = arith.constant 8.968610e-03 : f32
        %mul3A_1585 = vector.broadcast %mul3A_1584 : f32 to vector<16xf32>
        %mul3A_1586 = arith.mulf %convert_element_type3A_1583, %mul3A_1585 : vector<16xf32>
        %sub3A_1587 = arith.constant 1.000000e+00 : f32
        %sub3A_1588 = vector.broadcast %sub3A_1587 : f32 to vector<16xf32>
        %sub3A_1589 = arith.subf %mul3A_1586, %sub3A_1588 : vector<16xf32>
        %bitcast3A_1590 = vector.bitcast %sub3A_1589 : vector<16xf32> to vector<16xi32>
        %add3A_1591 = arith.constant 32767 : i32
        %add3A_1592 = vector.broadcast %add3A_1591 : i32 to vector<16xi32>
        %add3A_1593 = arith.addi %bitcast3A_1590, %add3A_1592 : vector<16xi32>
        %shift_right_logical3A_1594 = arith.constant 16 : i32
        %shift_right_logical3A_1595 = vector.broadcast %shift_right_logical3A_1594 : i32 to vector<16xi32>
        %shift_right_logical3A_1596 = arith.shrui %bitcast3A_1590, %shift_right_logical3A_1595 : vector<16xi32>
        %and3A_1597 = arith.constant 1 : i32
        %and3A_1598 = vector.broadcast %and3A_1597 : i32 to vector<16xi32>
        %and3A_1599 = arith.andi %shift_right_logical3A_1596, %and3A_1598 : vector<16xi32>
        %add3A_1600 = arith.addi %add3A_1593, %and3A_1599 : vector<16xi32>
        %and3A_1601 = arith.constant -65536 : i32
        %and3A_1602 = vector.broadcast %and3A_1601 : i32 to vector<16xi32>
        %and3A_1603 = arith.andi %add3A_1600, %and3A_1602 : vector<16xi32>
        %bitcast3A_1604 = vector.bitcast %and3A_1603 : vector<16xi32> to vector<16xf32>
        %mul3A_1605 = arith.mulf %bitcast3A_49, %bitcast3A_1582 : vector<16xf32>
        %mul3A_1606 = arith.mulf %bitcast3A_70, %bitcast3A_1604 : vector<16xf32>
        %add3A_1607 = arith.addf %mul3A_1605, %mul3A_1606 : vector<16xf32>
        %add3A_1608 = arith.addf %add3A_1607, %bitcast3A_91 : vector<16xf32>
        %add3A_1609 = arith.constant 1.000000e+00 : f32
        %add3A_1610 = vector.broadcast %add3A_1609 : f32 to vector<16xf32>
        %add3A_1611 = arith.addf %add3A_1608, %add3A_1610 : vector<16xf32>
        %mul3A_1612 = arith.constant 1.120000e+02 : f32
        %mul3A_1613 = vector.broadcast %mul3A_1612 : f32 to vector<16xf32>
        %mul3A_1614 = arith.mulf %add3A_1611, %mul3A_1613 : vector<16xf32>
        %mul3A_1615 = arith.mulf %bitcast3A_112, %bitcast3A_1582 : vector<16xf32>
        %mul3A_1616 = arith.mulf %bitcast3A_133, %bitcast3A_1604 : vector<16xf32>
        %add3A_1617 = arith.addf %mul3A_1615, %mul3A_1616 : vector<16xf32>
        %add3A_1618 = arith.addf %add3A_1617, %bitcast3A_154 : vector<16xf32>
        %add3A_1619 = arith.constant 1.000000e+00 : f32
        %add3A_1620 = vector.broadcast %add3A_1619 : f32 to vector<16xf32>
        %add3A_1621 = arith.addf %add3A_1618, %add3A_1620 : vector<16xf32>
        %mul3A_1622 = arith.constant 1.120000e+02 : f32
        %mul3A_1623 = vector.broadcast %mul3A_1622 : f32 to vector<16xf32>
        %mul3A_1624 = arith.mulf %add3A_1621, %mul3A_1623 : vector<16xf32>
        %convert_element_type3A_1625 = arith.fptosi %mul3A_1614 : vector<16xf32> to vector<16xi32>
        %convert_element_type3A_1626 = arith.sitofp %convert_element_type3A_1625 : vector<16xi32> to vector<16xf32>
        %gt3A_1627 = arith.cmpf ogt, %convert_element_type3A_1626, %mul3A_1614 : vector<16xf32>
        %sub3A_1628 = arith.constant 1 : i32
        %sub3A_1629 = vector.broadcast %sub3A_1628 : i32 to vector<16xi32>
        %sub3A_1630 = arith.subi %convert_element_type3A_1625, %sub3A_1629 : vector<16xi32>
        %select_n3A_1631 = arith.select %gt3A_1627, %sub3A_1630, %convert_element_type3A_1625 : vector<16xi1>, vector<16xi32>
        %convert_element_type3A_1632 = arith.fptosi %mul3A_1624 : vector<16xf32> to vector<16xi32>
        %convert_element_type3A_1633 = arith.sitofp %convert_element_type3A_1632 : vector<16xi32> to vector<16xf32>
        %gt3A_1634 = arith.cmpf ogt, %convert_element_type3A_1633, %mul3A_1624 : vector<16xf32>
        %sub3A_1635 = arith.constant 1 : i32
        %sub3A_1636 = vector.broadcast %sub3A_1635 : i32 to vector<16xi32>
        %sub3A_1637 = arith.subi %convert_element_type3A_1632, %sub3A_1636 : vector<16xi32>
        %select_n3A_1638 = arith.select %gt3A_1634, %sub3A_1637, %convert_element_type3A_1632 : vector<16xi1>, vector<16xi32>
        %jit3A_1639 = arith.constant 0 : i32
        %jit3A_1640 = arith.constant 223 : i32
        %max3A_1641 = vector.broadcast %jit3A_1639 : i32 to vector<16xi32>
        %max3A_1642 = arith.maxsi %max3A_1641, %select_n3A_1631 : vector<16xi32>
        %min3A_1643 = vector.broadcast %jit3A_1640 : i32 to vector<16xi32>
        %min3A_1644 = arith.minsi %min3A_1643, %max3A_1642 : vector<16xi32>
        %add3A_1645 = arith.constant 1 : i32
        %add3A_1646 = vector.broadcast %add3A_1645 : i32 to vector<16xi32>
        %add3A_1647 = arith.addi %select_n3A_1631, %add3A_1646 : vector<16xi32>
        %jit3A_1648 = arith.constant 0 : i32
        %jit3A_1649 = arith.constant 223 : i32
        %max3A_1650 = vector.broadcast %jit3A_1648 : i32 to vector<16xi32>
        %max3A_1651 = arith.maxsi %max3A_1650, %add3A_1647 : vector<16xi32>
        %min3A_1652 = vector.broadcast %jit3A_1649 : i32 to vector<16xi32>
        %min3A_1653 = arith.minsi %min3A_1652, %max3A_1651 : vector<16xi32>
        %jit3A_1654 = arith.constant 0 : i32
        %jit3A_1655 = arith.constant 223 : i32
        %max3A_1656 = vector.broadcast %jit3A_1654 : i32 to vector<16xi32>
        %max3A_1657 = arith.maxsi %max3A_1656, %select_n3A_1638 : vector<16xi32>
        %min3A_1658 = vector.broadcast %jit3A_1655 : i32 to vector<16xi32>
        %min3A_1659 = arith.minsi %min3A_1658, %max3A_1657 : vector<16xi32>
        %add3A_1660 = arith.constant 1 : i32
        %add3A_1661 = vector.broadcast %add3A_1660 : i32 to vector<16xi32>
        %add3A_1662 = arith.addi %select_n3A_1638, %add3A_1661 : vector<16xi32>
        %jit3A_1663 = arith.constant 0 : i32
        %jit3A_1664 = arith.constant 223 : i32
        %max3A_1665 = vector.broadcast %jit3A_1663 : i32 to vector<16xi32>
        %max3A_1666 = arith.maxsi %max3A_1665, %add3A_1662 : vector<16xi32>
        %min3A_1667 = vector.broadcast %jit3A_1664 : i32 to vector<16xi32>
        %min3A_1668 = arith.minsi %min3A_1667, %max3A_1666 : vector<16xi32>
        %convert_element_type3A_1669 = arith.sitofp %min3A_1644 : vector<16xi32> to vector<16xf32>
        %convert_element_type3A_1670 = arith.sitofp %min3A_1653 : vector<16xi32> to vector<16xf32>
        %convert_element_type3A_1671 = arith.sitofp %min3A_1659 : vector<16xi32> to vector<16xf32>
        %convert_element_type3A_1672 = arith.sitofp %min3A_1668 : vector<16xi32> to vector<16xf32>
        %sub3A_1673 = arith.subf %convert_element_type3A_1670, %mul3A_1614 : vector<16xf32>
        %sub3A_1674 = arith.subf %convert_element_type3A_1672, %mul3A_1624 : vector<16xf32>
        %mul3A_1675 = arith.mulf %sub3A_1673, %sub3A_1674 : vector<16xf32>
        %swap3A_1676 = arith.constant 1 : i32
        %swap3A_1677 = arith.index_cast %swap3A_1676 : i32 to index
        %swap3A_1678 = arith.constant 32 : index
        %swap3A_1679 = tpu.vector_load %arg8[%swap3A_1677, %swap3A_1678] {strides = array<i32>} : memref<2x64xf32, #tpu.memory_space<vmem>>, vector<16xf32>,
        tpu.vector_store %arg8[%swap3A_1677, %swap3A_1678], %mul3A_1675 {strides = array<i32>} : memref<2x64xf32, #tpu.memory_space<vmem>>, vector<16xf32>,
        %sub3A_1680 = arith.subf %convert_element_type3A_1670, %mul3A_1614 : vector<16xf32>
        %sub3A_1681 = arith.subf %mul3A_1624, %convert_element_type3A_1671 : vector<16xf32>
        %mul3A_1682 = arith.mulf %sub3A_1680, %sub3A_1681 : vector<16xf32>
        %swap3A_1683 = arith.constant 1 : i32
        %swap3A_1684 = arith.index_cast %swap3A_1683 : i32 to index
        %swap3A_1685 = arith.constant 32 : index
        %swap3A_1686 = tpu.vector_load %arg9[%swap3A_1684, %swap3A_1685] {strides = array<i32>} : memref<2x64xf32, #tpu.memory_space<vmem>>, vector<16xf32>,
        tpu.vector_store %arg9[%swap3A_1684, %swap3A_1685], %mul3A_1682 {strides = array<i32>} : memref<2x64xf32, #tpu.memory_space<vmem>>, vector<16xf32>,
        %sub3A_1687 = arith.subf %mul3A_1614, %convert_element_type3A_1669 : vector<16xf32>
        %sub3A_1688 = arith.subf %convert_element_type3A_1672, %mul3A_1624 : vector<16xf32>
        %mul3A_1689 = arith.mulf %sub3A_1687, %sub3A_1688 : vector<16xf32>
        %swap3A_1690 = arith.constant 1 : i32
        %swap3A_1691 = arith.index_cast %swap3A_1690 : i32 to index
        %swap3A_1692 = arith.constant 32 : index
        %swap3A_1693 = tpu.vector_load %arg10[%swap3A_1691, %swap3A_1692] {strides = array<i32>} : memref<2x64xf32, #tpu.memory_space<vmem>>, vector<16xf32>,
        tpu.vector_store %arg10[%swap3A_1691, %swap3A_1692], %mul3A_1689 {strides = array<i32>} : memref<2x64xf32, #tpu.memory_space<vmem>>, vector<16xf32>,
        %sub3A_1694 = arith.subf %mul3A_1614, %convert_element_type3A_1669 : vector<16xf32>
        %sub3A_1695 = arith.subf %mul3A_1624, %convert_element_type3A_1671 : vector<16xf32>
        %mul3A_1696 = arith.mulf %sub3A_1694, %sub3A_1695 : vector<16xf32>
        %swap3A_1697 = arith.constant 1 : i32
        %swap3A_1698 = arith.index_cast %swap3A_1697 : i32 to index
        %swap3A_1699 = arith.constant 32 : index
        %swap3A_1700 = tpu.vector_load %arg11[%swap3A_1698, %swap3A_1699] {strides = array<i32>} : memref<2x64xf32, #tpu.memory_space<vmem>>, vector<16xf32>,
        tpu.vector_store %arg11[%swap3A_1698, %swap3A_1699], %mul3A_1696 {strides = array<i32>} : memref<2x64xf32, #tpu.memory_space<vmem>>, vector<16xf32>,
        %mul3A_1701 = arith.constant 224 : i32
        %mul3A_1702 = vector.broadcast %mul3A_1701 : i32 to vector<16xi32>
        %mul3A_1703 = arith.muli %min3A_1659, %mul3A_1702 : vector<16xi32>
        %add3A_1704 = vector.broadcast %mul3A_32 : i32 to vector<16xi32>
        %add3A_1705 = arith.addi %add3A_1704, %mul3A_1703 : vector<16xi32>
        %mul3A_1706 = arith.constant 224 : i32
        %mul3A_1707 = vector.broadcast %mul3A_1706 : i32 to vector<16xi32>
        %mul3A_1708 = arith.muli %min3A_1668, %mul3A_1707 : vector<16xi32>
        %add3A_1709 = vector.broadcast %mul3A_32 : i32 to vector<16xi32>
        %add3A_1710 = arith.addi %add3A_1709, %mul3A_1708 : vector<16xi32>
        %add3A_1711 = arith.constant 32 : i32
        %add3A_1712 = vector.broadcast %add3A_1711 : i32 to vector<16xi32>
        %add3A_1713 = arith.addi %iota3A, %add3A_1712 : vector<16xi32>
        %mul3A_1714 = arith.constant 2 : i32
        %mul3A_1715 = vector.broadcast %mul3A_1714 : i32 to vector<16xi32>
        %mul3A_1716 = arith.muli %add3A_1713, %mul3A_1715 : vector<16xi32>
        %add3A_1717 = arith.addi %add3A_1705, %min3A_1644 : vector<16xi32>
        tpu.vector_store_idx %arg6[%broadcast_in_dim3A_1111, %mul3A_1716], %add3A_1717 : memref<2x128xi32, #tpu.memory_space<vmem>>[vector<16xi32>, vector<16xi32>], vector<16xi32>,
        %add3A_1718 = arith.constant 1 : i32
        %add3A_1719 = vector.broadcast %add3A_1718 : i32 to vector<16xi32>
        %add3A_1720 = arith.addi %mul3A_1716, %add3A_1719 : vector<16xi32>
        %add3A_1721 = arith.addi %add3A_1705, %min3A_1653 : vector<16xi32>
        tpu.vector_store_idx %arg6[%broadcast_in_dim3A_1111, %add3A_1720], %add3A_1721 : memref<2x128xi32, #tpu.memory_space<vmem>>[vector<16xi32>, vector<16xi32>], vector<16xi32>,
        %add3A_1722 = arith.addi %add3A_1710, %min3A_1644 : vector<16xi32>
        tpu.vector_store_idx %arg7[%broadcast_in_dim3A_1111, %mul3A_1716], %add3A_1722 : memref<2x128xi32, #tpu.memory_space<vmem>>[vector<16xi32>, vector<16xi32>], vector<16xi32>,
        %add3A_1723 = arith.constant 1 : i32
        %add3A_1724 = vector.broadcast %add3A_1723 : i32 to vector<16xi32>
        %add3A_1725 = arith.addi %mul3A_1716, %add3A_1724 : vector<16xi32>
        %add3A_1726 = arith.addi %add3A_1710, %min3A_1653 : vector<16xi32>
        tpu.vector_store_idx %arg7[%broadcast_in_dim3A_1111, %add3A_1725], %add3A_1726 : memref<2x128xi32, #tpu.memory_space<vmem>>[vector<16xi32>, vector<16xi32>], vector<16xi32>,
        %add3A_1727 = arith.constant 48 : i32
        %add3A_1728 = arith.addi %add3A_1109, %add3A_1727 : i32
        %broadcast_in_dim3A_1729 = vector.broadcast %add3A_1728 : i32 to vector<16xi32>
        %add3A_1730 = arith.addi %broadcast_in_dim3A_1729, %iota3A : vector<16xi32>
        %jit3A_1731 = arith.constant 224 : i32
        %div3A_1732 = vector.broadcast %jit3A_1731 : i32 to vector<16xi32>
        %div3A_1733 = arith.divsi %add3A_1730, %div3A_1732 : vector<16xi32>
        %sign3A_1734 = arith.constant 0 : i32
        %sign3A_1735 = vector.broadcast %sign3A_1734 : i32 to vector<16xi32>
        %sign3A_1736 = arith.cmpi sgt, %add3A_1730, %sign3A_1735 : vector<16xi32>
        %sign3A_1737 = arith.extui %sign3A_1736 : vector<16xi1> to vector<16xi32>
        %sign3A_1738 = arith.constant 0 : i32
        %sign3A_1739 = vector.broadcast %sign3A_1738 : i32 to vector<16xi32>
        %sign3A_1740 = arith.cmpi slt, %add3A_1730, %sign3A_1739 : vector<16xi32>
        %sign3A_1741 = arith.extui %sign3A_1740 : vector<16xi1> to vector<16xi32>
        %sign3A_1742 = arith.subi %sign3A_1737, %sign3A_1741 : vector<16xi32>
        %sign3A_1743 = arith.constant 0 : i32
        %sign3A_1744 = arith.cmpi sgt, %jit3A_1731, %sign3A_1743 : i32
        %sign3A_1745 = arith.extui %sign3A_1744 : i1 to i32
        %sign3A_1746 = arith.constant 0 : i32
        %sign3A_1747 = arith.cmpi slt, %jit3A_1731, %sign3A_1746 : i32
        %sign3A_1748 = arith.extui %sign3A_1747 : i1 to i32
        %sign3A_1749 = arith.subi %sign3A_1745, %sign3A_1748 : i32
        %ne3A_1750 = vector.broadcast %sign3A_1749 : i32 to vector<16xi32>
        %ne3A_1751 = arith.cmpi ne, %sign3A_1742, %ne3A_1750 : vector<16xi32>
        %rem3A_1752 = vector.broadcast %jit3A_1731 : i32 to vector<16xi32>
        %rem3A_1753 = arith.remsi %add3A_1730, %rem3A_1752 : vector<16xi32>
        %ne3A_1754 = arith.constant 0 : i32
        %ne3A_1755 = vector.broadcast %ne3A_1754 : i32 to vector<16xi32>
        %ne3A_1756 = arith.cmpi ne, %rem3A_1753, %ne3A_1755 : vector<16xi32>
        %and3A_1757 = arith.andi %ne3A_1751, %ne3A_1756 : vector<16xi1>
        %sub3A_1758 = arith.constant 1 : i32
        %sub3A_1759 = vector.broadcast %sub3A_1758 : i32 to vector<16xi32>
        %sub3A_1760 = arith.subi %div3A_1733, %sub3A_1759 : vector<16xi32>
        %select_n3A_1761 = arith.select %and3A_1757, %sub3A_1760, %div3A_1733 : vector<16xi1>, vector<16xi32>
        %mul3A_1762 = arith.constant 224 : i32
        %mul3A_1763 = vector.broadcast %mul3A_1762 : i32 to vector<16xi32>
        %mul3A_1764 = arith.muli %select_n3A_1761, %mul3A_1763 : vector<16xi32>
        %sub3A_1765 = arith.subi %add3A_1730, %mul3A_1764 : vector<16xi32>
        %convert_element_type3A_1766 = arith.sitofp %sub3A_1765 : vector<16xi32> to vector<16xf32>
        %mul3A_1767 = arith.constant 8.968610e-03 : f32
        %mul3A_1768 = vector.broadcast %mul3A_1767 : f32 to vector<16xf32>
        %mul3A_1769 = arith.mulf %convert_element_type3A_1766, %mul3A_1768 : vector<16xf32>
        %sub3A_1770 = arith.constant 1.000000e+00 : f32
        %sub3A_1771 = vector.broadcast %sub3A_1770 : f32 to vector<16xf32>
        %sub3A_1772 = arith.subf %mul3A_1769, %sub3A_1771 : vector<16xf32>
        %bitcast3A_1773 = vector.bitcast %sub3A_1772 : vector<16xf32> to vector<16xi32>
        %add3A_1774 = arith.constant 32767 : i32
        %add3A_1775 = vector.broadcast %add3A_1774 : i32 to vector<16xi32>
        %add3A_1776 = arith.addi %bitcast3A_1773, %add3A_1775 : vector<16xi32>
        %shift_right_logical3A_1777 = arith.constant 16 : i32
        %shift_right_logical3A_1778 = vector.broadcast %shift_right_logical3A_1777 : i32 to vector<16xi32>
        %shift_right_logical3A_1779 = arith.shrui %bitcast3A_1773, %shift_right_logical3A_1778 : vector<16xi32>
        %and3A_1780 = arith.constant 1 : i32
        %and3A_1781 = vector.broadcast %and3A_1780 : i32 to vector<16xi32>
        %and3A_1782 = arith.andi %shift_right_logical3A_1779, %and3A_1781 : vector<16xi32>
        %add3A_1783 = arith.addi %add3A_1776, %and3A_1782 : vector<16xi32>
        %and3A_1784 = arith.constant -65536 : i32
        %and3A_1785 = vector.broadcast %and3A_1784 : i32 to vector<16xi32>
        %and3A_1786 = arith.andi %add3A_1783, %and3A_1785 : vector<16xi32>
        %bitcast3A_1787 = vector.bitcast %and3A_1786 : vector<16xi32> to vector<16xf32>
        %convert_element_type3A_1788 = arith.sitofp %select_n3A_1761 : vector<16xi32> to vector<16xf32>
        %mul3A_1789 = arith.constant 8.968610e-03 : f32
        %mul3A_1790 = vector.broadcast %mul3A_1789 : f32 to vector<16xf32>
        %mul3A_1791 = arith.mulf %convert_element_type3A_1788, %mul3A_1790 : vector<16xf32>
        %sub3A_1792 = arith.constant 1.000000e+00 : f32
        %sub3A_1793 = vector.broadcast %sub3A_1792 : f32 to vector<16xf32>
        %sub3A_1794 = arith.subf %mul3A_1791, %sub3A_1793 : vector<16xf32>
        %bitcast3A_1795 = vector.bitcast %sub3A_1794 : vector<16xf32> to vector<16xi32>
        %add3A_1796 = arith.constant 32767 : i32
        %add3A_1797 = vector.broadcast %add3A_1796 : i32 to vector<16xi32>
        %add3A_1798 = arith.addi %bitcast3A_1795, %add3A_1797 : vector<16xi32>
        %shift_right_logical3A_1799 = arith.constant 16 : i32
        %shift_right_logical3A_1800 = vector.broadcast %shift_right_logical3A_1799 : i32 to vector<16xi32>
        %shift_right_logical3A_1801 = arith.shrui %bitcast3A_1795, %shift_right_logical3A_1800 : vector<16xi32>
        %and3A_1802 = arith.constant 1 : i32
        %and3A_1803 = vector.broadcast %and3A_1802 : i32 to vector<16xi32>
        %and3A_1804 = arith.andi %shift_right_logical3A_1801, %and3A_1803 : vector<16xi32>
        %add3A_1805 = arith.addi %add3A_1798, %and3A_1804 : vector<16xi32>
        %and3A_1806 = arith.constant -65536 : i32
        %and3A_1807 = vector.broadcast %and3A_1806 : i32 to vector<16xi32>
        %and3A_1808 = arith.andi %add3A_1805, %and3A_1807 : vector<16xi32>
        %bitcast3A_1809 = vector.bitcast %and3A_1808 : vector<16xi32> to vector<16xf32>
        %mul3A_1810 = arith.mulf %bitcast3A_49, %bitcast3A_1787 : vector<16xf32>
        %mul3A_1811 = arith.mulf %bitcast3A_70, %bitcast3A_1809 : vector<16xf32>
        %add3A_1812 = arith.addf %mul3A_1810, %mul3A_1811 : vector<16xf32>
        %add3A_1813 = arith.addf %add3A_1812, %bitcast3A_91 : vector<16xf32>
        %add3A_1814 = arith.constant 1.000000e+00 : f32
        %add3A_1815 = vector.broadcast %add3A_1814 : f32 to vector<16xf32>
        %add3A_1816 = arith.addf %add3A_1813, %add3A_1815 : vector<16xf32>
        %mul3A_1817 = arith.constant 1.120000e+02 : f32
        %mul3A_1818 = vector.broadcast %mul3A_1817 : f32 to vector<16xf32>
        %mul3A_1819 = arith.mulf %add3A_1816, %mul3A_1818 : vector<16xf32>
        %mul3A_1820 = arith.mulf %bitcast3A_112, %bitcast3A_1787 : vector<16xf32>
        %mul3A_1821 = arith.mulf %bitcast3A_133, %bitcast3A_1809 : vector<16xf32>
        %add3A_1822 = arith.addf %mul3A_1820, %mul3A_1821 : vector<16xf32>
        %add3A_1823 = arith.addf %add3A_1822, %bitcast3A_154 : vector<16xf32>
        %add3A_1824 = arith.constant 1.000000e+00 : f32
        %add3A_1825 = vector.broadcast %add3A_1824 : f32 to vector<16xf32>
        %add3A_1826 = arith.addf %add3A_1823, %add3A_1825 : vector<16xf32>
        %mul3A_1827 = arith.constant 1.120000e+02 : f32
        %mul3A_1828 = vector.broadcast %mul3A_1827 : f32 to vector<16xf32>
        %mul3A_1829 = arith.mulf %add3A_1826, %mul3A_1828 : vector<16xf32>
        %convert_element_type3A_1830 = arith.fptosi %mul3A_1819 : vector<16xf32> to vector<16xi32>
        %convert_element_type3A_1831 = arith.sitofp %convert_element_type3A_1830 : vector<16xi32> to vector<16xf32>
        %gt3A_1832 = arith.cmpf ogt, %convert_element_type3A_1831, %mul3A_1819 : vector<16xf32>
        %sub3A_1833 = arith.constant 1 : i32
        %sub3A_1834 = vector.broadcast %sub3A_1833 : i32 to vector<16xi32>
        %sub3A_1835 = arith.subi %convert_element_type3A_1830, %sub3A_1834 : vector<16xi32>
        %select_n3A_1836 = arith.select %gt3A_1832, %sub3A_1835, %convert_element_type3A_1830 : vector<16xi1>, vector<16xi32>
        %convert_element_type3A_1837 = arith.fptosi %mul3A_1829 : vector<16xf32> to vector<16xi32>
        %convert_element_type3A_1838 = arith.sitofp %convert_element_type3A_1837 : vector<16xi32> to vector<16xf32>
        %gt3A_1839 = arith.cmpf ogt, %convert_element_type3A_1838, %mul3A_1829 : vector<16xf32>
        %sub3A_1840 = arith.constant 1 : i32
        %sub3A_1841 = vector.broadcast %sub3A_1840 : i32 to vector<16xi32>
        %sub3A_1842 = arith.subi %convert_element_type3A_1837, %sub3A_1841 : vector<16xi32>
        %select_n3A_1843 = arith.select %gt3A_1839, %sub3A_1842, %convert_element_type3A_1837 : vector<16xi1>, vector<16xi32>
        %jit3A_1844 = arith.constant 0 : i32
        %jit3A_1845 = arith.constant 223 : i32
        %max3A_1846 = vector.broadcast %jit3A_1844 : i32 to vector<16xi32>
        %max3A_1847 = arith.maxsi %max3A_1846, %select_n3A_1836 : vector<16xi32>
        %min3A_1848 = vector.broadcast %jit3A_1845 : i32 to vector<16xi32>
        %min3A_1849 = arith.minsi %min3A_1848, %max3A_1847 : vector<16xi32>
        %add3A_1850 = arith.constant 1 : i32
        %add3A_1851 = vector.broadcast %add3A_1850 : i32 to vector<16xi32>
        %add3A_1852 = arith.addi %select_n3A_1836, %add3A_1851 : vector<16xi32>
        %jit3A_1853 = arith.constant 0 : i32
        %jit3A_1854 = arith.constant 223 : i32
        %max3A_1855 = vector.broadcast %jit3A_1853 : i32 to vector<16xi32>
        %max3A_1856 = arith.maxsi %max3A_1855, %add3A_1852 : vector<16xi32>
        %min3A_1857 = vector.broadcast %jit3A_1854 : i32 to vector<16xi32>
        %min3A_1858 = arith.minsi %min3A_1857, %max3A_1856 : vector<16xi32>
        %jit3A_1859 = arith.constant 0 : i32
        %jit3A_1860 = arith.constant 223 : i32
        %max3A_1861 = vector.broadcast %jit3A_1859 : i32 to vector<16xi32>
        %max3A_1862 = arith.maxsi %max3A_1861, %select_n3A_1843 : vector<16xi32>
        %min3A_1863 = vector.broadcast %jit3A_1860 : i32 to vector<16xi32>
        %min3A_1864 = arith.minsi %min3A_1863, %max3A_1862 : vector<16xi32>
        %add3A_1865 = arith.constant 1 : i32
        %add3A_1866 = vector.broadcast %add3A_1865 : i32 to vector<16xi32>
        %add3A_1867 = arith.addi %select_n3A_1843, %add3A_1866 : vector<16xi32>
        %jit3A_1868 = arith.constant 0 : i32
        %jit3A_1869 = arith.constant 223 : i32
        %max3A_1870 = vector.broadcast %jit3A_1868 : i32 to vector<16xi32>
        %max3A_1871 = arith.maxsi %max3A_1870, %add3A_1867 : vector<16xi32>
        %min3A_1872 = vector.broadcast %jit3A_1869 : i32 to vector<16xi32>
        %min3A_1873 = arith.minsi %min3A_1872, %max3A_1871 : vector<16xi32>
        %convert_element_type3A_1874 = arith.sitofp %min3A_1849 : vector<16xi32> to vector<16xf32>
        %convert_element_type3A_1875 = arith.sitofp %min3A_1858 : vector<16xi32> to vector<16xf32>
        %convert_element_type3A_1876 = arith.sitofp %min3A_1864 : vector<16xi32> to vector<16xf32>
        %convert_element_type3A_1877 = arith.sitofp %min3A_1873 : vector<16xi32> to vector<16xf32>
        %sub3A_1878 = arith.subf %convert_element_type3A_1875, %mul3A_1819 : vector<16xf32>
        %sub3A_1879 = arith.subf %convert_element_type3A_1877, %mul3A_1829 : vector<16xf32>
        %mul3A_1880 = arith.mulf %sub3A_1878, %sub3A_1879 : vector<16xf32>
        %swap3A_1881 = arith.constant 1 : i32
        %swap3A_1882 = arith.index_cast %swap3A_1881 : i32 to index
        %swap3A_1883 = arith.constant 48 : index
        %swap3A_1884 = tpu.vector_load %arg8[%swap3A_1882, %swap3A_1883] {strides = array<i32>} : memref<2x64xf32, #tpu.memory_space<vmem>>, vector<16xf32>,
        tpu.vector_store %arg8[%swap3A_1882, %swap3A_1883], %mul3A_1880 {strides = array<i32>} : memref<2x64xf32, #tpu.memory_space<vmem>>, vector<16xf32>,
        %sub3A_1885 = arith.subf %convert_element_type3A_1875, %mul3A_1819 : vector<16xf32>
        %sub3A_1886 = arith.subf %mul3A_1829, %convert_element_type3A_1876 : vector<16xf32>
        %mul3A_1887 = arith.mulf %sub3A_1885, %sub3A_1886 : vector<16xf32>
        %swap3A_1888 = arith.constant 1 : i32
        %swap3A_1889 = arith.index_cast %swap3A_1888 : i32 to index
        %swap3A_1890 = arith.constant 48 : index
        %swap3A_1891 = tpu.vector_load %arg9[%swap3A_1889, %swap3A_1890] {strides = array<i32>} : memref<2x64xf32, #tpu.memory_space<vmem>>, vector<16xf32>,
        tpu.vector_store %arg9[%swap3A_1889, %swap3A_1890], %mul3A_1887 {strides = array<i32>} : memref<2x64xf32, #tpu.memory_space<vmem>>, vector<16xf32>,
        %sub3A_1892 = arith.subf %mul3A_1819, %convert_element_type3A_1874 : vector<16xf32>
        %sub3A_1893 = arith.subf %convert_element_type3A_1877, %mul3A_1829 : vector<16xf32>
        %mul3A_1894 = arith.mulf %sub3A_1892, %sub3A_1893 : vector<16xf32>
        %swap3A_1895 = arith.constant 1 : i32
        %swap3A_1896 = arith.index_cast %swap3A_1895 : i32 to index
        %swap3A_1897 = arith.constant 48 : index
        %swap3A_1898 = tpu.vector_load %arg10[%swap3A_1896, %swap3A_1897] {strides = array<i32>} : memref<2x64xf32, #tpu.memory_space<vmem>>, vector<16xf32>,
        tpu.vector_store %arg10[%swap3A_1896, %swap3A_1897], %mul3A_1894 {strides = array<i32>} : memref<2x64xf32, #tpu.memory_space<vmem>>, vector<16xf32>,
        %sub3A_1899 = arith.subf %mul3A_1819, %convert_element_type3A_1874 : vector<16xf32>
        %sub3A_1900 = arith.subf %mul3A_1829, %convert_element_type3A_1876 : vector<16xf32>
        %mul3A_1901 = arith.mulf %sub3A_1899, %sub3A_1900 : vector<16xf32>
        %swap3A_1902 = arith.constant 1 : i32
        %swap3A_1903 = arith.index_cast %swap3A_1902 : i32 to index
        %swap3A_1904 = arith.constant 48 : index
        %swap3A_1905 = tpu.vector_load %arg11[%swap3A_1903, %swap3A_1904] {strides = array<i32>} : memref<2x64xf32, #tpu.memory_space<vmem>>, vector<16xf32>,
        tpu.vector_store %arg11[%swap3A_1903, %swap3A_1904], %mul3A_1901 {strides = array<i32>} : memref<2x64xf32, #tpu.memory_space<vmem>>, vector<16xf32>,
        %mul3A_1906 = arith.constant 224 : i32
        %mul3A_1907 = vector.broadcast %mul3A_1906 : i32 to vector<16xi32>
        %mul3A_1908 = arith.muli %min3A_1864, %mul3A_1907 : vector<16xi32>
        %add3A_1909 = vector.broadcast %mul3A_32 : i32 to vector<16xi32>
        %add3A_1910 = arith.addi %add3A_1909, %mul3A_1908 : vector<16xi32>
        %mul3A_1911 = arith.constant 224 : i32
        %mul3A_1912 = vector.broadcast %mul3A_1911 : i32 to vector<16xi32>
        %mul3A_1913 = arith.muli %min3A_1873, %mul3A_1912 : vector<16xi32>
        %add3A_1914 = vector.broadcast %mul3A_32 : i32 to vector<16xi32>
        %add3A_1915 = arith.addi %add3A_1914, %mul3A_1913 : vector<16xi32>
        %add3A_1916 = arith.constant 48 : i32
        %add3A_1917 = vector.broadcast %add3A_1916 : i32 to vector<16xi32>
        %add3A_1918 = arith.addi %iota3A, %add3A_1917 : vector<16xi32>
        %mul3A_1919 = arith.constant 2 : i32
        %mul3A_1920 = vector.broadcast %mul3A_1919 : i32 to vector<16xi32>
        %mul3A_1921 = arith.muli %add3A_1918, %mul3A_1920 : vector<16xi32>
        %add3A_1922 = arith.addi %add3A_1910, %min3A_1849 : vector<16xi32>
        tpu.vector_store_idx %arg6[%broadcast_in_dim3A_1111, %mul3A_1921], %add3A_1922 : memref<2x128xi32, #tpu.memory_space<vmem>>[vector<16xi32>, vector<16xi32>], vector<16xi32>,
        %add3A_1923 = arith.constant 1 : i32
        %add3A_1924 = vector.broadcast %add3A_1923 : i32 to vector<16xi32>
        %add3A_1925 = arith.addi %mul3A_1921, %add3A_1924 : vector<16xi32>
        %add3A_1926 = arith.addi %add3A_1910, %min3A_1858 : vector<16xi32>
        tpu.vector_store_idx %arg6[%broadcast_in_dim3A_1111, %add3A_1925], %add3A_1926 : memref<2x128xi32, #tpu.memory_space<vmem>>[vector<16xi32>, vector<16xi32>], vector<16xi32>,
        %add3A_1927 = arith.addi %add3A_1915, %min3A_1849 : vector<16xi32>
        tpu.vector_store_idx %arg7[%broadcast_in_dim3A_1111, %mul3A_1921], %add3A_1927 : memref<2x128xi32, #tpu.memory_space<vmem>>[vector<16xi32>, vector<16xi32>], vector<16xi32>,
        %add3A_1928 = arith.constant 1 : i32
        %add3A_1929 = vector.broadcast %add3A_1928 : i32 to vector<16xi32>
        %add3A_1930 = arith.addi %mul3A_1921, %add3A_1929 : vector<16xi32>
        %add3A_1931 = arith.addi %add3A_1915, %min3A_1858 : vector<16xi32>
        tpu.vector_store_idx %arg7[%broadcast_in_dim3A_1111, %add3A_1930], %add3A_1931 : memref<2x128xi32, #tpu.memory_space<vmem>>[vector<16xi32>, vector<16xi32>], vector<16xi32>,
        %dma_start3A_1932 = arith.constant 1 : i32
        %dma_start3A_1933 = arith.constant 1 : i32
        %dma_start3A_1934 = arith.constant 0 : i32
        %dma_start3A_1935 = arith.constant 0 : i32
        %dma_start3A_1936 = tpu.memref_slice %arg12[%dma_start3A_1933, %dma_start3A_1934, %dma_start3A_1935] : memref<2x128x128xf32, #tpu.memory_space<vmem>> -> memref<1x128x128xf32, #tpu.memory_space<vmem>>
        %dma_start3A_1937 = tpu.memref_squeeze %dma_start3A_1936 : memref<1x128x128xf32, #tpu.memory_space<vmem>> -> memref<128x128xf32, #tpu.memory_space<vmem>>
        %dma_start3A_1938 = arith.constant 0 : i32
        %dma_start3A_1939 = tpu.memref_slice %arg6[%dma_start3A_1932, %dma_start3A_1938] : memref<2x128xi32, #tpu.memory_space<vmem>> -> memref<1x128xi32, #tpu.memory_space<vmem>>
        %dma_start3A_1940 = tpu.memref_squeeze %dma_start3A_1939 : memref<1x128xi32, #tpu.memory_space<vmem>> -> memref<128xi32, #tpu.memory_space<vmem>>
        %dma_start3A_1941 = arith.constant 0 : i32
        %dma_start3A_1942 = arith.constant 0 : i32
        %dma_start3A_1943 = tpu.memref_slice %arg2[%dma_start3A_1941, %dma_start3A_1942] : memref<802816x128xf32, #tpu.memory_space<hbm>> -> memref<802816x128xf32, #tpu.memory_space<hbm>>
        tpu.enqueue_indirect_dma source(%dma_start3A_1943 : memref<802816x128xf32, #tpu.memory_space<hbm>>) target(%dma_start3A_1937 : memref<128x128xf32, #tpu.memory_space<vmem>>) offsets(%dma_start3A_1940 : memref<128xi32, #tpu.memory_space<vmem>>) semaphore(%arg16 : memref<!tpu.dma_semaphore, #tpu.memory_space<semaphore_mem>>)
        %dma_start3A_1944 = arith.constant 1 : i32
        %dma_start3A_1945 = arith.constant 1 : i32
        %dma_start3A_1946 = arith.constant 0 : i32
        %dma_start3A_1947 = arith.constant 0 : i32
        %dma_start3A_1948 = tpu.memref_slice %arg13[%dma_start3A_1945, %dma_start3A_1946, %dma_start3A_1947] : memref<2x128x128xf32, #tpu.memory_space<vmem>> -> memref<1x128x128xf32, #tpu.memory_space<vmem>>
        %dma_start3A_1949 = tpu.memref_squeeze %dma_start3A_1948 : memref<1x128x128xf32, #tpu.memory_space<vmem>> -> memref<128x128xf32, #tpu.memory_space<vmem>>
        %dma_start3A_1950 = arith.constant 0 : i32
        %dma_start3A_1951 = tpu.memref_slice %arg7[%dma_start3A_1944, %dma_start3A_1950] : memref<2x128xi32, #tpu.memory_space<vmem>> -> memref<1x128xi32, #tpu.memory_space<vmem>>
        %dma_start3A_1952 = tpu.memref_squeeze %dma_start3A_1951 : memref<1x128xi32, #tpu.memory_space<vmem>> -> memref<128xi32, #tpu.memory_space<vmem>>
        %dma_start3A_1953 = arith.constant 0 : i32
        %dma_start3A_1954 = arith.constant 0 : i32
        %dma_start3A_1955 = tpu.memref_slice %arg2[%dma_start3A_1953, %dma_start3A_1954] : memref<802816x128xf32, #tpu.memory_space<hbm>> -> memref<802816x128xf32, #tpu.memory_space<hbm>>
        tpu.enqueue_indirect_dma source(%dma_start3A_1955 : memref<802816x128xf32, #tpu.memory_space<hbm>>) target(%dma_start3A_1949 : memref<128x128xf32, #tpu.memory_space<vmem>>) offsets(%dma_start3A_1952 : memref<128xi32, #tpu.memory_space<vmem>>) semaphore(%arg16 : memref<!tpu.dma_semaphore, #tpu.memory_space<semaphore_mem>>)
      } else {
      }
      %dma_wait3A = arith.constant 0 : i32
      %dma_wait3A_1033 = arith.constant 0 : i32
      %dma_wait3A_1034 = arith.constant 0 : i32
      %dma_wait3A_1035 = arith.constant 0 : i32
      %dma_wait3A_1036 = tpu.memref_slice %arg12[%dma_wait3A_1033, %dma_wait3A_1034, %dma_wait3A_1035] : memref<2x128x128xf32, #tpu.memory_space<vmem>> -> memref<1x128x128xf32, #tpu.memory_space<vmem>>
      %dma_wait3A_1037 = tpu.memref_squeeze %dma_wait3A_1036 : memref<1x128x128xf32, #tpu.memory_space<vmem>> -> memref<128x128xf32, #tpu.memory_space<vmem>>
      %dma_wait3A_1038 = arith.constant 0 : i32
      %dma_wait3A_1039 = tpu.memref_slice %arg6[%dma_wait3A, %dma_wait3A_1038] : memref<2x128xi32, #tpu.memory_space<vmem>> -> memref<1x128xi32, #tpu.memory_space<vmem>>
      %dma_wait3A_1040 = tpu.memref_squeeze %dma_wait3A_1039 : memref<1x128xi32, #tpu.memory_space<vmem>> -> memref<128xi32, #tpu.memory_space<vmem>>
      %dma_wait3A_1041 = arith.constant 0 : i32
      %dma_wait3A_1042 = arith.constant 0 : i32
      %dma_wait3A_1043 = tpu.memref_slice %arg2[%dma_wait3A_1041, %dma_wait3A_1042] : memref<802816x128xf32, #tpu.memory_space<hbm>> -> memref<802816x128xf32, #tpu.memory_space<hbm>>
      tpu.wait_indirect_dma semaphore(%arg15 : memref<!tpu.dma_semaphore, #tpu.memory_space<semaphore_mem>>) src(%dma_wait3A_1043 : memref<802816x128xf32, #tpu.memory_space<hbm>>) dst(%dma_wait3A_1037 : memref<128x128xf32, #tpu.memory_space<vmem>>)
      %dma_wait3A_1044 = arith.constant 0 : i32
      %dma_wait3A_1045 = arith.constant 0 : i32
      %dma_wait3A_1046 = arith.constant 0 : i32
      %dma_wait3A_1047 = arith.constant 0 : i32
      %dma_wait3A_1048 = tpu.memref_slice %arg13[%dma_wait3A_1045, %dma_wait3A_1046, %dma_wait3A_1047] : memref<2x128x128xf32, #tpu.memory_space<vmem>> -> memref<1x128x128xf32, #tpu.memory_space<vmem>>
      %dma_wait3A_1049 = tpu.memref_squeeze %dma_wait3A_1048 : memref<1x128x128xf32, #tpu.memory_space<vmem>> -> memref<128x128xf32, #tpu.memory_space<vmem>>
      %dma_wait3A_1050 = arith.constant 0 : i32
      %dma_wait3A_1051 = tpu.memref_slice %arg7[%dma_wait3A_1044, %dma_wait3A_1050] : memref<2x128xi32, #tpu.memory_space<vmem>> -> memref<1x128xi32, #tpu.memory_space<vmem>>
      %dma_wait3A_1052 = tpu.memref_squeeze %dma_wait3A_1051 : memref<1x128xi32, #tpu.memory_space<vmem>> -> memref<128xi32, #tpu.memory_space<vmem>>
      %dma_wait3A_1053 = arith.constant 0 : i32
      %dma_wait3A_1054 = arith.constant 0 : i32
      %dma_wait3A_1055 = tpu.memref_slice %arg2[%dma_wait3A_1053, %dma_wait3A_1054] : memref<802816x128xf32, #tpu.memory_space<hbm>> -> memref<802816x128xf32, #tpu.memory_space<hbm>>
      tpu.wait_indirect_dma semaphore(%arg15 : memref<!tpu.dma_semaphore, #tpu.memory_space<semaphore_mem>>) src(%dma_wait3A_1055 : memref<802816x128xf32, #tpu.memory_space<hbm>>) dst(%dma_wait3A_1049 : memref<128x128xf32, #tpu.memory_space<vmem>>)
      %parallel_loop3A = arith.constant 0 : i32
      %parallel_loop3A_1056 = arith.constant 64 : i32
      %parallel_loop3A_1057 = arith.constant 1 : i32
      scf.for %parallel_loop3A_1103 = %parallel_loop3A to %parallel_loop3A_1056 step %parallel_loop3A_1057  : i32 {
        %parallel_loop3A_1104 = arith.constant 0 : i32
        %parallel_loop3A_1105 = vector.broadcast %parallel_loop3A_1104 : i32 to vector<16xi32>
        %parallel_loop3A_1106 = vector.broadcast %parallel_loop3A_1103 : i32 to vector<16xi32>
        %parallel_loop3A_1107 = tpu.vector_load_idx %arg8[%parallel_loop3A_1105, %parallel_loop3A_1106] : memref<2x64xf32, #tpu.memory_space<vmem>>[vector<16xi32>, vector<16xi32>], vector<16xf32>,
        %parallel_loop3A_1108 = tpu.vector_load_idx %arg9[%parallel_loop3A_1105, %parallel_loop3A_1106] : memref<2x64xf32, #tpu.memory_space<vmem>>[vector<16xi32>, vector<16xi32>], vector<16xf32>,
        %parallel_loop3A_1109 = tpu.vector_load_idx %arg10[%parallel_loop3A_1105, %parallel_loop3A_1106] : memref<2x64xf32, #tpu.memory_space<vmem>>[vector<16xi32>, vector<16xi32>], vector<16xf32>,
        %parallel_loop3A_1110 = tpu.vector_load_idx %arg11[%parallel_loop3A_1105, %parallel_loop3A_1106] : memref<2x64xf32, #tpu.memory_space<vmem>>[vector<16xi32>, vector<16xi32>], vector<16xf32>,
        %parallel_loop3A_1111 = arith.constant 2 : i32
        %parallel_loop3A_1112 = arith.muli %parallel_loop3A_1103, %parallel_loop3A_1111 : i32
        %parallel_loop3A_1113 = arith.constant 0 : i32
        %parallel_loop3A_1114 = arith.index_cast %parallel_loop3A_1113 : i32 to index
        %parallel_loop3A_1115 = arith.index_cast %parallel_loop3A_1112 : i32 to index
        %parallel_loop3A_1116 = arith.constant 0 : index
        %parallel_loop3A_1117 = tpu.vector_load %arg12[%parallel_loop3A_1114, %parallel_loop3A_1115, %parallel_loop3A_1116] {strides = array<i32>} : memref<2x128x128xf32, #tpu.memory_space<vmem>>, vector<16xf32>,
        %parallel_loop3A_1118 = arith.mulf %parallel_loop3A_1107, %parallel_loop3A_1117 : vector<16xf32>
        %parallel_loop3A_1119 = arith.constant 1 : i32
        %parallel_loop3A_1120 = arith.addi %parallel_loop3A_1112, %parallel_loop3A_1119 : i32
        %parallel_loop3A_1121 = arith.constant 0 : i32
        %parallel_loop3A_1122 = arith.index_cast %parallel_loop3A_1121 : i32 to index
        %parallel_loop3A_1123 = arith.index_cast %parallel_loop3A_1120 : i32 to index
        %parallel_loop3A_1124 = arith.constant 0 : index
        %parallel_loop3A_1125 = tpu.vector_load %arg12[%parallel_loop3A_1122, %parallel_loop3A_1123, %parallel_loop3A_1124] {strides = array<i32>} : memref<2x128x128xf32, #tpu.memory_space<vmem>>, vector<16xf32>,
        %parallel_loop3A_1126 = arith.mulf %parallel_loop3A_1109, %parallel_loop3A_1125 : vector<16xf32>
        %parallel_loop3A_1127 = arith.addf %parallel_loop3A_1118, %parallel_loop3A_1126 : vector<16xf32>
        %parallel_loop3A_1128 = arith.constant 0 : i32
        %parallel_loop3A_1129 = arith.index_cast %parallel_loop3A_1128 : i32 to index
        %parallel_loop3A_1130 = arith.index_cast %parallel_loop3A_1112 : i32 to index
        %parallel_loop3A_1131 = arith.constant 0 : index
        %parallel_loop3A_1132 = tpu.vector_load %arg13[%parallel_loop3A_1129, %parallel_loop3A_1130, %parallel_loop3A_1131] {strides = array<i32>} : memref<2x128x128xf32, #tpu.memory_space<vmem>>, vector<16xf32>,
        %parallel_loop3A_1133 = arith.mulf %parallel_loop3A_1108, %parallel_loop3A_1132 : vector<16xf32>
        %parallel_loop3A_1134 = arith.addf %parallel_loop3A_1127, %parallel_loop3A_1133 : vector<16xf32>
        %parallel_loop3A_1135 = arith.constant 1 : i32
        %parallel_loop3A_1136 = arith.addi %parallel_loop3A_1112, %parallel_loop3A_1135 : i32
        %parallel_loop3A_1137 = arith.constant 0 : i32
        %parallel_loop3A_1138 = arith.index_cast %parallel_loop3A_1137 : i32 to index
        %parallel_loop3A_1139 = arith.index_cast %parallel_loop3A_1136 : i32 to index
        %parallel_loop3A_1140 = arith.constant 0 : index
        %parallel_loop3A_1141 = tpu.vector_load %arg13[%parallel_loop3A_1138, %parallel_loop3A_1139, %parallel_loop3A_1140] {strides = array<i32>} : memref<2x128x128xf32, #tpu.memory_space<vmem>>, vector<16xf32>,
        %parallel_loop3A_1142 = arith.mulf %parallel_loop3A_1110, %parallel_loop3A_1141 : vector<16xf32>
        %parallel_loop3A_1143 = arith.addf %parallel_loop3A_1134, %parallel_loop3A_1142 : vector<16xf32>
        %parallel_loop3A_1144 = arith.constant 0 : i32
        %parallel_loop3A_1145 = vector.broadcast %parallel_loop3A_1144 : i32 to vector<16xi32>
        %parallel_loop3A_1146 = arith.addi %parallel_loop3A_1106, %parallel_loop3A_1145 : vector<16xi32>
        tpu.vector_store_idx %arg14[%add3A_157, %parallel_loop3A_1146], %parallel_loop3A_1143 : memref<96x128xf32, #tpu.memory_space<vmem>>[vector<16xi32>, vector<16xi32>], vector<16xf32>,
        %parallel_loop3A_1147 = arith.constant 0 : i32
        %parallel_loop3A_1148 = arith.index_cast %parallel_loop3A_1147 : i32 to index
        %parallel_loop3A_1149 = arith.index_cast %parallel_loop3A_1112 : i32 to index
        %parallel_loop3A_1150 = arith.constant 16 : index
        %parallel_loop3A_1151 = tpu.vector_load %arg12[%parallel_loop3A_1148, %parallel_loop3A_1149, %parallel_loop3A_1150] {strides = array<i32>} : memref<2x128x128xf32, #tpu.memory_space<vmem>>, vector<16xf32>,
        %parallel_loop3A_1152 = arith.mulf %parallel_loop3A_1107, %parallel_loop3A_1151 : vector<16xf32>
        %parallel_loop3A_1153 = arith.constant 1 : i32
        %parallel_loop3A_1154 = arith.addi %parallel_loop3A_1112, %parallel_loop3A_1153 : i32
        %parallel_loop3A_1155 = arith.constant 0 : i32
        %parallel_loop3A_1156 = arith.index_cast %parallel_loop3A_1155 : i32 to index
        %parallel_loop3A_1157 = arith.index_cast %parallel_loop3A_1154 : i32 to index
        %parallel_loop3A_1158 = arith.constant 16 : index
        %parallel_loop3A_1159 = tpu.vector_load %arg12[%parallel_loop3A_1156, %parallel_loop3A_1157, %parallel_loop3A_1158] {strides = array<i32>} : memref<2x128x128xf32, #tpu.memory_space<vmem>>, vector<16xf32>,
        %parallel_loop3A_1160 = arith.mulf %parallel_loop3A_1109, %parallel_loop3A_1159 : vector<16xf32>
        %parallel_loop3A_1161 = arith.addf %parallel_loop3A_1152, %parallel_loop3A_1160 : vector<16xf32>
        %parallel_loop3A_1162 = arith.constant 0 : i32
        %parallel_loop3A_1163 = arith.index_cast %parallel_loop3A_1162 : i32 to index
        %parallel_loop3A_1164 = arith.index_cast %parallel_loop3A_1112 : i32 to index
        %parallel_loop3A_1165 = arith.constant 16 : index
        %parallel_loop3A_1166 = tpu.vector_load %arg13[%parallel_loop3A_1163, %parallel_loop3A_1164, %parallel_loop3A_1165] {strides = array<i32>} : memref<2x128x128xf32, #tpu.memory_space<vmem>>, vector<16xf32>,
        %parallel_loop3A_1167 = arith.mulf %parallel_loop3A_1108, %parallel_loop3A_1166 : vector<16xf32>
        %parallel_loop3A_1168 = arith.addf %parallel_loop3A_1161, %parallel_loop3A_1167 : vector<16xf32>
        %parallel_loop3A_1169 = arith.constant 1 : i32
        %parallel_loop3A_1170 = arith.addi %parallel_loop3A_1112, %parallel_loop3A_1169 : i32
        %parallel_loop3A_1171 = arith.constant 0 : i32
        %parallel_loop3A_1172 = arith.index_cast %parallel_loop3A_1171 : i32 to index
        %parallel_loop3A_1173 = arith.index_cast %parallel_loop3A_1170 : i32 to index
        %parallel_loop3A_1174 = arith.constant 16 : index
        %parallel_loop3A_1175 = tpu.vector_load %arg13[%parallel_loop3A_1172, %parallel_loop3A_1173, %parallel_loop3A_1174] {strides = array<i32>} : memref<2x128x128xf32, #tpu.memory_space<vmem>>, vector<16xf32>,
        %parallel_loop3A_1176 = arith.mulf %parallel_loop3A_1110, %parallel_loop3A_1175 : vector<16xf32>
        %parallel_loop3A_1177 = arith.addf %parallel_loop3A_1168, %parallel_loop3A_1176 : vector<16xf32>
        %parallel_loop3A_1178 = arith.constant 0 : i32
        %parallel_loop3A_1179 = vector.broadcast %parallel_loop3A_1178 : i32 to vector<16xi32>
        %parallel_loop3A_1180 = arith.addi %parallel_loop3A_1106, %parallel_loop3A_1179 : vector<16xi32>
        tpu.vector_store_idx %arg14[%add3A_160, %parallel_loop3A_1180], %parallel_loop3A_1177 : memref<96x128xf32, #tpu.memory_space<vmem>>[vector<16xi32>, vector<16xi32>], vector<16xf32>,
        %parallel_loop3A_1181 = arith.constant 0 : i32
        %parallel_loop3A_1182 = arith.index_cast %parallel_loop3A_1181 : i32 to index
        %parallel_loop3A_1183 = arith.index_cast %parallel_loop3A_1112 : i32 to index
        %parallel_loop3A_1184 = arith.constant 32 : index
        %parallel_loop3A_1185 = tpu.vector_load %arg12[%parallel_loop3A_1182, %parallel_loop3A_1183, %parallel_loop3A_1184] {strides = array<i32>} : memref<2x128x128xf32, #tpu.memory_space<vmem>>, vector<16xf32>,
        %parallel_loop3A_1186 = arith.mulf %parallel_loop3A_1107, %parallel_loop3A_1185 : vector<16xf32>
        %parallel_loop3A_1187 = arith.constant 1 : i32
        %parallel_loop3A_1188 = arith.addi %parallel_loop3A_1112, %parallel_loop3A_1187 : i32
        %parallel_loop3A_1189 = arith.constant 0 : i32
        %parallel_loop3A_1190 = arith.index_cast %parallel_loop3A_1189 : i32 to index
        %parallel_loop3A_1191 = arith.index_cast %parallel_loop3A_1188 : i32 to index
        %parallel_loop3A_1192 = arith.constant 32 : index
        %parallel_loop3A_1193 = tpu.vector_load %arg12[%parallel_loop3A_1190, %parallel_loop3A_1191, %parallel_loop3A_1192] {strides = array<i32>} : memref<2x128x128xf32, #tpu.memory_space<vmem>>, vector<16xf32>,
        %parallel_loop3A_1194 = arith.mulf %parallel_loop3A_1109, %parallel_loop3A_1193 : vector<16xf32>
        %parallel_loop3A_1195 = arith.addf %parallel_loop3A_1186, %parallel_loop3A_1194 : vector<16xf32>
        %parallel_loop3A_1196 = arith.constant 0 : i32
        %parallel_loop3A_1197 = arith.index_cast %parallel_loop3A_1196 : i32 to index
        %parallel_loop3A_1198 = arith.index_cast %parallel_loop3A_1112 : i32 to index
        %parallel_loop3A_1199 = arith.constant 32 : index
        %parallel_loop3A_1200 = tpu.vector_load %arg13[%parallel_loop3A_1197, %parallel_loop3A_1198, %parallel_loop3A_1199] {strides = array<i32>} : memref<2x128x128xf32, #tpu.memory_space<vmem>>, vector<16xf32>,
        %parallel_loop3A_1201 = arith.mulf %parallel_loop3A_1108, %parallel_loop3A_1200 : vector<16xf32>
        %parallel_loop3A_1202 = arith.addf %parallel_loop3A_1195, %parallel_loop3A_1201 : vector<16xf32>
        %parallel_loop3A_1203 = arith.constant 1 : i32
        %parallel_loop3A_1204 = arith.addi %parallel_loop3A_1112, %parallel_loop3A_1203 : i32
        %parallel_loop3A_1205 = arith.constant 0 : i32
        %parallel_loop3A_1206 = arith.index_cast %parallel_loop3A_1205 : i32 to index
        %parallel_loop3A_1207 = arith.index_cast %parallel_loop3A_1204 : i32 to index
        %parallel_loop3A_1208 = arith.constant 32 : index
        %parallel_loop3A_1209 = tpu.vector_load %arg13[%parallel_loop3A_1206, %parallel_loop3A_1207, %parallel_loop3A_1208] {strides = array<i32>} : memref<2x128x128xf32, #tpu.memory_space<vmem>>, vector<16xf32>,
        %parallel_loop3A_1210 = arith.mulf %parallel_loop3A_1110, %parallel_loop3A_1209 : vector<16xf32>
        %parallel_loop3A_1211 = arith.addf %parallel_loop3A_1202, %parallel_loop3A_1210 : vector<16xf32>
        %parallel_loop3A_1212 = arith.constant 0 : i32
        %parallel_loop3A_1213 = vector.broadcast %parallel_loop3A_1212 : i32 to vector<16xi32>
        %parallel_loop3A_1214 = arith.addi %parallel_loop3A_1106, %parallel_loop3A_1213 : vector<16xi32>
        tpu.vector_store_idx %arg14[%add3A_163, %parallel_loop3A_1214], %parallel_loop3A_1211 : memref<96x128xf32, #tpu.memory_space<vmem>>[vector<16xi32>, vector<16xi32>], vector<16xf32>,
        %parallel_loop3A_1215 = arith.constant 0 : i32
        %parallel_loop3A_1216 = arith.index_cast %parallel_loop3A_1215 : i32 to index
        %parallel_loop3A_1217 = arith.index_cast %parallel_loop3A_1112 : i32 to index
        %parallel_loop3A_1218 = arith.constant 48 : index
        %parallel_loop3A_1219 = tpu.vector_load %arg12[%parallel_loop3A_1216, %parallel_loop3A_1217, %parallel_loop3A_1218] {strides = array<i32>} : memref<2x128x128xf32, #tpu.memory_space<vmem>>, vector<16xf32>,
        %parallel_loop3A_1220 = arith.mulf %parallel_loop3A_1107, %parallel_loop3A_1219 : vector<16xf32>
        %parallel_loop3A_1221 = arith.constant 1 : i32
        %parallel_loop3A_1222 = arith.addi %parallel_loop3A_1112, %parallel_loop3A_1221 : i32
        %parallel_loop3A_1223 = arith.constant 0 : i32
        %parallel_loop3A_1224 = arith.index_cast %parallel_loop3A_1223 : i32 to index
        %parallel_loop3A_1225 = arith.index_cast %parallel_loop3A_1222 : i32 to index
        %parallel_loop3A_1226 = arith.constant 48 : index
        %parallel_loop3A_1227 = tpu.vector_load %arg12[%parallel_loop3A_1224, %parallel_loop3A_1225, %parallel_loop3A_1226] {strides = array<i32>} : memref<2x128x128xf32, #tpu.memory_space<vmem>>, vector<16xf32>,
        %parallel_loop3A_1228 = arith.mulf %parallel_loop3A_1109, %parallel_loop3A_1227 : vector<16xf32>
        %parallel_loop3A_1229 = arith.addf %parallel_loop3A_1220, %parallel_loop3A_1228 : vector<16xf32>
        %parallel_loop3A_1230 = arith.constant 0 : i32
        %parallel_loop3A_1231 = arith.index_cast %parallel_loop3A_1230 : i32 to index
        %parallel_loop3A_1232 = arith.index_cast %parallel_loop3A_1112 : i32 to index
        %parallel_loop3A_1233 = arith.constant 48 : index
        %parallel_loop3A_1234 = tpu.vector_load %arg13[%parallel_loop3A_1231, %parallel_loop3A_1232, %parallel_loop3A_1233] {strides = array<i32>} : memref<2x128x128xf32, #tpu.memory_space<vmem>>, vector<16xf32>,
        %parallel_loop3A_1235 = arith.mulf %parallel_loop3A_1108, %parallel_loop3A_1234 : vector<16xf32>
        %parallel_loop3A_1236 = arith.addf %parallel_loop3A_1229, %parallel_loop3A_1235 : vector<16xf32>
        %parallel_loop3A_1237 = arith.constant 1 : i32
        %parallel_loop3A_1238 = arith.addi %parallel_loop3A_1112, %parallel_loop3A_1237 : i32
        %parallel_loop3A_1239 = arith.constant 0 : i32
        %parallel_loop3A_1240 = arith.index_cast %parallel_loop3A_1239 : i32 to index
        %parallel_loop3A_1241 = arith.index_cast %parallel_loop3A_1238 : i32 to index
        %parallel_loop3A_1242 = arith.constant 48 : index
        %parallel_loop3A_1243 = tpu.vector_load %arg13[%parallel_loop3A_1240, %parallel_loop3A_1241, %parallel_loop3A_1242] {strides = array<i32>} : memref<2x128x128xf32, #tpu.memory_space<vmem>>, vector<16xf32>,
        %parallel_loop3A_1244 = arith.mulf %parallel_loop3A_1110, %parallel_loop3A_1243 : vector<16xf32>
        %parallel_loop3A_1245 = arith.addf %parallel_loop3A_1236, %parallel_loop3A_1244 : vector<16xf32>
        %parallel_loop3A_1246 = arith.constant 0 : i32
        %parallel_loop3A_1247 = vector.broadcast %parallel_loop3A_1246 : i32 to vector<16xi32>
        %parallel_loop3A_1248 = arith.addi %parallel_loop3A_1106, %parallel_loop3A_1247 : vector<16xi32>
        tpu.vector_store_idx %arg14[%add3A_166, %parallel_loop3A_1248], %parallel_loop3A_1245 : memref<96x128xf32, #tpu.memory_space<vmem>>[vector<16xi32>, vector<16xi32>], vector<16xf32>,
        %parallel_loop3A_1249 = arith.constant 0 : i32
        %parallel_loop3A_1250 = arith.index_cast %parallel_loop3A_1249 : i32 to index
        %parallel_loop3A_1251 = arith.index_cast %parallel_loop3A_1112 : i32 to index
        %parallel_loop3A_1252 = arith.constant 64 : index
        %parallel_loop3A_1253 = tpu.vector_load %arg12[%parallel_loop3A_1250, %parallel_loop3A_1251, %parallel_loop3A_1252] {strides = array<i32>} : memref<2x128x128xf32, #tpu.memory_space<vmem>>, vector<16xf32>,
        %parallel_loop3A_1254 = arith.mulf %parallel_loop3A_1107, %parallel_loop3A_1253 : vector<16xf32>
        %parallel_loop3A_1255 = arith.constant 1 : i32
        %parallel_loop3A_1256 = arith.addi %parallel_loop3A_1112, %parallel_loop3A_1255 : i32
        %parallel_loop3A_1257 = arith.constant 0 : i32
        %parallel_loop3A_1258 = arith.index_cast %parallel_loop3A_1257 : i32 to index
        %parallel_loop3A_1259 = arith.index_cast %parallel_loop3A_1256 : i32 to index
        %parallel_loop3A_1260 = arith.constant 64 : index
        %parallel_loop3A_1261 = tpu.vector_load %arg12[%parallel_loop3A_1258, %parallel_loop3A_1259, %parallel_loop3A_1260] {strides = array<i32>} : memref<2x128x128xf32, #tpu.memory_space<vmem>>, vector<16xf32>,
        %parallel_loop3A_1262 = arith.mulf %parallel_loop3A_1109, %parallel_loop3A_1261 : vector<16xf32>
        %parallel_loop3A_1263 = arith.addf %parallel_loop3A_1254, %parallel_loop3A_1262 : vector<16xf32>
        %parallel_loop3A_1264 = arith.constant 0 : i32
        %parallel_loop3A_1265 = arith.index_cast %parallel_loop3A_1264 : i32 to index
        %parallel_loop3A_1266 = arith.index_cast %parallel_loop3A_1112 : i32 to index
        %parallel_loop3A_1267 = arith.constant 64 : index
        %parallel_loop3A_1268 = tpu.vector_load %arg13[%parallel_loop3A_1265, %parallel_loop3A_1266, %parallel_loop3A_1267] {strides = array<i32>} : memref<2x128x128xf32, #tpu.memory_space<vmem>>, vector<16xf32>,
        %parallel_loop3A_1269 = arith.mulf %parallel_loop3A_1108, %parallel_loop3A_1268 : vector<16xf32>
        %parallel_loop3A_1270 = arith.addf %parallel_loop3A_1263, %parallel_loop3A_1269 : vector<16xf32>
        %parallel_loop3A_1271 = arith.constant 1 : i32
        %parallel_loop3A_1272 = arith.addi %parallel_loop3A_1112, %parallel_loop3A_1271 : i32
        %parallel_loop3A_1273 = arith.constant 0 : i32
        %parallel_loop3A_1274 = arith.index_cast %parallel_loop3A_1273 : i32 to index
        %parallel_loop3A_1275 = arith.index_cast %parallel_loop3A_1272 : i32 to index
        %parallel_loop3A_1276 = arith.constant 64 : index
        %parallel_loop3A_1277 = tpu.vector_load %arg13[%parallel_loop3A_1274, %parallel_loop3A_1275, %parallel_loop3A_1276] {strides = array<i32>} : memref<2x128x128xf32, #tpu.memory_space<vmem>>, vector<16xf32>,
        %parallel_loop3A_1278 = arith.mulf %parallel_loop3A_1110, %parallel_loop3A_1277 : vector<16xf32>
        %parallel_loop3A_1279 = arith.addf %parallel_loop3A_1270, %parallel_loop3A_1278 : vector<16xf32>
        %parallel_loop3A_1280 = arith.constant 0 : i32
        %parallel_loop3A_1281 = vector.broadcast %parallel_loop3A_1280 : i32 to vector<16xi32>
        %parallel_loop3A_1282 = arith.addi %parallel_loop3A_1106, %parallel_loop3A_1281 : vector<16xi32>
        tpu.vector_store_idx %arg14[%add3A_169, %parallel_loop3A_1282], %parallel_loop3A_1279 : memref<96x128xf32, #tpu.memory_space<vmem>>[vector<16xi32>, vector<16xi32>], vector<16xf32>,
        %parallel_loop3A_1283 = arith.constant 0 : i32
        %parallel_loop3A_1284 = arith.index_cast %parallel_loop3A_1283 : i32 to index
        %parallel_loop3A_1285 = arith.index_cast %parallel_loop3A_1112 : i32 to index
        %parallel_loop3A_1286 = arith.constant 80 : index
        %parallel_loop3A_1287 = tpu.vector_load %arg12[%parallel_loop3A_1284, %parallel_loop3A_1285, %parallel_loop3A_1286] {strides = array<i32>} : memref<2x128x128xf32, #tpu.memory_space<vmem>>, vector<16xf32>,
        %parallel_loop3A_1288 = arith.mulf %parallel_loop3A_1107, %parallel_loop3A_1287 : vector<16xf32>
        %parallel_loop3A_1289 = arith.constant 1 : i32
        %parallel_loop3A_1290 = arith.addi %parallel_loop3A_1112, %parallel_loop3A_1289 : i32
        %parallel_loop3A_1291 = arith.constant 0 : i32
        %parallel_loop3A_1292 = arith.index_cast %parallel_loop3A_1291 : i32 to index
        %parallel_loop3A_1293 = arith.index_cast %parallel_loop3A_1290 : i32 to index
        %parallel_loop3A_1294 = arith.constant 80 : index
        %parallel_loop3A_1295 = tpu.vector_load %arg12[%parallel_loop3A_1292, %parallel_loop3A_1293, %parallel_loop3A_1294] {strides = array<i32>} : memref<2x128x128xf32, #tpu.memory_space<vmem>>, vector<16xf32>,
        %parallel_loop3A_1296 = arith.mulf %parallel_loop3A_1109, %parallel_loop3A_1295 : vector<16xf32>
        %parallel_loop3A_1297 = arith.addf %parallel_loop3A_1288, %parallel_loop3A_1296 : vector<16xf32>
        %parallel_loop3A_1298 = arith.constant 0 : i32
        %parallel_loop3A_1299 = arith.index_cast %parallel_loop3A_1298 : i32 to index
        %parallel_loop3A_1300 = arith.index_cast %parallel_loop3A_1112 : i32 to index
        %parallel_loop3A_1301 = arith.constant 80 : index
        %parallel_loop3A_1302 = tpu.vector_load %arg13[%parallel_loop3A_1299, %parallel_loop3A_1300, %parallel_loop3A_1301] {strides = array<i32>} : memref<2x128x128xf32, #tpu.memory_space<vmem>>, vector<16xf32>,
        %parallel_loop3A_1303 = arith.mulf %parallel_loop3A_1108, %parallel_loop3A_1302 : vector<16xf32>
        %parallel_loop3A_1304 = arith.addf %parallel_loop3A_1297, %parallel_loop3A_1303 : vector<16xf32>
        %parallel_loop3A_1305 = arith.constant 1 : i32
        %parallel_loop3A_1306 = arith.addi %parallel_loop3A_1112, %parallel_loop3A_1305 : i32
        %parallel_loop3A_1307 = arith.constant 0 : i32
        %parallel_loop3A_1308 = arith.index_cast %parallel_loop3A_1307 : i32 to index
        %parallel_loop3A_1309 = arith.index_cast %parallel_loop3A_1306 : i32 to index
        %parallel_loop3A_1310 = arith.constant 80 : index
        %parallel_loop3A_1311 = tpu.vector_load %arg13[%parallel_loop3A_1308, %parallel_loop3A_1309, %parallel_loop3A_1310] {strides = array<i32>} : memref<2x128x128xf32, #tpu.memory_space<vmem>>, vector<16xf32>,
        %parallel_loop3A_1312 = arith.mulf %parallel_loop3A_1110, %parallel_loop3A_1311 : vector<16xf32>
        %parallel_loop3A_1313 = arith.addf %parallel_loop3A_1304, %parallel_loop3A_1312 : vector<16xf32>
        %parallel_loop3A_1314 = arith.constant 0 : i32
        %parallel_loop3A_1315 = vector.broadcast %parallel_loop3A_1314 : i32 to vector<16xi32>
        %parallel_loop3A_1316 = arith.addi %parallel_loop3A_1106, %parallel_loop3A_1315 : vector<16xi32>
        tpu.vector_store_idx %arg14[%add3A_172, %parallel_loop3A_1316], %parallel_loop3A_1313 : memref<96x128xf32, #tpu.memory_space<vmem>>[vector<16xi32>, vector<16xi32>], vector<16xf32>,
      } {sc.loop_unroll_factor = 4 : i64, sc.parallel_access}
      %mul3A_1058 = arith.constant 2 : i32
      %mul3A_1059 = arith.muli %scan3A_1022, %mul3A_1058 : i32
      %add3A_1060 = arith.constant 1 : i32
      %add3A_1061 = arith.addi %mul3A_1059, %add3A_1060 : i32
      %add3A_1062 = arith.constant 1 : i32
      %add3A_1063 = arith.addi %add3A_1061, %add3A_1062 : i32
      %lt3A_1064 = arith.constant 392 : i32
      %lt3A_1065 = arith.cmpi slt, %add3A_1063, %lt3A_1064 : i32
      %convert_element_type3A_1066 = arith.extui %lt3A_1065 : i1 to i32
      %cond3A_1067 = arith.constant 0 : i32
      %cond3A_1068 = arith.cmpi ne, %convert_element_type3A_1066, %cond3A_1067 : i32
      scf.if %cond3A_1068 {
        %add3A_1103 = arith.constant 1 : i32
        %add3A_1104 = arith.addi %add3A_1061, %add3A_1103 : i32
        %mul3A_1105 = arith.constant 25088 : i32
        %mul3A_1106 = arith.muli %select_n3A_30, %mul3A_1105 : i32
        %mul3A_1107 = arith.constant 64 : i32
        %mul3A_1108 = arith.muli %add3A_1104, %mul3A_1107 : i32
        %add3A_1109 = arith.addi %mul3A_1106, %mul3A_1108 : i32
        %broadcast_in_dim3A_1110 = arith.constant 0 : i32
        %broadcast_in_dim3A_1111 = vector.broadcast %broadcast_in_dim3A_1110 : i32 to vector<16xi32>
        %add3A_1112 = arith.constant 0 : i32
        %add3A_1113 = arith.addi %add3A_1109, %add3A_1112 : i32
        %broadcast_in_dim3A_1114 = vector.broadcast %add3A_1113 : i32 to vector<16xi32>
        %add3A_1115 = arith.addi %broadcast_in_dim3A_1114, %iota3A : vector<16xi32>
        %jit3A_1116 = arith.constant 224 : i32
        %div3A_1117 = vector.broadcast %jit3A_1116 : i32 to vector<16xi32>
        %div3A_1118 = arith.divsi %add3A_1115, %div3A_1117 : vector<16xi32>
        %sign3A_1119 = arith.constant 0 : i32
        %sign3A_1120 = vector.broadcast %sign3A_1119 : i32 to vector<16xi32>
        %sign3A_1121 = arith.cmpi sgt, %add3A_1115, %sign3A_1120 : vector<16xi32>
        %sign3A_1122 = arith.extui %sign3A_1121 : vector<16xi1> to vector<16xi32>
        %sign3A_1123 = arith.constant 0 : i32
        %sign3A_1124 = vector.broadcast %sign3A_1123 : i32 to vector<16xi32>
        %sign3A_1125 = arith.cmpi slt, %add3A_1115, %sign3A_1124 : vector<16xi32>
        %sign3A_1126 = arith.extui %sign3A_1125 : vector<16xi1> to vector<16xi32>
        %sign3A_1127 = arith.subi %sign3A_1122, %sign3A_1126 : vector<16xi32>
        %sign3A_1128 = arith.constant 0 : i32
        %sign3A_1129 = arith.cmpi sgt, %jit3A_1116, %sign3A_1128 : i32
        %sign3A_1130 = arith.extui %sign3A_1129 : i1 to i32
        %sign3A_1131 = arith.constant 0 : i32
        %sign3A_1132 = arith.cmpi slt, %jit3A_1116, %sign3A_1131 : i32
        %sign3A_1133 = arith.extui %sign3A_1132 : i1 to i32
        %sign3A_1134 = arith.subi %sign3A_1130, %sign3A_1133 : i32
        %ne3A_1135 = vector.broadcast %sign3A_1134 : i32 to vector<16xi32>
        %ne3A_1136 = arith.cmpi ne, %sign3A_1127, %ne3A_1135 : vector<16xi32>
        %rem3A_1137 = vector.broadcast %jit3A_1116 : i32 to vector<16xi32>
        %rem3A_1138 = arith.remsi %add3A_1115, %rem3A_1137 : vector<16xi32>
        %ne3A_1139 = arith.constant 0 : i32
        %ne3A_1140 = vector.broadcast %ne3A_1139 : i32 to vector<16xi32>
        %ne3A_1141 = arith.cmpi ne, %rem3A_1138, %ne3A_1140 : vector<16xi32>
        %and3A_1142 = arith.andi %ne3A_1136, %ne3A_1141 : vector<16xi1>
        %sub3A_1143 = arith.constant 1 : i32
        %sub3A_1144 = vector.broadcast %sub3A_1143 : i32 to vector<16xi32>
        %sub3A_1145 = arith.subi %div3A_1118, %sub3A_1144 : vector<16xi32>
        %select_n3A_1146 = arith.select %and3A_1142, %sub3A_1145, %div3A_1118 : vector<16xi1>, vector<16xi32>
        %mul3A_1147 = arith.constant 224 : i32
        %mul3A_1148 = vector.broadcast %mul3A_1147 : i32 to vector<16xi32>
        %mul3A_1149 = arith.muli %select_n3A_1146, %mul3A_1148 : vector<16xi32>
        %sub3A_1150 = arith.subi %add3A_1115, %mul3A_1149 : vector<16xi32>
        %convert_element_type3A_1151 = arith.sitofp %sub3A_1150 : vector<16xi32> to vector<16xf32>
        %mul3A_1152 = arith.constant 8.968610e-03 : f32
        %mul3A_1153 = vector.broadcast %mul3A_1152 : f32 to vector<16xf32>
        %mul3A_1154 = arith.mulf %convert_element_type3A_1151, %mul3A_1153 : vector<16xf32>
        %sub3A_1155 = arith.constant 1.000000e+00 : f32
        %sub3A_1156 = vector.broadcast %sub3A_1155 : f32 to vector<16xf32>
        %sub3A_1157 = arith.subf %mul3A_1154, %sub3A_1156 : vector<16xf32>
        %bitcast3A_1158 = vector.bitcast %sub3A_1157 : vector<16xf32> to vector<16xi32>
        %add3A_1159 = arith.constant 32767 : i32
        %add3A_1160 = vector.broadcast %add3A_1159 : i32 to vector<16xi32>
        %add3A_1161 = arith.addi %bitcast3A_1158, %add3A_1160 : vector<16xi32>
        %shift_right_logical3A_1162 = arith.constant 16 : i32
        %shift_right_logical3A_1163 = vector.broadcast %shift_right_logical3A_1162 : i32 to vector<16xi32>
        %shift_right_logical3A_1164 = arith.shrui %bitcast3A_1158, %shift_right_logical3A_1163 : vector<16xi32>
        %and3A_1165 = arith.constant 1 : i32
        %and3A_1166 = vector.broadcast %and3A_1165 : i32 to vector<16xi32>
        %and3A_1167 = arith.andi %shift_right_logical3A_1164, %and3A_1166 : vector<16xi32>
        %add3A_1168 = arith.addi %add3A_1161, %and3A_1167 : vector<16xi32>
        %and3A_1169 = arith.constant -65536 : i32
        %and3A_1170 = vector.broadcast %and3A_1169 : i32 to vector<16xi32>
        %and3A_1171 = arith.andi %add3A_1168, %and3A_1170 : vector<16xi32>
        %bitcast3A_1172 = vector.bitcast %and3A_1171 : vector<16xi32> to vector<16xf32>
        %convert_element_type3A_1173 = arith.sitofp %select_n3A_1146 : vector<16xi32> to vector<16xf32>
        %mul3A_1174 = arith.constant 8.968610e-03 : f32
        %mul3A_1175 = vector.broadcast %mul3A_1174 : f32 to vector<16xf32>
        %mul3A_1176 = arith.mulf %convert_element_type3A_1173, %mul3A_1175 : vector<16xf32>
        %sub3A_1177 = arith.constant 1.000000e+00 : f32
        %sub3A_1178 = vector.broadcast %sub3A_1177 : f32 to vector<16xf32>
        %sub3A_1179 = arith.subf %mul3A_1176, %sub3A_1178 : vector<16xf32>
        %bitcast3A_1180 = vector.bitcast %sub3A_1179 : vector<16xf32> to vector<16xi32>
        %add3A_1181 = arith.constant 32767 : i32
        %add3A_1182 = vector.broadcast %add3A_1181 : i32 to vector<16xi32>
        %add3A_1183 = arith.addi %bitcast3A_1180, %add3A_1182 : vector<16xi32>
        %shift_right_logical3A_1184 = arith.constant 16 : i32
        %shift_right_logical3A_1185 = vector.broadcast %shift_right_logical3A_1184 : i32 to vector<16xi32>
        %shift_right_logical3A_1186 = arith.shrui %bitcast3A_1180, %shift_right_logical3A_1185 : vector<16xi32>
        %and3A_1187 = arith.constant 1 : i32
        %and3A_1188 = vector.broadcast %and3A_1187 : i32 to vector<16xi32>
        %and3A_1189 = arith.andi %shift_right_logical3A_1186, %and3A_1188 : vector<16xi32>
        %add3A_1190 = arith.addi %add3A_1183, %and3A_1189 : vector<16xi32>
        %and3A_1191 = arith.constant -65536 : i32
        %and3A_1192 = vector.broadcast %and3A_1191 : i32 to vector<16xi32>
        %and3A_1193 = arith.andi %add3A_1190, %and3A_1192 : vector<16xi32>
        %bitcast3A_1194 = vector.bitcast %and3A_1193 : vector<16xi32> to vector<16xf32>
        %mul3A_1195 = arith.mulf %bitcast3A_49, %bitcast3A_1172 : vector<16xf32>
        %mul3A_1196 = arith.mulf %bitcast3A_70, %bitcast3A_1194 : vector<16xf32>
        %add3A_1197 = arith.addf %mul3A_1195, %mul3A_1196 : vector<16xf32>
        %add3A_1198 = arith.addf %add3A_1197, %bitcast3A_91 : vector<16xf32>
        %add3A_1199 = arith.constant 1.000000e+00 : f32
        %add3A_1200 = vector.broadcast %add3A_1199 : f32 to vector<16xf32>
        %add3A_1201 = arith.addf %add3A_1198, %add3A_1200 : vector<16xf32>
        %mul3A_1202 = arith.constant 1.120000e+02 : f32
        %mul3A_1203 = vector.broadcast %mul3A_1202 : f32 to vector<16xf32>
        %mul3A_1204 = arith.mulf %add3A_1201, %mul3A_1203 : vector<16xf32>
        %mul3A_1205 = arith.mulf %bitcast3A_112, %bitcast3A_1172 : vector<16xf32>
        %mul3A_1206 = arith.mulf %bitcast3A_133, %bitcast3A_1194 : vector<16xf32>
        %add3A_1207 = arith.addf %mul3A_1205, %mul3A_1206 : vector<16xf32>
        %add3A_1208 = arith.addf %add3A_1207, %bitcast3A_154 : vector<16xf32>
        %add3A_1209 = arith.constant 1.000000e+00 : f32
        %add3A_1210 = vector.broadcast %add3A_1209 : f32 to vector<16xf32>
        %add3A_1211 = arith.addf %add3A_1208, %add3A_1210 : vector<16xf32>
        %mul3A_1212 = arith.constant 1.120000e+02 : f32
        %mul3A_1213 = vector.broadcast %mul3A_1212 : f32 to vector<16xf32>
        %mul3A_1214 = arith.mulf %add3A_1211, %mul3A_1213 : vector<16xf32>
        %convert_element_type3A_1215 = arith.fptosi %mul3A_1204 : vector<16xf32> to vector<16xi32>
        %convert_element_type3A_1216 = arith.sitofp %convert_element_type3A_1215 : vector<16xi32> to vector<16xf32>
        %gt3A_1217 = arith.cmpf ogt, %convert_element_type3A_1216, %mul3A_1204 : vector<16xf32>
        %sub3A_1218 = arith.constant 1 : i32
        %sub3A_1219 = vector.broadcast %sub3A_1218 : i32 to vector<16xi32>
        %sub3A_1220 = arith.subi %convert_element_type3A_1215, %sub3A_1219 : vector<16xi32>
        %select_n3A_1221 = arith.select %gt3A_1217, %sub3A_1220, %convert_element_type3A_1215 : vector<16xi1>, vector<16xi32>
        %convert_element_type3A_1222 = arith.fptosi %mul3A_1214 : vector<16xf32> to vector<16xi32>
        %convert_element_type3A_1223 = arith.sitofp %convert_element_type3A_1222 : vector<16xi32> to vector<16xf32>
        %gt3A_1224 = arith.cmpf ogt, %convert_element_type3A_1223, %mul3A_1214 : vector<16xf32>
        %sub3A_1225 = arith.constant 1 : i32
        %sub3A_1226 = vector.broadcast %sub3A_1225 : i32 to vector<16xi32>
        %sub3A_1227 = arith.subi %convert_element_type3A_1222, %sub3A_1226 : vector<16xi32>
        %select_n3A_1228 = arith.select %gt3A_1224, %sub3A_1227, %convert_element_type3A_1222 : vector<16xi1>, vector<16xi32>
        %jit3A_1229 = arith.constant 0 : i32
        %jit3A_1230 = arith.constant 223 : i32
        %max3A_1231 = vector.broadcast %jit3A_1229 : i32 to vector<16xi32>
        %max3A_1232 = arith.maxsi %max3A_1231, %select_n3A_1221 : vector<16xi32>
        %min3A_1233 = vector.broadcast %jit3A_1230 : i32 to vector<16xi32>
        %min3A_1234 = arith.minsi %min3A_1233, %max3A_1232 : vector<16xi32>
        %add3A_1235 = arith.constant 1 : i32
        %add3A_1236 = vector.broadcast %add3A_1235 : i32 to vector<16xi32>
        %add3A_1237 = arith.addi %select_n3A_1221, %add3A_1236 : vector<16xi32>
        %jit3A_1238 = arith.constant 0 : i32
        %jit3A_1239 = arith.constant 223 : i32
        %max3A_1240 = vector.broadcast %jit3A_1238 : i32 to vector<16xi32>
        %max3A_1241 = arith.maxsi %max3A_1240, %add3A_1237 : vector<16xi32>
        %min3A_1242 = vector.broadcast %jit3A_1239 : i32 to vector<16xi32>
        %min3A_1243 = arith.minsi %min3A_1242, %max3A_1241 : vector<16xi32>
        %jit3A_1244 = arith.constant 0 : i32
        %jit3A_1245 = arith.constant 223 : i32
        %max3A_1246 = vector.broadcast %jit3A_1244 : i32 to vector<16xi32>
        %max3A_1247 = arith.maxsi %max3A_1246, %select_n3A_1228 : vector<16xi32>
        %min3A_1248 = vector.broadcast %jit3A_1245 : i32 to vector<16xi32>
        %min3A_1249 = arith.minsi %min3A_1248, %max3A_1247 : vector<16xi32>
        %add3A_1250 = arith.constant 1 : i32
        %add3A_1251 = vector.broadcast %add3A_1250 : i32 to vector<16xi32>
        %add3A_1252 = arith.addi %select_n3A_1228, %add3A_1251 : vector<16xi32>
        %jit3A_1253 = arith.constant 0 : i32
        %jit3A_1254 = arith.constant 223 : i32
        %max3A_1255 = vector.broadcast %jit3A_1253 : i32 to vector<16xi32>
        %max3A_1256 = arith.maxsi %max3A_1255, %add3A_1252 : vector<16xi32>
        %min3A_1257 = vector.broadcast %jit3A_1254 : i32 to vector<16xi32>
        %min3A_1258 = arith.minsi %min3A_1257, %max3A_1256 : vector<16xi32>
        %convert_element_type3A_1259 = arith.sitofp %min3A_1234 : vector<16xi32> to vector<16xf32>
        %convert_element_type3A_1260 = arith.sitofp %min3A_1243 : vector<16xi32> to vector<16xf32>
        %convert_element_type3A_1261 = arith.sitofp %min3A_1249 : vector<16xi32> to vector<16xf32>
        %convert_element_type3A_1262 = arith.sitofp %min3A_1258 : vector<16xi32> to vector<16xf32>
        %sub3A_1263 = arith.subf %convert_element_type3A_1260, %mul3A_1204 : vector<16xf32>
        %sub3A_1264 = arith.subf %convert_element_type3A_1262, %mul3A_1214 : vector<16xf32>
        %mul3A_1265 = arith.mulf %sub3A_1263, %sub3A_1264 : vector<16xf32>
        %swap3A_1266 = arith.constant 0 : i32
        %swap3A_1267 = arith.index_cast %swap3A_1266 : i32 to index
        %swap3A_1268 = arith.constant 0 : index
        %swap3A_1269 = tpu.vector_load %arg8[%swap3A_1267, %swap3A_1268] {strides = array<i32>} : memref<2x64xf32, #tpu.memory_space<vmem>>, vector<16xf32>,
        tpu.vector_store %arg8[%swap3A_1267, %swap3A_1268], %mul3A_1265 {strides = array<i32>} : memref<2x64xf32, #tpu.memory_space<vmem>>, vector<16xf32>,
        %sub3A_1270 = arith.subf %convert_element_type3A_1260, %mul3A_1204 : vector<16xf32>
        %sub3A_1271 = arith.subf %mul3A_1214, %convert_element_type3A_1261 : vector<16xf32>
        %mul3A_1272 = arith.mulf %sub3A_1270, %sub3A_1271 : vector<16xf32>
        %swap3A_1273 = arith.constant 0 : i32
        %swap3A_1274 = arith.index_cast %swap3A_1273 : i32 to index
        %swap3A_1275 = arith.constant 0 : index
        %swap3A_1276 = tpu.vector_load %arg9[%swap3A_1274, %swap3A_1275] {strides = array<i32>} : memref<2x64xf32, #tpu.memory_space<vmem>>, vector<16xf32>,
        tpu.vector_store %arg9[%swap3A_1274, %swap3A_1275], %mul3A_1272 {strides = array<i32>} : memref<2x64xf32, #tpu.memory_space<vmem>>, vector<16xf32>,
        %sub3A_1277 = arith.subf %mul3A_1204, %convert_element_type3A_1259 : vector<16xf32>
        %sub3A_1278 = arith.subf %convert_element_type3A_1262, %mul3A_1214 : vector<16xf32>
        %mul3A_1279 = arith.mulf %sub3A_1277, %sub3A_1278 : vector<16xf32>
        %swap3A_1280 = arith.constant 0 : i32
        %swap3A_1281 = arith.index_cast %swap3A_1280 : i32 to index
        %swap3A_1282 = arith.constant 0 : index
        %swap3A_1283 = tpu.vector_load %arg10[%swap3A_1281, %swap3A_1282] {strides = array<i32>} : memref<2x64xf32, #tpu.memory_space<vmem>>, vector<16xf32>,
        tpu.vector_store %arg10[%swap3A_1281, %swap3A_1282], %mul3A_1279 {strides = array<i32>} : memref<2x64xf32, #tpu.memory_space<vmem>>, vector<16xf32>,
        %sub3A_1284 = arith.subf %mul3A_1204, %convert_element_type3A_1259 : vector<16xf32>
        %sub3A_1285 = arith.subf %mul3A_1214, %convert_element_type3A_1261 : vector<16xf32>
        %mul3A_1286 = arith.mulf %sub3A_1284, %sub3A_1285 : vector<16xf32>
        %swap3A_1287 = arith.constant 0 : i32
        %swap3A_1288 = arith.index_cast %swap3A_1287 : i32 to index
        %swap3A_1289 = arith.constant 0 : index
        %swap3A_1290 = tpu.vector_load %arg11[%swap3A_1288, %swap3A_1289] {strides = array<i32>} : memref<2x64xf32, #tpu.memory_space<vmem>>, vector<16xf32>,
        tpu.vector_store %arg11[%swap3A_1288, %swap3A_1289], %mul3A_1286 {strides = array<i32>} : memref<2x64xf32, #tpu.memory_space<vmem>>, vector<16xf32>,
        %mul3A_1291 = arith.constant 224 : i32
        %mul3A_1292 = vector.broadcast %mul3A_1291 : i32 to vector<16xi32>
        %mul3A_1293 = arith.muli %min3A_1249, %mul3A_1292 : vector<16xi32>
        %add3A_1294 = vector.broadcast %mul3A_32 : i32 to vector<16xi32>
        %add3A_1295 = arith.addi %add3A_1294, %mul3A_1293 : vector<16xi32>
        %mul3A_1296 = arith.constant 224 : i32
        %mul3A_1297 = vector.broadcast %mul3A_1296 : i32 to vector<16xi32>
        %mul3A_1298 = arith.muli %min3A_1258, %mul3A_1297 : vector<16xi32>
        %add3A_1299 = vector.broadcast %mul3A_32 : i32 to vector<16xi32>
        %add3A_1300 = arith.addi %add3A_1299, %mul3A_1298 : vector<16xi32>
        %add3A_1301 = arith.constant 0 : i32
        %add3A_1302 = vector.broadcast %add3A_1301 : i32 to vector<16xi32>
        %add3A_1303 = arith.addi %iota3A, %add3A_1302 : vector<16xi32>
        %mul3A_1304 = arith.constant 2 : i32
        %mul3A_1305 = vector.broadcast %mul3A_1304 : i32 to vector<16xi32>
        %mul3A_1306 = arith.muli %add3A_1303, %mul3A_1305 : vector<16xi32>
        %add3A_1307 = arith.addi %add3A_1295, %min3A_1234 : vector<16xi32>
        tpu.vector_store_idx %arg6[%broadcast_in_dim3A_1111, %mul3A_1306], %add3A_1307 : memref<2x128xi32, #tpu.memory_space<vmem>>[vector<16xi32>, vector<16xi32>], vector<16xi32>,
        %add3A_1308 = arith.constant 1 : i32
        %add3A_1309 = vector.broadcast %add3A_1308 : i32 to vector<16xi32>
        %add3A_1310 = arith.addi %mul3A_1306, %add3A_1309 : vector<16xi32>
        %add3A_1311 = arith.addi %add3A_1295, %min3A_1243 : vector<16xi32>
        tpu.vector_store_idx %arg6[%broadcast_in_dim3A_1111, %add3A_1310], %add3A_1311 : memref<2x128xi32, #tpu.memory_space<vmem>>[vector<16xi32>, vector<16xi32>], vector<16xi32>,
        %add3A_1312 = arith.addi %add3A_1300, %min3A_1234 : vector<16xi32>
        tpu.vector_store_idx %arg7[%broadcast_in_dim3A_1111, %mul3A_1306], %add3A_1312 : memref<2x128xi32, #tpu.memory_space<vmem>>[vector<16xi32>, vector<16xi32>], vector<16xi32>,
        %add3A_1313 = arith.constant 1 : i32
        %add3A_1314 = vector.broadcast %add3A_1313 : i32 to vector<16xi32>
        %add3A_1315 = arith.addi %mul3A_1306, %add3A_1314 : vector<16xi32>
        %add3A_1316 = arith.addi %add3A_1300, %min3A_1243 : vector<16xi32>
        tpu.vector_store_idx %arg7[%broadcast_in_dim3A_1111, %add3A_1315], %add3A_1316 : memref<2x128xi32, #tpu.memory_space<vmem>>[vector<16xi32>, vector<16xi32>], vector<16xi32>,
        %add3A_1317 = arith.constant 16 : i32
        %add3A_1318 = arith.addi %add3A_1109, %add3A_1317 : i32
        %broadcast_in_dim3A_1319 = vector.broadcast %add3A_1318 : i32 to vector<16xi32>
        %add3A_1320 = arith.addi %broadcast_in_dim3A_1319, %iota3A : vector<16xi32>
        %jit3A_1321 = arith.constant 224 : i32
        %div3A_1322 = vector.broadcast %jit3A_1321 : i32 to vector<16xi32>
        %div3A_1323 = arith.divsi %add3A_1320, %div3A_1322 : vector<16xi32>
        %sign3A_1324 = arith.constant 0 : i32
        %sign3A_1325 = vector.broadcast %sign3A_1324 : i32 to vector<16xi32>
        %sign3A_1326 = arith.cmpi sgt, %add3A_1320, %sign3A_1325 : vector<16xi32>
        %sign3A_1327 = arith.extui %sign3A_1326 : vector<16xi1> to vector<16xi32>
        %sign3A_1328 = arith.constant 0 : i32
        %sign3A_1329 = vector.broadcast %sign3A_1328 : i32 to vector<16xi32>
        %sign3A_1330 = arith.cmpi slt, %add3A_1320, %sign3A_1329 : vector<16xi32>
        %sign3A_1331 = arith.extui %sign3A_1330 : vector<16xi1> to vector<16xi32>
        %sign3A_1332 = arith.subi %sign3A_1327, %sign3A_1331 : vector<16xi32>
        %sign3A_1333 = arith.constant 0 : i32
        %sign3A_1334 = arith.cmpi sgt, %jit3A_1321, %sign3A_1333 : i32
        %sign3A_1335 = arith.extui %sign3A_1334 : i1 to i32
        %sign3A_1336 = arith.constant 0 : i32
        %sign3A_1337 = arith.cmpi slt, %jit3A_1321, %sign3A_1336 : i32
        %sign3A_1338 = arith.extui %sign3A_1337 : i1 to i32
        %sign3A_1339 = arith.subi %sign3A_1335, %sign3A_1338 : i32
        %ne3A_1340 = vector.broadcast %sign3A_1339 : i32 to vector<16xi32>
        %ne3A_1341 = arith.cmpi ne, %sign3A_1332, %ne3A_1340 : vector<16xi32>
        %rem3A_1342 = vector.broadcast %jit3A_1321 : i32 to vector<16xi32>
        %rem3A_1343 = arith.remsi %add3A_1320, %rem3A_1342 : vector<16xi32>
        %ne3A_1344 = arith.constant 0 : i32
        %ne3A_1345 = vector.broadcast %ne3A_1344 : i32 to vector<16xi32>
        %ne3A_1346 = arith.cmpi ne, %rem3A_1343, %ne3A_1345 : vector<16xi32>
        %and3A_1347 = arith.andi %ne3A_1341, %ne3A_1346 : vector<16xi1>
        %sub3A_1348 = arith.constant 1 : i32
        %sub3A_1349 = vector.broadcast %sub3A_1348 : i32 to vector<16xi32>
        %sub3A_1350 = arith.subi %div3A_1323, %sub3A_1349 : vector<16xi32>
        %select_n3A_1351 = arith.select %and3A_1347, %sub3A_1350, %div3A_1323 : vector<16xi1>, vector<16xi32>
        %mul3A_1352 = arith.constant 224 : i32
        %mul3A_1353 = vector.broadcast %mul3A_1352 : i32 to vector<16xi32>
        %mul3A_1354 = arith.muli %select_n3A_1351, %mul3A_1353 : vector<16xi32>
        %sub3A_1355 = arith.subi %add3A_1320, %mul3A_1354 : vector<16xi32>
        %convert_element_type3A_1356 = arith.sitofp %sub3A_1355 : vector<16xi32> to vector<16xf32>
        %mul3A_1357 = arith.constant 8.968610e-03 : f32
        %mul3A_1358 = vector.broadcast %mul3A_1357 : f32 to vector<16xf32>
        %mul3A_1359 = arith.mulf %convert_element_type3A_1356, %mul3A_1358 : vector<16xf32>
        %sub3A_1360 = arith.constant 1.000000e+00 : f32
        %sub3A_1361 = vector.broadcast %sub3A_1360 : f32 to vector<16xf32>
        %sub3A_1362 = arith.subf %mul3A_1359, %sub3A_1361 : vector<16xf32>
        %bitcast3A_1363 = vector.bitcast %sub3A_1362 : vector<16xf32> to vector<16xi32>
        %add3A_1364 = arith.constant 32767 : i32
        %add3A_1365 = vector.broadcast %add3A_1364 : i32 to vector<16xi32>
        %add3A_1366 = arith.addi %bitcast3A_1363, %add3A_1365 : vector<16xi32>
        %shift_right_logical3A_1367 = arith.constant 16 : i32
        %shift_right_logical3A_1368 = vector.broadcast %shift_right_logical3A_1367 : i32 to vector<16xi32>
        %shift_right_logical3A_1369 = arith.shrui %bitcast3A_1363, %shift_right_logical3A_1368 : vector<16xi32>
        %and3A_1370 = arith.constant 1 : i32
        %and3A_1371 = vector.broadcast %and3A_1370 : i32 to vector<16xi32>
        %and3A_1372 = arith.andi %shift_right_logical3A_1369, %and3A_1371 : vector<16xi32>
        %add3A_1373 = arith.addi %add3A_1366, %and3A_1372 : vector<16xi32>
        %and3A_1374 = arith.constant -65536 : i32
        %and3A_1375 = vector.broadcast %and3A_1374 : i32 to vector<16xi32>
        %and3A_1376 = arith.andi %add3A_1373, %and3A_1375 : vector<16xi32>
        %bitcast3A_1377 = vector.bitcast %and3A_1376 : vector<16xi32> to vector<16xf32>
        %convert_element_type3A_1378 = arith.sitofp %select_n3A_1351 : vector<16xi32> to vector<16xf32>
        %mul3A_1379 = arith.constant 8.968610e-03 : f32
        %mul3A_1380 = vector.broadcast %mul3A_1379 : f32 to vector<16xf32>
        %mul3A_1381 = arith.mulf %convert_element_type3A_1378, %mul3A_1380 : vector<16xf32>
        %sub3A_1382 = arith.constant 1.000000e+00 : f32
        %sub3A_1383 = vector.broadcast %sub3A_1382 : f32 to vector<16xf32>
        %sub3A_1384 = arith.subf %mul3A_1381, %sub3A_1383 : vector<16xf32>
        %bitcast3A_1385 = vector.bitcast %sub3A_1384 : vector<16xf32> to vector<16xi32>
        %add3A_1386 = arith.constant 32767 : i32
        %add3A_1387 = vector.broadcast %add3A_1386 : i32 to vector<16xi32>
        %add3A_1388 = arith.addi %bitcast3A_1385, %add3A_1387 : vector<16xi32>
        %shift_right_logical3A_1389 = arith.constant 16 : i32
        %shift_right_logical3A_1390 = vector.broadcast %shift_right_logical3A_1389 : i32 to vector<16xi32>
        %shift_right_logical3A_1391 = arith.shrui %bitcast3A_1385, %shift_right_logical3A_1390 : vector<16xi32>
        %and3A_1392 = arith.constant 1 : i32
        %and3A_1393 = vector.broadcast %and3A_1392 : i32 to vector<16xi32>
        %and3A_1394 = arith.andi %shift_right_logical3A_1391, %and3A_1393 : vector<16xi32>
        %add3A_1395 = arith.addi %add3A_1388, %and3A_1394 : vector<16xi32>
        %and3A_1396 = arith.constant -65536 : i32
        %and3A_1397 = vector.broadcast %and3A_1396 : i32 to vector<16xi32>
        %and3A_1398 = arith.andi %add3A_1395, %and3A_1397 : vector<16xi32>
        %bitcast3A_1399 = vector.bitcast %and3A_1398 : vector<16xi32> to vector<16xf32>
        %mul3A_1400 = arith.mulf %bitcast3A_49, %bitcast3A_1377 : vector<16xf32>
        %mul3A_1401 = arith.mulf %bitcast3A_70, %bitcast3A_1399 : vector<16xf32>
        %add3A_1402 = arith.addf %mul3A_1400, %mul3A_1401 : vector<16xf32>
        %add3A_1403 = arith.addf %add3A_1402, %bitcast3A_91 : vector<16xf32>
        %add3A_1404 = arith.constant 1.000000e+00 : f32
        %add3A_1405 = vector.broadcast %add3A_1404 : f32 to vector<16xf32>
        %add3A_1406 = arith.addf %add3A_1403, %add3A_1405 : vector<16xf32>
        %mul3A_1407 = arith.constant 1.120000e+02 : f32
        %mul3A_1408 = vector.broadcast %mul3A_1407 : f32 to vector<16xf32>
        %mul3A_1409 = arith.mulf %add3A_1406, %mul3A_1408 : vector<16xf32>
        %mul3A_1410 = arith.mulf %bitcast3A_112, %bitcast3A_1377 : vector<16xf32>
        %mul3A_1411 = arith.mulf %bitcast3A_133, %bitcast3A_1399 : vector<16xf32>
        %add3A_1412 = arith.addf %mul3A_1410, %mul3A_1411 : vector<16xf32>
        %add3A_1413 = arith.addf %add3A_1412, %bitcast3A_154 : vector<16xf32>
        %add3A_1414 = arith.constant 1.000000e+00 : f32
        %add3A_1415 = vector.broadcast %add3A_1414 : f32 to vector<16xf32>
        %add3A_1416 = arith.addf %add3A_1413, %add3A_1415 : vector<16xf32>
        %mul3A_1417 = arith.constant 1.120000e+02 : f32
        %mul3A_1418 = vector.broadcast %mul3A_1417 : f32 to vector<16xf32>
        %mul3A_1419 = arith.mulf %add3A_1416, %mul3A_1418 : vector<16xf32>
        %convert_element_type3A_1420 = arith.fptosi %mul3A_1409 : vector<16xf32> to vector<16xi32>
        %convert_element_type3A_1421 = arith.sitofp %convert_element_type3A_1420 : vector<16xi32> to vector<16xf32>
        %gt3A_1422 = arith.cmpf ogt, %convert_element_type3A_1421, %mul3A_1409 : vector<16xf32>
        %sub3A_1423 = arith.constant 1 : i32
        %sub3A_1424 = vector.broadcast %sub3A_1423 : i32 to vector<16xi32>
        %sub3A_1425 = arith.subi %convert_element_type3A_1420, %sub3A_1424 : vector<16xi32>
        %select_n3A_1426 = arith.select %gt3A_1422, %sub3A_1425, %convert_element_type3A_1420 : vector<16xi1>, vector<16xi32>
        %convert_element_type3A_1427 = arith.fptosi %mul3A_1419 : vector<16xf32> to vector<16xi32>
        %convert_element_type3A_1428 = arith.sitofp %convert_element_type3A_1427 : vector<16xi32> to vector<16xf32>
        %gt3A_1429 = arith.cmpf ogt, %convert_element_type3A_1428, %mul3A_1419 : vector<16xf32>
        %sub3A_1430 = arith.constant 1 : i32
        %sub3A_1431 = vector.broadcast %sub3A_1430 : i32 to vector<16xi32>
        %sub3A_1432 = arith.subi %convert_element_type3A_1427, %sub3A_1431 : vector<16xi32>
        %select_n3A_1433 = arith.select %gt3A_1429, %sub3A_1432, %convert_element_type3A_1427 : vector<16xi1>, vector<16xi32>
        %jit3A_1434 = arith.constant 0 : i32
        %jit3A_1435 = arith.constant 223 : i32
        %max3A_1436 = vector.broadcast %jit3A_1434 : i32 to vector<16xi32>
        %max3A_1437 = arith.maxsi %max3A_1436, %select_n3A_1426 : vector<16xi32>
        %min3A_1438 = vector.broadcast %jit3A_1435 : i32 to vector<16xi32>
        %min3A_1439 = arith.minsi %min3A_1438, %max3A_1437 : vector<16xi32>
        %add3A_1440 = arith.constant 1 : i32
        %add3A_1441 = vector.broadcast %add3A_1440 : i32 to vector<16xi32>
        %add3A_1442 = arith.addi %select_n3A_1426, %add3A_1441 : vector<16xi32>
        %jit3A_1443 = arith.constant 0 : i32
        %jit3A_1444 = arith.constant 223 : i32
        %max3A_1445 = vector.broadcast %jit3A_1443 : i32 to vector<16xi32>
        %max3A_1446 = arith.maxsi %max3A_1445, %add3A_1442 : vector<16xi32>
        %min3A_1447 = vector.broadcast %jit3A_1444 : i32 to vector<16xi32>
        %min3A_1448 = arith.minsi %min3A_1447, %max3A_1446 : vector<16xi32>
        %jit3A_1449 = arith.constant 0 : i32
        %jit3A_1450 = arith.constant 223 : i32
        %max3A_1451 = vector.broadcast %jit3A_1449 : i32 to vector<16xi32>
        %max3A_1452 = arith.maxsi %max3A_1451, %select_n3A_1433 : vector<16xi32>
        %min3A_1453 = vector.broadcast %jit3A_1450 : i32 to vector<16xi32>
        %min3A_1454 = arith.minsi %min3A_1453, %max3A_1452 : vector<16xi32>
        %add3A_1455 = arith.constant 1 : i32
        %add3A_1456 = vector.broadcast %add3A_1455 : i32 to vector<16xi32>
        %add3A_1457 = arith.addi %select_n3A_1433, %add3A_1456 : vector<16xi32>
        %jit3A_1458 = arith.constant 0 : i32
        %jit3A_1459 = arith.constant 223 : i32
        %max3A_1460 = vector.broadcast %jit3A_1458 : i32 to vector<16xi32>
        %max3A_1461 = arith.maxsi %max3A_1460, %add3A_1457 : vector<16xi32>
        %min3A_1462 = vector.broadcast %jit3A_1459 : i32 to vector<16xi32>
        %min3A_1463 = arith.minsi %min3A_1462, %max3A_1461 : vector<16xi32>
        %convert_element_type3A_1464 = arith.sitofp %min3A_1439 : vector<16xi32> to vector<16xf32>
        %convert_element_type3A_1465 = arith.sitofp %min3A_1448 : vector<16xi32> to vector<16xf32>
        %convert_element_type3A_1466 = arith.sitofp %min3A_1454 : vector<16xi32> to vector<16xf32>
        %convert_element_type3A_1467 = arith.sitofp %min3A_1463 : vector<16xi32> to vector<16xf32>
        %sub3A_1468 = arith.subf %convert_element_type3A_1465, %mul3A_1409 : vector<16xf32>
        %sub3A_1469 = arith.subf %convert_element_type3A_1467, %mul3A_1419 : vector<16xf32>
        %mul3A_1470 = arith.mulf %sub3A_1468, %sub3A_1469 : vector<16xf32>
        %swap3A_1471 = arith.constant 0 : i32
        %swap3A_1472 = arith.index_cast %swap3A_1471 : i32 to index
        %swap3A_1473 = arith.constant 16 : index
        %swap3A_1474 = tpu.vector_load %arg8[%swap3A_1472, %swap3A_1473] {strides = array<i32>} : memref<2x64xf32, #tpu.memory_space<vmem>>, vector<16xf32>,
        tpu.vector_store %arg8[%swap3A_1472, %swap3A_1473], %mul3A_1470 {strides = array<i32>} : memref<2x64xf32, #tpu.memory_space<vmem>>, vector<16xf32>,
        %sub3A_1475 = arith.subf %convert_element_type3A_1465, %mul3A_1409 : vector<16xf32>
        %sub3A_1476 = arith.subf %mul3A_1419, %convert_element_type3A_1466 : vector<16xf32>
        %mul3A_1477 = arith.mulf %sub3A_1475, %sub3A_1476 : vector<16xf32>
        %swap3A_1478 = arith.constant 0 : i32
        %swap3A_1479 = arith.index_cast %swap3A_1478 : i32 to index
        %swap3A_1480 = arith.constant 16 : index
        %swap3A_1481 = tpu.vector_load %arg9[%swap3A_1479, %swap3A_1480] {strides = array<i32>} : memref<2x64xf32, #tpu.memory_space<vmem>>, vector<16xf32>,
        tpu.vector_store %arg9[%swap3A_1479, %swap3A_1480], %mul3A_1477 {strides = array<i32>} : memref<2x64xf32, #tpu.memory_space<vmem>>, vector<16xf32>,
        %sub3A_1482 = arith.subf %mul3A_1409, %convert_element_type3A_1464 : vector<16xf32>
        %sub3A_1483 = arith.subf %convert_element_type3A_1467, %mul3A_1419 : vector<16xf32>
        %mul3A_1484 = arith.mulf %sub3A_1482, %sub3A_1483 : vector<16xf32>
        %swap3A_1485 = arith.constant 0 : i32
        %swap3A_1486 = arith.index_cast %swap3A_1485 : i32 to index
        %swap3A_1487 = arith.constant 16 : index
        %swap3A_1488 = tpu.vector_load %arg10[%swap3A_1486, %swap3A_1487] {strides = array<i32>} : memref<2x64xf32, #tpu.memory_space<vmem>>, vector<16xf32>,
        tpu.vector_store %arg10[%swap3A_1486, %swap3A_1487], %mul3A_1484 {strides = array<i32>} : memref<2x64xf32, #tpu.memory_space<vmem>>, vector<16xf32>,
        %sub3A_1489 = arith.subf %mul3A_1409, %convert_element_type3A_1464 : vector<16xf32>
        %sub3A_1490 = arith.subf %mul3A_1419, %convert_element_type3A_1466 : vector<16xf32>
        %mul3A_1491 = arith.mulf %sub3A_1489, %sub3A_1490 : vector<16xf32>
        %swap3A_1492 = arith.constant 0 : i32
        %swap3A_1493 = arith.index_cast %swap3A_1492 : i32 to index
        %swap3A_1494 = arith.constant 16 : index
        %swap3A_1495 = tpu.vector_load %arg11[%swap3A_1493, %swap3A_1494] {strides = array<i32>} : memref<2x64xf32, #tpu.memory_space<vmem>>, vector<16xf32>,
        tpu.vector_store %arg11[%swap3A_1493, %swap3A_1494], %mul3A_1491 {strides = array<i32>} : memref<2x64xf32, #tpu.memory_space<vmem>>, vector<16xf32>,
        %mul3A_1496 = arith.constant 224 : i32
        %mul3A_1497 = vector.broadcast %mul3A_1496 : i32 to vector<16xi32>
        %mul3A_1498 = arith.muli %min3A_1454, %mul3A_1497 : vector<16xi32>
        %add3A_1499 = vector.broadcast %mul3A_32 : i32 to vector<16xi32>
        %add3A_1500 = arith.addi %add3A_1499, %mul3A_1498 : vector<16xi32>
        %mul3A_1501 = arith.constant 224 : i32
        %mul3A_1502 = vector.broadcast %mul3A_1501 : i32 to vector<16xi32>
        %mul3A_1503 = arith.muli %min3A_1463, %mul3A_1502 : vector<16xi32>
        %add3A_1504 = vector.broadcast %mul3A_32 : i32 to vector<16xi32>
        %add3A_1505 = arith.addi %add3A_1504, %mul3A_1503 : vector<16xi32>
        %add3A_1506 = arith.constant 16 : i32
        %add3A_1507 = vector.broadcast %add3A_1506 : i32 to vector<16xi32>
        %add3A_1508 = arith.addi %iota3A, %add3A_1507 : vector<16xi32>
        %mul3A_1509 = arith.constant 2 : i32
        %mul3A_1510 = vector.broadcast %mul3A_1509 : i32 to vector<16xi32>
        %mul3A_1511 = arith.muli %add3A_1508, %mul3A_1510 : vector<16xi32>
        %add3A_1512 = arith.addi %add3A_1500, %min3A_1439 : vector<16xi32>
        tpu.vector_store_idx %arg6[%broadcast_in_dim3A_1111, %mul3A_1511], %add3A_1512 : memref<2x128xi32, #tpu.memory_space<vmem>>[vector<16xi32>, vector<16xi32>], vector<16xi32>,
        %add3A_1513 = arith.constant 1 : i32
        %add3A_1514 = vector.broadcast %add3A_1513 : i32 to vector<16xi32>
        %add3A_1515 = arith.addi %mul3A_1511, %add3A_1514 : vector<16xi32>
        %add3A_1516 = arith.addi %add3A_1500, %min3A_1448 : vector<16xi32>
        tpu.vector_store_idx %arg6[%broadcast_in_dim3A_1111, %add3A_1515], %add3A_1516 : memref<2x128xi32, #tpu.memory_space<vmem>>[vector<16xi32>, vector<16xi32>], vector<16xi32>,
        %add3A_1517 = arith.addi %add3A_1505, %min3A_1439 : vector<16xi32>
        tpu.vector_store_idx %arg7[%broadcast_in_dim3A_1111, %mul3A_1511], %add3A_1517 : memref<2x128xi32, #tpu.memory_space<vmem>>[vector<16xi32>, vector<16xi32>], vector<16xi32>,
        %add3A_1518 = arith.constant 1 : i32
        %add3A_1519 = vector.broadcast %add3A_1518 : i32 to vector<16xi32>
        %add3A_1520 = arith.addi %mul3A_1511, %add3A_1519 : vector<16xi32>
        %add3A_1521 = arith.addi %add3A_1505, %min3A_1448 : vector<16xi32>
        tpu.vector_store_idx %arg7[%broadcast_in_dim3A_1111, %add3A_1520], %add3A_1521 : memref<2x128xi32, #tpu.memory_space<vmem>>[vector<16xi32>, vector<16xi32>], vector<16xi32>,
        %add3A_1522 = arith.constant 32 : i32
        %add3A_1523 = arith.addi %add3A_1109, %add3A_1522 : i32
        %broadcast_in_dim3A_1524 = vector.broadcast %add3A_1523 : i32 to vector<16xi32>
        %add3A_1525 = arith.addi %broadcast_in_dim3A_1524, %iota3A : vector<16xi32>
        %jit3A_1526 = arith.constant 224 : i32
        %div3A_1527 = vector.broadcast %jit3A_1526 : i32 to vector<16xi32>
        %div3A_1528 = arith.divsi %add3A_1525, %div3A_1527 : vector<16xi32>
        %sign3A_1529 = arith.constant 0 : i32
        %sign3A_1530 = vector.broadcast %sign3A_1529 : i32 to vector<16xi32>
        %sign3A_1531 = arith.cmpi sgt, %add3A_1525, %sign3A_1530 : vector<16xi32>
        %sign3A_1532 = arith.extui %sign3A_1531 : vector<16xi1> to vector<16xi32>
        %sign3A_1533 = arith.constant 0 : i32
        %sign3A_1534 = vector.broadcast %sign3A_1533 : i32 to vector<16xi32>
        %sign3A_1535 = arith.cmpi slt, %add3A_1525, %sign3A_1534 : vector<16xi32>
        %sign3A_1536 = arith.extui %sign3A_1535 : vector<16xi1> to vector<16xi32>
        %sign3A_1537 = arith.subi %sign3A_1532, %sign3A_1536 : vector<16xi32>
        %sign3A_1538 = arith.constant 0 : i32
        %sign3A_1539 = arith.cmpi sgt, %jit3A_1526, %sign3A_1538 : i32
        %sign3A_1540 = arith.extui %sign3A_1539 : i1 to i32
        %sign3A_1541 = arith.constant 0 : i32
        %sign3A_1542 = arith.cmpi slt, %jit3A_1526, %sign3A_1541 : i32
        %sign3A_1543 = arith.extui %sign3A_1542 : i1 to i32
        %sign3A_1544 = arith.subi %sign3A_1540, %sign3A_1543 : i32
        %ne3A_1545 = vector.broadcast %sign3A_1544 : i32 to vector<16xi32>
        %ne3A_1546 = arith.cmpi ne, %sign3A_1537, %ne3A_1545 : vector<16xi32>
        %rem3A_1547 = vector.broadcast %jit3A_1526 : i32 to vector<16xi32>
        %rem3A_1548 = arith.remsi %add3A_1525, %rem3A_1547 : vector<16xi32>
        %ne3A_1549 = arith.constant 0 : i32
        %ne3A_1550 = vector.broadcast %ne3A_1549 : i32 to vector<16xi32>
        %ne3A_1551 = arith.cmpi ne, %rem3A_1548, %ne3A_1550 : vector<16xi32>
        %and3A_1552 = arith.andi %ne3A_1546, %ne3A_1551 : vector<16xi1>
        %sub3A_1553 = arith.constant 1 : i32
        %sub3A_1554 = vector.broadcast %sub3A_1553 : i32 to vector<16xi32>
        %sub3A_1555 = arith.subi %div3A_1528, %sub3A_1554 : vector<16xi32>
        %select_n3A_1556 = arith.select %and3A_1552, %sub3A_1555, %div3A_1528 : vector<16xi1>, vector<16xi32>
        %mul3A_1557 = arith.constant 224 : i32
        %mul3A_1558 = vector.broadcast %mul3A_1557 : i32 to vector<16xi32>
        %mul3A_1559 = arith.muli %select_n3A_1556, %mul3A_1558 : vector<16xi32>
        %sub3A_1560 = arith.subi %add3A_1525, %mul3A_1559 : vector<16xi32>
        %convert_element_type3A_1561 = arith.sitofp %sub3A_1560 : vector<16xi32> to vector<16xf32>
        %mul3A_1562 = arith.constant 8.968610e-03 : f32
        %mul3A_1563 = vector.broadcast %mul3A_1562 : f32 to vector<16xf32>
        %mul3A_1564 = arith.mulf %convert_element_type3A_1561, %mul3A_1563 : vector<16xf32>
        %sub3A_1565 = arith.constant 1.000000e+00 : f32
        %sub3A_1566 = vector.broadcast %sub3A_1565 : f32 to vector<16xf32>
        %sub3A_1567 = arith.subf %mul3A_1564, %sub3A_1566 : vector<16xf32>
        %bitcast3A_1568 = vector.bitcast %sub3A_1567 : vector<16xf32> to vector<16xi32>
        %add3A_1569 = arith.constant 32767 : i32
        %add3A_1570 = vector.broadcast %add3A_1569 : i32 to vector<16xi32>
        %add3A_1571 = arith.addi %bitcast3A_1568, %add3A_1570 : vector<16xi32>
        %shift_right_logical3A_1572 = arith.constant 16 : i32
        %shift_right_logical3A_1573 = vector.broadcast %shift_right_logical3A_1572 : i32 to vector<16xi32>
        %shift_right_logical3A_1574 = arith.shrui %bitcast3A_1568, %shift_right_logical3A_1573 : vector<16xi32>
        %and3A_1575 = arith.constant 1 : i32
        %and3A_1576 = vector.broadcast %and3A_1575 : i32 to vector<16xi32>
        %and3A_1577 = arith.andi %shift_right_logical3A_1574, %and3A_1576 : vector<16xi32>
        %add3A_1578 = arith.addi %add3A_1571, %and3A_1577 : vector<16xi32>
        %and3A_1579 = arith.constant -65536 : i32
        %and3A_1580 = vector.broadcast %and3A_1579 : i32 to vector<16xi32>
        %and3A_1581 = arith.andi %add3A_1578, %and3A_1580 : vector<16xi32>
        %bitcast3A_1582 = vector.bitcast %and3A_1581 : vector<16xi32> to vector<16xf32>
        %convert_element_type3A_1583 = arith.sitofp %select_n3A_1556 : vector<16xi32> to vector<16xf32>
        %mul3A_1584 = arith.constant 8.968610e-03 : f32
        %mul3A_1585 = vector.broadcast %mul3A_1584 : f32 to vector<16xf32>
        %mul3A_1586 = arith.mulf %convert_element_type3A_1583, %mul3A_1585 : vector<16xf32>
        %sub3A_1587 = arith.constant 1.000000e+00 : f32
        %sub3A_1588 = vector.broadcast %sub3A_1587 : f32 to vector<16xf32>
        %sub3A_1589 = arith.subf %mul3A_1586, %sub3A_1588 : vector<16xf32>
        %bitcast3A_1590 = vector.bitcast %sub3A_1589 : vector<16xf32> to vector<16xi32>
        %add3A_1591 = arith.constant 32767 : i32
        %add3A_1592 = vector.broadcast %add3A_1591 : i32 to vector<16xi32>
        %add3A_1593 = arith.addi %bitcast3A_1590, %add3A_1592 : vector<16xi32>
        %shift_right_logical3A_1594 = arith.constant 16 : i32
        %shift_right_logical3A_1595 = vector.broadcast %shift_right_logical3A_1594 : i32 to vector<16xi32>
        %shift_right_logical3A_1596 = arith.shrui %bitcast3A_1590, %shift_right_logical3A_1595 : vector<16xi32>
        %and3A_1597 = arith.constant 1 : i32
        %and3A_1598 = vector.broadcast %and3A_1597 : i32 to vector<16xi32>
        %and3A_1599 = arith.andi %shift_right_logical3A_1596, %and3A_1598 : vector<16xi32>
        %add3A_1600 = arith.addi %add3A_1593, %and3A_1599 : vector<16xi32>
        %and3A_1601 = arith.constant -65536 : i32
        %and3A_1602 = vector.broadcast %and3A_1601 : i32 to vector<16xi32>
        %and3A_1603 = arith.andi %add3A_1600, %and3A_1602 : vector<16xi32>
        %bitcast3A_1604 = vector.bitcast %and3A_1603 : vector<16xi32> to vector<16xf32>
        %mul3A_1605 = arith.mulf %bitcast3A_49, %bitcast3A_1582 : vector<16xf32>
        %mul3A_1606 = arith.mulf %bitcast3A_70, %bitcast3A_1604 : vector<16xf32>
        %add3A_1607 = arith.addf %mul3A_1605, %mul3A_1606 : vector<16xf32>
        %add3A_1608 = arith.addf %add3A_1607, %bitcast3A_91 : vector<16xf32>
        %add3A_1609 = arith.constant 1.000000e+00 : f32
        %add3A_1610 = vector.broadcast %add3A_1609 : f32 to vector<16xf32>
        %add3A_1611 = arith.addf %add3A_1608, %add3A_1610 : vector<16xf32>
        %mul3A_1612 = arith.constant 1.120000e+02 : f32
        %mul3A_1613 = vector.broadcast %mul3A_1612 : f32 to vector<16xf32>
        %mul3A_1614 = arith.mulf %add3A_1611, %mul3A_1613 : vector<16xf32>
        %mul3A_1615 = arith.mulf %bitcast3A_112, %bitcast3A_1582 : vector<16xf32>
        %mul3A_1616 = arith.mulf %bitcast3A_133, %bitcast3A_1604 : vector<16xf32>
        %add3A_1617 = arith.addf %mul3A_1615, %mul3A_1616 : vector<16xf32>
        %add3A_1618 = arith.addf %add3A_1617, %bitcast3A_154 : vector<16xf32>
        %add3A_1619 = arith.constant 1.000000e+00 : f32
        %add3A_1620 = vector.broadcast %add3A_1619 : f32 to vector<16xf32>
        %add3A_1621 = arith.addf %add3A_1618, %add3A_1620 : vector<16xf32>
        %mul3A_1622 = arith.constant 1.120000e+02 : f32
        %mul3A_1623 = vector.broadcast %mul3A_1622 : f32 to vector<16xf32>
        %mul3A_1624 = arith.mulf %add3A_1621, %mul3A_1623 : vector<16xf32>
        %convert_element_type3A_1625 = arith.fptosi %mul3A_1614 : vector<16xf32> to vector<16xi32>
        %convert_element_type3A_1626 = arith.sitofp %convert_element_type3A_1625 : vector<16xi32> to vector<16xf32>
        %gt3A_1627 = arith.cmpf ogt, %convert_element_type3A_1626, %mul3A_1614 : vector<16xf32>
        %sub3A_1628 = arith.constant 1 : i32
        %sub3A_1629 = vector.broadcast %sub3A_1628 : i32 to vector<16xi32>
        %sub3A_1630 = arith.subi %convert_element_type3A_1625, %sub3A_1629 : vector<16xi32>
        %select_n3A_1631 = arith.select %gt3A_1627, %sub3A_1630, %convert_element_type3A_1625 : vector<16xi1>, vector<16xi32>
        %convert_element_type3A_1632 = arith.fptosi %mul3A_1624 : vector<16xf32> to vector<16xi32>
        %convert_element_type3A_1633 = arith.sitofp %convert_element_type3A_1632 : vector<16xi32> to vector<16xf32>
        %gt3A_1634 = arith.cmpf ogt, %convert_element_type3A_1633, %mul3A_1624 : vector<16xf32>
        %sub3A_1635 = arith.constant 1 : i32
        %sub3A_1636 = vector.broadcast %sub3A_1635 : i32 to vector<16xi32>
        %sub3A_1637 = arith.subi %convert_element_type3A_1632, %sub3A_1636 : vector<16xi32>
        %select_n3A_1638 = arith.select %gt3A_1634, %sub3A_1637, %convert_element_type3A_1632 : vector<16xi1>, vector<16xi32>
        %jit3A_1639 = arith.constant 0 : i32
        %jit3A_1640 = arith.constant 223 : i32
        %max3A_1641 = vector.broadcast %jit3A_1639 : i32 to vector<16xi32>
        %max3A_1642 = arith.maxsi %max3A_1641, %select_n3A_1631 : vector<16xi32>
        %min3A_1643 = vector.broadcast %jit3A_1640 : i32 to vector<16xi32>
        %min3A_1644 = arith.minsi %min3A_1643, %max3A_1642 : vector<16xi32>
        %add3A_1645 = arith.constant 1 : i32
        %add3A_1646 = vector.broadcast %add3A_1645 : i32 to vector<16xi32>
        %add3A_1647 = arith.addi %select_n3A_1631, %add3A_1646 : vector<16xi32>
        %jit3A_1648 = arith.constant 0 : i32
        %jit3A_1649 = arith.constant 223 : i32
        %max3A_1650 = vector.broadcast %jit3A_1648 : i32 to vector<16xi32>
        %max3A_1651 = arith.maxsi %max3A_1650, %add3A_1647 : vector<16xi32>
        %min3A_1652 = vector.broadcast %jit3A_1649 : i32 to vector<16xi32>
        %min3A_1653 = arith.minsi %min3A_1652, %max3A_1651 : vector<16xi32>
        %jit3A_1654 = arith.constant 0 : i32
        %jit3A_1655 = arith.constant 223 : i32
        %max3A_1656 = vector.broadcast %jit3A_1654 : i32 to vector<16xi32>
        %max3A_1657 = arith.maxsi %max3A_1656, %select_n3A_1638 : vector<16xi32>
        %min3A_1658 = vector.broadcast %jit3A_1655 : i32 to vector<16xi32>
        %min3A_1659 = arith.minsi %min3A_1658, %max3A_1657 : vector<16xi32>
        %add3A_1660 = arith.constant 1 : i32
        %add3A_1661 = vector.broadcast %add3A_1660 : i32 to vector<16xi32>
        %add3A_1662 = arith.addi %select_n3A_1638, %add3A_1661 : vector<16xi32>
        %jit3A_1663 = arith.constant 0 : i32
        %jit3A_1664 = arith.constant 223 : i32
        %max3A_1665 = vector.broadcast %jit3A_1663 : i32 to vector<16xi32>
        %max3A_1666 = arith.maxsi %max3A_1665, %add3A_1662 : vector<16xi32>
        %min3A_1667 = vector.broadcast %jit3A_1664 : i32 to vector<16xi32>
        %min3A_1668 = arith.minsi %min3A_1667, %max3A_1666 : vector<16xi32>
        %convert_element_type3A_1669 = arith.sitofp %min3A_1644 : vector<16xi32> to vector<16xf32>
        %convert_element_type3A_1670 = arith.sitofp %min3A_1653 : vector<16xi32> to vector<16xf32>
        %convert_element_type3A_1671 = arith.sitofp %min3A_1659 : vector<16xi32> to vector<16xf32>
        %convert_element_type3A_1672 = arith.sitofp %min3A_1668 : vector<16xi32> to vector<16xf32>
        %sub3A_1673 = arith.subf %convert_element_type3A_1670, %mul3A_1614 : vector<16xf32>
        %sub3A_1674 = arith.subf %convert_element_type3A_1672, %mul3A_1624 : vector<16xf32>
        %mul3A_1675 = arith.mulf %sub3A_1673, %sub3A_1674 : vector<16xf32>
        %swap3A_1676 = arith.constant 0 : i32
        %swap3A_1677 = arith.index_cast %swap3A_1676 : i32 to index
        %swap3A_1678 = arith.constant 32 : index
        %swap3A_1679 = tpu.vector_load %arg8[%swap3A_1677, %swap3A_1678] {strides = array<i32>} : memref<2x64xf32, #tpu.memory_space<vmem>>, vector<16xf32>,
        tpu.vector_store %arg8[%swap3A_1677, %swap3A_1678], %mul3A_1675 {strides = array<i32>} : memref<2x64xf32, #tpu.memory_space<vmem>>, vector<16xf32>,
        %sub3A_1680 = arith.subf %convert_element_type3A_1670, %mul3A_1614 : vector<16xf32>
        %sub3A_1681 = arith.subf %mul3A_1624, %convert_element_type3A_1671 : vector<16xf32>
        %mul3A_1682 = arith.mulf %sub3A_1680, %sub3A_1681 : vector<16xf32>
        %swap3A_1683 = arith.constant 0 : i32
        %swap3A_1684 = arith.index_cast %swap3A_1683 : i32 to index
        %swap3A_1685 = arith.constant 32 : index
        %swap3A_1686 = tpu.vector_load %arg9[%swap3A_1684, %swap3A_1685] {strides = array<i32>} : memref<2x64xf32, #tpu.memory_space<vmem>>, vector<16xf32>,
        tpu.vector_store %arg9[%swap3A_1684, %swap3A_1685], %mul3A_1682 {strides = array<i32>} : memref<2x64xf32, #tpu.memory_space<vmem>>, vector<16xf32>,
        %sub3A_1687 = arith.subf %mul3A_1614, %convert_element_type3A_1669 : vector<16xf32>
        %sub3A_1688 = arith.subf %convert_element_type3A_1672, %mul3A_1624 : vector<16xf32>
        %mul3A_1689 = arith.mulf %sub3A_1687, %sub3A_1688 : vector<16xf32>
        %swap3A_1690 = arith.constant 0 : i32
        %swap3A_1691 = arith.index_cast %swap3A_1690 : i32 to index
        %swap3A_1692 = arith.constant 32 : index
        %swap3A_1693 = tpu.vector_load %arg10[%swap3A_1691, %swap3A_1692] {strides = array<i32>} : memref<2x64xf32, #tpu.memory_space<vmem>>, vector<16xf32>,
        tpu.vector_store %arg10[%swap3A_1691, %swap3A_1692], %mul3A_1689 {strides = array<i32>} : memref<2x64xf32, #tpu.memory_space<vmem>>, vector<16xf32>,
        %sub3A_1694 = arith.subf %mul3A_1614, %convert_element_type3A_1669 : vector<16xf32>
        %sub3A_1695 = arith.subf %mul3A_1624, %convert_element_type3A_1671 : vector<16xf32>
        %mul3A_1696 = arith.mulf %sub3A_1694, %sub3A_1695 : vector<16xf32>
        %swap3A_1697 = arith.constant 0 : i32
        %swap3A_1698 = arith.index_cast %swap3A_1697 : i32 to index
        %swap3A_1699 = arith.constant 32 : index
        %swap3A_1700 = tpu.vector_load %arg11[%swap3A_1698, %swap3A_1699] {strides = array<i32>} : memref<2x64xf32, #tpu.memory_space<vmem>>, vector<16xf32>,
        tpu.vector_store %arg11[%swap3A_1698, %swap3A_1699], %mul3A_1696 {strides = array<i32>} : memref<2x64xf32, #tpu.memory_space<vmem>>, vector<16xf32>,
        %mul3A_1701 = arith.constant 224 : i32
        %mul3A_1702 = vector.broadcast %mul3A_1701 : i32 to vector<16xi32>
        %mul3A_1703 = arith.muli %min3A_1659, %mul3A_1702 : vector<16xi32>
        %add3A_1704 = vector.broadcast %mul3A_32 : i32 to vector<16xi32>
        %add3A_1705 = arith.addi %add3A_1704, %mul3A_1703 : vector<16xi32>
        %mul3A_1706 = arith.constant 224 : i32
        %mul3A_1707 = vector.broadcast %mul3A_1706 : i32 to vector<16xi32>
        %mul3A_1708 = arith.muli %min3A_1668, %mul3A_1707 : vector<16xi32>
        %add3A_1709 = vector.broadcast %mul3A_32 : i32 to vector<16xi32>
        %add3A_1710 = arith.addi %add3A_1709, %mul3A_1708 : vector<16xi32>
        %add3A_1711 = arith.constant 32 : i32
        %add3A_1712 = vector.broadcast %add3A_1711 : i32 to vector<16xi32>
        %add3A_1713 = arith.addi %iota3A, %add3A_1712 : vector<16xi32>
        %mul3A_1714 = arith.constant 2 : i32
        %mul3A_1715 = vector.broadcast %mul3A_1714 : i32 to vector<16xi32>
        %mul3A_1716 = arith.muli %add3A_1713, %mul3A_1715 : vector<16xi32>
        %add3A_1717 = arith.addi %add3A_1705, %min3A_1644 : vector<16xi32>
        tpu.vector_store_idx %arg6[%broadcast_in_dim3A_1111, %mul3A_1716], %add3A_1717 : memref<2x128xi32, #tpu.memory_space<vmem>>[vector<16xi32>, vector<16xi32>], vector<16xi32>,
        %add3A_1718 = arith.constant 1 : i32
        %add3A_1719 = vector.broadcast %add3A_1718 : i32 to vector<16xi32>
        %add3A_1720 = arith.addi %mul3A_1716, %add3A_1719 : vector<16xi32>
        %add3A_1721 = arith.addi %add3A_1705, %min3A_1653 : vector<16xi32>
        tpu.vector_store_idx %arg6[%broadcast_in_dim3A_1111, %add3A_1720], %add3A_1721 : memref<2x128xi32, #tpu.memory_space<vmem>>[vector<16xi32>, vector<16xi32>], vector<16xi32>,
        %add3A_1722 = arith.addi %add3A_1710, %min3A_1644 : vector<16xi32>
        tpu.vector_store_idx %arg7[%broadcast_in_dim3A_1111, %mul3A_1716], %add3A_1722 : memref<2x128xi32, #tpu.memory_space<vmem>>[vector<16xi32>, vector<16xi32>], vector<16xi32>,
        %add3A_1723 = arith.constant 1 : i32
        %add3A_1724 = vector.broadcast %add3A_1723 : i32 to vector<16xi32>
        %add3A_1725 = arith.addi %mul3A_1716, %add3A_1724 : vector<16xi32>
        %add3A_1726 = arith.addi %add3A_1710, %min3A_1653 : vector<16xi32>
        tpu.vector_store_idx %arg7[%broadcast_in_dim3A_1111, %add3A_1725], %add3A_1726 : memref<2x128xi32, #tpu.memory_space<vmem>>[vector<16xi32>, vector<16xi32>], vector<16xi32>,
        %add3A_1727 = arith.constant 48 : i32
        %add3A_1728 = arith.addi %add3A_1109, %add3A_1727 : i32
        %broadcast_in_dim3A_1729 = vector.broadcast %add3A_1728 : i32 to vector<16xi32>
        %add3A_1730 = arith.addi %broadcast_in_dim3A_1729, %iota3A : vector<16xi32>
        %jit3A_1731 = arith.constant 224 : i32
        %div3A_1732 = vector.broadcast %jit3A_1731 : i32 to vector<16xi32>
        %div3A_1733 = arith.divsi %add3A_1730, %div3A_1732 : vector<16xi32>
        %sign3A_1734 = arith.constant 0 : i32
        %sign3A_1735 = vector.broadcast %sign3A_1734 : i32 to vector<16xi32>
        %sign3A_1736 = arith.cmpi sgt, %add3A_1730, %sign3A_1735 : vector<16xi32>
        %sign3A_1737 = arith.extui %sign3A_1736 : vector<16xi1> to vector<16xi32>
        %sign3A_1738 = arith.constant 0 : i32
        %sign3A_1739 = vector.broadcast %sign3A_1738 : i32 to vector<16xi32>
        %sign3A_1740 = arith.cmpi slt, %add3A_1730, %sign3A_1739 : vector<16xi32>
        %sign3A_1741 = arith.extui %sign3A_1740 : vector<16xi1> to vector<16xi32>
        %sign3A_1742 = arith.subi %sign3A_1737, %sign3A_1741 : vector<16xi32>
        %sign3A_1743 = arith.constant 0 : i32
        %sign3A_1744 = arith.cmpi sgt, %jit3A_1731, %sign3A_1743 : i32
        %sign3A_1745 = arith.extui %sign3A_1744 : i1 to i32
        %sign3A_1746 = arith.constant 0 : i32
        %sign3A_1747 = arith.cmpi slt, %jit3A_1731, %sign3A_1746 : i32
        %sign3A_1748 = arith.extui %sign3A_1747 : i1 to i32
        %sign3A_1749 = arith.subi %sign3A_1745, %sign3A_1748 : i32
        %ne3A_1750 = vector.broadcast %sign3A_1749 : i32 to vector<16xi32>
        %ne3A_1751 = arith.cmpi ne, %sign3A_1742, %ne3A_1750 : vector<16xi32>
        %rem3A_1752 = vector.broadcast %jit3A_1731 : i32 to vector<16xi32>
        %rem3A_1753 = arith.remsi %add3A_1730, %rem3A_1752 : vector<16xi32>
        %ne3A_1754 = arith.constant 0 : i32
        %ne3A_1755 = vector.broadcast %ne3A_1754 : i32 to vector<16xi32>
        %ne3A_1756 = arith.cmpi ne, %rem3A_1753, %ne3A_1755 : vector<16xi32>
        %and3A_1757 = arith.andi %ne3A_1751, %ne3A_1756 : vector<16xi1>
        %sub3A_1758 = arith.constant 1 : i32
        %sub3A_1759 = vector.broadcast %sub3A_1758 : i32 to vector<16xi32>
        %sub3A_1760 = arith.subi %div3A_1733, %sub3A_1759 : vector<16xi32>
        %select_n3A_1761 = arith.select %and3A_1757, %sub3A_1760, %div3A_1733 : vector<16xi1>, vector<16xi32>
        %mul3A_1762 = arith.constant 224 : i32
        %mul3A_1763 = vector.broadcast %mul3A_1762 : i32 to vector<16xi32>
        %mul3A_1764 = arith.muli %select_n3A_1761, %mul3A_1763 : vector<16xi32>
        %sub3A_1765 = arith.subi %add3A_1730, %mul3A_1764 : vector<16xi32>
        %convert_element_type3A_1766 = arith.sitofp %sub3A_1765 : vector<16xi32> to vector<16xf32>
        %mul3A_1767 = arith.constant 8.968610e-03 : f32
        %mul3A_1768 = vector.broadcast %mul3A_1767 : f32 to vector<16xf32>
        %mul3A_1769 = arith.mulf %convert_element_type3A_1766, %mul3A_1768 : vector<16xf32>
        %sub3A_1770 = arith.constant 1.000000e+00 : f32
        %sub3A_1771 = vector.broadcast %sub3A_1770 : f32 to vector<16xf32>
        %sub3A_1772 = arith.subf %mul3A_1769, %sub3A_1771 : vector<16xf32>
        %bitcast3A_1773 = vector.bitcast %sub3A_1772 : vector<16xf32> to vector<16xi32>
        %add3A_1774 = arith.constant 32767 : i32
        %add3A_1775 = vector.broadcast %add3A_1774 : i32 to vector<16xi32>
        %add3A_1776 = arith.addi %bitcast3A_1773, %add3A_1775 : vector<16xi32>
        %shift_right_logical3A_1777 = arith.constant 16 : i32
        %shift_right_logical3A_1778 = vector.broadcast %shift_right_logical3A_1777 : i32 to vector<16xi32>
        %shift_right_logical3A_1779 = arith.shrui %bitcast3A_1773, %shift_right_logical3A_1778 : vector<16xi32>
        %and3A_1780 = arith.constant 1 : i32
        %and3A_1781 = vector.broadcast %and3A_1780 : i32 to vector<16xi32>
        %and3A_1782 = arith.andi %shift_right_logical3A_1779, %and3A_1781 : vector<16xi32>
        %add3A_1783 = arith.addi %add3A_1776, %and3A_1782 : vector<16xi32>
        %and3A_1784 = arith.constant -65536 : i32
        %and3A_1785 = vector.broadcast %and3A_1784 : i32 to vector<16xi32>
        %and3A_1786 = arith.andi %add3A_1783, %and3A_1785 : vector<16xi32>
        %bitcast3A_1787 = vector.bitcast %and3A_1786 : vector<16xi32> to vector<16xf32>
        %convert_element_type3A_1788 = arith.sitofp %select_n3A_1761 : vector<16xi32> to vector<16xf32>
        %mul3A_1789 = arith.constant 8.968610e-03 : f32
        %mul3A_1790 = vector.broadcast %mul3A_1789 : f32 to vector<16xf32>
        %mul3A_1791 = arith.mulf %convert_element_type3A_1788, %mul3A_1790 : vector<16xf32>
        %sub3A_1792 = arith.constant 1.000000e+00 : f32
        %sub3A_1793 = vector.broadcast %sub3A_1792 : f32 to vector<16xf32>
        %sub3A_1794 = arith.subf %mul3A_1791, %sub3A_1793 : vector<16xf32>
        %bitcast3A_1795 = vector.bitcast %sub3A_1794 : vector<16xf32> to vector<16xi32>
        %add3A_1796 = arith.constant 32767 : i32
        %add3A_1797 = vector.broadcast %add3A_1796 : i32 to vector<16xi32>
        %add3A_1798 = arith.addi %bitcast3A_1795, %add3A_1797 : vector<16xi32>
        %shift_right_logical3A_1799 = arith.constant 16 : i32
        %shift_right_logical3A_1800 = vector.broadcast %shift_right_logical3A_1799 : i32 to vector<16xi32>
        %shift_right_logical3A_1801 = arith.shrui %bitcast3A_1795, %shift_right_logical3A_1800 : vector<16xi32>
        %and3A_1802 = arith.constant 1 : i32
        %and3A_1803 = vector.broadcast %and3A_1802 : i32 to vector<16xi32>
        %and3A_1804 = arith.andi %shift_right_logical3A_1801, %and3A_1803 : vector<16xi32>
        %add3A_1805 = arith.addi %add3A_1798, %and3A_1804 : vector<16xi32>
        %and3A_1806 = arith.constant -65536 : i32
        %and3A_1807 = vector.broadcast %and3A_1806 : i32 to vector<16xi32>
        %and3A_1808 = arith.andi %add3A_1805, %and3A_1807 : vector<16xi32>
        %bitcast3A_1809 = vector.bitcast %and3A_1808 : vector<16xi32> to vector<16xf32>
        %mul3A_1810 = arith.mulf %bitcast3A_49, %bitcast3A_1787 : vector<16xf32>
        %mul3A_1811 = arith.mulf %bitcast3A_70, %bitcast3A_1809 : vector<16xf32>
        %add3A_1812 = arith.addf %mul3A_1810, %mul3A_1811 : vector<16xf32>
        %add3A_1813 = arith.addf %add3A_1812, %bitcast3A_91 : vector<16xf32>
        %add3A_1814 = arith.constant 1.000000e+00 : f32
        %add3A_1815 = vector.broadcast %add3A_1814 : f32 to vector<16xf32>
        %add3A_1816 = arith.addf %add3A_1813, %add3A_1815 : vector<16xf32>
        %mul3A_1817 = arith.constant 1.120000e+02 : f32
        %mul3A_1818 = vector.broadcast %mul3A_1817 : f32 to vector<16xf32>
        %mul3A_1819 = arith.mulf %add3A_1816, %mul3A_1818 : vector<16xf32>
        %mul3A_1820 = arith.mulf %bitcast3A_112, %bitcast3A_1787 : vector<16xf32>
        %mul3A_1821 = arith.mulf %bitcast3A_133, %bitcast3A_1809 : vector<16xf32>
        %add3A_1822 = arith.addf %mul3A_1820, %mul3A_1821 : vector<16xf32>
        %add3A_1823 = arith.addf %add3A_1822, %bitcast3A_154 : vector<16xf32>
        %add3A_1824 = arith.constant 1.000000e+00 : f32
        %add3A_1825 = vector.broadcast %add3A_1824 : f32 to vector<16xf32>
        %add3A_1826 = arith.addf %add3A_1823, %add3A_1825 : vector<16xf32>
        %mul3A_1827 = arith.constant 1.120000e+02 : f32
        %mul3A_1828 = vector.broadcast %mul3A_1827 : f32 to vector<16xf32>
        %mul3A_1829 = arith.mulf %add3A_1826, %mul3A_1828 : vector<16xf32>
        %convert_element_type3A_1830 = arith.fptosi %mul3A_1819 : vector<16xf32> to vector<16xi32>
        %convert_element_type3A_1831 = arith.sitofp %convert_element_type3A_1830 : vector<16xi32> to vector<16xf32>
        %gt3A_1832 = arith.cmpf ogt, %convert_element_type3A_1831, %mul3A_1819 : vector<16xf32>
        %sub3A_1833 = arith.constant 1 : i32
        %sub3A_1834 = vector.broadcast %sub3A_1833 : i32 to vector<16xi32>
        %sub3A_1835 = arith.subi %convert_element_type3A_1830, %sub3A_1834 : vector<16xi32>
        %select_n3A_1836 = arith.select %gt3A_1832, %sub3A_1835, %convert_element_type3A_1830 : vector<16xi1>, vector<16xi32>
        %convert_element_type3A_1837 = arith.fptosi %mul3A_1829 : vector<16xf32> to vector<16xi32>
        %convert_element_type3A_1838 = arith.sitofp %convert_element_type3A_1837 : vector<16xi32> to vector<16xf32>
        %gt3A_1839 = arith.cmpf ogt, %convert_element_type3A_1838, %mul3A_1829 : vector<16xf32>
        %sub3A_1840 = arith.constant 1 : i32
        %sub3A_1841 = vector.broadcast %sub3A_1840 : i32 to vector<16xi32>
        %sub3A_1842 = arith.subi %convert_element_type3A_1837, %sub3A_1841 : vector<16xi32>
        %select_n3A_1843 = arith.select %gt3A_1839, %sub3A_1842, %convert_element_type3A_1837 : vector<16xi1>, vector<16xi32>
        %jit3A_1844 = arith.constant 0 : i32
        %jit3A_1845 = arith.constant 223 : i32
        %max3A_1846 = vector.broadcast %jit3A_1844 : i32 to vector<16xi32>
        %max3A_1847 = arith.maxsi %max3A_1846, %select_n3A_1836 : vector<16xi32>
        %min3A_1848 = vector.broadcast %jit3A_1845 : i32 to vector<16xi32>
        %min3A_1849 = arith.minsi %min3A_1848, %max3A_1847 : vector<16xi32>
        %add3A_1850 = arith.constant 1 : i32
        %add3A_1851 = vector.broadcast %add3A_1850 : i32 to vector<16xi32>
        %add3A_1852 = arith.addi %select_n3A_1836, %add3A_1851 : vector<16xi32>
        %jit3A_1853 = arith.constant 0 : i32
        %jit3A_1854 = arith.constant 223 : i32
        %max3A_1855 = vector.broadcast %jit3A_1853 : i32 to vector<16xi32>
        %max3A_1856 = arith.maxsi %max3A_1855, %add3A_1852 : vector<16xi32>
        %min3A_1857 = vector.broadcast %jit3A_1854 : i32 to vector<16xi32>
        %min3A_1858 = arith.minsi %min3A_1857, %max3A_1856 : vector<16xi32>
        %jit3A_1859 = arith.constant 0 : i32
        %jit3A_1860 = arith.constant 223 : i32
        %max3A_1861 = vector.broadcast %jit3A_1859 : i32 to vector<16xi32>
        %max3A_1862 = arith.maxsi %max3A_1861, %select_n3A_1843 : vector<16xi32>
        %min3A_1863 = vector.broadcast %jit3A_1860 : i32 to vector<16xi32>
        %min3A_1864 = arith.minsi %min3A_1863, %max3A_1862 : vector<16xi32>
        %add3A_1865 = arith.constant 1 : i32
        %add3A_1866 = vector.broadcast %add3A_1865 : i32 to vector<16xi32>
        %add3A_1867 = arith.addi %select_n3A_1843, %add3A_1866 : vector<16xi32>
        %jit3A_1868 = arith.constant 0 : i32
        %jit3A_1869 = arith.constant 223 : i32
        %max3A_1870 = vector.broadcast %jit3A_1868 : i32 to vector<16xi32>
        %max3A_1871 = arith.maxsi %max3A_1870, %add3A_1867 : vector<16xi32>
        %min3A_1872 = vector.broadcast %jit3A_1869 : i32 to vector<16xi32>
        %min3A_1873 = arith.minsi %min3A_1872, %max3A_1871 : vector<16xi32>
        %convert_element_type3A_1874 = arith.sitofp %min3A_1849 : vector<16xi32> to vector<16xf32>
        %convert_element_type3A_1875 = arith.sitofp %min3A_1858 : vector<16xi32> to vector<16xf32>
        %convert_element_type3A_1876 = arith.sitofp %min3A_1864 : vector<16xi32> to vector<16xf32>
        %convert_element_type3A_1877 = arith.sitofp %min3A_1873 : vector<16xi32> to vector<16xf32>
        %sub3A_1878 = arith.subf %convert_element_type3A_1875, %mul3A_1819 : vector<16xf32>
        %sub3A_1879 = arith.subf %convert_element_type3A_1877, %mul3A_1829 : vector<16xf32>
        %mul3A_1880 = arith.mulf %sub3A_1878, %sub3A_1879 : vector<16xf32>
        %swap3A_1881 = arith.constant 0 : i32
        %swap3A_1882 = arith.index_cast %swap3A_1881 : i32 to index
        %swap3A_1883 = arith.constant 48 : index
        %swap3A_1884 = tpu.vector_load %arg8[%swap3A_1882, %swap3A_1883] {strides = array<i32>} : memref<2x64xf32, #tpu.memory_space<vmem>>, vector<16xf32>,
        tpu.vector_store %arg8[%swap3A_1882, %swap3A_1883], %mul3A_1880 {strides = array<i32>} : memref<2x64xf32, #tpu.memory_space<vmem>>, vector<16xf32>,
        %sub3A_1885 = arith.subf %convert_element_type3A_1875, %mul3A_1819 : vector<16xf32>
        %sub3A_1886 = arith.subf %mul3A_1829, %convert_element_type3A_1876 : vector<16xf32>
        %mul3A_1887 = arith.mulf %sub3A_1885, %sub3A_1886 : vector<16xf32>
        %swap3A_1888 = arith.constant 0 : i32
        %swap3A_1889 = arith.index_cast %swap3A_1888 : i32 to index
        %swap3A_1890 = arith.constant 48 : index
        %swap3A_1891 = tpu.vector_load %arg9[%swap3A_1889, %swap3A_1890] {strides = array<i32>} : memref<2x64xf32, #tpu.memory_space<vmem>>, vector<16xf32>,
        tpu.vector_store %arg9[%swap3A_1889, %swap3A_1890], %mul3A_1887 {strides = array<i32>} : memref<2x64xf32, #tpu.memory_space<vmem>>, vector<16xf32>,
        %sub3A_1892 = arith.subf %mul3A_1819, %convert_element_type3A_1874 : vector<16xf32>
        %sub3A_1893 = arith.subf %convert_element_type3A_1877, %mul3A_1829 : vector<16xf32>
        %mul3A_1894 = arith.mulf %sub3A_1892, %sub3A_1893 : vector<16xf32>
        %swap3A_1895 = arith.constant 0 : i32
        %swap3A_1896 = arith.index_cast %swap3A_1895 : i32 to index
        %swap3A_1897 = arith.constant 48 : index
        %swap3A_1898 = tpu.vector_load %arg10[%swap3A_1896, %swap3A_1897] {strides = array<i32>} : memref<2x64xf32, #tpu.memory_space<vmem>>, vector<16xf32>,
        tpu.vector_store %arg10[%swap3A_1896, %swap3A_1897], %mul3A_1894 {strides = array<i32>} : memref<2x64xf32, #tpu.memory_space<vmem>>, vector<16xf32>,
        %sub3A_1899 = arith.subf %mul3A_1819, %convert_element_type3A_1874 : vector<16xf32>
        %sub3A_1900 = arith.subf %mul3A_1829, %convert_element_type3A_1876 : vector<16xf32>
        %mul3A_1901 = arith.mulf %sub3A_1899, %sub3A_1900 : vector<16xf32>
        %swap3A_1902 = arith.constant 0 : i32
        %swap3A_1903 = arith.index_cast %swap3A_1902 : i32 to index
        %swap3A_1904 = arith.constant 48 : index
        %swap3A_1905 = tpu.vector_load %arg11[%swap3A_1903, %swap3A_1904] {strides = array<i32>} : memref<2x64xf32, #tpu.memory_space<vmem>>, vector<16xf32>,
        tpu.vector_store %arg11[%swap3A_1903, %swap3A_1904], %mul3A_1901 {strides = array<i32>} : memref<2x64xf32, #tpu.memory_space<vmem>>, vector<16xf32>,
        %mul3A_1906 = arith.constant 224 : i32
        %mul3A_1907 = vector.broadcast %mul3A_1906 : i32 to vector<16xi32>
        %mul3A_1908 = arith.muli %min3A_1864, %mul3A_1907 : vector<16xi32>
        %add3A_1909 = vector.broadcast %mul3A_32 : i32 to vector<16xi32>
        %add3A_1910 = arith.addi %add3A_1909, %mul3A_1908 : vector<16xi32>
        %mul3A_1911 = arith.constant 224 : i32
        %mul3A_1912 = vector.broadcast %mul3A_1911 : i32 to vector<16xi32>
        %mul3A_1913 = arith.muli %min3A_1873, %mul3A_1912 : vector<16xi32>
        %add3A_1914 = vector.broadcast %mul3A_32 : i32 to vector<16xi32>
        %add3A_1915 = arith.addi %add3A_1914, %mul3A_1913 : vector<16xi32>
        %add3A_1916 = arith.constant 48 : i32
        %add3A_1917 = vector.broadcast %add3A_1916 : i32 to vector<16xi32>
        %add3A_1918 = arith.addi %iota3A, %add3A_1917 : vector<16xi32>
        %mul3A_1919 = arith.constant 2 : i32
        %mul3A_1920 = vector.broadcast %mul3A_1919 : i32 to vector<16xi32>
        %mul3A_1921 = arith.muli %add3A_1918, %mul3A_1920 : vector<16xi32>
        %add3A_1922 = arith.addi %add3A_1910, %min3A_1849 : vector<16xi32>
        tpu.vector_store_idx %arg6[%broadcast_in_dim3A_1111, %mul3A_1921], %add3A_1922 : memref<2x128xi32, #tpu.memory_space<vmem>>[vector<16xi32>, vector<16xi32>], vector<16xi32>,
        %add3A_1923 = arith.constant 1 : i32
        %add3A_1924 = vector.broadcast %add3A_1923 : i32 to vector<16xi32>
        %add3A_1925 = arith.addi %mul3A_1921, %add3A_1924 : vector<16xi32>
        %add3A_1926 = arith.addi %add3A_1910, %min3A_1858 : vector<16xi32>
        tpu.vector_store_idx %arg6[%broadcast_in_dim3A_1111, %add3A_1925], %add3A_1926 : memref<2x128xi32, #tpu.memory_space<vmem>>[vector<16xi32>, vector<16xi32>], vector<16xi32>,
        %add3A_1927 = arith.addi %add3A_1915, %min3A_1849 : vector<16xi32>
        tpu.vector_store_idx %arg7[%broadcast_in_dim3A_1111, %mul3A_1921], %add3A_1927 : memref<2x128xi32, #tpu.memory_space<vmem>>[vector<16xi32>, vector<16xi32>], vector<16xi32>,
        %add3A_1928 = arith.constant 1 : i32
        %add3A_1929 = vector.broadcast %add3A_1928 : i32 to vector<16xi32>
        %add3A_1930 = arith.addi %mul3A_1921, %add3A_1929 : vector<16xi32>
        %add3A_1931 = arith.addi %add3A_1915, %min3A_1858 : vector<16xi32>
        tpu.vector_store_idx %arg7[%broadcast_in_dim3A_1111, %add3A_1930], %add3A_1931 : memref<2x128xi32, #tpu.memory_space<vmem>>[vector<16xi32>, vector<16xi32>], vector<16xi32>,
        %dma_start3A_1932 = arith.constant 0 : i32
        %dma_start3A_1933 = arith.constant 0 : i32
        %dma_start3A_1934 = arith.constant 0 : i32
        %dma_start3A_1935 = arith.constant 0 : i32
        %dma_start3A_1936 = tpu.memref_slice %arg12[%dma_start3A_1933, %dma_start3A_1934, %dma_start3A_1935] : memref<2x128x128xf32, #tpu.memory_space<vmem>> -> memref<1x128x128xf32, #tpu.memory_space<vmem>>
        %dma_start3A_1937 = tpu.memref_squeeze %dma_start3A_1936 : memref<1x128x128xf32, #tpu.memory_space<vmem>> -> memref<128x128xf32, #tpu.memory_space<vmem>>
        %dma_start3A_1938 = arith.constant 0 : i32
        %dma_start3A_1939 = tpu.memref_slice %arg6[%dma_start3A_1932, %dma_start3A_1938] : memref<2x128xi32, #tpu.memory_space<vmem>> -> memref<1x128xi32, #tpu.memory_space<vmem>>
        %dma_start3A_1940 = tpu.memref_squeeze %dma_start3A_1939 : memref<1x128xi32, #tpu.memory_space<vmem>> -> memref<128xi32, #tpu.memory_space<vmem>>
        %dma_start3A_1941 = arith.constant 0 : i32
        %dma_start3A_1942 = arith.constant 0 : i32
        %dma_start3A_1943 = tpu.memref_slice %arg2[%dma_start3A_1941, %dma_start3A_1942] : memref<802816x128xf32, #tpu.memory_space<hbm>> -> memref<802816x128xf32, #tpu.memory_space<hbm>>
        tpu.enqueue_indirect_dma source(%dma_start3A_1943 : memref<802816x128xf32, #tpu.memory_space<hbm>>) target(%dma_start3A_1937 : memref<128x128xf32, #tpu.memory_space<vmem>>) offsets(%dma_start3A_1940 : memref<128xi32, #tpu.memory_space<vmem>>) semaphore(%arg15 : memref<!tpu.dma_semaphore, #tpu.memory_space<semaphore_mem>>)
        %dma_start3A_1944 = arith.constant 0 : i32
        %dma_start3A_1945 = arith.constant 0 : i32
        %dma_start3A_1946 = arith.constant 0 : i32
        %dma_start3A_1947 = arith.constant 0 : i32
        %dma_start3A_1948 = tpu.memref_slice %arg13[%dma_start3A_1945, %dma_start3A_1946, %dma_start3A_1947] : memref<2x128x128xf32, #tpu.memory_space<vmem>> -> memref<1x128x128xf32, #tpu.memory_space<vmem>>
        %dma_start3A_1949 = tpu.memref_squeeze %dma_start3A_1948 : memref<1x128x128xf32, #tpu.memory_space<vmem>> -> memref<128x128xf32, #tpu.memory_space<vmem>>
        %dma_start3A_1950 = arith.constant 0 : i32
        %dma_start3A_1951 = tpu.memref_slice %arg7[%dma_start3A_1944, %dma_start3A_1950] : memref<2x128xi32, #tpu.memory_space<vmem>> -> memref<1x128xi32, #tpu.memory_space<vmem>>
        %dma_start3A_1952 = tpu.memref_squeeze %dma_start3A_1951 : memref<1x128xi32, #tpu.memory_space<vmem>> -> memref<128xi32, #tpu.memory_space<vmem>>
        %dma_start3A_1953 = arith.constant 0 : i32
        %dma_start3A_1954 = arith.constant 0 : i32
        %dma_start3A_1955 = tpu.memref_slice %arg2[%dma_start3A_1953, %dma_start3A_1954] : memref<802816x128xf32, #tpu.memory_space<hbm>> -> memref<802816x128xf32, #tpu.memory_space<hbm>>
        tpu.enqueue_indirect_dma source(%dma_start3A_1955 : memref<802816x128xf32, #tpu.memory_space<hbm>>) target(%dma_start3A_1949 : memref<128x128xf32, #tpu.memory_space<vmem>>) offsets(%dma_start3A_1952 : memref<128xi32, #tpu.memory_space<vmem>>) semaphore(%arg15 : memref<!tpu.dma_semaphore, #tpu.memory_space<semaphore_mem>>)
      } else {
      }
      %dma_wait3A_1069 = arith.constant 1 : i32
      %dma_wait3A_1070 = arith.constant 1 : i32
      %dma_wait3A_1071 = arith.constant 0 : i32
      %dma_wait3A_1072 = arith.constant 0 : i32
      %dma_wait3A_1073 = tpu.memref_slice %arg12[%dma_wait3A_1070, %dma_wait3A_1071, %dma_wait3A_1072] : memref<2x128x128xf32, #tpu.memory_space<vmem>> -> memref<1x128x128xf32, #tpu.memory_space<vmem>>
      %dma_wait3A_1074 = tpu.memref_squeeze %dma_wait3A_1073 : memref<1x128x128xf32, #tpu.memory_space<vmem>> -> memref<128x128xf32, #tpu.memory_space<vmem>>
      %dma_wait3A_1075 = arith.constant 0 : i32
      %dma_wait3A_1076 = tpu.memref_slice %arg6[%dma_wait3A_1069, %dma_wait3A_1075] : memref<2x128xi32, #tpu.memory_space<vmem>> -> memref<1x128xi32, #tpu.memory_space<vmem>>
      %dma_wait3A_1077 = tpu.memref_squeeze %dma_wait3A_1076 : memref<1x128xi32, #tpu.memory_space<vmem>> -> memref<128xi32, #tpu.memory_space<vmem>>
      %dma_wait3A_1078 = arith.constant 0 : i32
      %dma_wait3A_1079 = arith.constant 0 : i32
      %dma_wait3A_1080 = tpu.memref_slice %arg2[%dma_wait3A_1078, %dma_wait3A_1079] : memref<802816x128xf32, #tpu.memory_space<hbm>> -> memref<802816x128xf32, #tpu.memory_space<hbm>>
      tpu.wait_indirect_dma semaphore(%arg16 : memref<!tpu.dma_semaphore, #tpu.memory_space<semaphore_mem>>) src(%dma_wait3A_1080 : memref<802816x128xf32, #tpu.memory_space<hbm>>) dst(%dma_wait3A_1074 : memref<128x128xf32, #tpu.memory_space<vmem>>)
      %dma_wait3A_1081 = arith.constant 1 : i32
      %dma_wait3A_1082 = arith.constant 1 : i32
      %dma_wait3A_1083 = arith.constant 0 : i32
      %dma_wait3A_1084 = arith.constant 0 : i32
      %dma_wait3A_1085 = tpu.memref_slice %arg13[%dma_wait3A_1082, %dma_wait3A_1083, %dma_wait3A_1084] : memref<2x128x128xf32, #tpu.memory_space<vmem>> -> memref<1x128x128xf32, #tpu.memory_space<vmem>>
      %dma_wait3A_1086 = tpu.memref_squeeze %dma_wait3A_1085 : memref<1x128x128xf32, #tpu.memory_space<vmem>> -> memref<128x128xf32, #tpu.memory_space<vmem>>
      %dma_wait3A_1087 = arith.constant 0 : i32
      %dma_wait3A_1088 = tpu.memref_slice %arg7[%dma_wait3A_1081, %dma_wait3A_1087] : memref<2x128xi32, #tpu.memory_space<vmem>> -> memref<1x128xi32, #tpu.memory_space<vmem>>
      %dma_wait3A_1089 = tpu.memref_squeeze %dma_wait3A_1088 : memref<1x128xi32, #tpu.memory_space<vmem>> -> memref<128xi32, #tpu.memory_space<vmem>>
      %dma_wait3A_1090 = arith.constant 0 : i32
      %dma_wait3A_1091 = arith.constant 0 : i32
      %dma_wait3A_1092 = tpu.memref_slice %arg2[%dma_wait3A_1090, %dma_wait3A_1091] : memref<802816x128xf32, #tpu.memory_space<hbm>> -> memref<802816x128xf32, #tpu.memory_space<hbm>>
      tpu.wait_indirect_dma semaphore(%arg16 : memref<!tpu.dma_semaphore, #tpu.memory_space<semaphore_mem>>) src(%dma_wait3A_1092 : memref<802816x128xf32, #tpu.memory_space<hbm>>) dst(%dma_wait3A_1086 : memref<128x128xf32, #tpu.memory_space<vmem>>)
      %parallel_loop3A_1093 = arith.constant 0 : i32
      %parallel_loop3A_1094 = arith.constant 64 : i32
      %parallel_loop3A_1095 = arith.constant 1 : i32
      scf.for %parallel_loop3A_1103 = %parallel_loop3A_1093 to %parallel_loop3A_1094 step %parallel_loop3A_1095  : i32 {
        %parallel_loop3A_1104 = arith.constant 1 : i32
        %parallel_loop3A_1105 = vector.broadcast %parallel_loop3A_1104 : i32 to vector<16xi32>
        %parallel_loop3A_1106 = vector.broadcast %parallel_loop3A_1103 : i32 to vector<16xi32>
        %parallel_loop3A_1107 = tpu.vector_load_idx %arg8[%parallel_loop3A_1105, %parallel_loop3A_1106] : memref<2x64xf32, #tpu.memory_space<vmem>>[vector<16xi32>, vector<16xi32>], vector<16xf32>,
        %parallel_loop3A_1108 = tpu.vector_load_idx %arg9[%parallel_loop3A_1105, %parallel_loop3A_1106] : memref<2x64xf32, #tpu.memory_space<vmem>>[vector<16xi32>, vector<16xi32>], vector<16xf32>,
        %parallel_loop3A_1109 = tpu.vector_load_idx %arg10[%parallel_loop3A_1105, %parallel_loop3A_1106] : memref<2x64xf32, #tpu.memory_space<vmem>>[vector<16xi32>, vector<16xi32>], vector<16xf32>,
        %parallel_loop3A_1110 = tpu.vector_load_idx %arg11[%parallel_loop3A_1105, %parallel_loop3A_1106] : memref<2x64xf32, #tpu.memory_space<vmem>>[vector<16xi32>, vector<16xi32>], vector<16xf32>,
        %parallel_loop3A_1111 = arith.constant 2 : i32
        %parallel_loop3A_1112 = arith.muli %parallel_loop3A_1103, %parallel_loop3A_1111 : i32
        %parallel_loop3A_1113 = arith.constant 1 : i32
        %parallel_loop3A_1114 = arith.index_cast %parallel_loop3A_1113 : i32 to index
        %parallel_loop3A_1115 = arith.index_cast %parallel_loop3A_1112 : i32 to index
        %parallel_loop3A_1116 = arith.constant 0 : index
        %parallel_loop3A_1117 = tpu.vector_load %arg12[%parallel_loop3A_1114, %parallel_loop3A_1115, %parallel_loop3A_1116] {strides = array<i32>} : memref<2x128x128xf32, #tpu.memory_space<vmem>>, vector<16xf32>,
        %parallel_loop3A_1118 = arith.mulf %parallel_loop3A_1107, %parallel_loop3A_1117 : vector<16xf32>
        %parallel_loop3A_1119 = arith.constant 1 : i32
        %parallel_loop3A_1120 = arith.addi %parallel_loop3A_1112, %parallel_loop3A_1119 : i32
        %parallel_loop3A_1121 = arith.constant 1 : i32
        %parallel_loop3A_1122 = arith.index_cast %parallel_loop3A_1121 : i32 to index
        %parallel_loop3A_1123 = arith.index_cast %parallel_loop3A_1120 : i32 to index
        %parallel_loop3A_1124 = arith.constant 0 : index
        %parallel_loop3A_1125 = tpu.vector_load %arg12[%parallel_loop3A_1122, %parallel_loop3A_1123, %parallel_loop3A_1124] {strides = array<i32>} : memref<2x128x128xf32, #tpu.memory_space<vmem>>, vector<16xf32>,
        %parallel_loop3A_1126 = arith.mulf %parallel_loop3A_1109, %parallel_loop3A_1125 : vector<16xf32>
        %parallel_loop3A_1127 = arith.addf %parallel_loop3A_1118, %parallel_loop3A_1126 : vector<16xf32>
        %parallel_loop3A_1128 = arith.constant 1 : i32
        %parallel_loop3A_1129 = arith.index_cast %parallel_loop3A_1128 : i32 to index
        %parallel_loop3A_1130 = arith.index_cast %parallel_loop3A_1112 : i32 to index
        %parallel_loop3A_1131 = arith.constant 0 : index
        %parallel_loop3A_1132 = tpu.vector_load %arg13[%parallel_loop3A_1129, %parallel_loop3A_1130, %parallel_loop3A_1131] {strides = array<i32>} : memref<2x128x128xf32, #tpu.memory_space<vmem>>, vector<16xf32>,
        %parallel_loop3A_1133 = arith.mulf %parallel_loop3A_1108, %parallel_loop3A_1132 : vector<16xf32>
        %parallel_loop3A_1134 = arith.addf %parallel_loop3A_1127, %parallel_loop3A_1133 : vector<16xf32>
        %parallel_loop3A_1135 = arith.constant 1 : i32
        %parallel_loop3A_1136 = arith.addi %parallel_loop3A_1112, %parallel_loop3A_1135 : i32
        %parallel_loop3A_1137 = arith.constant 1 : i32
        %parallel_loop3A_1138 = arith.index_cast %parallel_loop3A_1137 : i32 to index
        %parallel_loop3A_1139 = arith.index_cast %parallel_loop3A_1136 : i32 to index
        %parallel_loop3A_1140 = arith.constant 0 : index
        %parallel_loop3A_1141 = tpu.vector_load %arg13[%parallel_loop3A_1138, %parallel_loop3A_1139, %parallel_loop3A_1140] {strides = array<i32>} : memref<2x128x128xf32, #tpu.memory_space<vmem>>, vector<16xf32>,
        %parallel_loop3A_1142 = arith.mulf %parallel_loop3A_1110, %parallel_loop3A_1141 : vector<16xf32>
        %parallel_loop3A_1143 = arith.addf %parallel_loop3A_1134, %parallel_loop3A_1142 : vector<16xf32>
        %parallel_loop3A_1144 = arith.constant 64 : i32
        %parallel_loop3A_1145 = vector.broadcast %parallel_loop3A_1144 : i32 to vector<16xi32>
        %parallel_loop3A_1146 = arith.addi %parallel_loop3A_1106, %parallel_loop3A_1145 : vector<16xi32>
        tpu.vector_store_idx %arg14[%add3A_157, %parallel_loop3A_1146], %parallel_loop3A_1143 : memref<96x128xf32, #tpu.memory_space<vmem>>[vector<16xi32>, vector<16xi32>], vector<16xf32>,
        %parallel_loop3A_1147 = arith.constant 1 : i32
        %parallel_loop3A_1148 = arith.index_cast %parallel_loop3A_1147 : i32 to index
        %parallel_loop3A_1149 = arith.index_cast %parallel_loop3A_1112 : i32 to index
        %parallel_loop3A_1150 = arith.constant 16 : index
        %parallel_loop3A_1151 = tpu.vector_load %arg12[%parallel_loop3A_1148, %parallel_loop3A_1149, %parallel_loop3A_1150] {strides = array<i32>} : memref<2x128x128xf32, #tpu.memory_space<vmem>>, vector<16xf32>,
        %parallel_loop3A_1152 = arith.mulf %parallel_loop3A_1107, %parallel_loop3A_1151 : vector<16xf32>
        %parallel_loop3A_1153 = arith.constant 1 : i32
        %parallel_loop3A_1154 = arith.addi %parallel_loop3A_1112, %parallel_loop3A_1153 : i32
        %parallel_loop3A_1155 = arith.constant 1 : i32
        %parallel_loop3A_1156 = arith.index_cast %parallel_loop3A_1155 : i32 to index
        %parallel_loop3A_1157 = arith.index_cast %parallel_loop3A_1154 : i32 to index
        %parallel_loop3A_1158 = arith.constant 16 : index
        %parallel_loop3A_1159 = tpu.vector_load %arg12[%parallel_loop3A_1156, %parallel_loop3A_1157, %parallel_loop3A_1158] {strides = array<i32>} : memref<2x128x128xf32, #tpu.memory_space<vmem>>, vector<16xf32>,
        %parallel_loop3A_1160 = arith.mulf %parallel_loop3A_1109, %parallel_loop3A_1159 : vector<16xf32>
        %parallel_loop3A_1161 = arith.addf %parallel_loop3A_1152, %parallel_loop3A_1160 : vector<16xf32>
        %parallel_loop3A_1162 = arith.constant 1 : i32
        %parallel_loop3A_1163 = arith.index_cast %parallel_loop3A_1162 : i32 to index
        %parallel_loop3A_1164 = arith.index_cast %parallel_loop3A_1112 : i32 to index
        %parallel_loop3A_1165 = arith.constant 16 : index
        %parallel_loop3A_1166 = tpu.vector_load %arg13[%parallel_loop3A_1163, %parallel_loop3A_1164, %parallel_loop3A_1165] {strides = array<i32>} : memref<2x128x128xf32, #tpu.memory_space<vmem>>, vector<16xf32>,
        %parallel_loop3A_1167 = arith.mulf %parallel_loop3A_1108, %parallel_loop3A_1166 : vector<16xf32>
        %parallel_loop3A_1168 = arith.addf %parallel_loop3A_1161, %parallel_loop3A_1167 : vector<16xf32>
        %parallel_loop3A_1169 = arith.constant 1 : i32
        %parallel_loop3A_1170 = arith.addi %parallel_loop3A_1112, %parallel_loop3A_1169 : i32
        %parallel_loop3A_1171 = arith.constant 1 : i32
        %parallel_loop3A_1172 = arith.index_cast %parallel_loop3A_1171 : i32 to index
        %parallel_loop3A_1173 = arith.index_cast %parallel_loop3A_1170 : i32 to index
        %parallel_loop3A_1174 = arith.constant 16 : index
        %parallel_loop3A_1175 = tpu.vector_load %arg13[%parallel_loop3A_1172, %parallel_loop3A_1173, %parallel_loop3A_1174] {strides = array<i32>} : memref<2x128x128xf32, #tpu.memory_space<vmem>>, vector<16xf32>,
        %parallel_loop3A_1176 = arith.mulf %parallel_loop3A_1110, %parallel_loop3A_1175 : vector<16xf32>
        %parallel_loop3A_1177 = arith.addf %parallel_loop3A_1168, %parallel_loop3A_1176 : vector<16xf32>
        %parallel_loop3A_1178 = arith.constant 64 : i32
        %parallel_loop3A_1179 = vector.broadcast %parallel_loop3A_1178 : i32 to vector<16xi32>
        %parallel_loop3A_1180 = arith.addi %parallel_loop3A_1106, %parallel_loop3A_1179 : vector<16xi32>
        tpu.vector_store_idx %arg14[%add3A_160, %parallel_loop3A_1180], %parallel_loop3A_1177 : memref<96x128xf32, #tpu.memory_space<vmem>>[vector<16xi32>, vector<16xi32>], vector<16xf32>,
        %parallel_loop3A_1181 = arith.constant 1 : i32
        %parallel_loop3A_1182 = arith.index_cast %parallel_loop3A_1181 : i32 to index
        %parallel_loop3A_1183 = arith.index_cast %parallel_loop3A_1112 : i32 to index
        %parallel_loop3A_1184 = arith.constant 32 : index
        %parallel_loop3A_1185 = tpu.vector_load %arg12[%parallel_loop3A_1182, %parallel_loop3A_1183, %parallel_loop3A_1184] {strides = array<i32>} : memref<2x128x128xf32, #tpu.memory_space<vmem>>, vector<16xf32>,
        %parallel_loop3A_1186 = arith.mulf %parallel_loop3A_1107, %parallel_loop3A_1185 : vector<16xf32>
        %parallel_loop3A_1187 = arith.constant 1 : i32
        %parallel_loop3A_1188 = arith.addi %parallel_loop3A_1112, %parallel_loop3A_1187 : i32
        %parallel_loop3A_1189 = arith.constant 1 : i32
        %parallel_loop3A_1190 = arith.index_cast %parallel_loop3A_1189 : i32 to index
        %parallel_loop3A_1191 = arith.index_cast %parallel_loop3A_1188 : i32 to index
        %parallel_loop3A_1192 = arith.constant 32 : index
        %parallel_loop3A_1193 = tpu.vector_load %arg12[%parallel_loop3A_1190, %parallel_loop3A_1191, %parallel_loop3A_1192] {strides = array<i32>} : memref<2x128x128xf32, #tpu.memory_space<vmem>>, vector<16xf32>,
        %parallel_loop3A_1194 = arith.mulf %parallel_loop3A_1109, %parallel_loop3A_1193 : vector<16xf32>
        %parallel_loop3A_1195 = arith.addf %parallel_loop3A_1186, %parallel_loop3A_1194 : vector<16xf32>
        %parallel_loop3A_1196 = arith.constant 1 : i32
        %parallel_loop3A_1197 = arith.index_cast %parallel_loop3A_1196 : i32 to index
        %parallel_loop3A_1198 = arith.index_cast %parallel_loop3A_1112 : i32 to index
        %parallel_loop3A_1199 = arith.constant 32 : index
        %parallel_loop3A_1200 = tpu.vector_load %arg13[%parallel_loop3A_1197, %parallel_loop3A_1198, %parallel_loop3A_1199] {strides = array<i32>} : memref<2x128x128xf32, #tpu.memory_space<vmem>>, vector<16xf32>,
        %parallel_loop3A_1201 = arith.mulf %parallel_loop3A_1108, %parallel_loop3A_1200 : vector<16xf32>
        %parallel_loop3A_1202 = arith.addf %parallel_loop3A_1195, %parallel_loop3A_1201 : vector<16xf32>
        %parallel_loop3A_1203 = arith.constant 1 : i32
        %parallel_loop3A_1204 = arith.addi %parallel_loop3A_1112, %parallel_loop3A_1203 : i32
        %parallel_loop3A_1205 = arith.constant 1 : i32
        %parallel_loop3A_1206 = arith.index_cast %parallel_loop3A_1205 : i32 to index
        %parallel_loop3A_1207 = arith.index_cast %parallel_loop3A_1204 : i32 to index
        %parallel_loop3A_1208 = arith.constant 32 : index
        %parallel_loop3A_1209 = tpu.vector_load %arg13[%parallel_loop3A_1206, %parallel_loop3A_1207, %parallel_loop3A_1208] {strides = array<i32>} : memref<2x128x128xf32, #tpu.memory_space<vmem>>, vector<16xf32>,
        %parallel_loop3A_1210 = arith.mulf %parallel_loop3A_1110, %parallel_loop3A_1209 : vector<16xf32>
        %parallel_loop3A_1211 = arith.addf %parallel_loop3A_1202, %parallel_loop3A_1210 : vector<16xf32>
        %parallel_loop3A_1212 = arith.constant 64 : i32
        %parallel_loop3A_1213 = vector.broadcast %parallel_loop3A_1212 : i32 to vector<16xi32>
        %parallel_loop3A_1214 = arith.addi %parallel_loop3A_1106, %parallel_loop3A_1213 : vector<16xi32>
        tpu.vector_store_idx %arg14[%add3A_163, %parallel_loop3A_1214], %parallel_loop3A_1211 : memref<96x128xf32, #tpu.memory_space<vmem>>[vector<16xi32>, vector<16xi32>], vector<16xf32>,
        %parallel_loop3A_1215 = arith.constant 1 : i32
        %parallel_loop3A_1216 = arith.index_cast %parallel_loop3A_1215 : i32 to index
        %parallel_loop3A_1217 = arith.index_cast %parallel_loop3A_1112 : i32 to index
        %parallel_loop3A_1218 = arith.constant 48 : index
        %parallel_loop3A_1219 = tpu.vector_load %arg12[%parallel_loop3A_1216, %parallel_loop3A_1217, %parallel_loop3A_1218] {strides = array<i32>} : memref<2x128x128xf32, #tpu.memory_space<vmem>>, vector<16xf32>,
        %parallel_loop3A_1220 = arith.mulf %parallel_loop3A_1107, %parallel_loop3A_1219 : vector<16xf32>
        %parallel_loop3A_1221 = arith.constant 1 : i32
        %parallel_loop3A_1222 = arith.addi %parallel_loop3A_1112, %parallel_loop3A_1221 : i32
        %parallel_loop3A_1223 = arith.constant 1 : i32
        %parallel_loop3A_1224 = arith.index_cast %parallel_loop3A_1223 : i32 to index
        %parallel_loop3A_1225 = arith.index_cast %parallel_loop3A_1222 : i32 to index
        %parallel_loop3A_1226 = arith.constant 48 : index
        %parallel_loop3A_1227 = tpu.vector_load %arg12[%parallel_loop3A_1224, %parallel_loop3A_1225, %parallel_loop3A_1226] {strides = array<i32>} : memref<2x128x128xf32, #tpu.memory_space<vmem>>, vector<16xf32>,
        %parallel_loop3A_1228 = arith.mulf %parallel_loop3A_1109, %parallel_loop3A_1227 : vector<16xf32>
        %parallel_loop3A_1229 = arith.addf %parallel_loop3A_1220, %parallel_loop3A_1228 : vector<16xf32>
        %parallel_loop3A_1230 = arith.constant 1 : i32
        %parallel_loop3A_1231 = arith.index_cast %parallel_loop3A_1230 : i32 to index
        %parallel_loop3A_1232 = arith.index_cast %parallel_loop3A_1112 : i32 to index
        %parallel_loop3A_1233 = arith.constant 48 : index
        %parallel_loop3A_1234 = tpu.vector_load %arg13[%parallel_loop3A_1231, %parallel_loop3A_1232, %parallel_loop3A_1233] {strides = array<i32>} : memref<2x128x128xf32, #tpu.memory_space<vmem>>, vector<16xf32>,
        %parallel_loop3A_1235 = arith.mulf %parallel_loop3A_1108, %parallel_loop3A_1234 : vector<16xf32>
        %parallel_loop3A_1236 = arith.addf %parallel_loop3A_1229, %parallel_loop3A_1235 : vector<16xf32>
        %parallel_loop3A_1237 = arith.constant 1 : i32
        %parallel_loop3A_1238 = arith.addi %parallel_loop3A_1112, %parallel_loop3A_1237 : i32
        %parallel_loop3A_1239 = arith.constant 1 : i32
        %parallel_loop3A_1240 = arith.index_cast %parallel_loop3A_1239 : i32 to index
        %parallel_loop3A_1241 = arith.index_cast %parallel_loop3A_1238 : i32 to index
        %parallel_loop3A_1242 = arith.constant 48 : index
        %parallel_loop3A_1243 = tpu.vector_load %arg13[%parallel_loop3A_1240, %parallel_loop3A_1241, %parallel_loop3A_1242] {strides = array<i32>} : memref<2x128x128xf32, #tpu.memory_space<vmem>>, vector<16xf32>,
        %parallel_loop3A_1244 = arith.mulf %parallel_loop3A_1110, %parallel_loop3A_1243 : vector<16xf32>
        %parallel_loop3A_1245 = arith.addf %parallel_loop3A_1236, %parallel_loop3A_1244 : vector<16xf32>
        %parallel_loop3A_1246 = arith.constant 64 : i32
        %parallel_loop3A_1247 = vector.broadcast %parallel_loop3A_1246 : i32 to vector<16xi32>
        %parallel_loop3A_1248 = arith.addi %parallel_loop3A_1106, %parallel_loop3A_1247 : vector<16xi32>
        tpu.vector_store_idx %arg14[%add3A_166, %parallel_loop3A_1248], %parallel_loop3A_1245 : memref<96x128xf32, #tpu.memory_space<vmem>>[vector<16xi32>, vector<16xi32>], vector<16xf32>,
        %parallel_loop3A_1249 = arith.constant 1 : i32
        %parallel_loop3A_1250 = arith.index_cast %parallel_loop3A_1249 : i32 to index
        %parallel_loop3A_1251 = arith.index_cast %parallel_loop3A_1112 : i32 to index
        %parallel_loop3A_1252 = arith.constant 64 : index
        %parallel_loop3A_1253 = tpu.vector_load %arg12[%parallel_loop3A_1250, %parallel_loop3A_1251, %parallel_loop3A_1252] {strides = array<i32>} : memref<2x128x128xf32, #tpu.memory_space<vmem>>, vector<16xf32>,
        %parallel_loop3A_1254 = arith.mulf %parallel_loop3A_1107, %parallel_loop3A_1253 : vector<16xf32>
        %parallel_loop3A_1255 = arith.constant 1 : i32
        %parallel_loop3A_1256 = arith.addi %parallel_loop3A_1112, %parallel_loop3A_1255 : i32
        %parallel_loop3A_1257 = arith.constant 1 : i32
        %parallel_loop3A_1258 = arith.index_cast %parallel_loop3A_1257 : i32 to index
        %parallel_loop3A_1259 = arith.index_cast %parallel_loop3A_1256 : i32 to index
        %parallel_loop3A_1260 = arith.constant 64 : index
        %parallel_loop3A_1261 = tpu.vector_load %arg12[%parallel_loop3A_1258, %parallel_loop3A_1259, %parallel_loop3A_1260] {strides = array<i32>} : memref<2x128x128xf32, #tpu.memory_space<vmem>>, vector<16xf32>,
        %parallel_loop3A_1262 = arith.mulf %parallel_loop3A_1109, %parallel_loop3A_1261 : vector<16xf32>
        %parallel_loop3A_1263 = arith.addf %parallel_loop3A_1254, %parallel_loop3A_1262 : vector<16xf32>
        %parallel_loop3A_1264 = arith.constant 1 : i32
        %parallel_loop3A_1265 = arith.index_cast %parallel_loop3A_1264 : i32 to index
        %parallel_loop3A_1266 = arith.index_cast %parallel_loop3A_1112 : i32 to index
        %parallel_loop3A_1267 = arith.constant 64 : index
        %parallel_loop3A_1268 = tpu.vector_load %arg13[%parallel_loop3A_1265, %parallel_loop3A_1266, %parallel_loop3A_1267] {strides = array<i32>} : memref<2x128x128xf32, #tpu.memory_space<vmem>>, vector<16xf32>,
        %parallel_loop3A_1269 = arith.mulf %parallel_loop3A_1108, %parallel_loop3A_1268 : vector<16xf32>
        %parallel_loop3A_1270 = arith.addf %parallel_loop3A_1263, %parallel_loop3A_1269 : vector<16xf32>
        %parallel_loop3A_1271 = arith.constant 1 : i32
        %parallel_loop3A_1272 = arith.addi %parallel_loop3A_1112, %parallel_loop3A_1271 : i32
        %parallel_loop3A_1273 = arith.constant 1 : i32
        %parallel_loop3A_1274 = arith.index_cast %parallel_loop3A_1273 : i32 to index
        %parallel_loop3A_1275 = arith.index_cast %parallel_loop3A_1272 : i32 to index
        %parallel_loop3A_1276 = arith.constant 64 : index
        %parallel_loop3A_1277 = tpu.vector_load %arg13[%parallel_loop3A_1274, %parallel_loop3A_1275, %parallel_loop3A_1276] {strides = array<i32>} : memref<2x128x128xf32, #tpu.memory_space<vmem>>, vector<16xf32>,
        %parallel_loop3A_1278 = arith.mulf %parallel_loop3A_1110, %parallel_loop3A_1277 : vector<16xf32>
        %parallel_loop3A_1279 = arith.addf %parallel_loop3A_1270, %parallel_loop3A_1278 : vector<16xf32>
        %parallel_loop3A_1280 = arith.constant 64 : i32
        %parallel_loop3A_1281 = vector.broadcast %parallel_loop3A_1280 : i32 to vector<16xi32>
        %parallel_loop3A_1282 = arith.addi %parallel_loop3A_1106, %parallel_loop3A_1281 : vector<16xi32>
        tpu.vector_store_idx %arg14[%add3A_169, %parallel_loop3A_1282], %parallel_loop3A_1279 : memref<96x128xf32, #tpu.memory_space<vmem>>[vector<16xi32>, vector<16xi32>], vector<16xf32>,
        %parallel_loop3A_1283 = arith.constant 1 : i32
        %parallel_loop3A_1284 = arith.index_cast %parallel_loop3A_1283 : i32 to index
        %parallel_loop3A_1285 = arith.index_cast %parallel_loop3A_1112 : i32 to index
        %parallel_loop3A_1286 = arith.constant 80 : index
        %parallel_loop3A_1287 = tpu.vector_load %arg12[%parallel_loop3A_1284, %parallel_loop3A_1285, %parallel_loop3A_1286] {strides = array<i32>} : memref<2x128x128xf32, #tpu.memory_space<vmem>>, vector<16xf32>,
        %parallel_loop3A_1288 = arith.mulf %parallel_loop3A_1107, %parallel_loop3A_1287 : vector<16xf32>
        %parallel_loop3A_1289 = arith.constant 1 : i32
        %parallel_loop3A_1290 = arith.addi %parallel_loop3A_1112, %parallel_loop3A_1289 : i32
        %parallel_loop3A_1291 = arith.constant 1 : i32
        %parallel_loop3A_1292 = arith.index_cast %parallel_loop3A_1291 : i32 to index
        %parallel_loop3A_1293 = arith.index_cast %parallel_loop3A_1290 : i32 to index
        %parallel_loop3A_1294 = arith.constant 80 : index
        %parallel_loop3A_1295 = tpu.vector_load %arg12[%parallel_loop3A_1292, %parallel_loop3A_1293, %parallel_loop3A_1294] {strides = array<i32>} : memref<2x128x128xf32, #tpu.memory_space<vmem>>, vector<16xf32>,
        %parallel_loop3A_1296 = arith.mulf %parallel_loop3A_1109, %parallel_loop3A_1295 : vector<16xf32>
        %parallel_loop3A_1297 = arith.addf %parallel_loop3A_1288, %parallel_loop3A_1296 : vector<16xf32>
        %parallel_loop3A_1298 = arith.constant 1 : i32
        %parallel_loop3A_1299 = arith.index_cast %parallel_loop3A_1298 : i32 to index
        %parallel_loop3A_1300 = arith.index_cast %parallel_loop3A_1112 : i32 to index
        %parallel_loop3A_1301 = arith.constant 80 : index
        %parallel_loop3A_1302 = tpu.vector_load %arg13[%parallel_loop3A_1299, %parallel_loop3A_1300, %parallel_loop3A_1301] {strides = array<i32>} : memref<2x128x128xf32, #tpu.memory_space<vmem>>, vector<16xf32>,
        %parallel_loop3A_1303 = arith.mulf %parallel_loop3A_1108, %parallel_loop3A_1302 : vector<16xf32>
        %parallel_loop3A_1304 = arith.addf %parallel_loop3A_1297, %parallel_loop3A_1303 : vector<16xf32>
        %parallel_loop3A_1305 = arith.constant 1 : i32
        %parallel_loop3A_1306 = arith.addi %parallel_loop3A_1112, %parallel_loop3A_1305 : i32
        %parallel_loop3A_1307 = arith.constant 1 : i32
        %parallel_loop3A_1308 = arith.index_cast %parallel_loop3A_1307 : i32 to index
        %parallel_loop3A_1309 = arith.index_cast %parallel_loop3A_1306 : i32 to index
        %parallel_loop3A_1310 = arith.constant 80 : index
        %parallel_loop3A_1311 = tpu.vector_load %arg13[%parallel_loop3A_1308, %parallel_loop3A_1309, %parallel_loop3A_1310] {strides = array<i32>} : memref<2x128x128xf32, #tpu.memory_space<vmem>>, vector<16xf32>,
        %parallel_loop3A_1312 = arith.mulf %parallel_loop3A_1110, %parallel_loop3A_1311 : vector<16xf32>
        %parallel_loop3A_1313 = arith.addf %parallel_loop3A_1304, %parallel_loop3A_1312 : vector<16xf32>
        %parallel_loop3A_1314 = arith.constant 64 : i32
        %parallel_loop3A_1315 = vector.broadcast %parallel_loop3A_1314 : i32 to vector<16xi32>
        %parallel_loop3A_1316 = arith.addi %parallel_loop3A_1106, %parallel_loop3A_1315 : vector<16xi32>
        tpu.vector_store_idx %arg14[%add3A_172, %parallel_loop3A_1316], %parallel_loop3A_1313 : memref<96x128xf32, #tpu.memory_space<vmem>>[vector<16xi32>, vector<16xi32>], vector<16xf32>,
      } {sc.loop_unroll_factor = 4 : i64, sc.parallel_access}
      %mul3A_1096 = arith.constant 25088 : i32
      %mul3A_1097 = arith.muli %select_n3A_30, %mul3A_1096 : i32
      %mul3A_1098 = arith.constant 128 : i32
      %mul3A_1099 = arith.muli %scan3A_1022, %mul3A_1098 : i32
      %add3A_1100 = arith.addi %mul3A_1097, %mul3A_1099 : i32
      %mul3A_1101 = arith.constant 96 : i32
      %mul3A_1102 = arith.muli %select_n3A, %mul3A_1101 : i32
      "tpu.region"() ({
        %run_scoped3A = tpu.sem_alloc : memref<!tpu.dma_semaphore, #tpu.memory_space<semaphore_mem>>
        %dma_start3A_1103 = tpu.memref_slice %arg4[%mul3A_1102, %add3A_1100] : memref<1536x50176xf32, #tpu.memory_space<hbm>> -> memref<96x128xf32, #tpu.memory_space<hbm>>
        %dma_start3A_1104 = tpu.memref_slice %arg4[%mul3A_1102, %add3A_1100] : memref<1536x50176xf32, #tpu.memory_space<hbm>> -> memref<96x128xf32, #tpu.memory_space<hbm>>
        tpu.enqueue_dma source(%arg14 : memref<96x128xf32, #tpu.memory_space<vmem>>) target(%dma_start3A_1104 : memref<96x128xf32, #tpu.memory_space<hbm>>) target_semaphore(%run_scoped3A : memref<!tpu.dma_semaphore, #tpu.memory_space<semaphore_mem>>)
        %dma_wait3A_1105 = tpu.memref_slice %arg4[%mul3A_1102, %add3A_1100] : memref<1536x50176xf32, #tpu.memory_space<hbm>> -> memref<96x128xf32, #tpu.memory_space<hbm>>
        %dma_wait3A_1106 = tpu.memref_slice %arg4[%mul3A_1102, %add3A_1100] : memref<1536x50176xf32, #tpu.memory_space<hbm>> -> memref<96x128xf32, #tpu.memory_space<hbm>>
        tpu.wait_dma2 semaphore(%run_scoped3A : memref<!tpu.dma_semaphore, #tpu.memory_space<semaphore_mem>>) src(%arg14 : memref<96x128xf32, #tpu.memory_space<vmem>>) dst(%dma_wait3A_1106 : memref<96x128xf32, #tpu.memory_space<hbm>>)
        tpu.yield
      }) : () -> ()
    }
    %scan3A_1021 = arith.constant 196 : i32
    return
  }
}

module attributes {stable_mosaic.version = 14 : i64} {
  func.func @_tc_body(%arg0: i32, %arg1: i32, %arg2: memref<1x96x16x224xf32, #tpu.memory_space<vmem>>, %arg3: memref<96x6xf32, #tpu.memory_space<vmem>>, %arg4: memref<1x6xf32, #tpu.memory_space<vmem>>, %arg5: memref<1x1x3584x128xf32, #tpu.memory_space<vmem>>, %arg6: memref<16x6xf32, #tpu.memory_space<vmem>>, %arg7: memref<96xf32, #tpu.memory_space<vmem>>) attributes {dimension_semantics = [#tpu.dimension_semantics<arbitrary>, #tpu.dimension_semantics<arbitrary>], iteration_bounds = array<i64: 16, 14>, scalar_prefetch = 0 : i64, scratch_operands = 1 : i64, tpu.core_type = #tpu.core_type<tc>, window_params = [{transform_indices = @transform_0, window_bounds = array<i64: 1, 96, 16, 224>}, {pipeline_mode = #tpu.pipeline_mode<synchronous>, transform_indices = @transform_1, window_bounds = array<i64: 96, 6>}, {pipeline_mode = #tpu.pipeline_mode<synchronous>, transform_indices = @transform_2, window_bounds = array<i64: 1, 6>}, {transform_indices = @transform_3, window_bounds = array<i64: 1, 1, 3584, 128>}, {pipeline_mode = #tpu.pipeline_mode<synchronous>, transform_indices = @transform_4, window_bounds = array<i64: 16, 6>}]} {
    %get3A = arith.constant 0 : index
    %get3A_0 = arith.constant 0 : index
    %get3A_1 = arith.constant 0 : index
    %get3A_2 = arith.constant 0 : index
    %get3A_3 = vector.load %arg2[%get3A, %get3A_0, %get3A_1, %get3A_2] : memref<1x96x16x224xf32, #tpu.memory_space<vmem>>, vector<1x96x16x224xf32>
    %get3A_4 = vector.shape_cast %get3A_3 : vector<1x96x16x224xf32> to vector<96x16x224xf32>
    %reshape3A = vector.shape_cast %get3A_4 : vector<96x16x224xf32> to vector<96x3584xf32>
    %transpose3A = tpu.transpose %reshape3A, [1, 0] : vector<96x3584xf32> -> vector<3584x96xf32>
    %broadcast_in_dim3A = arith.constant 0.000000e+00 : f32
    %broadcast_in_dim3A_5 = vector.broadcast %broadcast_in_dim3A : f32 to vector<3584x32xf32>
    %concatenate3A = tpu.concatenate %transpose3A, %broadcast_in_dim3A_5 in 1 : vector<3584x96xf32>, vector<3584x32xf32> -> vector<3584x128xf32>
    %swap3A = arith.constant 0 : index
    %swap3A_6 = arith.constant 0 : index
    %swap3A_7 = arith.constant 0 : index
    %swap3A_8 = arith.constant 0 : index
    %swap3A_9 = vector.load %arg5[%swap3A, %swap3A_6, %swap3A_7, %swap3A_8] : memref<1x1x3584x128xf32, #tpu.memory_space<vmem>>, vector<1x1x3584x128xf32>
    %swap3A_10 = vector.shape_cast %swap3A_9 : vector<1x1x3584x128xf32> to vector<3584x128xf32>
    %swap3A_11 = vector.shape_cast %concatenate3A : vector<3584x128xf32> to vector<1x1x3584x128xf32>
    tpu.vector_store %arg5[%swap3A, %swap3A_6, %swap3A_7, %swap3A_8], %swap3A_11 {strides = array<i32>} : memref<1x1x3584x128xf32, #tpu.memory_space<vmem>>, vector<1x1x3584x128xf32>,
    %reduce_sum3A = arith.constant dense<0.000000e+00> : vector<96xf32>
    %reduce_sum3A_12 = vector.multi_reduction <add>, %reshape3A, %reduce_sum3A [1] : vector<96x3584xf32> to vector<96xf32>
    %eq3A = arith.constant 0 : i32
    %eq3A_13 = arith.cmpi eq, %arg1, %eq3A : i32
    %convert_element_type3A = arith.extui %eq3A_13 : i1 to i32
    %cond3A = arith.constant 0 : i32
    %cond3A_14 = arith.cmpi ne, %convert_element_type3A, %cond3A : i32
    scf.if %cond3A_14 {
      %swap3A_24 = arith.constant 0 : index
      %swap3A_25 = vector.load %arg7[%swap3A_24] : memref<96xf32, #tpu.memory_space<vmem>>, vector<96xf32>
      tpu.vector_store %arg7[%swap3A_24], %reduce_sum3A_12 {strides = array<i32>} : memref<96xf32, #tpu.memory_space<vmem>>, vector<96xf32>,
    } else {
    }
    %gt3A = arith.constant 0 : i32
    %gt3A_15 = arith.cmpi sgt, %arg1, %gt3A : i32
    %convert_element_type3A_16 = arith.extui %gt3A_15 : i1 to i32
    %cond3A_17 = arith.constant 0 : i32
    %cond3A_18 = arith.cmpi ne, %convert_element_type3A_16, %cond3A_17 : i32
    scf.if %cond3A_18 {
      %get3A_24 = arith.constant 0 : index
      %get3A_25 = vector.load %arg7[%get3A_24] : memref<96xf32, #tpu.memory_space<vmem>>, vector<96xf32>
      %add3A = arith.addf %get3A_25, %reduce_sum3A_12 : vector<96xf32>
      %swap3A_26 = arith.constant 0 : index
      %swap3A_27 = vector.load %arg7[%swap3A_26] : memref<96xf32, #tpu.memory_space<vmem>>, vector<96xf32>
      tpu.vector_store %arg7[%swap3A_26], %add3A {strides = array<i32>} : memref<96xf32, #tpu.memory_space<vmem>>, vector<96xf32>,
    } else {
    }
    %eq3A_19 = arith.constant 13 : i32
    %eq3A_20 = arith.cmpi eq, %arg1, %eq3A_19 : i32
    %convert_element_type3A_21 = arith.extui %eq3A_20 : i1 to i32
    %cond3A_22 = arith.constant 0 : i32
    %cond3A_23 = arith.cmpi ne, %convert_element_type3A_21, %cond3A_22 : i32
    scf.if %cond3A_23 {
      %get3A_24 = arith.constant 0 : index
      %get3A_25 = vector.load %arg7[%get3A_24] : memref<96xf32, #tpu.memory_space<vmem>>, vector<96xf32>
      %mul3A = arith.constant 1.99298465E-5 : f32
      %mul3A_26 = vector.broadcast %mul3A : f32 to vector<96xf32>
      %mul3A_27 = arith.mulf %get3A_25, %mul3A_26 : vector<96xf32>
      %convert_element_type3A_28 = arith.truncf %mul3A_27 : vector<96xf32> to vector<96xbf16>
      %convert_element_type3A_29 = arith.extf %convert_element_type3A_28 : vector<96xbf16> to vector<96xf32>
      %get3A_30 = arith.constant 0 : index
      %get3A_31 = arith.constant 0 : index
      %get3A_32 = vector.load %arg3[%get3A_30, %get3A_31] : memref<96x6xf32, #tpu.memory_space<vmem>>, vector<96x6xf32>
      %convert_element_type3A_33 = arith.truncf %get3A_32 : vector<96x6xf32> to vector<96x6xbf16>
      %convert_element_type3A_34 = arith.extf %convert_element_type3A_33 : vector<96x6xbf16> to vector<96x6xf32>
      %reshape3A_35 = vector.shape_cast %convert_element_type3A_29 : vector<96xf32> to vector<1x96xf32>
      %dot_general3A = arith.constant dense<0.000000e+00> : vector<1x6xf32>
      %dot_general3A_36 = tpu.matmul %reshape3A_35, %convert_element_type3A_34, %dot_general3A {dimension_numbers = #tpu.dot_dimension_numbers<[1], [0], [0], [1], [0, 0, 1, 1], [], []>, precision = #tpu.contract_precision<fp32>, transpose_lhs_hint = false} : vector<1x96xf32>, vector<96x6xf32>, vector<1x6xf32> -> vector<1x6xf32>
      %get3A_37 = arith.constant 0 : index
      %get3A_38 = arith.constant 0 : index
      %get3A_39 = vector.load %arg4[%get3A_37, %get3A_38] : memref<1x6xf32, #tpu.memory_space<vmem>>, vector<1x6xf32>
      %add3A = arith.addf %dot_general3A_36, %get3A_39 : vector<1x6xf32>
      %swap3A_40 = arith.index_cast %arg0 : i32 to index
      %swap3A_41 = arith.constant 0 : index
      %swap3A_42 = vector.load %arg6[%swap3A_40, %swap3A_41] : memref<16x6xf32, #tpu.memory_space<vmem>>, vector<1x6xf32>
      tpu.vector_store %arg6[%swap3A_40, %swap3A_41], %add3A {strides = array<i32>} : memref<16x6xf32, #tpu.memory_space<vmem>>, vector<1x6xf32>,
    } else {
    }
    return
  }
  func.func @transform_0(%arg0: i32, %arg1: i32) -> (i32, i32, i32, i32) {
    %c0_i32 = arith.constant 0 : i32
    %c0_i32_0 = arith.constant 0 : i32
    %c0_i32_1 = arith.constant 0 : i32
    return %arg0, %c0_i32, %arg1, %c0_i32_0 : i32, i32, i32, i32
  }
  func.func @transform_1(%arg0: i32, %arg1: i32) -> (i32, i32) {
    %c0_i32 = arith.constant 0 : i32
    %c0_i32_0 = arith.constant 0 : i32
    %c0_i32_1 = arith.constant 0 : i32
    return %c0_i32, %c0_i32_0 : i32, i32
  }
  func.func @transform_2(%arg0: i32, %arg1: i32) -> (i32, i32) {
    %c0_i32 = arith.constant 0 : i32
    %c0_i32_0 = arith.constant 0 : i32
    %c0_i32_1 = arith.constant 0 : i32
    return %c0_i32, %c0_i32_0 : i32, i32
  }
  func.func @transform_3(%arg0: i32, %arg1: i32) -> (i32, i32, i32, i32) {
    %c0_i32 = arith.constant 0 : i32
    %c0_i32_0 = arith.constant 0 : i32
    %c0_i32_1 = arith.constant 0 : i32
    return %arg0, %arg1, %c0_i32, %c0_i32_0 : i32, i32, i32, i32
  }
  func.func @transform_4(%arg0: i32, %arg1: i32) -> (i32, i32) {
    %c0_i32 = arith.constant 0 : i32
    %c0_i32_0 = arith.constant 0 : i32
    %c0_i32_1 = arith.constant 0 : i32
    return %c0_i32, %c0_i32_0 : i32, i32
  }
}

</mosaic_0001>

<sc_bundles>
// kernel: kernel.4.cloned.1.call-start
scs
__scs_entry_jumppad:
0x0: {  	(pc) =	sbr.rel $0x88, $3  }
0x1: {  	(tag) =	ssettag $0x0;
	lr =	simm.s32 $0x1  }
0x2: {  	[smem:$0x3F9E] =	sst lr;
	_ =	strace $0xD0000000  }
0x3: {  	_ = 	snop  }
0x4: {  	_ = 	snop  }
0x5: {  	_ = 	snop  }
0x6: {  	_ = 	snop  }
0x7: {  	_ = 	snop  }
__scs_overlays_trampoline_lowered:
0x8: {  	[smem:$0x3FAD] =	sst s0  }
0x9: {  	[smem:$0x3FAE] =	sst s1  }
0xa: {  	[smem:$0x3FAF] =	sst s2  }
0xb: {  	[smem:$0x3FB0] =	sst s3  }
0xc: {  	[smem:$0x3FB1] =	sst s4  }
0xd: {  	[smem:$0x3FB2] =	sst s5  }
0xe: {  	[smem:$0x3FB3] =	sst s6  }
0xf: {  	[smem:$0x3FB4] =	sst s7  }
0x10: {  	[smem:$0x3FB5] =	sst s8  }
0x11: {  	[smem:$0x3FB6] =	sst s9;
	s0 =	simm.s32 @!p0 $0x0  }
0x12: {  	s1 =	sld [smem:$0x3F9C];
	s0 =	simm.s32 @p0 $0x1  }
0x13: {  	[smem:$0x3FB7] =	sst s0;
	s0 =	simm.s32 @!p1 $0x0  }
0x14: {  	s2 =	sld [smem:$0x3F9B];
	s0 =	simm.s32 @p1 $0x1  }
0x15: {  	[smem:$0x3FB8] =	sst s0;
	s0 =	simm.s32 @!p2 $0x0  }
0x16: {  	s3 =	sld [smem:$0x3FDB];
	s0 =	simm.s32 @p2 $0x1  }
0x17: {  	s4 =	simm.s32 $0x1BF5;
	[smem:$0x3FBA] =	sst s0  }
0x18: {  	s0 =	sld [smem:$0x3F9D];
	_ =	swait.ge [sflag:s4], $0x0  }
0x19: {  	s7 =	sld [smem:$0x3F9E]  }
0x1a: {  	s8 =	sadd.s32 $0xFFFFE003, lr  }
0x1b: {  	s9 =	sadd.s32 $0xFFFFFEF7, lr;
	s5 =	simm.s32 $0xFFFFFFFF;
	p2 =	slt.u32 s8, $0xFFFFF086  }
0x1c: {  	p1 =	slt.u32 s9, $0xF7A;
	s5 =	simm.s32 @!p2 $0x0  }
0x1d: {  	s5 =	simm.s32 @p1 $0x1;
	p0 =	seq.s32 s7, s2  }
0x1e: {  	s7 =	smul.u32 @!p0 $0xF7A, s2;
	p2 =	seq.s32 @!p0 s5, $0x0  }
0x1f: {  	s9 =	smul.u32 $0xF7A, s1;
	s8 =	simm.s32 @!p0 $0x1BF5;
	p2 =	por !p2, p0  }
0x20: {  	[sflag:s8] =	ssyncset.s32 @!p0 $0xFFFFF086;
	s6 =	sadd.s32 @!p0 s3, s7;
	s7 =	simm.s32 @!p0 $0x108  }
0x21: {  	s3 =	sadd.s32 s3, s9;
	s6 =	sadd.s32 @!p0 $0x88, s6;
	s7 =	simm.s32 @p2 $0x1082  }
0x22: {  	[simem:s7], [sflag:s8] =	dma.local @!p0 [hbm:s6], $0xF7A  }
0x23: {  	s9 =	sor.u32 $0xD0000000, s2;
	s6 =	simm.s32 $0x108;
	_ =	swait.ge @!p0 [sflag:s8], $0x0  }
0x24: {  	s3 =	sadd.s32 $0x88, s3;
	s6 =	simm.s32 @!p1 $0x1082;
	[sflag:s4] =	ssyncset.s32 $0xFFFFF086  }
0x25: {  	[simem:s6], [sflag:s4] =	dma.local [hbm:s3], $0xF7A  }
0x26: {  	[smem:$0x3F9E] =	sst s1;
	(tag) =	ssettag s2;
	_ =	strace s9  }
0x27: {  	s1 =	sld [smem:$0x3FAE]  }
0x28: {  	s2 =	sld [smem:$0x3FAF]  }
0x29: {  	s4 =	sld [smem:$0x3FB1]  }
0x2a: {  	p0 =	seq.s32 s5, $0x0;
	s5 =	sld [smem:$0x3FB2]  }
0x2b: {  	s6 =	sld [smem:$0x3FB3]  }
0x2c: {  	s7 =	sld [smem:$0x3FB4]  }
0x2d: {  	s3 =	simm.s32 $0x108;
	s8 =	sld [smem:$0x3FB5]  }
0x2e: {  	s3 =	simm.s32 @!p0 $0x1082;
	s9 =	sld [smem:$0x3FB6]  }
0x2f: {  	lr =	sadd.s32 s0, s3;
	s0 =	sld [smem:$0x3FAD]  }
0x30: {  	s3 =	sld [smem:$0x3FB0]  }
0x31: {  	[smem:$0x3FB9] =	sst s10  }
0x32: {  	s10 =	sld [smem:$0x3FB7];
	_ =	sdelay $0x3  }
0x33: {  	p0 =	seq.s32 s10, $0x1;
	s10 =	sld [smem:$0x3FB9];
	_ =	sdelay $0x3  }
0x34: {  	[smem:$0x3FB9] =	sst s10  }
0x35: {  	s10 =	sld [smem:$0x3FB8];
	_ =	sdelay $0x3  }
0x36: {  	p1 =	seq.s32 s10, $0x1;
	s10 =	sld [smem:$0x3FB9];
	_ =	sdelay $0x3  }
0x37: {  	[smem:$0x3FB9] =	sst s10  }
0x38: {  	s10 =	sld [smem:$0x3FBA]  }
0x39: {  	_ = 	snop;
	(pc) =	sbr.ind lr, $3  }
0x3a: {  	_ = 	snop  }
0x3b: {  	_ = 	snop  }
0x3c: {  	p2 =	seq.s32 s10, $0x1;
	s10 =	sld [smem:$0x3FB9]  }
0x3d: {  	_ =	shalt  }
0x3e: {  	_ =	shalt  }
0x3f: {  	_ =	shalt  }
0x40: {  	_ =	shalt  }
0x41: {  	_ =	shalt  }
0x42: {  	_ =	shalt  }
0x43: {  	_ =	shalt  }
0x44: {  	_ =	shalt  }
0x45: {  	_ =	shalt  }
0x46: {  	_ =	shalt  }
0x47: {  	_ =	shalt  }
0x48: {  	_ =	shalt  }
0x49: {  	_ =	shalt  }
0x4a: {  	_ =	shalt  }
0x4b: {  	_ =	shalt  }
0x4c: {  	_ =	shalt  }
0x4d: {  	_ =	shalt  }
0x4e: {  	_ =	shalt  }
0x4f: {  	_ =	shalt  }
0x50: {  	_ =	shalt  }
0x51: {  	_ =	shalt  }
0x52: {  	_ =	shalt  }
0x53: {  	_ =	shalt  }
0x54: {  	_ =	shalt  }
0x55: {  	_ =	shalt  }
0x56: {  	_ =	shalt  }
0x57: {  	_ =	shalt  }
0x58: {  	_ =	shalt  }
0x59: {  	_ =	shalt  }
0x5a: {  	_ =	shalt  }
0x5b: {  	_ =	shalt  }
0x5c: {  	_ =	shalt  }
0x5d: {  	_ =	shalt  }
0x5e: {  	_ =	shalt  }
0x5f: {  	_ =	shalt  }
0x60: {  	_ =	shalt  }
0x61: {  	_ =	shalt  }
0x62: {  	_ =	shalt  }
0x63: {  	_ =	shalt  }
0x64: {  	_ =	shalt  }
0x65: {  	_ =	shalt  }
0x66: {  	_ =	shalt  }
0x67: {  	_ =	shalt  }
0x68: {  	_ =	shalt  }
0x69: {  	_ =	shalt  }
0x6a: {  	_ =	shalt  }
0x6b: {  	_ =	shalt  }
0x6c: {  	_ =	shalt  }
0x6d: {  	_ =	shalt  }
0x6e: {  	_ =	shalt  }
0x6f: {  	_ =	shalt  }
0x70: {  	_ =	shalt  }
0x71: {  	_ =	shalt  }
0x72: {  	_ =	shalt  }
0x73: {  	_ =	shalt  }
0x74: {  	_ =	shalt  }
0x75: {  	_ =	shalt  }
0x76: {  	_ =	shalt  }
0x77: {  	_ =	shalt  }
0x78: {  	_ =	shalt  }
0x79: {  	_ =	shalt  }
0x7a: {  	_ =	shalt  }
0x7b: {  	_ =	shalt  }
0x7c: {  	_ =	shalt  }
0x7d: {  	_ =	shalt  }
0x7e: {  	_ =	shalt  }
0x7f: {  	_ =	shalt  }
0x80: {  	_ =	shalt  }
0x81: {  	_ =	shalt  }
0x82: {  	_ =	shalt  }
0x83: {  	_ =	shalt  }
0x84: {  	_ =	shalt  }
0x85: {  	_ =	shalt  }
0x86: {  	_ =	shalt  }
0x87: {  	_ =	shalt  }
.Lfunc_end0:
.L_simem_size_0:
called_computation_lowered:
.L_overlay_start_0:
0x88: {  	s2 =	sld [smem:$0x3FD9]  }
0x89: {  	s3 =	sld [smem:$0x3FFE];
	_ =	sdelay $0x1  }
0x8a: {  	s1 =	srdreg.scid  }
0x8b: {  	s0 =	sand.u32 $0x1, s1  }
0x8c: {  	s17 =	sshll.u32 s0, $0xA;
	s2 =	sadd.s32 s3, s2  }
0x8d: {  	s2 =	sadd.s32 s2, s17  }
0x8e: {  	[smem:$0x3FC5] =	sst s2  }
0x8f: {  	_ = 	snop  }
0x90: {  	s2 =	sld [smem:$0x3FD0];
	(tm) =	ssettm $0x1  }
0x91: {  	s18 =	sld [smem:$0x3FFB];
	_ =	sdelay $0x3  }
0x92: {  	_ =	strace s18  }
0x93: {  	s3 =	sld [smem:$0x3FFC];
	_ =	sdelay $0x3  }
0x94: {  	_ =	strace s3  }
0x95: {  	s3 =	sld [smem:$0x3FFD];
	_ =	sdelay $0x3  }
0x96: {  	_ =	strace s3  }
0x97: {  	_ =	strace $0x8FFFFFFF  }
0x98: {  	s19 =	sld [smem:$0x3FDB];
	_ =	sdelay $0x1  }
0x99: {  	s4 =	simm.s32 $_scs_section_size  }
0x9a: {  	s5 =	simm.s32 $_size__tile_overlayer_lowered;
	s6 =	simm.s32 $_tile_overlayer_lowered  }
0x9b: {  	s22 =	simm.s32 $0x1BFF;
	s21 =	sshll.u32 s6, $0x1;
	s3 =	sadd.s32 s4, s19  }
0x9c: {  	s7 =	simm.s32 $0x0;
	s20 =	sshll.u32 s5, $0x1;
	s5 =	sadd.s32 s21, s3  }
0x9d: {  	[timem:s7], [sflag:s22] =	dma.local [hbm:s5], s20  }
0x9e: {  	_ =	swait.ge [sflag:s22], s20  }
0x9f: {  	s4 =	ssub.s32 $0x0, s20;
	[sflag:s22] =	ssyncset.done $0x0  }
0xa0: {  	[sflag:s22] =	ssyncadd.s32 s4;
	_ =	sdelay $0x1  }
0xa1: {  	s23 =	simm.s32 $0x1B8B  }
0xa2: {  	_ =	swait.ge [sflag:s23], $0x1  }
0xa3: {  	[sflag:s23] =	ssyncset.done $0x0  }
0xa4: {  	s25 =	simm.s32 $0x1B8E;
	s24 =	sld [smem:$0x3FFE];
	[sflag:s23] =	ssyncadd.s32 $0xFFFFFFFF  }
0xa5: {  	s26 =	simm.s32 $execute0_lowered;
	[smem:$0x3FD2] =	sst s25  }
0xa6: {  	s5 =	sshll.u32 s26, $0x1;
	_ =	strace $0x80000046;
	[dreg:$0x1] =	wrdreg $0xFFFFFFFF  }
0xa7: {  	s28 =	simm.s32 $_size_execute0_lowered;
	s3 =	sadd.s32 s3, s5;
	[dreg:$0x0] =	wrdreg $0x0  }
0xa8: {  	s5 =	sshll.u32 s28, $0x1;
	[dreg:$0x2] =	wrdreg s3  }
0xa9: {  	[dreg:$0x3] =	wrdreg s5  }
0xaa: {  	[dreg:$0x4] =	wrdreg $0xC0  }
0xab: {  	_ =	task [dreg:s7], $0x5FFFF  }
0xac: {  	[dreg:$0x1] =	wrdreg $0xFFFFFFFF  }
0xad: {  	[dreg:$0x0] =	wrdreg $0x60  }
0xae: {  	[dreg:$0x2] =	wrdreg s24  }
0xaf: {  	[dreg:$0x3] =	wrdreg s2  }
0xb0: {  	[dreg:$0x4] =	wrdreg $0x9  }
0xb1: {  	_ =	task.clear_ibuf [dreg:s7], $0x5FFFF;
	_ =	strace $0x90000046  }
0xb2: {  	s29 =	simm.s32 $0x9;
	_ =	strace $0x80000048  }
0xb3: {  	_ =	swait.ge [sflag:s29], $0x1  }
0xb4: {  	[sflag:s29] =	ssyncadd.s32 $0xFFFFFFFF  }
0xb5: {  	_ =	strace $0x90000048  }
0xb6: {  	_ =	sfence  }
0xb7: {  	s30 =	sld [smem:$0x0];
	_ =	sdelay $0x2  }
0xb8: {  	s31 =	sshll.u32 s1, $0xD;
	s1 =	sshrl.u32 s1, $0x2  }
0xb9: {  	s3 =	sand.u32 $0x4000, s31;
	s1 =	sadd.s32 s1, s30  }
0xba: {  	s0 =	sor.u32 s3, s0;
	s1 =	sshll.u32 s1, $0x11  }
0xbb: {  	s0 =	sor.u32 s1, s0  }
0xbc: {  	s0 =	sadd.s32 $0x8F2B, s0  }
0xbd: {  	[sflag:s0] =	ssyncadd.remote.s32 $0x1  }
0xbe: {  	_ =	sfence.sel $0xFFFF  }
0xbf: {  	[dreg:$0x0] =	wrdreg $0xFFFFFFFF;
	(pc) =	sbr.abs _section_cstart, $3  }
0xc0: {  	[dreg:$0x1] =	wrdreg $0xFFFFFFFF  }
0xc1: {  	_ =	task.clear_ibuf [dreg:s7], $0x2FFFF;
	_ =	strace $0x9FFFFFFF  }
0xc2: {  	(tm) =	ssettm $0x7FFFFFFF  }
0xc3: {  	_ =	shalt  }
tec
execute0_lowered:
.L_overlay_start_1:
0x0: {  	(tag) =	ssettag $0x1  }
0x1: {  	s0 =	srdreg.scid  }
0x2: {  	v0 =	vlaneseq.u32;
	s1 =	sand.u32 $0x1, s0  }
0x3: {  	s3 =	stileid.u32;
	s0 =	simm.s32 $0x6200;
	v14 =	vmul.u32 $0x2, v0;
	p0 =	seq.s32 s1, $0x1  }
0x4: {  	s2 =	sor.u32 s1, s3;
	s0 =	simm.s32 @!p0 $0x0  }
0x5: {  	v23 =	vimm.s32 $0x0;
	p1 =	seq.s32 s2, $0x0;
	v57 =	vor.u32 $0x1, v14;
	v2 =	vor.u32 s0, v0  }
0x6: {  	v58 =	vor.u32 $0x20, v14;
	v59 =	vor.u32 $0x21, v14;
	p0 =	por !p1, !p0;
	s22 =	sor.u32 $0x20, s0;
	v1 =	vmul.u32 $0xB6DB6DB7, v2  }
0x7: {  	s2 =	simm.s32 $0x1;
	v60 =	vor.u32 $0x40, v14;
	v4 =	vmov s0;
	p0 =	por !p0, !p0;
	v7 =	vmov s22  }
0x8: {  	s2 =	simm.s32 @!p0 $0x0;
	v7 =	vmulhi.u32 $0x124924A, v7;
	v3 =	vshll.u32 v1, $0x1B;
	v1 =	vshrl.u32 v1, $0x5  }
0x9: {  	v61 =	vor.u32 $0x41, v14;
	vm0 =	veq.s32 v4, v0;
	s2 =	ssub.s32 s3, s2;
	v1 =	vor.u32 v3, v1  }
0xa: {  	s4 =	sor.u32 $0x10, s0;
	v22 =	vmulhi.u32 $0x124924A, v4;
	s3 =	smul.u32 $0x6, s2;
	v8 =	vmul.u32 $0xFFFFFF20, v7;
	vm1 =	vgt.u32 v1, $0x1249249  }
0xb: {  	s23 =	sor.u32 $0x30, s0;
	v27 =	vmov s4;
	v7 =	vcvt.s32.f32 v7;
	vm0 =	vmand vm0, vm1  }
0xc: {  	v25 =	vmov s3;
	v36 =	vadd.s32 s22, v8;
	v8 =	vmov s23  }
0xd: {  	s5 =	sadd.s32 $0x2, s3;
	s6 =	sor.u32 $0x1, s3;
	v7 =	vmul.f32 $8.968610310e-03, v7;
	v24 =	vsel vm0, $0xFFFFFFFF, v23;
	v26 =	vbroadcast v25, $0x0  }
0xe: {  	s20 =	sadd.s32 $0x4, s3;
	v5 =	vmov s5;
	v28 =	vmov s6;
	v3 =	vadd.s32 v24, v22  }
0xf: {  	s21 =	sadd.s32 $0x3, s3;
	v30 =	vmov s20;
	v39 =	vmulhi.u32 $0x124924A, v8;
	v4 =	vmul.u32 $0xFFFFFF20, v3  }
0x10: {  	v31 =	vmov s21;
	v29 =	vbroadcast v5, $0x0;
	v3 =	vcvt.s32.f32 v3  }
0x11: {  	s3 =	sadd.s32 $0x5, s3;
	v8 =	vmul.u32 $0xFFFFFF20, v39;
	v2 =	vadd.s32 v2, v4;
	v4 =	vmulhi.u32 $0x124924A, v27  }
0x12: {  	v34 =	vmov s3;
	v32 =	vbroadcast v30, $0x0;
	v2 =	vcvt.s32.f32 v2  }
0x13: {  	v3 =	vmul.f32 $8.968610310e-03, v3;
	v8 =	vadd.s32 s23, v8;
	v6 =	vmul.u32 $0xFFFFFF20, v4  }
0x14: {  	v8 =	vor.u32 v0, v8;
	v4 =	vcvt.s32.f32 v4;
	v2 =	vmul.f32 $8.968610310e-03, v2  }
0x15: {  	v3 =	vadd.f32 $-1.000000000e+00, v3;
	v8 =	vcvt.s32.f32 v8;
	v6 =	vadd.s32 s4, v6  }
0x16: {  	v4 =	vmul.f32 $8.968610310e-03, v4;
	v2 =	vadd.f32 $-1.000000000e+00, v2;
	v6 =	vor.u32 v0, v6  }
0x17: {  	[tilespmem:$0x1FEC0] =	vst v28;
	v42 =	vadd.f32 $-1.000000000e+00, v7;
	v43 =	vmul.f32 $8.968610310e-03, v8;
	v6 =	vcvt.s32.f32 v6  }
0x18: {  	[tilespmem:$0x1FEE0] =	vst v31;
	v35 =	vshrl.u32 v3, $0x10;
	v4 =	vadd.f32 $-1.000000000e+00, v4;
	v33 =	vshrl.u32 v2, $0x10  }
0x19: {  	[tilespmem:$0x1FF00] =	vst v34;
	v7 =	vadd.f32 $-1.000000000e+00, v43;
	v5 =	vand.u32 $0x1, v33;
	v6 =	vmul.f32 $8.968610310e-03, v6  }
0x1a: {  	[tilespmem:$0x1FEB0] =	vst v26;
	v9 =	vshrl.u32 v4, $0x10;
	v2 =	vadd.s32 v5, v2;
	v5 =	vand.u32 $0x1, v35  }
0x1b: {  	[tilespmem:$0x1FED0] =	vst v29;
	v41 =	vand.u32 $0x1, v9;
	v2 =	vadd.s32 $0x7FFF, v2;
	v3 =	vadd.s32 v5, v3  }
0x1c: {  	[tilespmem:$0x1FEF0] =	vst v32;
	v4 =	vadd.s32 v41, v4;
	v3 =	vadd.s32 $0x7FFF, v3;
	v37 =	vand.u32 $0xFFFF0000, v2  }
0x1d: {  	s26 =	simm.s32 $0x0;
	v5 =	vor.u32 v0, v36;
	v45 =	vadd.s32 $0x7FFF, v4;
	[tilespmem:$0x1FF10] =	vst v37;
	v38 =	vand.u32 $0xFFFF0000, v3  }
0x1e: {  	[smem:$0x7FF] =	sst s26;
	v62 =	vor.u32 $0x60, v14;
	v5 =	vcvt.s32.f32 v5;
	v48 =	vand.u32 $0xFFFF0000, v45;
	[tilespmem:$0x1FF20] =	vst v38  }
0x1f: {  	s25 =	rddreg [dreg:$0x0];
	v63 =	vor.u32 $0x61, v14;
	v51 =	vshrl.u32 v7, $0x10;
	v6 =	vadd.f32 $-1.000000000e+00, v6;
	_ =	strace $0x80000047;
	[tilespmem:$0x1FF40] =	vst v48  }
0x20: {  	v2 =	vcvt.s32.f32 v39;
	v4 =	vand.u32 $0x1, v51;
	v5 =	vmul.f32 $8.968610310e-03, v5;
	[tilespmem:$0x1FF90] =	vst v57  }
0x21: {  	v47 =	vshrl.u32 v42, $0x10;
	v40 =	vshrl.u32 v6, $0x10;
	v4 =	vadd.s32 v4, v7;
	[tilespmem:$0x1FFA0] =	vst v58  }
0x22: {  	s7 =	simm.s32 $0x1;
	s12 =	simm.s32 $0x3;
	v3 =	vand.u32 $0x1, v40;
	v2 =	vmul.f32 $8.968610310e-03, v2;
	[tilespmem:$0x1FFB0] =	vst v59;
	v5 =	vadd.f32 $-1.000000000e+00, v5  }
0x23: {  	s13 =	simm.s32 $0x80;
	s14 =	simm.s32 $0x180;
	s19 =	simm.s32 $0x200;
	v50 =	vand.u32 $0x1, v47;
	v54 =	vadd.s32 $0x7FFF, v4;
	v3 =	vadd.s32 v3, v6;
	[tilespmem:$0x1FFC0] =	vst v60  }
0x24: {  	s28 =	simm.s32 $0x400;
	s1 =	ssub.s32 $0x2, s1;
	s24 =	smul.u32 $0xC400, s2;
	[tilespmem:$0x1FFD0] =	vst v61;
	v3 =	vadd.s32 $0x7FFF, v3;
	v2 =	vadd.f32 $-1.000000000e+00, v2;
	v9 =	vshrl.u32 v5, $0x10  }
0x25: {  	s29 =	simm.s32 $0x62000;
	s30 =	sshrl.u32 s1, $0x1;
	s2 =	smul.u32 $0x60, s2;
	v55 =	vand.u32 $0xFFFF0000, v54;
	[tilespmem:$0x1FFE0] =	vst v62;
	v44 =	vand.u32 $0xFFFF0000, v3;
	v9 =	vand.u32 $0x1, v9  }
0x26: {  	s26 =	simm.s32 $0x2;
	s1 =	ssub.s32 s1, s30;
	s31 =	sor.u32 $0x80, s0;
	[tilespmem:$0x1FFF0] =	vst v63;
	v3 =	vadd.s32 v50, v42;
	v52 =	vshrl.u32 v2, $0x10;
	v5 =	vadd.s32 v9, v5  }
0x27: {  	s10 =	sshrl.u32 s0, $0x7;
	s1 =	smax.u32 s1, $0x1;
	s2 =	sshrl.u32 s2, $0x3;
	[tilespmem:$0x1FF70] =	vst v55;
	v3 =	vadd.s32 $0x7FFF, v3;
	v46 =	vadd.s32 $0x7FFF, v5;
	v5 =	vand.u32 $0x1, v52  }
0x28: {  	v10 =	vmov s24;
	s22 =	simm.s32 $0x380;
	s24 =	simm.s32 $0x580;
	s6 =	sadd.s32 $0xC40800, s25;
	[tilespmem:$0x1FF30] =	vst v44;
	v53 =	vand.u32 $0xFFFF0000, v3;
	v2 =	vadd.s32 v5, v2  }
0x29: {  	s5 =	sadd.s32 $0x800, s25;
	s9 =	smul.u32 $0x62000, s2;
	s20 =	simm.s32 $0xC680;
	[tilespmem:$0x1FF60] =	vst v53;
	v49 =	vand.u32 $0xFFFF0000, v46;
	v2 =	vadd.s32 $0x7FFF, v2  }
0x2a: {  	s21 =	simm.s32 $0x280;
	s25 =	simm.s32 $0x10680;
	[dreg:$0x3] =	wrdreg s31;
	[tilespmem:$0x1FF50] =	vst v49;
	v56 =	vand.u32 $0xFFFF0000, v2  }
0x2b: {  	s2 =	simm.s32 $0x0;
	s23 =	simm.s32 $0x480;
	[dreg:$0x4] =	wrdreg s1;
	[tilespmem:$0x1FF80] =	vst v56  }
.LBB2_1:
0x2c: {  	[dreg:$0x5] =	wrdreg s2  }
0x2d: {  	s1 =	rddreg [dreg:$0x1];
	s17 =	simm.s32 $0x0  }
0x2e: {  	[tilespmem:s17], [sflag:$0x3] =	stream.linear.gather [hbm4b:s1+s17], $0x80, $0x38;
	[tilespmem:$0x13680] =	vst v63  }
0x2f: {  	_ =	swait.ge [sflag:s12], $0x80  }
0x30: {  	v0 =	vld [tilespmem:$0x1FEB0]  }
0x31: {  	v54 =	vld [tilespmem:$0x1FEC0]  }
0x32: {  	v55 =	vld [tilespmem:$0x1FEE0]  }
0x33: {  	v56 =	vld [tilespmem:$0x1FEF0]  }
0x34: {  	v58 =	vld [tilespmem:$0x1FED0]  }
0x35: {  	v62 =	vld [tilespmem:$0x1FF00]  }
0x36: {  	[sflag:s12] =	ssyncset.done $0x0  }
0x37: {  	[sflag:s12] =	ssyncadd.s32 $0xFFFFFF80  }
0x38: {  	v2 =	vld.idx.msk [tilespmem:v0+s17+$0x0], $0xffff  }
0x39: {  	v3 =	vld.idx.msk [tilespmem:v54+s17+$0x0], $0xffff  }
0x3a: {  	v4 =	vld.idx.msk [tilespmem:v55+s17+$0x0], $0xffff  }
0x3b: {  	v6 =	vld.idx.msk [tilespmem:v56+s17+$0x0], $0xffff  }
0x3c: {  	v7 =	vld.idx.msk [tilespmem:v58+s17+$0x0], $0xffff  }
0x3d: {  	v8 =	vld.idx.msk [tilespmem:v62+s17+$0x0], $0xffff;
	_ =	sdelay $0x3  }
0x3e: {  	v5 =	vshrl.u32 v2, $0x10;
	v57 =	vshrl.u32 v3, $0x10;
	v60 =	vshrl.u32 v4, $0x10  }
0x3f: {  	v22 =	vld [tilespmem:$0x1FF10];
	v61 =	vshrl.u32 v6, $0x10;
	v17 =	vshrl.u32 v7, $0x10;
	v21 =	vshrl.u32 v8, $0x10  }
0x40: {  	v51 =	vld [tilespmem:$0x1FF50];
	v5 =	vand.u32 $0x1, v5;
	v63 =	vand.u32 $0x1, v60;
	v16 =	vand.u32 $0x1, v61  }
0x41: {  	v1 =	vld [tilespmem:$0x1FF20];
	v18 =	vand.u32 $0x1, v17;
	v2 =	vadd.s32 v5, v2;
	v5 =	vand.u32 $0x1, v57  }
0x42: {  	v13 =	vld [tilespmem:$0x1FF40];
	v2 =	vadd.s32 $0x7FFF, v2;
	v59 =	vadd.s32 v5, v3;
	v3 =	vadd.s32 v16, v6  }
0x43: {  	v19 =	vand.u32 $0xFFFF0000, v2;
	v2 =	vadd.s32 $0x7FFF, v59;
	v3 =	vadd.s32 $0x7FFF, v3  }
0x44: {  	v45 =	vld [tilespmem:$0x1FF30];
	v20 =	vand.u32 $0xFFFF0000, v2;
	v2 =	vadd.s32 v63, v4;
	v4 =	vadd.s32 v18, v7  }
0x45: {  	v28 =	vand.u32 $0xFFFF0000, v3;
	v23 =	vmul.f32 v19, v22;
	v31 =	vmul.f32 v19, v51  }
0x46: {  	v2 =	vadd.s32 $0x7FFF, v2;
	v32 =	vmul.f32 v20, v1;
	v34 =	vmul.f32 v28, v1  }
0x47: {  	v18 =	vld [tilespmem:$0x1FF60];
	v4 =	vadd.s32 $0x7FFF, v4;
	v9 =	vmul.f32 v20, v13;
	v27 =	vand.u32 $0xFFFF0000, v2  }
0x48: {  	v13 =	vmul.f32 v28, v13;
	v2 =	vand.u32 $0x1, v21;
	v33 =	vmul.f32 v27, v22  }
0x49: {  	v2 =	vadd.s32 v2, v8;
	v3 =	vadd.f32 v32, v23;
	v8 =	vmul.f32 v19, v45  }
0x4a: {  	v61 =	vld [tilespmem:$0x1FF70];
	v29 =	vand.u32 $0xFFFF0000, v4;
	v2 =	vadd.s32 $0x7FFF, v2;
	v35 =	vadd.f32 v34, v33  }
0x4b: {  	v36 =	vadd.f32 v29, v3;
	v8 =	vadd.f32 v9, v8;
	v9 =	vmul.f32 v27, v45  }
0x4c: {  	v30 =	vand.u32 $0xFFFF0000, v2;
	v32 =	vmul.f32 v20, v18;
	v33 =	vmul.f32 v27, v51  }
0x4d: {  	v34 =	vmul.f32 v28, v18;
	v37 =	vadd.f32 v30, v35;
	v2 =	vadd.f32 $1.000000000e+00, v36  }
0x4e: {  	v0 =	vimm.s32 $0x0;
	v8 =	vadd.f32 v29, v8;
	v9 =	vadd.f32 v13, v9  }
0x4f: {  	v62 =	vmul.f32 v19, v61;
	v31 =	vadd.f32 v32, v31;
	v33 =	vadd.f32 v34, v33  }
0x50: {  	v3 =	vadd.f32 $1.000000000e+00, v37;
	v2 =	vmul.f32 $1.120000000e+02, v2;
	v8 =	vadd.f32 $1.000000000e+00, v8  }
0x51: {  	[tilespmem:$0x1FE90] =	vst v19;
	v19 =	vmul.f32 v27, v61;
	v9 =	vadd.f32 v30, v9;
	v31 =	vadd.f32 v29, v31  }
0x52: {  	v33 =	vadd.f32 v30, v33;
	v3 =	vmul.f32 $1.120000000e+02, v3;
	v38 =	vtrunc.f32 v2  }
0x53: {  	v63 =	vld [tilespmem:$0x1FF80];
	v8 =	vmul.f32 $1.120000000e+02, v8;
	v9 =	vadd.f32 $1.000000000e+00, v9;
	v31 =	vadd.f32 $1.000000000e+00, v31  }
0x54: {  	v33 =	vadd.f32 $1.000000000e+00, v33;
	v39 =	vcvt.f32.s32 v38;
	v40 =	vtrunc.f32 v3  }
0x55: {  	vm0 =	vlt.f32 v2, v38;
	v48 =	vmul.f32 $1.120000000e+02, v9;
	v9 =	vtrunc.f32 v8  }
0x56: {  	v41 =	vsel vm0, $0xFFFFFFFF, v0;
	v31 =	vmul.f32 $1.120000000e+02, v31;
	v33 =	vmul.f32 $1.120000000e+02, v33  }
0x57: {  	v42 =	vcvt.f32.s32 v40;
	vm6 =	vlt.f32 v3, v40;
	v43 =	vadd.s32 v39, v41  }
0x58: {  	v16 =	vcvt.f32.s32 v9;
	vm10 =	vlt.f32 v8, v9;
	v40 =	vmul.f32 v20, v63  }
0x59: {  	[tilespmem:$0x1FEA0] =	vst v20;
	v20 =	vmul.f32 v28, v63;
	v44 =	vsel vm6, $0xFFFFFFFF, v0;
	vm7 =	vgt.s32 v43, $0x0  }
0x5a: {  	v6 =	vadd.s32 $0x1, v43;
	v9 =	vsel vm10, $0xFFFFFFFF, v0;
	v17 =	vtrunc.f32 v48  }
0x5b: {  	v5 =	vadd.s32 v42, v44;
	v4 =	vnsel vm7, $0x0, v43;
	vm8 =	vgt.s32 v6, $0x0  }
0x5c: {  	v9 =	vadd.s32 v16, v9;
	v49 =	vcvt.f32.s32 v17;
	vm11 =	vlt.f32 v48, v17  }
0x5d: {  	v7 =	vadd.s32 $0x1, v5;
	v6 =	vnsel vm8, $0x0, v6;
	vm9 =	vgt.s32 v5, $0x0  }
0x5e: {  	v4 =	vmin.u32 v4, $0xDF;
	v17 =	vsel vm11, $0xFFFFFFFF, v0;
	vm12 =	vgt.s32 v9, $0x0  }
0x5f: {  	vm1 =	vgt.s32 v7, $0x0;
	v5 =	vnsel vm9, $0x0, v5;
	v6 =	vmin.u32 v6, $0xDF  }
0x60: {  	v13 =	vcvt.s32.f32 v4;
	v16 =	vadd.s32 v49, v17;
	v50 =	vnsel vm12, $0x0, v9  }
0x61: {  	v9 =	vadd.s32 $0x1, v9;
	v7 =	vnsel vm1, $0x0, v7;
	v5 =	vmin.u32 v5, $0xDF  }
0x62: {  	v11 =	vcvt.s32.f32 v6;
	vm13 =	vgt.s32 v9, $0x0;
	v17 =	vmin.u32 v50, $0xDF  }
0x63: {  	vm14 =	vgt.s32 v16, $0x0;
	v52 =	vadd.s32 $0x1, v16;
	v7 =	vmin.u32 v7, $0xDF  }
0x64: {  	v15 =	vcvt.s32.f32 v5;
	v5 =	vmul.u32 $0xE0, v5;
	v9 =	vnsel vm13, $0x0, v9  }
0x65: {  	v16 =	vnsel vm14, $0x0, v16;
	vm15 =	vgt.s32 v52, $0x0;
	v53 =	vcvt.s32.f32 v17  }
0x66: {  	v12 =	vcvt.s32.f32 v7;
	v11 =	vsub.f32 v11, v2;
	v2 =	vsub.f32 v2, v13  }
0x67: {  	v7 =	vmul.u32 $0xE0, v7;
	v9 =	vmin.u32 v9, $0xDF;
	v32 =	vnsel vm15, $0x0, v52  }
0x68: {  	v16 =	vmin.u32 v16, $0xDF;
	v46 =	vadd.s32 v10, v5;
	v32 =	vmin.u32 v32, $0xDF  }
0x69: {  	v35 =	vcvt.s32.f32 v9;
	v54 =	vcvt.s32.f32 v16;
	v55 =	vsub.f32 v8, v53  }
0x6a: {  	v16 =	vmul.u32 $0xE0, v16;
	v12 =	vsub.f32 v12, v3;
	v3 =	vsub.f32 v3, v15  }
0x6b: {  	v47 =	vadd.s32 v10, v7;
	v13 =	vadd.s32 v4, v46;
	v36 =	vcvt.s32.f32 v32  }
0x6c: {  	v4 =	vadd.s32 v4, v47;
	v35 =	vsub.f32 v35, v8;
	v8 =	vtrunc.f32 v31  }
0x6d: {  	v5 =	vadd.s32 v6, v47;
	v15 =	vmul.f32 v12, v11;
	v11 =	vmul.f32 v3, v11  }
0x6e: {  	v16 =	vadd.s32 v10, v16;
	v12 =	vmul.f32 v12, v2;
	v2 =	vmul.f32 v3, v2  }
0x6f: {  	v3 =	vadd.s32 v6, v46;
	v36 =	vsub.f32 v36, v48;
	v6 =	vsub.f32 v48, v54  }
0x70: {  	v56 =	vcvt.f32.s32 v8;
	vm4 =	vlt.f32 v31, v8;
	v8 =	vtrunc.f32 v33  }
0x71: {  	v37 =	vsel vm4, $0xFFFFFFFF, v0;
	v38 =	vcvt.f32.s32 v8;
	vm5 =	vlt.f32 v33, v8  }
0x72: {  	v8 =	vmul.f32 v36, v35;
	v39 =	vsel vm5, $0xFFFFFFFF, v0;
	v34 =	vadd.s32 v56, v37  }
0x73: {  	v23 =	vld [tilespmem:$0x1FF90];
	v35 =	vmul.f32 v6, v35;
	v57 =	vadd.s32 v38, v39;
	vm6 =	vgt.s32 v34, $0x0  }
0x74: {  	v58 =	vadd.s32 $0x1, v57;
	v59 =	vnsel vm6, $0x0, v34;
	v34 =	vadd.s32 $0x1, v34  }
0x75: {  	v36 =	vmul.f32 v36, v55;
	[tilespmem:$0x280] =	vst v15;
	vm7 =	vgt.s32 v58, $0x0;
	vm8 =	vgt.s32 v34, $0x0  }
0x76: {  	[tilespmem:$0x380] =	vst v11;
	vm9 =	vgt.s32 v57, $0x0;
	v7 =	vnsel vm7, $0x0, v58;
	v34 =	vnsel vm8, $0x0, v34  }
0x77: {  	[tilespmem:$0x480] =	vst v12;
	v37 =	vnsel vm9, $0x0, v57;
	v7 =	vmin.u32 v7, $0xDF;
	v34 =	vmin.u32 v34, $0xDF  }
0x78: {  	[tilespmem:$0x580] =	vst v2;
	v15 =	vmin.u32 v37, $0xDF;
	v60 =	vcvt.s32.f32 v7;
	v11 =	vcvt.s32.f32 v34  }
0x79: {  	v12 =	vadd.f32 v40, v62;
	[tilespmem:v14+s13+$0x0] =	vst.idx.msk $0xffff, v13;
	v13 =	vadd.f32 v20, v19;
	v41 =	vcvt.s32.f32 v15  }
0x7a: {  	v6 =	vmul.f32 v6, v55;
	v39 =	vsub.f32 v60, v33;
	v11 =	vsub.f32 v11, v31  }
0x7b: {  	v12 =	vadd.f32 v29, v12;
	[tilespmem:v23+s13+$0x0] =	vst.idx.msk $0xffff, v3;
	v38 =	vmin.u32 v59, $0xDF;
	v21 =	vsub.f32 v33, v41  }
0x7c: {  	v47 =	vld [tilespmem:$0x1FFA0];
	[tilespmem:v14+s14+$0x0] =	vst.idx.msk $0xffff, v4;
	v22 =	vcvt.s32.f32 v38;
	v37 =	vmul.u32 $0xE0, v32;
	v40 =	vmul.f32 v39, v11  }
0x7d: {  	v48 =	vld [tilespmem:$0x1FFB0];
	[tilespmem:v23+s14+$0x0] =	vst.idx.msk $0xffff, v5;
	v41 =	vmul.f32 v21, v11;
	v11 =	vadd.f32 $1.000000000e+00, v12;
	v12 =	vadd.f32 v30, v13  }
0x7e: {  	[tilespmem:$0x290] =	vst v8;
	v8 =	vadd.s32 v17, v16;
	v15 =	vmul.u32 $0xE0, v15;
	v3 =	vadd.s32 v10, v37  }
0x7f: {  	v31 =	vsub.f32 v31, v22;
	v42 =	vmul.f32 $1.120000000e+02, v11;
	v11 =	vadd.f32 $1.000000000e+00, v12  }
0x80: {  	v45 =	vmul.u32 $0xE0, v7;
	v43 =	vadd.s32 v17, v3;
	v3 =	vadd.s32 v9, v3  }
0x81: {  	[tilespmem:$0x390] =	vst v35;
	v13 =	vmul.f32 v39, v31;
	v12 =	vadd.s32 v9, v16;
	v9 =	vmul.f32 $1.120000000e+02, v11  }
0x82: {  	[tilespmem:$0x590] =	vst v6;
	v6 =	vadd.s32 v10, v45;
	v2 =	vmul.f32 v21, v31;
	v11 =	vtrunc.f32 v42  }
0x83: {  	[tilespmem:$0x490] =	vst v36;
	v44 =	vcvt.f32.s32 v11;
	vm10 =	vlt.f32 v42, v11;
	v11 =	vtrunc.f32 v9  }
0x84: {  	v53 =	vld [tilespmem:$0x1FFC0];
	[tilespmem:v47+s13+$0x0] =	vst.idx.msk $0xffff, v8;
	v46 =	vsel vm10, $0xFFFFFFFF, v0;
	vm11 =	vlt.f32 v9, v11;
	v8 =	vcvt.f32.s32 v11  }
0x85: {  	[tilespmem:v48+s13+$0x0] =	vst.idx.msk $0xffff, v12;
	v7 =	vadd.s32 v44, v46;
	v11 =	vadd.s32 v10, v15;
	v12 =	vsel vm11, $0xFFFFFFFF, v0  }
0x86: {  	v54 =	vld [tilespmem:$0x1FFD0];
	[tilespmem:v47+s14+$0x0] =	vst.idx.msk $0xffff, v43;
	vm12 =	vgt.s32 v7, $0x0;
	v15 =	vadd.s32 v38, v11;
	v8 =	vadd.s32 v8, v12  }
0x87: {  	[tilespmem:v48+s14+$0x0] =	vst.idx.msk $0xffff, v3;
	v51 =	vadd.s32 v34, v11;
	v12 =	vadd.s32 $0x1, v7;
	v50 =	vadd.s32 $0x1, v8  }
0x88: {  	[tilespmem:$0x2A0] =	vst v40;
	v49 =	vnsel vm12, $0x0, v7;
	vm13 =	vgt.s32 v12, $0x0;
	vm14 =	vgt.s32 v50, $0x0  }
0x89: {  	[tilespmem:$0x3A0] =	vst v41;
	vm15 =	vgt.s32 v8, $0x0;
	v12 =	vnsel vm13, $0x0, v12;
	v7 =	vnsel vm14, $0x0, v50  }
0x8a: {  	[tilespmem:$0x4A0] =	vst v13;
	v8 =	vnsel vm15, $0x0, v8;
	v11 =	vmin.u32 v12, $0xDF;
	v7 =	vmin.u32 v7, $0xDF  }
0x8b: {  	[tilespmem:$0x5A0] =	vst v2;
	v52 =	vmin.u32 v8, $0xDF;
	v8 =	vcvt.s32.f32 v11;
	v12 =	vcvt.s32.f32 v7  }
0x8c: {  	v13 =	vadd.s32 v38, v6;
	[tilespmem:v53+s13+$0x0] =	vst.idx.msk $0xffff, v15;
	v3 =	vmin.u32 v49, $0xDF;
	v15 =	vcvt.s32.f32 v52  }
0x8d: {  	v60 =	vld [tilespmem:$0x1FFE0];
	v55 =	vcvt.s32.f32 v3;
	v8 =	vsub.f32 v8, v42;
	v12 =	vsub.f32 v12, v9  }
0x8e: {  	v61 =	vld [tilespmem:$0x1FFF0];
	v6 =	vadd.s32 v34, v6;
	[tilespmem:v54+s13+$0x0] =	vst.idx.msk $0xffff, v51;
	v9 =	vsub.f32 v9, v15  }
0x8f: {  	[tilespmem:v53+s14+$0x0] =	vst.idx.msk $0xffff, v13;
	v4 =	vsub.f32 v42, v55;
	v13 =	vmul.f32 v12, v8  }
0x90: {  	[tilespmem:v54+s14+$0x0] =	vst.idx.msk $0xffff, v6;
	v56 =	vmul.f32 v9, v8  }
0x91: {  	v2 =	vmul.u32 $0xE0, v52;
	v57 =	vmul.f32 v12, v4;
	[tilespmem:$0x2B0] =	vst v13  }
0x92: {  	v4 =	vmul.f32 v9, v4;
	[tilespmem:$0x3B0] =	vst v56  }
0x93: {  	v58 =	vmul.u32 $0xE0, v7;
	v2 =	vadd.s32 v10, v2;
	[tilespmem:$0x4B0] =	vst v57  }
0x94: {  	v59 =	vadd.s32 v3, v2;
	[tilespmem:$0x5B0] =	vst v4  }
0x95: {  	v5 =	vadd.s32 v10, v58;
	v2 =	vadd.s32 v11, v2;
	[tilespmem:v60+s13+$0x0] =	vst.idx.msk $0xffff, v59  }
0x96: {  	v62 =	vadd.s32 v3, v5;
	[tilespmem:v61+s13+$0x0] =	vst.idx.msk $0xffff, v2  }
0x97: {  	v63 =	vadd.s32 v11, v5;
	[tilespmem:v60+s14+$0x0] =	vst.idx.msk $0xffff, v62  }
0x98: {  	s18 =	simm.s32 $0x680;
	[tilespmem:v61+s14+$0x0] =	vst.idx.msk $0xffff, v63  }
0x99: {  	[tilespmem:s18], [sflag:$0x1] =	stream.indirect.gather [hbm4b:s5+s13], $0x80, s13, s13, $0xb8;
	[tilespmem:$0x13680] =	vst v63  }
0x9a: {  	s30 =	simm.s32 $0x8680;
	s31 =	simm.s32 $0x0  }
0x9b: {  	[tilespmem:s30], [sflag:$0x1] =	stream.indirect.gather [hbm4b:s5+s13], $0x80, s14, s13, $0xb8;
	[tilespmem:$0x13680] =	vst v63  }
.LBB2_2:
0x9c: {  	s2 =	sshll.u32 s31, $0x7  }
0x9d: {  	s1 =	sadd.s32 s2, s0  }
0x9e: {  	s3 =	sadd.s32 $0x40, s1  }
0x9f: {  	v2 =	vmov s3  }
0xa0: {  	v2 =	vmulhi.u32 $0x92492493, v2;
	_ =	sdelay $0x1  }
0xa1: {  	v2 =	vshrl.u32 v2, $0x7  }
0xa2: {  	v3 =	vmul.u32 $0xFFFFFF20, v2;
	_ =	sdelay $0x1  }
0xa3: {  	v0 =	vlaneseq.u32;
	v3 =	vadd.s32 s3, v3  }
0xa4: {  	v2 =	vcvt.s32.f32 v2;
	v3 =	vadd.s32 v0, v3  }
0xa5: {  	v3 =	vcvt.s32.f32 v3  }
0xa6: {  	v2 =	vmul.f32 $8.968610310e-03, v2  }
0xa7: {  	v3 =	vmul.f32 $8.968610310e-03, v3  }
0xa8: {  	v2 =	vadd.f32 $-1.000000000e+00, v2  }
0xa9: {  	v3 =	vadd.f32 $-1.000000000e+00, v3  }
0xaa: {  	v19 =	vld [tilespmem:$0x1FEA0];
	v5 =	vshrl.u32 v2, $0x10  }
0xab: {  	v18 =	vld [tilespmem:$0x1FE90];
	v5 =	vand.u32 $0x1, v5;
	v4 =	vshrl.u32 v3, $0x10  }
0xac: {  	v2 =	vadd.s32 v5, v2;
	v4 =	vand.u32 $0x1, v4  }
0xad: {  	v2 =	vadd.s32 $0x7FFF, v2;
	v3 =	vadd.s32 v4, v3  }
0xae: {  	v2 =	vand.u32 $0xFFFF0000, v2;
	v3 =	vadd.s32 $0x7FFF, v3  }
0xaf: {  	v5 =	vmul.f32 v2, v19;
	v2 =	vmul.f32 v2, v28;
	v3 =	vand.u32 $0xFFFF0000, v3  }
0xb0: {  	v4 =	vmul.f32 v3, v18;
	v3 =	vmul.f32 v3, v27;
	_ =	sdelay $0x1  }
0xb1: {  	v4 =	vadd.f32 v4, v5;
	v2 =	vadd.f32 v3, v2;
	_ =	sdelay $0x1  }
0xb2: {  	v4 =	vadd.f32 v29, v4;
	v2 =	vadd.f32 v30, v2  }
0xb3: {  	s15 =	sadd.s32 $0x50, s1  }
0xb4: {  	v3 =	vadd.f32 $1.000000000e+00, v4;
	v4 =	vmov s15;
	v2 =	vadd.f32 $1.000000000e+00, v2  }
0xb5: {  	v4 =	vmulhi.u32 $0x92492493, v4  }
0xb6: {  	v3 =	vmul.f32 $1.120000000e+02, v3;
	v2 =	vmul.f32 $1.120000000e+02, v2  }
0xb7: {  	v4 =	vshrl.u32 v4, $0x7  }
0xb8: {  	v5 =	vtrunc.f32 v3;
	v6 =	vmul.u32 $0xFFFFFF20, v4;
	v8 =	vtrunc.f32 v2  }
0xb9: {  	v1 =	vimm.s32 $0x0;
	v4 =	vcvt.s32.f32 v4;
	v7 =	vcvt.f32.s32 v5  }
0xba: {  	vm0 =	vlt.f32 v3, v5;
	vm6 =	vlt.f32 v2, v8;
	v6 =	vadd.s32 s15, v6  }
0xbb: {  	v5 =	vsel vm0, $0xFFFFFFFF, v1;
	v4 =	vmul.f32 $8.968610310e-03, v4;
	v6 =	vadd.s32 v0, v6  }
0xbc: {  	v5 =	vadd.s32 v7, v5;
	v7 =	vcvt.f32.s32 v8;
	v6 =	vcvt.s32.f32 v6  }
0xbd: {  	v8 =	vsel vm6, $0xFFFFFFFF, v1;
	vm7 =	vgt.s32 v5, $0x0;
	v9 =	vadd.s32 $0x1, v5  }
0xbe: {  	v4 =	vadd.f32 $-1.000000000e+00, v4;
	vm1 =	vgt.s32 v9, $0x0;
	v6 =	vmul.f32 $8.968610310e-03, v6  }
0xbf: {  	v5 =	vnsel vm7, $0x0, v5;
	v7 =	vadd.s32 v7, v8;
	v8 =	vnsel vm1, $0x0, v9  }
0xc0: {  	v9 =	vadd.s32 $0x1, v7;
	v11 =	vmin.u32 v5, $0xDF;
	v6 =	vadd.f32 $-1.000000000e+00, v6  }
0xc1: {  	v12 =	vshrl.u32 v4, $0x10;
	vm9 =	vgt.s32 v7, $0x0;
	vm8 =	vgt.s32 v9, $0x0  }
0xc2: {  	v12 =	vand.u32 $0x1, v12;
	v5 =	vnsel vm8, $0x0, v9;
	v9 =	vshrl.u32 v6, $0x10  }
0xc3: {  	v7 =	vnsel vm9, $0x0, v7;
	v4 =	vadd.s32 v12, v4;
	v9 =	vand.u32 $0x1, v9  }
0xc4: {  	v7 =	vmin.u32 v7, $0xDF;
	v5 =	vmin.u32 v5, $0xDF;
	v6 =	vadd.s32 v9, v6  }
0xc5: {  	v4 =	vadd.s32 $0x7FFF, v4;
	v16 =	vcvt.s32.f32 v7;
	v6 =	vadd.s32 $0x7FFF, v6  }
0xc6: {  	v12 =	vcvt.s32.f32 v5;
	v4 =	vand.u32 $0xFFFF0000, v4;
	v6 =	vand.u32 $0xFFFF0000, v6  }
0xc7: {  	v15 =	vmul.f32 v4, v19;
	v13 =	vmul.f32 v6, v18  }
0xc8: {  	v8 =	vmin.u32 v8, $0xDF;
	v4 =	vmul.f32 v4, v28;
	v6 =	vmul.f32 v6, v27  }
0xc9: {  	v9 =	vcvt.s32.f32 v8;
	v12 =	vsub.f32 v12, v2;
	v13 =	vadd.f32 v13, v15  }
0xca: {  	v2 =	vsub.f32 v2, v16;
	v15 =	vcvt.s32.f32 v11;
	v4 =	vadd.f32 v6, v4  }
0xcb: {  	v41 =	vor.u32 $0x81, v14;
	v9 =	vsub.f32 v9, v3;
	v13 =	vadd.f32 v29, v13  }
0xcc: {  	v7 =	vmul.u32 $0xE0, v7;
	v15 =	vsub.f32 v3, v15;
	v16 =	vadd.f32 v30, v4  }
0xcd: {  	v5 =	vmul.u32 $0xE0, v5;
	v6 =	vmul.f32 v12, v9;
	v4 =	vmul.f32 v9, v2  }
0xce: {  	s16 =	sadd.s32 $0x60, s1;
	v9 =	vadd.f32 $1.000000000e+00, v13;
	v3 =	vmul.f32 v12, v15;
	v12 =	vadd.f32 $1.000000000e+00, v16  }
0xcf: {  	v2 =	vmul.f32 v2, v15;
	v13 =	vadd.s32 v10, v7;
	v7 =	vmov s16  }
0xd0: {  	v15 =	vadd.s32 v10, v5;
	v16 =	vmulhi.u32 $0x92492493, v7;
	v9 =	vmul.f32 $1.120000000e+02, v9  }
0xd1: {  	v7 =	vadd.s32 v11, v13;
	v13 =	vadd.s32 v8, v13;
	v11 =	vadd.s32 v11, v15  }
0xd2: {  	v12 =	vmul.f32 $1.120000000e+02, v12;
	v16 =	vshrl.u32 v16, $0x7;
	v5 =	vtrunc.f32 v9  }
0xd3: {  	v33 =	vmul.u32 $0xFFFFFF20, v16;
	v16 =	vcvt.s32.f32 v16;
	vm10 =	vlt.f32 v9, v5  }
0xd4: {  	v17 =	vcvt.f32.s32 v5;
	v5 =	vtrunc.f32 v12;
	v31 =	vsel vm10, $0xFFFFFFFF, v1  }
0xd5: {  	v32 =	vcvt.f32.s32 v5;
	vm11 =	vlt.f32 v12, v5;
	v5 =	vor.u32 $0x80, v14  }
0xd6: {  	v16 =	vmul.f32 $8.968610310e-03, v16;
	v17 =	vadd.s32 v17, v31;
	v31 =	vsel vm11, $0xFFFFFFFF, v1  }
0xd7: {  	v54 =	vadd.s32 s16, v33;
	v31 =	vadd.s32 v32, v31;
	vm12 =	vgt.s32 v17, $0x0  }
0xd8: {  	v32 =	vadd.s32 v0, v54;
	v16 =	vadd.f32 $-1.000000000e+00, v16;
	v55 =	vnsel vm12, $0x0, v17  }
0xd9: {  	v17 =	vadd.s32 $0x1, v17;
	v32 =	vcvt.s32.f32 v32;
	vm14 =	vgt.s32 v31, $0x0  }
0xda: {  	v34 =	vadd.s32 $0x1, v31;
	vm13 =	vgt.s32 v17, $0x0;
	v33 =	vmin.u32 v55, $0xDF  }
0xdb: {  	v31 =	vnsel vm14, $0x0, v31;
	vm15 =	vgt.s32 v34, $0x0;
	v37 =	vshrl.u32 v16, $0x10  }
0xdc: {  	v17 =	vnsel vm13, $0x0, v17;
	v32 =	vmul.f32 $8.968610310e-03, v32;
	v34 =	vnsel vm15, $0x0, v34  }
0xdd: {  	v31 =	vmin.u32 v31, $0xDF;
	v35 =	vcvt.s32.f32 v33;
	v37 =	vand.u32 $0x1, v37  }
0xde: {  	v17 =	vmin.u32 v17, $0xDF;
	v34 =	vmin.u32 v34, $0xDF;
	v32 =	vadd.f32 $-1.000000000e+00, v32  }
0xdf: {  	v39 =	vcvt.s32.f32 v31;
	v16 =	vadd.s32 v37, v16;
	v38 =	vcvt.s32.f32 v17  }
0xe0: {  	v56 =	vcvt.s32.f32 v34;
	v16 =	vadd.s32 $0x7FFF, v16;
	v36 =	vshrl.u32 v32, $0x10  }
0xe1: {  	v16 =	vand.u32 $0xFFFF0000, v16;
	v57 =	vsub.f32 v38, v9;
	v36 =	vand.u32 $0x1, v36  }
0xe2: {  	[tilespmem:$0x300] =	vst v6;
	v40 =	vmul.f32 v16, v19;
	v32 =	vadd.s32 v36, v32;
	v36 =	vsub.f32 v56, v12  }
0xe3: {  	[tilespmem:$0x400] =	vst v4;
	v9 =	vsub.f32 v9, v35;
	v12 =	vsub.f32 v12, v39;
	v32 =	vadd.s32 $0x7FFF, v32  }
0xe4: {  	[tilespmem:$0x500] =	vst v3;
	v16 =	vmul.f32 v16, v28;
	v32 =	vand.u32 $0xFFFF0000, v32;
	v59 =	vmul.f32 v36, v57  }
0xe5: {  	s1 =	sadd.s32 $0x70, s1;
	v8 =	vadd.s32 v8, v15;
	[tilespmem:$0x600] =	vst v2;
	v61 =	vmul.f32 v57, v12;
	v58 =	vmul.f32 v32, v18  }
0xe6: {  	v62 =	vmov s1;
	[tilespmem:v5+s13+$0x0] =	vst.idx.msk $0xffff, v7;
	v36 =	vmul.f32 v36, v9;
	v15 =	vmul.f32 v32, v27  }
0xe7: {  	[tilespmem:v41+s13+$0x0] =	vst.idx.msk $0xffff, v13;
	v9 =	vmul.f32 v12, v9;
	v12 =	vmul.u32 $0xE0, v31;
	v60 =	vadd.f32 v58, v40  }
0xe8: {  	[tilespmem:v5+s14+$0x0] =	vst.idx.msk $0xffff, v11;
	v15 =	vadd.f32 v15, v16;
	v16 =	vmul.u32 $0xE0, v34;
	v34 =	vmulhi.u32 $0x92492493, v62  }
0xe9: {  	v20 =	vor.u32 $0xA0, v14;
	v23 =	vor.u32 $0xA1, v14;
	[tilespmem:v41+s14+$0x0] =	vst.idx.msk $0xffff, v8;
	v35 =	vadd.f32 v29, v60  }
0xea: {  	v12 =	vadd.s32 v10, v12;
	[tilespmem:$0x310] =	vst v59;
	v15 =	vadd.f32 v30, v15;
	v34 =	vshrl.u32 v34, $0x7  }
0xeb: {  	[tilespmem:$0x410] =	vst v61;
	v63 =	vadd.s32 v33, v12;
	v22 =	vmul.u32 $0xFFFFFF20, v34;
	v31 =	vadd.f32 $1.000000000e+00, v35  }
0xec: {  	[tilespmem:$0x510] =	vst v36;
	v12 =	vadd.s32 v17, v12;
	v34 =	vcvt.s32.f32 v34;
	v15 =	vadd.f32 $1.000000000e+00, v15  }
0xed: {  	[tilespmem:$0x610] =	vst v9;
	v16 =	vadd.s32 v10, v16;
	v40 =	vadd.s32 s1, v22;
	v31 =	vmul.f32 $1.120000000e+02, v31  }
0xee: {  	[tilespmem:v20+s13+$0x0] =	vst.idx.msk $0xffff, v63;
	v34 =	vmul.f32 $8.968610310e-03, v34;
	v15 =	vmul.f32 $1.120000000e+02, v15;
	v40 =	vadd.s32 v0, v40  }
0xef: {  	[tilespmem:v23+s13+$0x0] =	vst.idx.msk $0xffff, v12;
	v12 =	vor.u32 $0xC0, v14;
	v40 =	vcvt.s32.f32 v40;
	v21 =	vtrunc.f32 v31  }
0xf0: {  	v34 =	vadd.f32 $-1.000000000e+00, v34;
	v48 =	vtrunc.f32 v15;
	v42 =	vcvt.f32.s32 v21  }
0xf1: {  	vm4 =	vlt.f32 v31, v21;
	vm5 =	vlt.f32 v15, v48;
	v40 =	vmul.f32 $8.968610310e-03, v40  }
0xf2: {  	v46 =	vshrl.u32 v34, $0x10;
	v43 =	vsel vm4, $0xFFFFFFFF, v1;
	v44 =	vsel vm5, $0xFFFFFFFF, v1  }
0xf3: {  	v46 =	vand.u32 $0x1, v46;
	v42 =	vadd.s32 v42, v43;
	v43 =	vcvt.f32.s32 v48  }
0xf4: {  	v40 =	vadd.f32 $-1.000000000e+00, v40;
	v34 =	vadd.s32 v46, v34;
	v45 =	vadd.s32 $0x1, v42  }
0xf5: {  	vm6 =	vgt.s32 v42, $0x0;
	v34 =	vadd.s32 $0x7FFF, v34;
	vm7 =	vgt.s32 v45, $0x0  }
0xf6: {  	v42 =	vnsel vm6, $0x0, v42;
	v50 =	vshrl.u32 v40, $0x10;
	v45 =	vnsel vm7, $0x0, v45  }
0xf7: {  	v43 =	vadd.s32 v43, v44;
	v49 =	vmin.u32 v45, $0xDF;
	v45 =	vand.u32 $0x1, v50  }
0xf8: {  	v34 =	vand.u32 $0xFFFF0000, v34;
	vm8 =	vgt.s32 v43, $0x0;
	v40 =	vadd.s32 v45, v40  }
0xf9: {  	v47 =	vnsel vm8, $0x0, v43;
	v43 =	vadd.s32 $0x1, v43;
	v40 =	vadd.s32 $0x7FFF, v40  }
0xfa: {  	v42 =	vmin.u32 v42, $0xDF;
	vm9 =	vgt.s32 v43, $0x0;
	v40 =	vand.u32 $0xFFFF0000, v40  }
0xfb: {  	v52 =	vmul.f32 v34, v19;
	v4 =	vnsel vm9, $0x0, v43;
	v51 =	vmul.f32 v40, v18  }
0xfc: {  	v34 =	vmul.f32 v34, v28;
	v3 =	vmin.u32 v4, $0xDF;
	v4 =	vmul.f32 v40, v27  }
0xfd: {  	v33 =	vadd.s32 v33, v16;
	v13 =	vcvt.s32.f32 v42;
	v43 =	vadd.f32 v51, v52  }
0xfe: {  	v6 =	vcvt.s32.f32 v49;
	v2 =	vmin.u32 v47, $0xDF;
	v4 =	vadd.f32 v4, v34  }
0xff: {  	v11 =	vsub.f32 v31, v13;
	v53 =	vcvt.s32.f32 v3;
	v55 =	vadd.f32 v29, v43  }
0x100: {  	v7 =	vcvt.s32.f32 v2;
	v6 =	vsub.f32 v6, v31;
	v4 =	vadd.f32 v30, v4  }
0x101: {  	v16 =	vadd.s32 v17, v16;
	v54 =	vsub.f32 v53, v15;
	v13 =	vadd.f32 $1.000000000e+00, v55  }
0x102: {  	v2 =	vmul.u32 $0xE0, v2;
	v7 =	vsub.f32 v15, v7;
	v4 =	vadd.f32 $1.000000000e+00, v4  }
0x103: {  	v3 =	vmul.u32 $0xE0, v3;
	v5 =	vmul.f32 v54, v6;
	v13 =	vmul.f32 $1.120000000e+02, v13  }
0x104: {  	v2 =	vadd.s32 v10, v2;
	v6 =	vmul.f32 v6, v7;
	v4 =	vmul.f32 $1.120000000e+02, v4  }
0x105: {  	v3 =	vadd.s32 v10, v3;
	v8 =	vmul.f32 v54, v11;
	v15 =	vtrunc.f32 v13  }
0x106: {  	v9 =	vcvt.f32.s32 v15;
	vm10 =	vlt.f32 v13, v15;
	v15 =	vtrunc.f32 v4  }
0x107: {  	[tilespmem:v20+s14+$0x0] =	vst.idx.msk $0xffff, v33;
	v7 =	vmul.f32 v7, v11;
	v31 =	vcvt.f32.s32 v15;
	vm11 =	vlt.f32 v4, v15  }
0x108: {  	[tilespmem:v23+s14+$0x0] =	vst.idx.msk $0xffff, v16;
	v11 =	vadd.s32 v42, v2;
	v17 =	vsel vm10, $0xFFFFFFFF, v1;
	v15 =	vsel vm11, $0xFFFFFFFF, v1  }
0x109: {  	[tilespmem:$0x320] =	vst v5;
	v5 =	vor.u32 $0xC1, v14;
	v9 =	vadd.s32 v9, v17;
	v15 =	vadd.s32 v31, v15  }
0x10a: {  	vm12 =	vgt.s32 v9, $0x0;
	v17 =	vadd.s32 $0x1, v9;
	v16 =	vadd.s32 $0x1, v15  }
0x10b: {  	v9 =	vnsel vm12, $0x0, v9;
	vm13 =	vgt.s32 v17, $0x0;
	vm14 =	vgt.s32 v16, $0x0  }
0x10c: {  	[tilespmem:$0x420] =	vst v6;
	vm15 =	vgt.s32 v15, $0x0;
	v17 =	vnsel vm13, $0x0, v17;
	v6 =	vnsel vm14, $0x0, v16  }
0x10d: {  	[tilespmem:$0x520] =	vst v8;
	v15 =	vnsel vm15, $0x0, v15;
	v8 =	vmin.u32 v17, $0xDF;
	v6 =	vmin.u32 v6, $0xDF  }
0x10e: {  	[tilespmem:$0x620] =	vst v7;
	v7 =	vmin.u32 v15, $0xDF;
	v15 =	vcvt.s32.f32 v8;
	v16 =	vcvt.s32.f32 v6  }
0x10f: {  	v2 =	vadd.s32 v49, v2;
	[tilespmem:v12+s13+$0x0] =	vst.idx.msk $0xffff, v11;
	v9 =	vmin.u32 v9, $0xDF;
	v17 =	vcvt.s32.f32 v7  }
0x110: {  	[tilespmem:v5+s13+$0x0] =	vst.idx.msk $0xffff, v2;
	v2 =	vcvt.s32.f32 v9;
	v15 =	vsub.f32 v15, v13;
	v16 =	vsub.f32 v16, v4  }
0x111: {  	v11 =	vadd.s32 v42, v3;
	v3 =	vadd.s32 v49, v3;
	v4 =	vsub.f32 v4, v17  }
0x112: {  	[tilespmem:v12+s14+$0x0] =	vst.idx.msk $0xffff, v11;
	v2 =	vsub.f32 v13, v2;
	v11 =	vmul.f32 v16, v15  }
0x113: {  	[tilespmem:v5+s14+$0x0] =	vst.idx.msk $0xffff, v3;
	v5 =	vor.u32 $0xE0, v14;
	v3 =	vmul.f32 v15, v4  }
0x114: {  	v12 =	vor.u32 $0xE1, v14;
	v7 =	vmul.u32 $0xE0, v7;
	[tilespmem:$0x330] =	vst v11;
	v11 =	vmul.f32 v16, v2  }
0x115: {  	[tilespmem:$0x430] =	vst v3;
	v2 =	vmul.f32 v4, v2  }
0x116: {  	v3 =	vadd.s32 v10, v7;
	v4 =	vmul.u32 $0xE0, v6;
	[tilespmem:$0x530] =	vst v11  }
0x117: {  	[tilespmem:$0x630] =	vst v2;
	v2 =	vadd.s32 v9, v3  }
0x118: {  	v4 =	vadd.s32 v10, v4;
	[tilespmem:v5+s13+$0x0] =	vst.idx.msk $0xffff, v2;
	v2 =	vadd.s32 v8, v3  }
0x119: {  	[tilespmem:v12+s13+$0x0] =	vst.idx.msk $0xffff, v2;
	v2 =	vadd.s32 v9, v4  }
0x11a: {  	[tilespmem:v5+s14+$0x0] =	vst.idx.msk $0xffff, v2;
	v2 =	vadd.s32 v8, v4  }
0x11b: {  	s17 =	simm.s32 $0x100;
	s18 =	simm.s32 $0x4680;
	[tilespmem:v12+s14+$0x0] =	vst.idx.msk $0xffff, v2  }
0x11c: {  	[tilespmem:s18], [sflag:$0x2] =	stream.indirect.gather [hbm4b:s5+s13], $0x80, s17, s13, $0xb8;
	[tilespmem:$0x13680] =	vst v63  }
0x11d: {  	_ = 	snop  }
0x11e: {  	[tilespmem:s20], [sflag:$0x2] =	stream.indirect.gather [hbm4b:s5+s13], $0x80, s19, s13, $0xb8;
	[tilespmem:$0x13680] =	vst v63  }
0x11f: {  	s17 =	simm.s32 $0x0;
	_ =	swait.ge [sflag:s7], $0x4000  }
0x120: {  	v2 =	vmov s17;
	[sflag:s7] =	ssyncset.done $0x0  }
0x121: {  	[sflag:s7] =	ssyncadd.s32 $0xFFFFC000  }
0x122: {  	_ =	swait.ge [sflag:s7], $0x4000  }
0x123: {  	s8 =	simm.s32 $0x1;
	[sflag:s7] =	ssyncset.done $0x0  }
0x124: {  	v6 =	vmov s8;
	[sflag:s7] =	ssyncadd.s32 $0xFFFFC000  }
0x125: {  	v32 =	vld.idx.msk [tilespmem:v2+s24+$0x0], $0xffff  }
0x126: {  	s16 =	simm.s32 $0x3;
	v33 =	vld.idx.msk [tilespmem:v2+s22+$0x0], $0xffff  }
0x127: {  	v7 =	vmov s16;
	v38 =	vld.idx.msk [tilespmem:v2+s21+$0x0], $0xffff  }
0x128: {  	v35 =	vld.idx.msk [tilespmem:v2+s23+$0x0], $0xffff  }
0x129: {  	v34 =	vld.idx.msk [tilespmem:v6+s24+$0x0], $0xffff  }
0x12a: {  	s3 =	simm.s32 $0x880;
	v36 =	vld.idx.msk [tilespmem:v6+s22+$0x0], $0xffff  }
0x12b: {  	v8 =	vld [tilespmem:s3+$0x100]  }
0x12c: {  	v3 =	vld.idx.msk [tilespmem:v7+s21+$0x0], $0xffff  }
0x12d: {  	s18 =	simm.s32 $0x2;
	v4 =	vld.idx.msk [tilespmem:v7+s23+$0x0], $0xffff  }
0x12e: {  	v9 =	vmov s18;
	v11 =	vld [tilespmem:s3+$0x180]  }
0x12f: {  	s15 =	simm.s32 $0x8880;
	v5 =	vld.idx.msk [tilespmem:v7+s22+$0x0], $0xffff  }
0x130: {  	v12 =	vld [tilespmem:s15+$0x100]  }
0x131: {  	v2 =	vld.idx.msk [tilespmem:v7+s24+$0x0], $0xffff  }
0x132: {  	v7 =	vld [tilespmem:s15+$0x180]  }
0x133: {  	v37 =	vld.idx.msk [tilespmem:v9+s22+$0x0], $0xffff  }
0x134: {  	v43 =	vld.idx.msk [tilespmem:v6+s21+$0x0], $0xffff;
	v8 =	vmul.f32 v8, v3;
	v11 =	vmul.f32 v11, v4  }
0x135: {  	v31 =	vmul.u32 $0x80, v0;
	v41 =	vld.idx.msk [tilespmem:v6+s23+$0x0], $0xffff  }
0x136: {  	v40 =	vld.idx.msk [tilespmem:v9+s21+$0x0], $0xffff;
	v6 =	vadd.f32 v11, v8;
	v8 =	vmul.f32 v12, v5  }
0x137: {  	v42 =	vld.idx.msk [tilespmem:v9+s23+$0x0], $0xffff;
	v11 =	vor.u32 s16, v31  }
0x138: {  	v13 =	vld [tilespmem:s3+$0xFFFFFF80];
	v7 =	vmul.f32 v7, v2;
	v6 =	vadd.f32 v8, v6  }
0x139: {  	v15 =	vld [tilespmem:s15+$0xFFFFFE00]  }
0x13a: {  	v17 =	vld [tilespmem:s15+$0xFFFFFE80];
	v6 =	vadd.f32 v7, v6  }
0x13b: {  	v12 =	vld [tilespmem:s3+$0xFFFFFE80]  }
0x13c: {  	v8 =	vld [tilespmem:s3+$0xFFFFFE00];
	[tilespmem:v11+s25+$0x0] =	vst.idx.msk $0xffff, v6  }
0x13d: {  	v6 =	vld [tilespmem:s3+$0x110]  }
0x13e: {  	v11 =	vld [tilespmem:s3+$0x190]  }
0x13f: {  	v58 =	vld [tilespmem:s3+$0x0]  }
0x140: {  	v16 =	vld [tilespmem:s15+$0x110]  }
0x141: {  	s1 =	simm.s32 $0x4;
	v7 =	vld [tilespmem:s3+$0xFFFFFF00]  }
0x142: {  	v52 =	vmov s1;
	v12 =	vmul.f32 v12, v35;
	v8 =	vmul.f32 v8, v38;
	v56 =	vld [tilespmem:s15+$0x190]  }
0x143: {  	v48 =	vor.u32 $0x800, v31;
	v59 =	vld [tilespmem:s15+$0xFFFFFF00];
	v6 =	vmul.f32 v6, v3;
	v11 =	vmul.f32 v11, v4  }
0x144: {  	v57 =	vor.u32 s17, v31;
	v8 =	vadd.f32 v12, v8;
	v12 =	vmul.f32 v15, v33;
	v15 =	vld [tilespmem:s3+$0x80]  }
0x145: {  	v60 =	vld [tilespmem:s15+$0x0];
	v13 =	vmul.f32 v13, v41;
	v6 =	vadd.f32 v11, v6;
	v11 =	vmul.f32 v16, v5  }
0x146: {  	v8 =	vadd.f32 v12, v8;
	v12 =	vld [tilespmem:s15+$0xFFFFFF80];
	v16 =	vmul.f32 v17, v32;
	v17 =	vor.u32 s16, v48  }
0x147: {  	v39 =	vld.idx.msk [tilespmem:v9+s24+$0x0], $0xffff;
	v7 =	vmul.f32 v7, v43;
	v6 =	vadd.f32 v11, v6;
	v11 =	vmul.f32 v56, v2  }
0x148: {  	v55 =	vld.idx.msk [tilespmem:v52+s22+$0x0], $0xffff;
	v9 =	vmul.f32 v59, v36;
	v8 =	vadd.f32 v16, v8  }
0x149: {  	v7 =	vadd.f32 v13, v7;
	v13 =	vld [tilespmem:s15+$0x80];
	v15 =	vmul.f32 v15, v42;
	v6 =	vadd.f32 v11, v6  }
0x14a: {  	v16 =	vmul.f32 v58, v40;
	v56 =	vld.idx.msk [tilespmem:v52+s23+$0x0], $0xffff;
	v11 =	vor.u32 s8, v31;
	[tilespmem:v57+s25+$0x0] =	vst.idx.msk $0xffff, v8  }
0x14b: {  	v7 =	vadd.f32 v9, v7;
	v8 =	vmul.f32 v12, v34;
	v9 =	vld [tilespmem:s3+$0xFFFFFE10];
	[tilespmem:v17+s25+$0x0] =	vst.idx.msk $0xffff, v6  }
0x14c: {  	v12 =	vmul.f32 v60, v37;
	v6 =	vadd.f32 v15, v16;
	v15 =	vld [tilespmem:s3+$0x120]  }
0x14d: {  	v16 =	vor.u32 s18, v31;
	v7 =	vadd.f32 v8, v7;
	v8 =	vld [tilespmem:s3+$0x1A0]  }
0x14e: {  	v6 =	vadd.f32 v12, v6;
	v12 =	vmul.f32 v13, v39;
	v13 =	vld [tilespmem:s3+$0xFFFFFE90]  }
0x14f: {  	[tilespmem:v11+s25+$0x0] =	vst.idx.msk $0xffff, v7;
	v7 =	vld [tilespmem:s15+$0x120]  }
0x150: {  	v6 =	vadd.f32 v12, v6;
	v11 =	vld [tilespmem:s3+$0xFFFFFF10]  }
0x151: {  	v12 =	vld [tilespmem:s15+$0x1A0]  }
0x152: {  	[tilespmem:v16+s25+$0x0] =	vst.idx.msk $0xffff, v6;
	v6 =	vld [tilespmem:s3+$0xFFFFFF90];
	v15 =	vmul.f32 v15, v3;
	v8 =	vmul.f32 v8, v4  }
0x153: {  	v16 =	vld [tilespmem:s3+$0x10]  }
0x154: {  	v47 =	vor.u32 $0x1000, v31;
	v17 =	vld [tilespmem:s3+$0x90];
	v8 =	vadd.f32 v8, v15;
	v7 =	vmul.f32 v7, v5  }
0x155: {  	v61 =	vor.u32 s16, v47;
	v15 =	vld [tilespmem:s15+$0xFFFFFF10]  }
0x156: {  	s4 =	simm.s32 $0x5;
	v63 =	vld [tilespmem:s15+$0xFFFFFF90];
	v7 =	vadd.f32 v7, v8;
	v8 =	vmul.f32 v12, v2  }
0x157: {  	v54 =	vmov s4;
	v62 =	vld [tilespmem:s15+$0x10]  }
0x158: {  	v12 =	vld [tilespmem:s15+$0xFFFFFE10];
	v6 =	vmul.f32 v6, v41;
	v7 =	vadd.f32 v8, v7;
	v8 =	vmul.f32 v11, v43  }
0x159: {  	v11 =	vld [tilespmem:s15+$0x90];
	v16 =	vmul.f32 v16, v40;
	v17 =	vmul.f32 v17, v42  }
0x15a: {  	v49 =	vor.u32 s8, v48;
	v50 =	vld [tilespmem:s15+$0xFFFFFE90];
	[tilespmem:v61+s25+$0x0] =	vst.idx.msk $0xffff, v7;
	v6 =	vadd.f32 v6, v8;
	v8 =	vmul.f32 v15, v36  }
0x15b: {  	v9 =	vmul.f32 v9, v38;
	v7 =	vmul.f32 v13, v35;
	v16 =	vadd.f32 v17, v16;
	v13 =	vld [tilespmem:s3+$0x130]  }
0x15c: {  	v17 =	vmul.f32 v62, v37;
	v44 =	vld [tilespmem:s3+$0x1B0];
	v6 =	vadd.f32 v8, v6;
	v8 =	vmul.f32 v63, v34  }
0x15d: {  	v58 =	vld.idx.msk [tilespmem:v54+s22+$0x0], $0xffff;
	v15 =	vor.u32 s18, v48;
	v7 =	vadd.f32 v7, v9;
	v9 =	vmul.f32 v12, v33  }
0x15e: {  	v12 =	vadd.f32 v17, v16;
	v16 =	vld [tilespmem:s15+$0x130];
	v11 =	vmul.f32 v11, v39;
	v6 =	vadd.f32 v8, v6  }
0x15f: {  	v60 =	vld.idx.msk [tilespmem:v52+s21+$0x0], $0xffff;
	v7 =	vadd.f32 v9, v7;
	v8 =	vmul.f32 v50, v32  }
0x160: {  	v17 =	vor.u32 s17, v48;
	v9 =	vadd.f32 v11, v12;
	v11 =	vld [tilespmem:s15+$0x1B0];
	[tilespmem:v49+s25+$0x0] =	vst.idx.msk $0xffff, v6  }
0x161: {  	v6 =	vmul.f32 v13, v3;
	v12 =	vmul.f32 v44, v4;
	v7 =	vadd.f32 v8, v7;
	v8 =	vld [tilespmem:s3+$0xFFFFFF20]  }
0x162: {  	[tilespmem:v15+s25+$0x0] =	vst.idx.msk $0xffff, v9;
	v9 =	vld [tilespmem:s3+$0xFFFFFFA0]  }
0x163: {  	v46 =	vor.u32 $0x1800, v31;
	v20 =	vld [tilespmem:s15+$0xFFFFFFA0];
	v6 =	vadd.f32 v12, v6;
	v12 =	vmul.f32 v16, v5  }
0x164: {  	v15 =	vor.u32 s16, v46;
	v13 =	vld [tilespmem:s3+$0x20]  }
0x165: {  	[tilespmem:v17+s25+$0x0] =	vst.idx.msk $0xffff, v7;
	v7 =	vld [tilespmem:s3+$0xA0];
	v6 =	vadd.f32 v12, v6;
	v11 =	vmul.f32 v11, v2  }
0x166: {  	v12 =	vld [tilespmem:s3+$0xFFFFFE20]  }
0x167: {  	v6 =	vadd.f32 v11, v6;
	v11 =	vld [tilespmem:s15+$0xFFFFFF20]  }
0x168: {  	s11 =	simm.s32 $0x6;
	v17 =	vld [tilespmem:s15+$0x20]  }
0x169: {  	v59 =	vmov s11;
	v16 =	vld [tilespmem:s3+$0xFFFFFEA0];
	[tilespmem:v15+s25+$0x0] =	vst.idx.msk $0xffff, v6  }
0x16a: {  	v8 =	vmul.f32 v8, v43;
	v9 =	vmul.f32 v9, v41;
	v6 =	vld [tilespmem:s3+$0x140]  }
0x16b: {  	v15 =	vld [tilespmem:s3+$0x1C0]  }
0x16c: {  	v8 =	vadd.f32 v9, v8;
	v9 =	vmul.f32 v12, v38;
	v12 =	vld [tilespmem:s15+$0xA0];
	v11 =	vmul.f32 v11, v36  }
0x16d: {  	v21 =	vor.u32 s8, v47;
	v13 =	vmul.f32 v13, v40;
	v7 =	vmul.f32 v7, v42;
	v22 =	vld [tilespmem:s15+$0x140]  }
0x16e: {  	v63 =	vld.idx.msk [tilespmem:v59+s21+$0x0], $0xffff;
	v8 =	vadd.f32 v11, v8;
	v11 =	vmul.f32 v20, v34  }
0x16f: {  	v51 =	vor.u32 s18, v47;
	v7 =	vadd.f32 v7, v13;
	v13 =	vmul.f32 v17, v37;
	v17 =	vld [tilespmem:s15+$0x1C0]  }
0x170: {  	v53 =	vld [tilespmem:s15+$0xFFFFFE20];
	v6 =	vmul.f32 v6, v3;
	v15 =	vmul.f32 v15, v4;
	v8 =	vadd.f32 v11, v8  }
0x171: {  	v50 =	vld.idx.msk [tilespmem:v59+s24+$0x0], $0xffff;
	v16 =	vmul.f32 v16, v35;
	v7 =	vadd.f32 v13, v7;
	v11 =	vmul.f32 v12, v39  }
0x172: {  	v13 =	vmul.f32 v22, v5;
	v6 =	vadd.f32 v15, v6;
	v15 =	vld [tilespmem:s15+$0xFFFFFEA0];
	[tilespmem:v21+s25+$0x0] =	vst.idx.msk $0xffff, v8  }
0x173: {  	v45 =	vor.u32 $0x2000, v31;
	v7 =	vadd.f32 v11, v7;
	v11 =	vld [tilespmem:s3+$0xFFFFFF30]  }
0x174: {  	v8 =	vadd.f32 v16, v9;
	v6 =	vadd.f32 v13, v6;
	v13 =	vmul.f32 v17, v2;
	v16 =	vld [tilespmem:s3+$0xFFFFFFB0]  }
0x175: {  	v12 =	vor.u32 s16, v45;
	v9 =	vmul.f32 v53, v33;
	v49 =	vld [tilespmem:s15+$0xFFFFFF30]  }
0x176: {  	v21 =	vld [tilespmem:s15+$0xFFFFFFB0];
	[tilespmem:v51+s25+$0x0] =	vst.idx.msk $0xffff, v7;
	v6 =	vadd.f32 v13, v6;
	v13 =	vor.u32 s17, v47  }
0x177: {  	v7 =	vadd.f32 v9, v8;
	v9 =	vld [tilespmem:s3+$0x30];
	v8 =	vmul.f32 v15, v32  }
0x178: {  	v23 =	vld [tilespmem:s15+$0x30]  }
0x179: {  	v57 =	vld [tilespmem:s15+$0xB0];
	v7 =	vadd.f32 v8, v7  }
0x17a: {  	[tilespmem:v12+s25+$0x0] =	vst.idx.msk $0xffff, v6;
	v12 =	vld [tilespmem:s3+$0xB0]  }
0x17b: {  	v6 =	vld [tilespmem:s3+$0x150];
	[tilespmem:v13+s25+$0x0] =	vst.idx.msk $0xffff, v7  }
0x17c: {  	v11 =	vmul.f32 v11, v43;
	v16 =	vmul.f32 v16, v41;
	v17 =	vld [tilespmem:s3+$0xFFFFFEB0]  }
0x17d: {  	v13 =	vld [tilespmem:s3+$0xFFFFFE30]  }
0x17e: {  	v8 =	vld [tilespmem:s3+$0x1D0];
	v11 =	vadd.f32 v16, v11;
	v16 =	vmul.f32 v49, v36  }
0x17f: {  	v62 =	vor.u32 s8, v46;
	v9 =	vmul.f32 v9, v40;
	v20 =	vld [tilespmem:s15+$0xFFFFFE30];
	v12 =	vmul.f32 v12, v42  }
0x180: {  	v22 =	vor.u32 s18, v46;
	v7 =	vld [tilespmem:s15+$0x150];
	v11 =	vadd.f32 v16, v11;
	v16 =	vmul.f32 v21, v34  }
0x181: {  	v61 =	vld [tilespmem:s15+$0xFFFFFEB0];
	v9 =	vadd.f32 v12, v9;
	v12 =	vmul.f32 v17, v35;
	v17 =	vmul.f32 v23, v37  }
0x182: {  	v44 =	vld.idx.msk [tilespmem:v52+s24+$0x0], $0xffff;
	v3 =	vmul.f32 v6, v3;
	v11 =	vadd.f32 v16, v11;
	v13 =	vmul.f32 v13, v38  }
0x183: {  	v51 =	vld.idx.msk [tilespmem:v54+s24+$0x0], $0xffff;
	v4 =	vmul.f32 v8, v4;
	v9 =	vadd.f32 v17, v9;
	v17 =	vmul.f32 v57, v39  }
0x184: {  	v15 =	vld [tilespmem:s15+$0x1D0];
	[tilespmem:v62+s25+$0x0] =	vst.idx.msk $0xffff, v11;
	v12 =	vadd.f32 v12, v13;
	v13 =	vmul.f32 v20, v33  }
0x185: {  	v16 =	vor.u32 s17, v46;
	v3 =	vadd.f32 v4, v3;
	v11 =	vld [tilespmem:s3+$0xFFFFFF40];
	v9 =	vadd.f32 v17, v9  }
0x186: {  	v4 =	vmul.f32 v7, v5;
	v5 =	vld [tilespmem:s15+$0xFFFFFF40];
	v12 =	vadd.f32 v13, v12;
	v13 =	vmul.f32 v61, v32  }
0x187: {  	[tilespmem:v22+s25+$0x0] =	vst.idx.msk $0xffff, v9;
	v9 =	vld [tilespmem:s3+$0xFFFFFFC0]  }
0x188: {  	v12 =	vadd.f32 v13, v12;
	v13 =	vld [tilespmem:s3+$0x40]  }
0x189: {  	v23 =	vld [tilespmem:s15+$0x40]  }
0x18a: {  	[tilespmem:v16+s25+$0x0] =	vst.idx.msk $0xffff, v12;
	v12 =	vld [tilespmem:s3+$0xC0]  }
0x18b: {  	v49 =	vor.u32 $0x2800, v31;
	v16 =	vld [tilespmem:s3+$0xFFFFFE40]  }
0x18c: {  	v18 =	vor.u32 s16, v49;
	v17 =	vld [tilespmem:s3+$0xFFFFFEC0]  }
0x18d: {  	v52 =	vor.u32 s17, v49;
	v2 =	vmul.f32 v15, v2;
	v3 =	vadd.f32 v4, v3;
	v4 =	vld [tilespmem:s15+$0xFFFFFE40]  }
0x18e: {  	v8 =	vor.u32 s8, v45;
	v15 =	vld [tilespmem:s15+$0xFFFFFFC0];
	v11 =	vmul.f32 v11, v43;
	v9 =	vmul.f32 v9, v41  }
0x18f: {  	v7 =	vor.u32 s18, v45;
	v3 =	vadd.f32 v2, v3;
	v2 =	vmul.f32 v13, v40;
	v13 =	vld [tilespmem:s15+$0xC0]  }
0x190: {  	s16 =	simm.s32 $0x7;
	v5 =	vmul.f32 v5, v36;
	v19 =	vld [tilespmem:s15+$0xFFFFFEC0];
	v11 =	vadd.f32 v9, v11;
	v12 =	vmul.f32 v12, v42  }
0x191: {  	v62 =	vld.idx.msk [tilespmem:v54+s23+$0x0], $0xffff;
	v9 =	vmov s16;
	v16 =	vmul.f32 v16, v38;
	v17 =	vmul.f32 v17, v35  }
0x192: {  	v57 =	vld.idx.msk [tilespmem:v59+s22+$0x0], $0xffff;
	v4 =	vmul.f32 v4, v33;
	v2 =	vadd.f32 v12, v2;
	v12 =	vmul.f32 v23, v37  }
0x193: {  	v61 =	vld.idx.msk [tilespmem:v54+s21+$0x0], $0xffff;
	v5 =	vadd.f32 v5, v11;
	v11 =	vmul.f32 v15, v34;
	v16 =	vadd.f32 v17, v16  }
0x194: {  	s30 =	simm.s32 $0xC80;
	v6 =	vor.u32 s17, v45;
	v17 =	vadd.f32 v12, v2;
	v2 =	vld.idx.msk [tilespmem:v59+s23+$0x0], $0xffff;
	v20 =	vmul.f32 v13, v39  }
0x195: {  	v13 =	vmul.f32 v19, v32;
	v15 =	vadd.f32 v11, v5;
	v12 =	vadd.f32 v4, v16;
	v16 =	vld [tilespmem:s30+$0x100]  }
0x196: {  	v53 =	vor.u32 s18, v49;
	s17 =	simm.s32 $0x8;
	v54 =	vor.u32 s8, v49;
	s8 =	simm.s32 $0x8880;
	[tilespmem:v18+s25+$0x0] =	vst.idx.msk $0xffff, v3;
	v59 =	vld.idx.msk [tilespmem:v9+s21+$0x0], $0xffff;
	v11 =	vadd.f32 v20, v17  }
.LBB2_3:
0x197: {  	p0 =	slt.u32 s17, $0x3C;
	v5 =	vld.idx.msk [tilespmem:v9+s23+$0x0], $0xffff;
	v3 =	vadd.f32 v13, v12;
	[tilespmem:v8+s25+$0x0] =	vst.idx.msk $0xffff, v15  }
0x198: {  	v8 =	vld [tilespmem:s30+$0x180];
	[tilespmem:v7+s25+$0x0] =	vst.idx.msk $0xffff, v11  }
0x199: {  	s15 =	sadd.s32 $0x400, s15;
	v4 =	vld.idx.msk [tilespmem:v9+s22+$0x0], $0xffff;
	[tilespmem:v6+s25+$0x0] =	vst.idx.msk $0xffff, v3  }
0x19a: {  	v6 =	vld [tilespmem:s15+$0x100]  }
0x19b: {  	v3 =	vld.idx.msk [tilespmem:v9+s24+$0x0], $0xffff  }
0x19c: {  	v7 =	vld [tilespmem:s15+$0x180]  }
0x19d: {  	v11 =	vmul.f32 v16, v59;
	v9 =	vld [tilespmem:s30+$0xFFFFFE00];
	v8 =	vmul.f32 v8, v5  }
0x19e: {  	v12 =	vld [tilespmem:s30+$0xFFFFFE80]  }
0x19f: {  	v13 =	vld [tilespmem:s30+$0xFFFFFF00];
	v8 =	vadd.f32 v8, v11;
	v6 =	vmul.f32 v6, v4  }
0x1a0: {  	v17 =	vor.u32 s16, v31;
	v16 =	vor.u32 s4, v31;
	v11 =	vor.u32 s1, v31;
	v15 =	vld [tilespmem:s30+$0xFFFFFF80]  }
0x1a1: {  	v19 =	vor.u32 s11, v31;
	v18 =	vld [tilespmem:s30+$0x0];
	v6 =	vadd.f32 v6, v8;
	v7 =	vmul.f32 v7, v3  }
0x1a2: {  	v8 =	vmul.f32 v9, v60;
	v9 =	vld [tilespmem:s30+$0x80]  }
0x1a3: {  	v12 =	vmul.f32 v12, v56;
	v20 =	vld [tilespmem:s15+$0xFFFFFE00];
	v6 =	vadd.f32 v7, v6  }
0x1a4: {  	v7 =	vmul.f32 v13, v61;
	v13 =	vld [tilespmem:s15+$0xFFFFFF00]  }
0x1a5: {  	v8 =	vadd.f32 v12, v8;
	v12 =	vmul.f32 v15, v62;
	v15 =	vld [tilespmem:s15+$0x0];
	[tilespmem:v17+s25+$0x0] =	vst.idx.msk $0xffff, v6  }
0x1a6: {  	v6 =	vmul.f32 v18, v63;
	v17 =	vld [tilespmem:s30+$0x110]  }
0x1a7: {  	v7 =	vadd.f32 v12, v7;
	v9 =	vmul.f32 v9, v2;
	v12 =	vld [tilespmem:s30+$0x190]  }
0x1a8: {  	v18 =	vmul.f32 v20, v55;
	v20 =	vld [tilespmem:s15+$0xFFFFFE80]  }
0x1a9: {  	v13 =	vmul.f32 v13, v58;
	v6 =	vadd.f32 v9, v6;
	v9 =	vld [tilespmem:s15+$0x110]  }
0x1aa: {  	v8 =	vadd.f32 v18, v8;
	v18 =	vld [tilespmem:s15+$0xFFFFFF80];
	v15 =	vmul.f32 v15, v57  }
0x1ab: {  	v7 =	vadd.f32 v13, v7;
	v13 =	vld [tilespmem:s15+$0x190]  }
0x1ac: {  	v17 =	vmul.f32 v17, v59;
	v6 =	vadd.f32 v15, v6;
	v15 =	vld [tilespmem:s15+$0x80];
	v12 =	vmul.f32 v12, v5  }
0x1ad: {  	v20 =	vmul.f32 v20, v44;
	v21 =	vld [tilespmem:s3+$0xFFFFFF50]  }
0x1ae: {  	v12 =	vadd.f32 v12, v17;
	v9 =	vmul.f32 v9, v4;
	v17 =	vld [tilespmem:s3+$0xFFFFFFD0]  }
0x1af: {  	v8 =	vadd.f32 v20, v8;
	v18 =	vmul.f32 v18, v51;
	v20 =	vor.u32 s16, v48;
	v22 =	vld [tilespmem:s3+$0x50]  }
0x1b0: {  	v23 =	vor.u32 s1, v48;
	v9 =	vadd.f32 v9, v12;
	v12 =	vmul.f32 v13, v3;
	v13 =	vld [tilespmem:s3+$0xD0]  }
0x1b1: {  	[tilespmem:v11+s25+$0x0] =	vst.idx.msk $0xffff, v8;
	v7 =	vadd.f32 v18, v7;
	v8 =	vor.u32 s4, v48;
	v11 =	vmul.f32 v15, v50;
	v15 =	vld [tilespmem:s3+$0xFFFFFE50]  }
0x1b2: {  	v24 =	vor.u32 s11, v48;
	v18 =	vld [tilespmem:s30+$0xFFFFFE10];
	v9 =	vadd.f32 v12, v9;
	v12 =	vmul.f32 v21, v43;
	v43 =	vmovc v61  }
0x1b3: {  	v21 =	vld [tilespmem:s30+$0xFFFFFE90];
	[tilespmem:v16+s25+$0x0] =	vst.idx.msk $0xffff, v7;
	v6 =	vadd.f32 v11, v6;
	v7 =	vmul.f32 v17, v41;
	v41 =	vmov v62  }
0x1b4: {  	v11 =	vld [tilespmem:s30+$0xFFFFFF10];
	[tilespmem:v20+s25+$0x0] =	vst.idx.msk $0xffff, v9;
	v9 =	vmul.f32 v22, v40;
	v40 =	vmov v63  }
0x1b5: {  	[tilespmem:v19+s25+$0x0] =	vst.idx.msk $0xffff, v6;
	v6 =	vld [tilespmem:s30+$0x120];
	v12 =	vadd.f32 v7, v12;
	v7 =	vmul.f32 v13, v42;
	v42 =	vmov v2  }
0x1b6: {  	v2 =	vld [tilespmem:s30+$0x1A0];
	v13 =	vmul.f32 v15, v38;
	v38 =	vmov v60  }
0x1b7: {  	v15 =	vmul.f32 v18, v38;
	v16 =	vld [tilespmem:s30+$0xFFFFFF90];
	v17 =	vadd.f32 v7, v9  }
0x1b8: {  	v7 =	vmul.f32 v21, v56;
	v9 =	vld [tilespmem:s15+$0x120]  }
0x1b9: {  	v11 =	vmul.f32 v11, v43;
	v18 =	vld [tilespmem:s30+$0x10]  }
0x1ba: {  	v15 =	vadd.f32 v7, v15;
	v7 =	vld [tilespmem:s15+$0x1A0]  }
0x1bb: {  	v6 =	vmul.f32 v6, v59;
	v19 =	vld [tilespmem:s30+$0x90];
	v2 =	vmul.f32 v2, v5  }
0x1bc: {  	v16 =	vmul.f32 v16, v41;
	v20 =	vld [tilespmem:s15+$0xFFFFFF10]  }
0x1bd: {  	v21 =	vld [tilespmem:s15+$0x10];
	v2 =	vadd.f32 v2, v6;
	v6 =	vmul.f32 v9, v4  }
0x1be: {  	v9 =	vld [tilespmem:s15+$0xFFFFFE10];
	v11 =	vadd.f32 v16, v11;
	v16 =	vmul.f32 v18, v40;
	v18 =	vor.u32 s16, v47  }
0x1bf: {  	v60 =	vor.u32 s1, v47;
	v22 =	vld [tilespmem:s15+$0xFFFFFF90];
	v2 =	vadd.f32 v6, v2;
	v6 =	vmul.f32 v7, v3  }
0x1c0: {  	v61 =	vor.u32 s11, v47;
	v7 =	vor.u32 s4, v47;
	v19 =	vmul.f32 v19, v42;
	v62 =	vld [tilespmem:s15+$0x90]  }
0x1c1: {  	v63 =	vld [tilespmem:s15+$0xFFFFFE90];
	v20 =	vmul.f32 v20, v58;
	v2 =	vadd.f32 v6, v2  }
0x1c2: {  	v6 =	vadd.f32 v19, v16;
	v16 =	vmul.f32 v21, v57;
	v19 =	vld [tilespmem:s3+$0xFFFFFED0];
	s3 =	smov.u32 s30  }
0x1c3: {  	v9 =	vmul.f32 v9, v55;
	v11 =	vadd.f32 v20, v11;
	[tilespmem:v18+s25+$0x0] =	vst.idx.msk $0xffff, v2;
	v2 =	vld [tilespmem:s8+$0xFFFFFF50]  }
0x1c4: {  	v18 =	vmul.f32 v22, v51;
	v6 =	vadd.f32 v16, v6;
	v16 =	vld [tilespmem:s30+$0x130]  }
0x1c5: {  	v9 =	vadd.f32 v9, v15;
	v15 =	vmul.f32 v62, v50;
	v20 =	vld [tilespmem:s30+$0x1B0]  }
0x1c6: {  	v21 =	vmul.f32 v63, v44;
	v11 =	vadd.f32 v18, v11;
	v18 =	vld [tilespmem:s8+$0x50]  }
0x1c7: {  	v6 =	vadd.f32 v15, v6;
	v15 =	vld [tilespmem:s15+$0x130];
	v19 =	vmul.f32 v19, v35;
	v35 =	vmov v56  }
0x1c8: {  	v9 =	vadd.f32 v21, v9;
	[tilespmem:v8+s25+$0x0] =	vst.idx.msk $0xffff, v11;
	v8 =	vld [tilespmem:s8+$0xFFFFFE50];
	v2 =	vmul.f32 v2, v36;
	v36 =	vmov v58  }
0x1c9: {  	[tilespmem:v24+s25+$0x0] =	vst.idx.msk $0xffff, v6;
	v6 =	vld [tilespmem:s15+$0x1B0];
	v13 =	vadd.f32 v19, v13  }
0x1ca: {  	[tilespmem:v23+s25+$0x0] =	vst.idx.msk $0xffff, v9;
	v19 =	vld [tilespmem:s30+$0xFFFFFF20];
	v9 =	vmul.f32 v16, v59;
	v11 =	vmul.f32 v20, v5  }
0x1cb: {  	v12 =	vadd.f32 v2, v12;
	v16 =	vld [tilespmem:s30+$0xFFFFFFA0];
	v18 =	vmul.f32 v18, v37;
	v37 =	vmov v57  }
0x1cc: {  	v20 =	vld [tilespmem:s30+$0x20];
	v21 =	vadd.f32 v11, v9;
	v15 =	vmul.f32 v15, v4  }
0x1cd: {  	v2 =	vor.u32 s1, v46;
	v23 =	vor.u32 s16, v46;
	v9 =	vor.u32 s4, v46;
	v22 =	vld [tilespmem:s30+$0xA0]  }
0x1ce: {  	v11 =	vor.u32 s11, v46;
	v24 =	vld [tilespmem:s30+$0xFFFFFE20];
	v15 =	vadd.f32 v15, v21;
	v6 =	vmul.f32 v6, v3  }
0x1cf: {  	v8 =	vmul.f32 v8, v33;
	v17 =	vadd.f32 v18, v17;
	v33 =	vmovc v55;
	v21 =	vld [tilespmem:s30+$0xFFFFFEA0];
	v19 =	vmul.f32 v19, v43  }
0x1d0: {  	v16 =	vmul.f32 v16, v41;
	v18 =	vld [tilespmem:s15+$0xFFFFFF20];
	v6 =	vadd.f32 v6, v15  }
0x1d1: {  	v13 =	vadd.f32 v8, v13;
	v15 =	vmul.f32 v20, v40;
	v20 =	vld [tilespmem:s15+$0x20]  }
0x1d2: {  	v8 =	vld [tilespmem:s15+$0xFFFFFE20];
	v16 =	vadd.f32 v16, v19;
	v19 =	vmul.f32 v22, v42;
	[tilespmem:v23+s25+$0x0] =	vst.idx.msk $0xffff, v6  }
0x1d3: {  	v6 =	vmul.f32 v24, v38;
	v22 =	vld [tilespmem:s30+$0x140]  }
0x1d4: {  	v21 =	vmul.f32 v21, v35;
	v15 =	vadd.f32 v19, v15;
	v19 =	vld [tilespmem:s30+$0x1C0]  }
0x1d5: {  	v18 =	vmul.f32 v18, v36;
	v23 =	vld [tilespmem:s15+$0xFFFFFFA0]  }
0x1d6: {  	v6 =	vadd.f32 v21, v6;
	v20 =	vmul.f32 v20, v37;
	v21 =	vld [tilespmem:s15+$0x140]  }
0x1d7: {  	v8 =	vmul.f32 v8, v33;
	v16 =	vadd.f32 v18, v16;
	v18 =	vld [tilespmem:s15+$0xA0]  }
0x1d8: {  	v24 =	vmov s17;
	v15 =	vadd.f32 v20, v15;
	v20 =	vld [tilespmem:s15+$0x1C0]  }
0x1d9: {  	v55 =	vadd.f32 v8, v6;
	v8 =	vld [tilespmem:s15+$0xFFFFFEA0];
	v6 =	vmul.f32 v22, v59;
	v19 =	vmul.f32 v19, v5  }
0x1da: {  	v22 =	vmul.f32 v23, v51;
	v23 =	vld [tilespmem:s8+$0xFFFFFFD0]  }
0x1db: {  	v19 =	vadd.f32 v19, v6;
	v21 =	vmul.f32 v21, v4;
	v56 =	vld [tilespmem:s8+$0xD0]  }
0x1dc: {  	v16 =	vadd.f32 v22, v16;
	v18 =	vmul.f32 v18, v50;
	v22 =	vor.u32 s16, v45;
	v57 =	vld [tilespmem:s8+$0xFFFFFED0];
	s8 =	smov.u32 s15  }
0x1dd: {  	v6 =	vor.u32 s1, v45;
	v58 =	vld.idx.msk [tilespmem:v24+s24+$0x0], $0xffff;
	v19 =	vadd.f32 v21, v19;
	v20 =	vmul.f32 v20, v3  }
0x1de: {  	v21 =	vmul.f32 v8, v44;
	[tilespmem:v7+s25+$0x0] =	vst.idx.msk $0xffff, v16;
	v8 =	vor.u32 s4, v45;
	v15 =	vadd.f32 v18, v15  }
0x1df: {  	v7 =	vor.u32 s11, v45;
	v16 =	vld [tilespmem:s30+$0xFFFFFF30];
	v18 =	vadd.f32 v20, v19;
	v19 =	vmul.f32 v23, v34;
	v34 =	vmovc v51  }
0x1e0: {  	v20 =	vadd.f32 v21, v55;
	v21 =	vld [tilespmem:s30+$0xFFFFFFB0];
	[tilespmem:v61+s25+$0x0] =	vst.idx.msk $0xffff, v15;
	v15 =	vmul.f32 v56, v39;
	v39 =	vmov v50  }
0x1e1: {  	v23 =	vld [tilespmem:s30+$0x30];
	[tilespmem:v22+s25+$0x0] =	vst.idx.msk $0xffff, v18;
	v18 =	vmul.f32 v57, v32;
	v12 =	vadd.f32 v19, v12;
	v32 =	vmov v44  }
0x1e2: {  	[tilespmem:v60+s25+$0x0] =	vst.idx.msk $0xffff, v20;
	v19 =	vld [tilespmem:s30+$0x150];
	v15 =	vadd.f32 v15, v17  }
0x1e3: {  	v44 =	vmov v58;
	v17 =	vld [tilespmem:s30+$0x1D0];
	v13 =	vadd.f32 v18, v13;
	[tilespmem:v54+s25+$0x0] =	vst.idx.msk $0xffff, v12  }
0x1e4: {  	v12 =	vmul.f32 v16, v43;
	v16 =	vld [tilespmem:s30+$0xB0];
	[tilespmem:v53+s25+$0x0] =	vst.idx.msk $0xffff, v15  }
0x1e5: {  	v15 =	vmul.f32 v21, v41;
	v18 =	vld [tilespmem:s15+$0x150];
	[tilespmem:v52+s25+$0x0] =	vst.idx.msk $0xffff, v13  }
0x1e6: {  	v13 =	vld [tilespmem:s30+$0xFFFFFE30];
	v20 =	vmul.f32 v23, v40  }
0x1e7: {  	v12 =	vadd.f32 v15, v12;
	v15 =	vld [tilespmem:s15+$0x1D0]  }
0x1e8: {  	s18 =	sadd.s32 $0x1, s17;
	v19 =	vmul.f32 v19, v59;
	v21 =	vld [tilespmem:s30+$0xFFFFFEB0];
	v5 =	vmul.f32 v17, v5  }
0x1e9: {  	v17 =	vmov s18;
	v22 =	vld [tilespmem:s15+$0xFFFFFF30];
	v16 =	vmul.f32 v16, v42  }
0x1ea: {  	v23 =	vld [tilespmem:s15+$0x30];
	v5 =	vadd.f32 v5, v19;
	v4 =	vmul.f32 v18, v4  }
0x1eb: {  	v19 =	vor.u32 s16, v49;
	v13 =	vmul.f32 v13, v38;
	v18 =	vld [tilespmem:s15+$0xFFFFFE30];
	v16 =	vadd.f32 v16, v20  }
0x1ec: {  	v52 =	vor.u32 s1, v49;
	s1 =	smov.u32 s17;
	v20 =	vld [tilespmem:s15+$0xFFFFFFB0];
	v4 =	vadd.f32 v4, v5;
	v3 =	vmul.f32 v15, v3  }
0x1ed: {  	v54 =	vor.u32 s4, v49;
	s4 =	smov.u32 s18;
	v53 =	vor.u32 s11, v49;
	s11 =	sadd.s32 $0x2, s17;
	v5 =	vmul.f32 v21, v35;
	v15 =	vld [tilespmem:s15+$0xB0]  }
0x1ee: {  	v21 =	vmov s11;
	v57 =	vld [tilespmem:s15+$0xFFFFFEB0];
	v22 =	vmul.f32 v22, v36;
	v3 =	vadd.f32 v3, v4  }
0x1ef: {  	v55 =	vld.idx.msk [tilespmem:v24+s22+$0x0], $0xffff;
	v4 =	vadd.f32 v5, v13;
	v5 =	vmul.f32 v23, v37  }
0x1f0: {  	v60 =	vld.idx.msk [tilespmem:v24+s21+$0x0], $0xffff;
	v13 =	vmul.f32 v18, v33;
	v12 =	vadd.f32 v22, v12;
	[tilespmem:v19+s25+$0x0] =	vst.idx.msk $0xffff, v3  }
0x1f1: {  	v56 =	vld.idx.msk [tilespmem:v24+s23+$0x0], $0xffff;
	v3 =	vmul.f32 v20, v34;
	v5 =	vadd.f32 v5, v16  }
0x1f2: {  	v51 =	vld.idx.msk [tilespmem:v17+s24+$0x0], $0xffff;
	v4 =	vadd.f32 v13, v4;
	v13 =	vmul.f32 v15, v39  }
0x1f3: {  	v50 =	vld.idx.msk [tilespmem:v21+s24+$0x0], $0xffff;
	v15 =	vmul.f32 v57, v32;
	v3 =	vadd.f32 v3, v12  }
0x1f4: {  	v58 =	vld.idx.msk [tilespmem:v17+s22+$0x0], $0xffff;
	v5 =	vadd.f32 v13, v5  }
0x1f5: {  	v57 =	vld.idx.msk [tilespmem:v21+s22+$0x0], $0xffff;
	v4 =	vadd.f32 v15, v4;
	[tilespmem:v9+s25+$0x0] =	vst.idx.msk $0xffff, v3  }
0x1f6: {  	v3 =	vld [tilespmem:s30+$0xFFFFFF40];
	[tilespmem:v11+s25+$0x0] =	vst.idx.msk $0xffff, v5  }
0x1f7: {  	[tilespmem:v2+s25+$0x0] =	vst.idx.msk $0xffff, v4;
	v2 =	vld [tilespmem:s30+$0xFFFFFFC0]  }
0x1f8: {  	v4 =	vld [tilespmem:s30+$0x40]  }
0x1f9: {  	v5 =	vld [tilespmem:s30+$0xC0]  }
0x1fa: {  	v9 =	vld [tilespmem:s30+$0xFFFFFE40]  }
0x1fb: {  	v11 =	vld [tilespmem:s30+$0xFFFFFEC0];
	v3 =	vmul.f32 v3, v43  }
0x1fc: {  	v2 =	vmul.f32 v2, v41;
	v12 =	vld [tilespmem:s15+$0xFFFFFF40]  }
0x1fd: {  	v4 =	vmul.f32 v4, v40;
	v13 =	vld [tilespmem:s15+$0x40]  }
0x1fe: {  	v15 =	vld [tilespmem:s15+$0xFFFFFE40];
	v2 =	vadd.f32 v2, v3;
	v3 =	vmul.f32 v5, v42  }
0x1ff: {  	v5 =	vmul.f32 v9, v38;
	v16 =	vld [tilespmem:s15+$0xFFFFFFC0]  }
0x200: {  	v11 =	vmul.f32 v11, v35;
	v3 =	vadd.f32 v3, v4;
	v4 =	vld [tilespmem:s15+$0xC0]  }
0x201: {  	s16 =	sadd.s32 $0x3, s17;
	v18 =	vld [tilespmem:s15+$0xFFFFFEC0];
	v12 =	vmul.f32 v12, v36  }
0x202: {  	v9 =	vmov s16;
	v61 =	vld.idx.msk [tilespmem:v17+s21+$0x0], $0xffff;
	v5 =	vadd.f32 v11, v5;
	v11 =	vmul.f32 v13, v37  }
.Ltmp0:
0x203: {  	v62 =	vld.idx.msk [tilespmem:v17+s23+$0x0], $0xffff;
	v13 =	vmul.f32 v15, v33;
	v15 =	vadd.f32 v12, v2;
	(pc) =	sbr.rel @p0 .LBB2_3-.Ltmp0, $4  }
0x204: {  	v63 =	vld.idx.msk [tilespmem:v21+s21+$0x0], $0xffff;
	v17 =	vmul.f32 v16, v34;
	v3 =	vadd.f32 v11, v3  }
0x205: {  	s30 =	sadd.s32 $0x400, s30;
	v2 =	vld.idx.msk [tilespmem:v21+s23+$0x0], $0xffff;
	v12 =	vadd.f32 v13, v5;
	v4 =	vmul.f32 v4, v39  }
0x206: {  	v16 =	vld [tilespmem:s30+$0x100];
	v13 =	vmul.f32 v18, v32;
	v15 =	vadd.f32 v17, v15  }
0x207: {  	s17 =	sadd.s32 $0x4, s17;
	v59 =	vld.idx.msk [tilespmem:v9+s21+$0x0], $0xffff;
	v11 =	vadd.f32 v4, v3  }
0x208: {  	_ =	sdelay $0x3  }
0x209: {  	v5 =	vld.idx.msk [tilespmem:v9+s23+$0x0], $0xffff  }
0x20a: {  	v17 =	vld [tilespmem:s30+$0x180]  }
0x20b: {  	v3 =	vld.idx.msk [tilespmem:v9+s22+$0x0], $0xffff  }
0x20c: {  	v4 =	vld.idx.msk [tilespmem:v9+s24+$0x0], $0xffff  }
0x20d: {  	v19 =	vld [tilespmem:s30+$0xFFFFFE00]  }
0x20e: {  	s15 =	sadd.s32 $0x400, s15;
	v20 =	vld [tilespmem:s30+$0xFFFFFE80]  }
0x20f: {  	v18 =	vld [tilespmem:s15+$0x100]  }
0x210: {  	v21 =	vld [tilespmem:s30+$0xFFFFFF00]  }
0x211: {  	v9 =	vld [tilespmem:s15+$0x180]  }
0x212: {  	v23 =	vld [tilespmem:s30+$0x0];
	v16 =	vmul.f32 v16, v59;
	v17 =	vmul.f32 v17, v5  }
0x213: {  	v24 =	vld [tilespmem:s15+$0xFFFFFE00]  }
0x214: {  	v1 =	vmul.f32 v18, v3;
	v18 =	vld [tilespmem:s30+$0xFFFFFF80];
	v16 =	vadd.f32 v17, v16  }
0x215: {  	v22 =	vor.u32 s16, v31;
	v0 =	vld [tilespmem:s15+$0x0]  }
0x216: {  	[tilespmem:v8+s25+$0x0] =	vst.idx.msk $0xffff, v15;
	v25 =	vld [tilespmem:s15+$0xFFFFFF80];
	v9 =	vmul.f32 v9, v4;
	v16 =	vadd.f32 v1, v16  }
0x217: {  	v12 =	vadd.f32 v13, v12;
	[tilespmem:v7+s25+$0x0] =	vst.idx.msk $0xffff, v11;
	v17 =	vld [tilespmem:s30+$0x80]  }
0x218: {  	v7 =	vld [tilespmem:s3+$0xFFFFFFD0];
	v19 =	vmul.f32 v19, v60;
	v20 =	vmul.f32 v20, v56;
	v9 =	vadd.f32 v9, v16  }
0x219: {  	[tilespmem:v6+s25+$0x0] =	vst.idx.msk $0xffff, v12;
	v21 =	vmul.f32 v21, v61;
	v16 =	vld [tilespmem:s15+$0xFFFFFF00];
	v18 =	vmul.f32 v18, v62  }
0x21a: {  	[tilespmem:v22+s25+$0x0] =	vst.idx.msk $0xffff, v9;
	v9 =	vld [tilespmem:s15+$0xFFFFFE80]  }
0x21b: {  	v8 =	vadd.f32 v20, v19;
	v19 =	vmul.f32 v24, v55;
	v18 =	vadd.f32 v18, v21;
	v21 =	vld [tilespmem:s15+$0x80]  }
0x21c: {  	v6 =	vld [tilespmem:s3+$0xFFFFFE50];
	v23 =	vmul.f32 v23, v63;
	v17 =	vmul.f32 v17, v2  }
0x21d: {  	v19 =	vadd.f32 v19, v8;
	v8 =	vld [tilespmem:s3+$0xFFFFFF50]  }
0x21e: {  	v15 =	vor.u32 s1, v31;
	v0 =	vmul.f32 v0, v57;
	v22 =	vld [tilespmem:s30+$0x110];
	v11 =	vadd.f32 v17, v23  }
0x21f: {  	v1 =	vld [tilespmem:s30+$0x190];
	v23 =	vor.u32 s11, v31;
	v16 =	vmul.f32 v16, v58;
	v9 =	vmul.f32 v9, v44  }
0x220: {  	v26 =	vor.u32 s4, v31;
	v20 =	vld [tilespmem:s15+$0x110];
	v0 =	vadd.f32 v0, v11;
	v21 =	vmul.f32 v21, v50  }
0x221: {  	v24 =	vld [tilespmem:s15+$0x190];
	v16 =	vadd.f32 v16, v18;
	v18 =	vmul.f32 v25, v51;
	v17 =	vadd.f32 v9, v19  }
0x222: {  	v11 =	vld [tilespmem:s3+$0xD0];
	v0 =	vadd.f32 v21, v0  }
0x223: {  	v9 =	vld [tilespmem:s3+$0x50];
	[tilespmem:v15+s25+$0x0] =	vst.idx.msk $0xffff, v17;
	v15 =	vadd.f32 v18, v16  }
0x224: {  	[tilespmem:v23+s25+$0x0] =	vst.idx.msk $0xffff, v0;
	v17 =	vld [tilespmem:s30+$0xFFFFFE10]  }
0x225: {  	v19 =	vld [tilespmem:s30+$0x10];
	[tilespmem:v26+s25+$0x0] =	vst.idx.msk $0xffff, v15  }
0x226: {  	v22 =	vmul.f32 v22, v59;
	v1 =	vmul.f32 v1, v5;
	v15 =	vld [tilespmem:s30+$0xFFFFFF10]  }
0x227: {  	v0 =	vld [tilespmem:s30+$0xFFFFFF90]  }
0x228: {  	v1 =	vadd.f32 v1, v22;
	v16 =	vmul.f32 v20, v3;
	v20 =	vld [tilespmem:s30+$0x90]  }
0x229: {  	v21 =	vor.u32 s16, v48;
	v22 =	vld [tilespmem:s15+$0xFFFFFF10]  }
0x22a: {  	v23 =	vld [tilespmem:s15+$0x10];
	v1 =	vadd.f32 v16, v1;
	v16 =	vmul.f32 v24, v4  }
0x22b: {  	v13 =	vld [tilespmem:s15+$0xFFFFFF90]  }
0x22c: {  	v18 =	vld [tilespmem:s30+$0xFFFFFE90];
	v1 =	vadd.f32 v16, v1;
	v15 =	vmul.f32 v15, v61;
	v0 =	vmul.f32 v0, v62  }
0x22d: {  	v12 =	vmul.f32 v19, v63;
	v19 =	vmul.f32 v20, v2;
	v20 =	vld [tilespmem:s15+$0x90]  }
0x22e: {  	v16 =	vld [tilespmem:s15+$0xFFFFFE10];
	[tilespmem:v21+s25+$0x0] =	vst.idx.msk $0xffff, v1;
	v1 =	vmul.f32 v22, v58;
	v0 =	vadd.f32 v0, v15  }
0x22f: {  	v24 =	vor.u32 s4, v48;
	v12 =	vadd.f32 v19, v12;
	v19 =	vld [tilespmem:s30+$0x120]  }
0x230: {  	v21 =	vmul.f32 v23, v57;
	v22 =	vld [tilespmem:s30+$0x1A0];
	v0 =	vadd.f32 v1, v0;
	v1 =	vmul.f32 v13, v51  }
0x231: {  	v15 =	vmul.f32 v17, v60;
	v17 =	vmul.f32 v18, v56;
	v18 =	vld [tilespmem:s15+$0xFFFFFE90];
	v13 =	vor.u32 s11, v48  }
0x232: {  	v12 =	vadd.f32 v21, v12;
	v21 =	vld [tilespmem:s15+$0x1A0];
	v20 =	vmul.f32 v20, v50;
	v0 =	vadd.f32 v1, v0  }
0x233: {  	v15 =	vadd.f32 v17, v15;
	v17 =	vld [tilespmem:s15+$0x120]  }
0x234: {  	v16 =	vmul.f32 v16, v55;
	v12 =	vadd.f32 v20, v12;
	v1 =	vor.u32 s1, v48;
	v48 =	vld [tilespmem:s3+$0xFFFFFED0];
	[tilespmem:v24+s25+$0x0] =	vst.idx.msk $0xffff, v0  }
0x235: {  	v0 =	vld [tilespmem:s30+$0xFFFFFF20]  }
0x236: {  	v15 =	vadd.f32 v16, v15;
	v23 =	vmul.f32 v18, v44;
	[tilespmem:v13+s25+$0x0] =	vst.idx.msk $0xffff, v12;
	v12 =	vld [tilespmem:s30+$0xFFFFFFA0]  }
0x237: {  	v20 =	vld [tilespmem:s15+$0xFFFFFF20]  }
0x238: {  	v16 =	vmul.f32 v19, v59;
	v15 =	vadd.f32 v23, v15;
	v23 =	vmul.f32 v22, v5;
	v22 =	vld [tilespmem:s15+$0xFFFFFFA0]  }
0x239: {  	v13 =	vld [tilespmem:s30+$0x20]  }
0x23a: {  	v17 =	vmul.f32 v17, v3;
	[tilespmem:v1+s25+$0x0] =	vst.idx.msk $0xffff, v15;
	v1 =	vld [tilespmem:s30+$0xA0];
	v16 =	vadd.f32 v23, v16  }
0x23b: {  	v19 =	vor.u32 s16, v47;
	v15 =	vld [tilespmem:s30+$0xFFFFFE20]  }
0x23c: {  	v18 =	vld [tilespmem:s30+$0xFFFFFEA0];
	v16 =	vadd.f32 v17, v16;
	v17 =	vmul.f32 v21, v4  }
0x23d: {  	v21 =	vld [tilespmem:s15+$0x20]  }
0x23e: {  	v24 =	vld [tilespmem:s15+$0xA0];
	v0 =	vmul.f32 v0, v61;
	v16 =	vadd.f32 v17, v16;
	v17 =	vmul.f32 v12, v62  }
0x23f: {  	v23 =	vld [tilespmem:s15+$0xFFFFFE20];
	v13 =	vmul.f32 v13, v63;
	v1 =	vmul.f32 v1, v2  }
0x240: {  	v12 =	vld [tilespmem:s8+$0xFFFFFF50];
	[tilespmem:v19+s25+$0x0] =	vst.idx.msk $0xffff, v16;
	v16 =	vor.u32 s4, v47;
	v0 =	vadd.f32 v17, v0;
	v17 =	vmul.f32 v20, v58  }
0x241: {  	v15 =	vmul.f32 v15, v60;
	v18 =	vmul.f32 v18, v56;
	v19 =	vld [tilespmem:s15+$0xFFFFFEA0];
	v1 =	vadd.f32 v1, v13  }
0x242: {  	v20 =	vld [tilespmem:s30+$0x130];
	v13 =	vmul.f32 v21, v57;
	v0 =	vadd.f32 v17, v0;
	v17 =	vmul.f32 v22, v51  }
0x243: {  	v21 =	vor.u32 s11, v47;
	v15 =	vadd.f32 v18, v15;
	v18 =	vld [tilespmem:s30+$0x1B0]  }
0x244: {  	v22 =	vmul.f32 v23, v55;
	v1 =	vadd.f32 v13, v1;
	v13 =	vld [tilespmem:s8+$0x50];
	v0 =	vadd.f32 v17, v0  }
0x245: {  	v17 =	vmul.f32 v24, v50;
	v24 =	vld [tilespmem:s15+$0x130]  }
0x246: {  	v23 =	vor.u32 s1, v47;
	v15 =	vadd.f32 v22, v15;
	v22 =	vld [tilespmem:s15+$0x1B0];
	[tilespmem:v16+s25+$0x0] =	vst.idx.msk $0xffff, v0  }
0x247: {  	v19 =	vmul.f32 v19, v44;
	v47 =	vadd.f32 v17, v1;
	v1 =	vld [tilespmem:s30+$0xFFFFFF30]  }
0x248: {  	v16 =	vld [tilespmem:s30+$0xFFFFFFB0]  }
0x249: {  	v15 =	vadd.f32 v19, v15;
	[tilespmem:v21+s25+$0x0] =	vst.idx.msk $0xffff, v47;
	v21 =	vmul.f32 v20, v59;
	v20 =	vld [tilespmem:s15+$0xFFFFFF30]  }
0x24a: {  	v18 =	vmul.f32 v18, v5;
	v0 =	vld [tilespmem:s30+$0x30]  }
0x24b: {  	[tilespmem:v23+s25+$0x0] =	vst.idx.msk $0xffff, v15;
	v15 =	vld [tilespmem:s30+$0xB0]  }
0x24c: {  	v47 =	vmul.f32 v24, v3;
	v24 =	vld [tilespmem:s15+$0x30];
	v17 =	vadd.f32 v18, v21  }
0x24d: {  	v19 =	vld [tilespmem:s30+$0xFFFFFE30];
	v21 =	vor.u32 s16, v46  }
0x24e: {  	v23 =	vld [tilespmem:s30+$0xFFFFFEB0];
	v17 =	vadd.f32 v47, v17;
	v47 =	vmul.f32 v22, v4  }
0x24f: {  	v22 =	vld [tilespmem:s15+$0xFFFFFFB0];
	v1 =	vmul.f32 v1, v61;
	v16 =	vmul.f32 v16, v62  }
0x250: {  	v18 =	vld [tilespmem:s15+$0xFFFFFE30];
	v20 =	vmul.f32 v20, v58;
	v17 =	vadd.f32 v47, v17  }
0x251: {  	v0 =	vmul.f32 v0, v63;
	v1 =	vadd.f32 v16, v1;
	v16 =	vld [tilespmem:s15+$0xB0];
	v15 =	vmul.f32 v15, v2  }
0x252: {  	v47 =	vor.u32 s4, v46;
	v24 =	vmul.f32 v24, v57;
	v19 =	vmul.f32 v19, v60;
	[tilespmem:v21+s25+$0x0] =	vst.idx.msk $0xffff, v17;
	v17 =	vld [tilespmem:s8+$0xFFFFFE50]  }
0x253: {  	v23 =	vmul.f32 v23, v56;
	v1 =	vadd.f32 v20, v1;
	v20 =	vld [tilespmem:s15+$0xFFFFFEB0];
	v0 =	vadd.f32 v15, v0  }
0x254: {  	v22 =	vmul.f32 v22, v51;
	v15 =	vld [tilespmem:s30+$0x140]  }
0x255: {  	v18 =	vmul.f32 v18, v55;
	v19 =	vadd.f32 v23, v19;
	v0 =	vadd.f32 v24, v0;
	v24 =	vld [tilespmem:s15+$0x140]  }
0x256: {  	v1 =	vadd.f32 v22, v1;
	v22 =	vld [tilespmem:s30+$0x1C0]  }
0x257: {  	v23 =	vor.u32 s11, v46;
	v16 =	vmul.f32 v16, v50;
	v18 =	vadd.f32 v18, v19;
	v19 =	vld [tilespmem:s8+$0xFFFFFFD0]  }
0x258: {  	[tilespmem:v47+s25+$0x0] =	vst.idx.msk $0xffff, v1;
	v47 =	vld [tilespmem:s15+$0x1C0]  }
0x259: {  	v46 =	vor.u32 s1, v46;
	v0 =	vadd.f32 v16, v0;
	v16 =	vld [tilespmem:s30+$0xFFFFFF40]  }
0x25a: {  	v20 =	vmul.f32 v20, v44;
	v25 =	vld [tilespmem:s15+$0xFFFFFF40]  }
0x25b: {  	v26 =	vld [tilespmem:s15+$0xFFFFFFC0]  }
0x25c: {  	v18 =	vadd.f32 v20, v18;
	[tilespmem:v23+s25+$0x0] =	vst.idx.msk $0xffff, v0;
	v0 =	vld [tilespmem:s30+$0xFFFFFFC0]  }
0x25d: {  	v15 =	vmul.f32 v15, v59;
	v20 =	vld [tilespmem:s30+$0x40];
	v22 =	vmul.f32 v22, v5  }
0x25e: {  	v1 =	vld [tilespmem:s30+$0xC0];
	[tilespmem:v46+s25+$0x0] =	vst.idx.msk $0xffff, v18  }
0x25f: {  	v46 =	vmul.f32 v24, v3;
	v18 =	vld [tilespmem:s30+$0xFFFFFE40];
	v15 =	vadd.f32 v22, v15  }
0x260: {  	v7 =	vmul.f32 v7, v41;
	v9 =	vmul.f32 v9, v40;
	v24 =	vor.u32 s16, v45;
	v23 =	vld [tilespmem:s30+$0xFFFFFEC0]  }
0x261: {  	v21 =	vmul.f32 v47, v4;
	v47 =	vld [tilespmem:s15+$0x40];
	v16 =	vmul.f32 v16, v61;
	v15 =	vadd.f32 v46, v15  }
0x262: {  	v40 =	vld [tilespmem:s15+$0xC0];
	v0 =	vmul.f32 v0, v62;
	v46 =	vmul.f32 v25, v58  }
0x263: {  	v25 =	vld [tilespmem:s8+$0xFFFFFED0];
	v20 =	vmul.f32 v20, v63;
	v1 =	vmul.f32 v1, v2;
	v15 =	vadd.f32 v21, v15  }
0x264: {  	v6 =	vmul.f32 v6, v38;
	v21 =	vld [tilespmem:s15+$0xFFFFFE40];
	v0 =	vadd.f32 v0, v16;
	v18 =	vmul.f32 v18, v60  }
0x265: {  	v23 =	vmul.f32 v23, v56;
	v1 =	vadd.f32 v1, v20;
	v20 =	vld [tilespmem:s15+$0xFFFFFEC0];
	[tilespmem:v24+s25+$0x0] =	vst.idx.msk $0xffff, v15;
	v24 =	vor.u32 s4, v45  }
0x266: {  	v22 =	vmul.f32 v47, v57;
	v47 =	vmul.f32 v26, v51;
	v15 =	vld [tilespmem:s8+$0xD0];
	v0 =	vadd.f32 v46, v0  }
0x267: {  	v8 =	vmul.f32 v8, v43;
	v26 =	vor.u32 s11, v45;
	v18 =	vadd.f32 v23, v18;
	v23 =	vld [tilespmem:s30+$0x150]  }
0x268: {  	v40 =	vmul.f32 v40, v50;
	v1 =	vadd.f32 v22, v1;
	v22 =	vld [tilespmem:s30+$0x1D0];
	v0 =	vadd.f32 v47, v0  }
0x269: {  	v11 =	vmul.f32 v11, v42;
	v46 =	vld [tilespmem:s15+$0x1D0];
	v21 =	vmul.f32 v21, v55  }
0x26a: {  	v43 =	vor.u32 s1, v45;
	v45 =	vld [tilespmem:s15+$0x150];
	v47 =	vadd.f32 v7, v8;
	v1 =	vadd.f32 v40, v1;
	[tilespmem:v24+s25+$0x0] =	vst.idx.msk $0xffff, v0  }
0x26b: {  	v8 =	vmul.f32 v12, v36;
	v20 =	vmul.f32 v20, v44;
	v18 =	vadd.f32 v21, v18;
	v12 =	vld [tilespmem:s30+$0xFFFFFF50]  }
0x26c: {  	v9 =	vadd.f32 v11, v9;
	v35 =	vmul.f32 v48, v35;
	[tilespmem:v26+s25+$0x0] =	vst.idx.msk $0xffff, v1;
	v36 =	vld [tilespmem:s30+$0xFFFFFFD0]  }
0x26d: {  	v0 =	vadd.f32 v8, v47;
	v8 =	vld [tilespmem:s30+$0x50];
	v11 =	vadd.f32 v20, v18  }
0x26e: {  	v6 =	vadd.f32 v35, v6;
	v40 =	vmul.f32 v13, v37;
	v4 =	vmul.f32 v46, v4;
	v46 =	vld [tilespmem:s15+$0xFFFFFFD0]  }
0x26f: {  	v41 =	vmul.f32 v19, v34;
	v13 =	vmul.f32 v17, v33;
	[tilespmem:v43+s25+$0x0] =	vst.idx.msk $0xffff, v11;
	v11 =	vld [tilespmem:s30+$0xD0]  }
0x270: {  	v7 =	vadd.f32 v40, v9;
	v9 =	vmul.f32 v15, v39;
	v15 =	vmul.f32 v25, v32;
	v16 =	vld [tilespmem:s30+$0xFFFFFE50]  }
0x271: {  	v6 =	vadd.f32 v13, v6;
	v13 =	vmul.f32 v23, v59;
	v5 =	vmul.f32 v22, v5;
	v42 =	vld [tilespmem:s30+$0xFFFFFED0]  }
0x272: {  	v3 =	vmul.f32 v45, v3;
	v0 =	vadd.f32 v41, v0;
	v7 =	vadd.f32 v9, v7;
	v9 =	vld [tilespmem:s15+$0xFFFFFF50]  }
0x273: {  	v45 =	vor.u32 s1, v49;
	v6 =	vadd.f32 v15, v6;
	v5 =	vadd.f32 v5, v13;
	v13 =	vld [tilespmem:s15+$0x50]  }
0x274: {  	v15 =	vor.u32 s16, v49;
	[tilespmem:v54+s25+$0x0] =	vst.idx.msk $0xffff, v0;
	v43 =	vld [tilespmem:s15+$0xFFFFFE50];
	v12 =	vmul.f32 v12, v61;
	v1 =	vmul.f32 v36, v62  }
0x275: {  	[tilespmem:v53+s25+$0x0] =	vst.idx.msk $0xffff, v7;
	v54 =	vor.u32 s4, v49;
	v47 =	vmul.f32 v8, v63;
	v8 =	vld [tilespmem:s15+$0xD0];
	v48 =	vmul.f32 v11, v2  }
0x276: {  	v3 =	vadd.f32 v3, v5;
	v59 =	vld [tilespmem:s15+$0xFFFFFED0];
	v11 =	vmul.f32 v16, v60;
	v56 =	vmul.f32 v42, v56  }
0x277: {  	v9 =	vmul.f32 v9, v58;
	v1 =	vadd.f32 v1, v12;
	v12 =	vmul.f32 v46, v51  }
0x278: {  	v2 =	vadd.f32 v48, v47;
	v61 =	vadd.f32 v56, v11;
	v11 =	vmul.f32 v13, v57  }
0x279: {  	[tilespmem:v52+s25+$0x0] =	vst.idx.msk $0xffff, v6;
	v60 =	vor.u32 s11, v49;
	v1 =	vadd.f32 v9, v1;
	v9 =	vmul.f32 v43, v55  }
0x27a: {  	p0 =	seq.s32 s31, $0xC3;
	v3 =	vadd.f32 v4, v3;
	v62 =	vmul.f32 v8, v50;
	v2 =	vadd.f32 v11, v2  }
.Ltmp1:
0x27b: {  	v8 =	vmul.f32 v59, v44;
	v1 =	vadd.f32 v12, v1;
	v5 =	vadd.f32 v9, v61;
	(pc) =	sbr.rel @p0 .LBB2_6-.Ltmp1, $4  }
0x27c: {  	[tilespmem:v15+s25+$0x0] =	vst.idx.msk $0xffff, v3;
	v2 =	vadd.f32 v62, v2  }
0x27d: {  	[tilespmem:v54+s25+$0x0] =	vst.idx.msk $0xffff, v1;
	v63 =	vadd.f32 v8, v5  }
0x27e: {  	[tilespmem:v60+s25+$0x0] =	vst.idx.msk $0xffff, v2  }
0x27f: {  	[tilespmem:v45+s25+$0x0] =	vst.idx.msk $0xffff, v63  }
0x280: {  	s1 =	rddreg [dreg:$0x3]  }
0x281: {  	s1 =	sadd.s32 s2, s1  }
0x282: {  	v0 =	vmov s1  }
0x283: {  	v0 =	vmulhi.u32 $0x92492493, v0;
	_ =	sdelay $0x1  }
0x284: {  	v0 =	vshrl.u32 v0, $0x7  }
0x285: {  	v1 =	vmul.u32 $0xFFFFFF20, v0;
	_ =	sdelay $0x1  }
0x286: {  	v26 =	vlaneseq.u32;
	v1 =	vadd.s32 s1, v1  }
0x287: {  	v1 =	vadd.s32 v26, v1  }
0x288: {  	v0 =	vcvt.s32.f32 v0;
	v1 =	vcvt.s32.f32 v1;
	_ =	sdelay $0x1  }
0x289: {  	v0 =	vmul.f32 $8.968610310e-03, v0;
	v1 =	vmul.f32 $8.968610310e-03, v1;
	_ =	sdelay $0x1  }
0x28a: {  	v0 =	vadd.f32 $-1.000000000e+00, v0;
	v1 =	vadd.f32 $-1.000000000e+00, v1  }
0x28b: {  	v34 =	vld [tilespmem:$0x1FE90]  }
0x28c: {  	v35 =	vld [tilespmem:$0x1FEA0];
	v3 =	vshrl.u32 v0, $0x10;
	v2 =	vshrl.u32 v1, $0x10  }
0x28d: {  	v3 =	vand.u32 $0x1, v3;
	v2 =	vand.u32 $0x1, v2  }
0x28e: {  	v0 =	vadd.s32 v3, v0;
	v1 =	vadd.s32 v2, v1  }
0x28f: {  	v0 =	vadd.s32 $0x7FFF, v0;
	v1 =	vadd.s32 $0x7FFF, v1  }
0x290: {  	v0 =	vand.u32 $0xFFFF0000, v0;
	v1 =	vand.u32 $0xFFFF0000, v1  }
0x291: {  	v60 =	vmul.f32 v0, v35;
	v59 =	vmul.f32 v1, v34  }
0x292: {  	v0 =	vmul.f32 v0, v28;
	v1 =	vmul.f32 v1, v27  }
0x293: {  	v2 =	vadd.f32 v59, v60  }
0x294: {  	v0 =	vadd.f32 v1, v0  }
0x295: {  	v2 =	vadd.f32 v29, v2  }
0x296: {  	s2 =	sor.u32 $0x10, s1;
	v0 =	vadd.f32 v30, v0  }
0x297: {  	v62 =	vmov s2;
	v61 =	vadd.f32 $1.000000000e+00, v2  }
0x298: {  	v0 =	vadd.f32 $1.000000000e+00, v0;
	v2 =	vmulhi.u32 $0x92492493, v62  }
0x299: {  	v33 =	vimm.s32 $0x0;
	s17 =	sor.u32 $0x20, s1;
	v1 =	vmul.f32 $1.120000000e+02, v61  }
0x29a: {  	v42 =	vmov s17;
	v0 =	vmul.f32 $1.120000000e+02, v0;
	v2 =	vshrl.u32 v2, $0x7  }
0x29b: {  	s1 =	sor.u32 $0x30, s1;
	v16 =	vmul.u32 $0xFFFFFF20, v2;
	v2 =	vcvt.s32.f32 v2;
	v63 =	vtrunc.f32 v1  }
0x29c: {  	v57 =	vmov s1;
	v6 =	vtrunc.f32 v0;
	v4 =	vcvt.f32.s32 v63  }
0x29d: {  	vm0 =	vlt.f32 v1, v63;
	vm5 =	vlt.f32 v0, v6;
	v3 =	vadd.s32 s2, v16  }
0x29e: {  	v17 =	vcvt.f32.s32 v6;
	v2 =	vmul.f32 $8.968610310e-03, v2;
	v5 =	vsel vm0, $0xFFFFFFFF, v33  }
0x29f: {  	v18 =	vsel vm5, $0xFFFFFFFF, v33;
	v3 =	vadd.s32 v26, v3;
	v4 =	vadd.s32 v4, v5  }
0x2a0: {  	v3 =	vcvt.s32.f32 v3;
	v5 =	vadd.s32 v17, v18;
	v2 =	vadd.f32 $-1.000000000e+00, v2  }
0x2a1: {  	vm6 =	vgt.s32 v4, $0x0;
	vm8 =	vgt.s32 v5, $0x0;
	v20 =	vadd.s32 $0x1, v5  }
0x2a2: {  	v19 =	vnsel vm6, $0x0, v4;
	v4 =	vadd.s32 $0x1, v4;
	v3 =	vmul.f32 $8.968610310e-03, v3  }
0x2a3: {  	v21 =	vnsel vm8, $0x0, v5;
	vm9 =	vgt.s32 v20, $0x0;
	v9 =	vshrl.u32 v2, $0x10  }
0x2a4: {  	vm7 =	vgt.s32 v4, $0x0;
	v7 =	vmin.u32 v19, $0xDF;
	v22 =	vnsel vm9, $0x0, v20  }
0x2a5: {  	v36 =	vand.u32 $0x1, v9;
	v12 =	vmin.u32 v21, $0xDF;
	v3 =	vadd.f32 $-1.000000000e+00, v3  }
0x2a6: {  	v4 =	vnsel vm7, $0x0, v4;
	v11 =	vmin.u32 v22, $0xDF;
	v9 =	vcvt.s32.f32 v7  }
0x2a7: {  	v2 =	vadd.s32 v36, v2;
	v15 =	vcvt.s32.f32 v12;
	v23 =	vshrl.u32 v3, $0x10  }
0x2a8: {  	v8 =	vmin.u32 v4, $0xDF;
	v2 =	vadd.s32 $0x7FFF, v2;
	v32 =	vand.u32 $0x1, v23  }
0x2a9: {  	v38 =	vcvt.s32.f32 v11;
	v2 =	vand.u32 $0xFFFF0000, v2;
	v3 =	vadd.s32 v32, v3  }
0x2aa: {  	v37 =	vcvt.s32.f32 v8;
	v13 =	vmul.f32 v2, v35;
	v3 =	vadd.s32 $0x7FFF, v3  }
0x2ab: {  	v6 =	vsub.f32 v38, v0;
	v2 =	vmul.f32 v2, v28;
	v3 =	vand.u32 $0xFFFF0000, v3  }
0x2ac: {  	v5 =	vsub.f32 v37, v1;
	v39 =	vmul.f32 v3, v34;
	v3 =	vmul.f32 v3, v27  }
0x2ad: {  	v44 =	vmul.u32 $0xE0, v12;
	v0 =	vsub.f32 v0, v15;
	v1 =	vsub.f32 v1, v9  }
0x2ae: {  	v40 =	vmul.f32 v6, v5;
	v13 =	vadd.f32 v39, v13;
	v3 =	vadd.f32 v3, v2  }
0x2af: {  	v45 =	vmul.u32 $0xE0, v11;
	v41 =	vmul.f32 v6, v1;
	v6 =	vmulhi.u32 $0x92492493, v42  }
0x2b0: {  	v5 =	vmul.f32 v5, v0;
	v9 =	vadd.f32 v29, v13;
	v13 =	vadd.f32 v30, v3  }
0x2b1: {  	v43 =	vmul.f32 v0, v1;
	v0 =	vadd.s32 v10, v44;
	v12 =	vshrl.u32 v6, $0x7  }
0x2b2: {  	v9 =	vadd.f32 $1.000000000e+00, v9;
	v11 =	vadd.f32 $1.000000000e+00, v13;
	v13 =	vmul.u32 $0xFFFFFF20, v12  }
0x2b3: {  	v1 =	vadd.s32 v10, v45;
	v46 =	vadd.s32 v7, v0;
	v12 =	vcvt.s32.f32 v12  }
0x2b4: {  	v0 =	vadd.s32 v8, v0;
	v9 =	vmul.f32 $1.120000000e+02, v9;
	v13 =	vadd.s32 s17, v13  }
0x2b5: {  	v11 =	vmul.f32 $1.120000000e+02, v11;
	v12 =	vmul.f32 $8.968610310e-03, v12;
	v13 =	vadd.s32 v26, v13  }
0x2b6: {  	v18 =	vadd.s32 v7, v1;
	v1 =	vadd.s32 v8, v1;
	v13 =	vcvt.s32.f32 v13  }
0x2b7: {  	v15 =	vtrunc.f32 v9;
	v17 =	vtrunc.f32 v11;
	v12 =	vadd.f32 $-1.000000000e+00, v12  }
0x2b8: {  	v16 =	vcvt.f32.s32 v15;
	vm10 =	vlt.f32 v9, v15;
	v13 =	vmul.f32 $8.968610310e-03, v13  }
0x2b9: {  	vm11 =	vlt.f32 v11, v17;
	v48 =	vcvt.f32.s32 v17;
	v15 =	vsel vm10, $0xFFFFFFFF, v33  }
0x2ba: {  	v47 =	vsel vm11, $0xFFFFFFFF, v33;
	v19 =	vshrl.u32 v12, $0x10;
	v13 =	vadd.f32 $-1.000000000e+00, v13  }
0x2bb: {  	v15 =	vadd.s32 v16, v15;
	v16 =	vadd.s32 v48, v47;
	v19 =	vand.u32 $0x1, v19  }
0x2bc: {  	vm12 =	vgt.s32 v15, $0x0;
	v20 =	vadd.s32 $0x1, v16;
	v51 =	vshrl.u32 v13, $0x10  }
0x2bd: {  	v12 =	vadd.s32 v19, v12;
	vm15 =	vgt.s32 v16, $0x0;
	v17 =	vand.u32 $0x1, v51  }
0x2be: {  	v49 =	vnsel vm12, $0x0, v15;
	v15 =	vadd.s32 $0x1, v15;
	v13 =	vadd.s32 v17, v13  }
0x2bf: {  	vm14 =	vgt.s32 v20, $0x0;
	v12 =	vadd.s32 $0x7FFF, v12;
	v13 =	vadd.s32 $0x7FFF, v13  }
0x2c0: {  	v16 =	vnsel vm15, $0x0, v16;
	v12 =	vand.u32 $0xFFFF0000, v12;
	v13 =	vand.u32 $0xFFFF0000, v13  }
0x2c1: {  	v50 =	vmin.u32 v49, $0xDF;
	v54 =	vmul.f32 v12, v35;
	v53 =	vmul.f32 v13, v34  }
0x2c2: {  	vm13 =	vgt.s32 v15, $0x0;
	v52 =	vnsel vm14, $0x0, v20;
	v12 =	vmul.f32 v12, v28  }
0x2c3: {  	v17 =	vmin.u32 v52, $0xDF;
	v13 =	vmul.f32 v13, v27;
	v19 =	vadd.f32 v53, v54  }
0x2c4: {  	v16 =	vmin.u32 v16, $0xDF;
	v15 =	vnsel vm13, $0x0, v15;
	v22 =	vcvt.s32.f32 v17  }
0x2c5: {  	v15 =	vmin.u32 v15, $0xDF;
	v12 =	vadd.f32 v13, v12;
	v19 =	vadd.f32 v29, v19  }
0x2c6: {  	v21 =	vcvt.s32.f32 v50;
	v55 =	vcvt.s32.f32 v15;
	v56 =	vsub.f32 v22, v11  }
0x2c7: {  	v22 =	vmulhi.u32 $0x92492493, v57;
	v12 =	vadd.f32 v30, v12;
	v19 =	vadd.f32 $1.000000000e+00, v19  }
0x2c8: {  	v23 =	vcvt.s32.f32 v16;
	v13 =	vsub.f32 v55, v9;
	v9 =	vsub.f32 v9, v21  }
0x2c9: {  	v58 =	vshrl.u32 v22, $0x7;
	v12 =	vadd.f32 $1.000000000e+00, v12;
	v19 =	vmul.f32 $1.120000000e+02, v19  }
0x2ca: {  	v22 =	vmul.u32 $0xFFFFFF20, v58;
	v21 =	vcvt.s32.f32 v58;
	v24 =	vmul.f32 v56, v13  }
0x2cb: {  	v11 =	vsub.f32 v11, v23;
	v8 =	vmul.f32 $1.120000000e+02, v12;
	v12 =	vtrunc.f32 v19  }
0x2cc: {  	v59 =	vcvt.f32.s32 v12;
	vm4 =	vlt.f32 v19, v12;
	v12 =	vadd.s32 s1, v22  }
0x2cd: {  	v13 =	vmul.f32 v13, v11;
	v21 =	vmul.f32 $8.968610310e-03, v21;
	v12 =	vadd.s32 v26, v12  }
0x2ce: {  	v20 =	vmul.f32 v56, v9;
	v12 =	vcvt.s32.f32 v12  }
0x2cf: {  	v9 =	vmul.f32 v11, v9;
	v21 =	vadd.f32 $-1.000000000e+00, v21;
	v25 =	vtrunc.f32 v8  }
0x2d0: {  	vm5 =	vlt.f32 v8, v25;
	v60 =	vsel vm4, $0xFFFFFFFF, v33;
	v12 =	vmul.f32 $8.968610310e-03, v12  }
0x2d1: {  	v62 =	vcvt.f32.s32 v25;
	v61 =	vsel vm5, $0xFFFFFFFF, v33;
	v11 =	vadd.s32 v59, v60  }
0x2d2: {  	v26 =	vshrl.u32 v21, $0x10;
	vm6 =	vgt.s32 v11, $0x0;
	v12 =	vadd.f32 $-1.000000000e+00, v12  }
0x2d3: {  	v22 =	vadd.s32 v62, v61;
	v26 =	vand.u32 $0x1, v26;
	v25 =	vnsel vm6, $0x0, v11  }
0x2d4: {  	vm8 =	vgt.s32 v22, $0x0;
	v63 =	vmin.u32 v25, $0xDF;
	v25 =	vshrl.u32 v12, $0x10  }
0x2d5: {  	v21 =	vadd.s32 v26, v21;
	v11 =	vadd.s32 $0x1, v11;
	v25 =	vand.u32 $0x1, v25  }
0x2d6: {  	v32 =	vnsel vm8, $0x0, v22;
	v22 =	vadd.s32 $0x1, v22;
	v12 =	vadd.s32 v25, v12  }
0x2d7: {  	[tilespmem:$0x580] =	vst v43;
	v43 =	vld [tilespmem:$0x1FF90];
	v21 =	vadd.s32 $0x7FFF, v21;
	vm7 =	vgt.s32 v11, $0x0;
	v12 =	vadd.s32 $0x7FFF, v12  }
0x2d8: {  	vm9 =	vgt.s32 v22, $0x0;
	v21 =	vand.u32 $0xFFFF0000, v21;
	v12 =	vand.u32 $0xFFFF0000, v12  }
0x2d9: {  	v22 =	vnsel vm9, $0x0, v22;
	v26 =	vmul.f32 v21, v35;
	v25 =	vmul.f32 v12, v34  }
0x2da: {  	v11 =	vnsel vm7, $0x0, v11;
	v22 =	vmin.u32 v22, $0xDF  }
0x2db: {  	[tilespmem:$0x280] =	vst v40;
	v36 =	vmin.u32 v11, $0xDF;
	v11 =	vmin.u32 v32, $0xDF;
	v25 =	vadd.f32 v25, v26  }
0x2dc: {  	[tilespmem:$0x380] =	vst v5;
	v44 =	vmul.u32 $0xE0, v17;
	v37 =	vcvt.s32.f32 v22;
	v26 =	vcvt.s32.f32 v11  }
0x2dd: {  	[tilespmem:$0x480] =	vst v41;
	v21 =	vmul.f32 v21, v28;
	v12 =	vmul.f32 v12, v27;
	v42 =	vadd.f32 v29, v25  }
0x2de: {  	[tilespmem:v14+s13+$0x0] =	vst.idx.msk $0xffff, v46;
	v48 =	vld [tilespmem:$0x1FFA0];
	v39 =	vsub.f32 v37, v8;
	v40 =	vsub.f32 v8, v26;
	v8 =	vcvt.s32.f32 v63  }
0x2df: {  	[tilespmem:v43+s13+$0x0] =	vst.idx.msk $0xffff, v0;
	v41 =	vadd.f32 v12, v21;
	v12 =	vmul.u32 $0xE0, v16;
	v16 =	vadd.f32 $1.000000000e+00, v42  }
0x2e0: {  	[tilespmem:v14+s14+$0x0] =	vst.idx.msk $0xffff, v18;
	v0 =	vadd.s32 v10, v44;
	v8 =	vsub.f32 v19, v8  }
0x2e1: {  	[tilespmem:v43+s14+$0x0] =	vst.idx.msk $0xffff, v1;
	v7 =	vadd.s32 v50, v0;
	v46 =	vmul.f32 $1.120000000e+02, v16  }
0x2e2: {  	[tilespmem:$0x290] =	vst v24;
	v2 =	vmul.f32 v39, v8;
	v3 =	vmul.f32 v40, v8;
	v8 =	vadd.s32 v10, v12  }
0x2e3: {  	v0 =	vadd.s32 v15, v0;
	[tilespmem:$0x390] =	vst v13;
	v12 =	vadd.s32 v50, v8;
	v13 =	vtrunc.f32 v46  }
0x2e4: {  	[tilespmem:$0x490] =	vst v20;
	v8 =	vadd.s32 v15, v8;
	v15 =	vcvt.f32.s32 v13;
	vm10 =	vlt.f32 v46, v13  }
0x2e5: {  	[tilespmem:$0x590] =	vst v9;
	v13 =	vsel vm10, $0xFFFFFFFF, v33  }
0x2e6: {  	[tilespmem:v48+s13+$0x0] =	vst.idx.msk $0xffff, v12;
	v12 =	vadd.s32 v15, v13;
	v15 =	vld [tilespmem:$0x1FFB0];
	_ =	sdelay $0x1  }
0x2e7: {  	v6 =	vadd.f32 v30, v41;
	_ =	sdelay $0x1  }
0x2e8: {  	v6 =	vadd.f32 $1.000000000e+00, v6  }
0x2e9: {  	v38 =	vcvt.s32.f32 v36  }
0x2ea: {  	v9 =	vmul.u32 $0xE0, v22;
	v6 =	vmul.f32 $1.120000000e+02, v6  }
0x2eb: {  	v5 =	vsub.f32 v38, v19  }
0x2ec: {  	v9 =	vadd.s32 v10, v9;
	v11 =	vmul.u32 $0xE0, v11;
	v47 =	vtrunc.f32 v6;
	[tilespmem:v15+s13+$0x0] =	vst.idx.msk $0xffff, v8  }
0x2ed: {  	v45 =	vmul.f32 v39, v5;
	vm11 =	vlt.f32 v6, v47;
	v13 =	vcvt.f32.s32 v47;
	[tilespmem:v48+s14+$0x0] =	vst.idx.msk $0xffff, v7  }
0x2ee: {  	vm12 =	vgt.s32 v12, $0x0;
	v8 =	vadd.s32 v10, v11;
	v11 =	vsel vm11, $0xFFFFFFFF, v33;
	[tilespmem:v15+s14+$0x0] =	vst.idx.msk $0xffff, v0;
	v15 =	vld [tilespmem:$0x1FFC0]  }
0x2ef: {  	v55 =	vld [tilespmem:$0x1FFD0];
	v5 =	vmul.f32 v5, v40;
	v50 =	vnsel vm12, $0x0, v12;
	v49 =	vadd.s32 v13, v11  }
0x2f0: {  	v11 =	vadd.s32 $0x1, v12;
	v13 =	vadd.s32 v63, v8;
	v12 =	vadd.s32 $0x1, v49  }
0x2f1: {  	v51 =	vadd.s32 v36, v8;
	vm13 =	vgt.s32 v11, $0x0;
	vm14 =	vgt.s32 v12, $0x0  }
0x2f2: {  	vm15 =	vgt.s32 v49, $0x0;
	[tilespmem:$0x2A0] =	vst v45;
	v11 =	vnsel vm13, $0x0, v11;
	v8 =	vnsel vm14, $0x0, v12  }
0x2f3: {  	v0 =	vmin.u32 v50, $0xDF;
	[tilespmem:$0x3A0] =	vst v5;
	v52 =	vmin.u32 v11, $0xDF;
	v8 =	vmin.u32 v8, $0xDF  }
0x2f4: {  	[tilespmem:$0x4A0] =	vst v2;
	v7 =	vnsel vm15, $0x0, v49;
	v54 =	vcvt.s32.f32 v52;
	v11 =	vcvt.s32.f32 v8  }
0x2f5: {  	v4 =	vadd.s32 v36, v9;
	[tilespmem:$0x5A0] =	vst v3;
	v56 =	vcvt.s32.f32 v0;
	v53 =	vmin.u32 v7, $0xDF  }
0x2f6: {  	v60 =	vld [tilespmem:$0x1FFE0];
	v7 =	vsub.f32 v54, v46;
	v11 =	vsub.f32 v11, v6;
	[tilespmem:v15+s13+$0x0] =	vst.idx.msk $0xffff, v13;
	v13 =	vcvt.s32.f32 v53  }
0x2f7: {  	v62 =	vld [tilespmem:$0x1FFF0];
	v12 =	vadd.s32 v63, v9;
	v1 =	vsub.f32 v46, v56;
	[tilespmem:v55+s13+$0x0] =	vst.idx.msk $0xffff, v51  }
0x2f8: {  	v9 =	vmul.f32 v11, v7;
	[tilespmem:v15+s14+$0x0] =	vst.idx.msk $0xffff, v12;
	v6 =	vsub.f32 v6, v13  }
0x2f9: {  	v5 =	vmul.f32 v11, v1;
	[tilespmem:v55+s14+$0x0] =	vst.idx.msk $0xffff, v4  }
0x2fa: {  	v3 =	vmul.u32 $0xE0, v53;
	v57 =	vmul.f32 v7, v6;
	[tilespmem:$0x2B0] =	vst v9  }
0x2fb: {  	v1 =	vmul.f32 v6, v1;
	[tilespmem:$0x4B0] =	vst v5  }
0x2fc: {  	v58 =	vmul.u32 $0xE0, v8;
	v3 =	vadd.s32 v10, v3;
	[tilespmem:$0x3B0] =	vst v57  }
0x2fd: {  	v59 =	vadd.s32 v0, v3;
	[tilespmem:$0x5B0] =	vst v1  }
0x2fe: {  	v61 =	vadd.s32 v52, v3;
	v4 =	vadd.s32 v10, v58;
	[tilespmem:v60+s13+$0x0] =	vst.idx.msk $0xffff, v59  }
0x2ff: {  	v0 =	vadd.s32 v0, v4;
	[tilespmem:v62+s13+$0x0] =	vst.idx.msk $0xffff, v61  }
0x300: {  	v63 =	vadd.s32 v52, v4;
	[tilespmem:v60+s14+$0x0] =	vst.idx.msk $0xffff, v0  }
0x301: {  	s18 =	simm.s32 $0x680;
	[tilespmem:v62+s14+$0x0] =	vst.idx.msk $0xffff, v63  }
0x302: {  	[tilespmem:s18], [sflag:$0x1] =	stream.indirect.gather [hbm4b:s5+s13], $0x80, s13, s13, $0xb8;
	[tilespmem:$0x13680] =	vst v63  }
0x303: {  	s30 =	simm.s32 $0x8680  }
0x304: {  	[tilespmem:s30], [sflag:$0x1] =	stream.indirect.gather [hbm4b:s5+s13], $0x80, s14, s13, $0xb8;
	[tilespmem:$0x13680] =	vst v63  }
.LBB2_6:
0x305: {  	_ =	swait.ge [sflag:s26], $0x4000  }
0x306: {  	[sflag:s26] =	ssyncset.done $0x0  }
0x307: {  	s4 =	simm.s32 $0x0;
	[sflag:s26] =	ssyncadd.s32 $0xFFFFC000  }
0x308: {  	v0 =	vmov s4;
	_ =	swait.ge [sflag:s26], $0x4000  }
0x309: {  	v0 =	vor.u32 $0x80, v0;
	[sflag:s26] =	ssyncset.done $0x0  }
0x30a: {  	s2 =	simm.s32 $0x0;
	[sflag:s26] =	ssyncadd.s32 $0xFFFFC000  }
0x30b: {  	v7 =	vld [tilespmem:s2+$0x4A00]  }
0x30c: {  	s16 =	simm.s32 $0x3;
	v8 =	vld [tilespmem:s2+$0xC980]  }
0x30d: {  	v2 =	vmov s16;
	v9 =	vld [tilespmem:s2+$0xCA00]  }
0x30e: {  	v3 =	vor.u32 $0x80, v2;
	v32 =	vld.idx.msk [tilespmem:v0+s24+$0x0], $0xffff  }
0x30f: {  	v33 =	vld.idx.msk [tilespmem:v0+s22+$0x0], $0xffff  }
0x310: {  	s8 =	simm.s32 $0x1;
	v38 =	vld.idx.msk [tilespmem:v0+s21+$0x0], $0xffff  }
0x311: {  	v1 =	vmov s8;
	v35 =	vld.idx.msk [tilespmem:v0+s23+$0x0], $0xffff  }
0x312: {  	v1 =	vor.u32 $0x80, v1;
	v0 =	vld [tilespmem:s2+$0x4980]  }
0x313: {  	v4 =	vld.idx.msk [tilespmem:v3+s21+$0x0], $0xffff  }
0x314: {  	s15 =	simm.s32 $0x2;
	v5 =	vld.idx.msk [tilespmem:v3+s23+$0x0], $0xffff  }
0x315: {  	v2 =	vmov s15;
	v11 =	vld [tilespmem:s2+$0x4800]  }
0x316: {  	v6 =	vor.u32 $0x80, v2;
	v2 =	vld.idx.msk [tilespmem:v3+s22+$0x0], $0xffff  }
0x317: {  	v34 =	vld.idx.msk [tilespmem:v1+s24+$0x0], $0xffff  }
0x318: {  	v3 =	vld.idx.msk [tilespmem:v3+s24+$0x0], $0xffff  }
0x319: {  	v36 =	vld.idx.msk [tilespmem:v1+s22+$0x0], $0xffff;
	v0 =	vmul.f32 v0, v4;
	v7 =	vmul.f32 v7, v5  }
0x31a: {  	v43 =	vld.idx.msk [tilespmem:v1+s21+$0x0], $0xffff  }
0x31b: {  	v49 =	vor.u32 $0x40, v31;
	v40 =	vld.idx.msk [tilespmem:v1+s23+$0x0], $0xffff;
	v1 =	vmul.f32 v8, v2;
	v0 =	vadd.f32 v7, v0  }
0x31c: {  	v12 =	vld [tilespmem:s2+$0xC680];
	v7 =	vor.u32 s16, v49  }
0x31d: {  	v15 =	vld [tilespmem:s2+$0xC700];
	v0 =	vadd.f32 v1, v0;
	v1 =	vmul.f32 v9, v3  }
0x31e: {  	v18 =	vld [tilespmem:s2+$0x4880]  }
0x31f: {  	v19 =	vld [tilespmem:s2+$0xC780];
	v0 =	vadd.f32 v1, v0  }
0x320: {  	v8 =	vld [tilespmem:s2+$0x4680]  }
0x321: {  	v9 =	vld [tilespmem:s2+$0x4700];
	[tilespmem:v7+s25+$0x0] =	vst.idx.msk $0xffff, v0  }
0x322: {  	v0 =	vld [tilespmem:s2+$0x4990]  }
0x323: {  	v7 =	vld [tilespmem:s2+$0x4A10]  }
0x324: {  	v20 =	vld [tilespmem:s2+$0xC880]  }
0x325: {  	v13 =	vld [tilespmem:s2+$0xC990]  }
0x326: {  	v1 =	vld [tilespmem:s2+$0x4780]  }
0x327: {  	v8 =	vmul.f32 v8, v38;
	v9 =	vmul.f32 v9, v35;
	v16 =	vld [tilespmem:s2+$0xCA10]  }
0x328: {  	v48 =	vor.u32 $0x840, v31;
	v41 =	vld.idx.msk [tilespmem:v6+s21+$0x0], $0xffff;
	v0 =	vmul.f32 v0, v4;
	v7 =	vmul.f32 v7, v5  }
0x329: {  	v17 =	vor.u32 s4, v49;
	v42 =	vld.idx.msk [tilespmem:v6+s23+$0x0], $0xffff;
	v8 =	vadd.f32 v9, v8;
	v9 =	vmul.f32 v12, v33  }
0x32a: {  	v11 =	vmul.f32 v11, v40;
	v12 =	vld [tilespmem:s2+$0x4900];
	v0 =	vadd.f32 v7, v0;
	v7 =	vmul.f32 v13, v2  }
0x32b: {  	v8 =	vadd.f32 v9, v8;
	v9 =	vld [tilespmem:s2+$0xC800];
	v13 =	vmul.f32 v15, v32;
	v15 =	vor.u32 s16, v48  }
0x32c: {  	v37 =	vld.idx.msk [tilespmem:v6+s22+$0x0], $0xffff;
	v1 =	vmul.f32 v1, v43;
	v0 =	vadd.f32 v7, v0;
	v7 =	vmul.f32 v16, v3  }
0x32d: {  	v39 =	vld.idx.msk [tilespmem:v6+s24+$0x0], $0xffff;
	v6 =	vadd.f32 v13, v8  }
0x32e: {  	v1 =	vadd.f32 v11, v1;
	v11 =	vld [tilespmem:s2+$0xC900];
	v8 =	vmul.f32 v19, v36;
	v0 =	vadd.f32 v7, v0  }
0x32f: {  	v12 =	vmul.f32 v12, v42;
	v13 =	vmul.f32 v18, v41;
	v7 =	vor.u32 s8, v49;
	[tilespmem:v17+s25+$0x0] =	vst.idx.msk $0xffff, v6  }
0x330: {  	v1 =	vadd.f32 v8, v1;
	v6 =	vmul.f32 v9, v34;
	v8 =	vld [tilespmem:s2+$0x4690];
	[tilespmem:v15+s25+$0x0] =	vst.idx.msk $0xffff, v0  }
0x331: {  	v9 =	vmul.f32 v20, v37;
	v0 =	vadd.f32 v12, v13;
	v12 =	vld [tilespmem:s2+$0x49A0]  }
0x332: {  	v1 =	vadd.f32 v6, v1;
	v6 =	vld [tilespmem:s2+$0x4A20]  }
0x333: {  	v13 =	vor.u32 s15, v49;
	v0 =	vadd.f32 v9, v0;
	v9 =	vmul.f32 v11, v39;
	v11 =	vld [tilespmem:s2+$0x4710]  }
0x334: {  	[tilespmem:v7+s25+$0x0] =	vst.idx.msk $0xffff, v1;
	v1 =	vld [tilespmem:s2+$0xC9A0]  }
0x335: {  	v7 =	vld [tilespmem:s2+$0x4790]  }
0x336: {  	v0 =	vadd.f32 v9, v0;
	v9 =	vld [tilespmem:s2+$0xCA20]  }
0x337: {  	v18 =	vld [tilespmem:s2+$0xC810];
	v12 =	vmul.f32 v12, v4;
	v6 =	vmul.f32 v6, v5  }
0x338: {  	[tilespmem:v13+s25+$0x0] =	vst.idx.msk $0xffff, v0;
	v0 =	vld [tilespmem:s2+$0x4810]  }
0x339: {  	v47 =	vor.u32 $0x1040, v31;
	v13 =	vld [tilespmem:s2+$0x4890];
	v6 =	vadd.f32 v6, v12;
	v1 =	vmul.f32 v1, v2  }
0x33a: {  	v16 =	vor.u32 s16, v47;
	v15 =	vld [tilespmem:s2+$0x4910]  }
0x33b: {  	s3 =	simm.s32 $0x6;
	v12 =	vld [tilespmem:s2+$0xC790];
	v1 =	vadd.f32 v1, v6;
	v6 =	vmul.f32 v9, v3  }
0x33c: {  	v22 =	vmov s3;
	v17 =	vld [tilespmem:s2+$0xC890]  }
0x33d: {  	s11 =	simm.s32 $0x5;
	v22 =	vor.u32 $0x80, v22;
	v8 =	vmul.f32 v8, v38;
	v9 =	vld [tilespmem:s2+$0xC690];
	v1 =	vadd.f32 v6, v1  }
0x33e: {  	v62 =	vmov s11;
	v0 =	vmul.f32 v0, v40;
	v6 =	vmul.f32 v7, v43;
	v7 =	vld [tilespmem:s2+$0xC910]  }
0x33f: {  	v19 =	vor.u32 s8, v48;
	v60 =	vld [tilespmem:s2+$0xC710];
	v13 =	vmul.f32 v13, v41;
	v15 =	vmul.f32 v15, v42;
	[tilespmem:v16+s25+$0x0] =	vst.idx.msk $0xffff, v1  }
0x340: {  	v1 =	vmul.f32 v11, v35;
	v0 =	vadd.f32 v0, v6;
	v6 =	vmul.f32 v12, v36;
	v11 =	vld [tilespmem:s2+$0x49B0]  }
0x341: {  	v12 =	vor.u32 s15, v48;
	v13 =	vadd.f32 v15, v13;
	v15 =	vmul.f32 v17, v37;
	v16 =	vld [tilespmem:s2+$0x4A30]  }
0x342: {  	v51 =	vld.idx.msk [tilespmem:v22+s24+$0x0], $0xffff;
	v1 =	vadd.f32 v1, v8;
	v0 =	vadd.f32 v6, v0;
	v6 =	vmul.f32 v18, v34  }
0x343: {  	v8 =	vmul.f32 v9, v33;
	v9 =	vadd.f32 v15, v13;
	v13 =	vld [tilespmem:s2+$0xC9B0];
	v7 =	vmul.f32 v7, v39  }
0x344: {  	v57 =	vld.idx.msk [tilespmem:v22+s22+$0x0], $0xffff;
	v20 =	vor.u32 $0x80, v62;
	v15 =	vor.u32 s4, v48;
	v0 =	vadd.f32 v6, v0  }
0x345: {  	v1 =	vadd.f32 v8, v1;
	v6 =	vmul.f32 v60, v32;
	v8 =	vld [tilespmem:s2+$0xCA30];
	v7 =	vadd.f32 v7, v9  }
0x346: {  	v62 =	vld.idx.msk [tilespmem:v22+s23+$0x0], $0xffff;
	[tilespmem:v19+s25+$0x0] =	vst.idx.msk $0xffff, v0;
	v0 =	vmul.f32 v11, v4;
	v9 =	vmul.f32 v16, v5  }
0x347: {  	v1 =	vadd.f32 v6, v1;
	v6 =	vld [tilespmem:s2+$0x47A0]  }
0x348: {  	v46 =	vor.u32 $0x1840, v31;
	[tilespmem:v12+s25+$0x0] =	vst.idx.msk $0xffff, v7;
	v7 =	vld [tilespmem:s2+$0x4820];
	v0 =	vadd.f32 v9, v0;
	v9 =	vmul.f32 v13, v2  }
0x349: {  	v12 =	vor.u32 s16, v46;
	v11 =	vld [tilespmem:s2+$0x48A0]  }
0x34a: {  	[tilespmem:v15+s25+$0x0] =	vst.idx.msk $0xffff, v1;
	v1 =	vld [tilespmem:s2+$0x4920];
	v8 =	vmul.f32 v8, v3;
	v0 =	vadd.f32 v9, v0  }
0x34b: {  	v16 =	vld [tilespmem:s2+$0xC820]  }
0x34c: {  	v15 =	vld [tilespmem:s2+$0xC8A0];
	v0 =	vadd.f32 v8, v0  }
0x34d: {  	v8 =	vld [tilespmem:s2+$0xC7A0]  }
0x34e: {  	v9 =	vld [tilespmem:s2+$0x46A0];
	v6 =	vmul.f32 v6, v43;
	v7 =	vmul.f32 v7, v40;
	[tilespmem:v12+s25+$0x0] =	vst.idx.msk $0xffff, v0  }
0x34f: {  	v11 =	vmul.f32 v11, v41;
	v1 =	vmul.f32 v1, v42;
	v0 =	vld [tilespmem:s2+$0x49C0]  }
0x350: {  	v12 =	vld [tilespmem:s2+$0x4A40]  }
0x351: {  	s1 =	simm.s32 $0x4;
	v13 =	vld [tilespmem:s2+$0x4720];
	v6 =	vadd.f32 v7, v6;
	v1 =	vadd.f32 v1, v11  }
0x352: {  	v19 =	vld [tilespmem:s2+$0xC9C0];
	v11 =	vmul.f32 v15, v37;
	v15 =	vmov s1;
	v8 =	vmul.f32 v8, v36  }
0x353: {  	v7 =	vmul.f32 v9, v38;
	v9 =	vld [tilespmem:s2+$0xC920];
	v15 =	vor.u32 $0x80, v15  }
0x354: {  	v17 =	vor.u32 s8, v47;
	v61 =	vld [tilespmem:s2+$0xCA40];
	v6 =	vadd.f32 v8, v6;
	v8 =	vmul.f32 v16, v34  }
0x355: {  	v21 =	vld [tilespmem:s2+$0xC6A0];
	v0 =	vmul.f32 v0, v4;
	v12 =	vmul.f32 v12, v5  }
0x356: {  	v52 =	vld.idx.msk [tilespmem:v20+s24+$0x0], $0xffff;
	v18 =	vor.u32 s15, v47;
	v1 =	vadd.f32 v11, v1  }
0x357: {  	v11 =	vmul.f32 v19, v2;
	v6 =	vadd.f32 v8, v6;
	v0 =	vadd.f32 v12, v0;
	v12 =	vld [tilespmem:s2+$0xC720]  }
0x358: {  	v13 =	vmul.f32 v13, v35;
	v8 =	vmul.f32 v9, v39;
	v44 =	vld.idx.msk [tilespmem:v15+s24+$0x0], $0xffff  }
0x359: {  	v55 =	vld.idx.msk [tilespmem:v15+s22+$0x0], $0xffff;
	[tilespmem:v17+s25+$0x0] =	vst.idx.msk $0xffff, v6;
	v0 =	vadd.f32 v11, v0;
	v11 =	vmul.f32 v61, v3  }
0x35a: {  	v1 =	vadd.f32 v8, v1;
	v6 =	vadd.f32 v13, v7;
	v7 =	vmul.f32 v21, v33;
	v8 =	vld [tilespmem:s2+$0x47B0]  }
0x35b: {  	v13 =	vld [tilespmem:s2+$0x4830];
	v0 =	vadd.f32 v11, v0;
	v11 =	vor.u32 s4, v47  }
0x35c: {  	v17 =	vld [tilespmem:s2+$0xC7B0];
	[tilespmem:v18+s25+$0x0] =	vst.idx.msk $0xffff, v1;
	v1 =	vadd.f32 v7, v6;
	v6 =	vmul.f32 v12, v32  }
0x35d: {  	v45 =	vor.u32 $0x2040, v31;
	v63 =	vld [tilespmem:s2+$0xC830]  }
0x35e: {  	v9 =	vor.u32 s16, v45;
	v7 =	vld [tilespmem:s2+$0x48B0];
	v1 =	vadd.f32 v6, v1  }
0x35f: {  	v18 =	vld [tilespmem:s2+$0xC8B0]  }
0x360: {  	v6 =	vld [tilespmem:s2+$0x4930];
	[tilespmem:v11+s25+$0x0] =	vst.idx.msk $0xffff, v1  }
0x361: {  	v11 =	vld [tilespmem:s2+$0x46B0]  }
0x362: {  	v8 =	vmul.f32 v8, v43;
	v13 =	vmul.f32 v13, v40;
	v16 =	vld [tilespmem:s2+$0x4730]  }
0x363: {  	v23 =	vld [tilespmem:s2+$0xC930];
	[tilespmem:v9+s25+$0x0] =	vst.idx.msk $0xffff, v0  }
0x364: {  	v0 =	vld [tilespmem:s2+$0x49D0];
	v8 =	vadd.f32 v13, v8;
	v13 =	vmul.f32 v17, v36  }
0x365: {  	v7 =	vmul.f32 v7, v41;
	v19 =	vld [tilespmem:s2+$0xC6B0];
	v6 =	vmul.f32 v6, v42  }
0x366: {  	v25 =	vor.u32 s8, v46;
	v9 =	vld [tilespmem:s2+$0x4A50];
	v8 =	vadd.f32 v13, v8;
	v13 =	vmul.f32 v63, v34  }
0x367: {  	v24 =	vld [tilespmem:s2+$0xC730];
	v6 =	vadd.f32 v6, v7;
	v11 =	vmul.f32 v11, v38;
	v7 =	vmul.f32 v16, v35  }
0x368: {  	v59 =	vld.idx.msk [tilespmem:v15+s21+$0x0], $0xffff;
	v16 =	vmul.f32 v18, v37  }
0x369: {  	v56 =	vld.idx.msk [tilespmem:v15+s23+$0x0], $0xffff;
	v15 =	vor.u32 s15, v46;
	v8 =	vadd.f32 v13, v8;
	v7 =	vadd.f32 v7, v11  }
0x36a: {  	v12 =	vld [tilespmem:s2+$0xCA50];
	v11 =	vmul.f32 v19, v33;
	v6 =	vadd.f32 v16, v6;
	v16 =	vmul.f32 v23, v39  }
0x36b: {  	v1 =	vld [tilespmem:s2+$0xC9D0];
	v0 =	vmul.f32 v0, v4;
	v4 =	vmul.f32 v9, v5;
	v13 =	vor.u32 s4, v46;
	[tilespmem:v25+s25+$0x0] =	vst.idx.msk $0xffff, v8  }
0x36c: {  	v9 =	vld [tilespmem:s2+$0xC7C0];
	v7 =	vadd.f32 v11, v7;
	v11 =	vmul.f32 v24, v32;
	v6 =	vadd.f32 v16, v6  }
0x36d: {  	v16 =	vld [tilespmem:s2+$0x47C0]  }
0x36e: {  	v7 =	vadd.f32 v11, v7;
	[tilespmem:v15+s25+$0x0] =	vst.idx.msk $0xffff, v6;
	v11 =	vld [tilespmem:s2+$0x4840]  }
0x36f: {  	v15 =	vld [tilespmem:s2+$0x48C0]  }
0x370: {  	v1 =	vmul.f32 v1, v2;
	v2 =	vmul.f32 v12, v3;
	v3 =	vld [tilespmem:s2+$0xC8C0]  }
0x371: {  	v31 =	vor.u32 $0x2840, v31;
	v0 =	vadd.f32 v4, v0;
	[tilespmem:v13+s25+$0x0] =	vst.idx.msk $0xffff, v7;
	v13 =	vld [tilespmem:s2+$0x4940]  }
0x372: {  	v4 =	vor.u32 s16, v31;
	v17 =	vld [tilespmem:s2+$0x46C0]  }
0x373: {  	v50 =	vor.u32 s4, v31;
	v0 =	vadd.f32 v1, v0;
	v5 =	vld [tilespmem:s2+$0x4740]  }
0x374: {  	v54 =	vor.u32 s8, v31;
	v12 =	vmul.f32 v16, v43;
	v16 =	vld [tilespmem:s2+$0xC6C0];
	v11 =	vmul.f32 v11, v40  }
0x375: {  	v8 =	vor.u32 s8, v45;
	v0 =	vadd.f32 v2, v0;
	v1 =	vmul.f32 v15, v41;
	v15 =	vld [tilespmem:s2+$0xC840]  }
0x376: {  	v6 =	vor.u32 s4, v45;
	v9 =	vmul.f32 v9, v36;
	s4 =	simm.s32 $0x7;
	v18 =	vld [tilespmem:s2+$0xC940];
	v11 =	vadd.f32 v11, v12  }
0x377: {  	[tilespmem:v4+s25+$0x0] =	vst.idx.msk $0xffff, v0;
	v0 =	vmov s4;
	v19 =	vld [tilespmem:s2+$0xC740];
	v13 =	vmul.f32 v13, v42;
	v17 =	vmul.f32 v17, v38  }
0x378: {  	v58 =	vld.idx.msk [tilespmem:v20+s22+$0x0], $0xffff;
	v5 =	vmul.f32 v5, v35;
	v4 =	vadd.f32 v9, v11;
	v9 =	vor.u32 $0x80, v0  }
0x379: {  	v60 =	vld.idx.msk [tilespmem:v20+s21+$0x0], $0xffff;
	v7 =	vor.u32 s15, v45;
	v3 =	vmul.f32 v3, v37;
	v1 =	vadd.f32 v13, v1  }
0x37a: {  	v61 =	vld.idx.msk [tilespmem:v22+s21+$0x0], $0xffff;
	v12 =	vmul.f32 v16, v33;
	v5 =	vadd.f32 v5, v17;
	v16 =	vmul.f32 v15, v34  }
0x37b: {  	v53 =	vor.u32 s15, v31;
	s8 =	simm.s32 $0x400;
	v2 =	vld.idx.msk [tilespmem:v20+s23+$0x0], $0xffff;
	v11 =	vadd.f32 v3, v1;
	v15 =	vmul.f32 v18, v39  }
0x37c: {  	s16 =	simm.s32 $0x8;
	s15 =	simm.s32 $0x1000;
	v13 =	vmul.f32 v19, v32;
	v17 =	vld [tilespmem:s8+$0x4980];
	v12 =	vadd.f32 v12, v5;
	v16 =	vadd.f32 v16, v4  }
.LBB2_7:
0x37d: {  	p0 =	slt.u32 s16, $0x3C;
	v3 =	vld.idx.msk [tilespmem:v9+s21+$0x0], $0xffff;
	v0 =	vadd.f32 v15, v11  }
0x37e: {  	v5 =	vld.idx.msk [tilespmem:v9+s23+$0x0], $0xffff;
	v1 =	vadd.f32 v13, v12;
	[tilespmem:v8+s25+$0x0] =	vst.idx.msk $0xffff, v16  }
0x37f: {  	v8 =	vld [tilespmem:s8+$0x4A00];
	[tilespmem:v7+s25+$0x0] =	vst.idx.msk $0xffff, v0  }
0x380: {  	v4 =	vld.idx.msk [tilespmem:v9+s22+$0x0], $0xffff;
	[tilespmem:v6+s25+$0x0] =	vst.idx.msk $0xffff, v1  }
0x381: {  	v0 =	vld [tilespmem:s8+$0xC980]  }
0x382: {  	v63 =	vld.idx.msk [tilespmem:v9+s24+$0x0], $0xffff  }
0x383: {  	v1 =	vld [tilespmem:s8+$0xCA00]  }
0x384: {  	v7 =	vmul.f32 v17, v3;
	v6 =	vld [tilespmem:s8+$0x4680];
	v8 =	vmul.f32 v8, v5  }
0x385: {  	v9 =	vld [tilespmem:s8+$0x4700]  }
0x386: {  	v11 =	vld [tilespmem:s8+$0x4780];
	v7 =	vadd.f32 v8, v7;
	v0 =	vmul.f32 v0, v4  }
0x387: {  	v15 =	vor.u32 s4, v49;
	v13 =	vor.u32 s11, v49;
	v8 =	vor.u32 s1, v49;
	v12 =	vld [tilespmem:s8+$0x4800]  }
0x388: {  	v17 =	vor.u32 s3, v49;
	v16 =	vld [tilespmem:s8+$0x4880];
	v0 =	vadd.f32 v0, v7;
	v1 =	vmul.f32 v1, v63  }
0x389: {  	v6 =	vmul.f32 v6, v59;
	v7 =	vld [tilespmem:s8+$0x4900]  }
0x38a: {  	v9 =	vmul.f32 v9, v56;
	v18 =	vld [tilespmem:s8+$0xC680];
	v0 =	vadd.f32 v1, v0  }
0x38b: {  	v1 =	vmul.f32 v11, v60;
	v11 =	vld [tilespmem:s8+$0xC780]  }
0x38c: {  	v6 =	vadd.f32 v9, v6;
	v9 =	vmul.f32 v12, v2;
	v12 =	vld [tilespmem:s8+$0xC880];
	[tilespmem:v15+s25+$0x0] =	vst.idx.msk $0xffff, v0  }
0x38d: {  	v0 =	vmul.f32 v16, v61;
	v15 =	vld [tilespmem:s8+$0x4990]  }
0x38e: {  	v1 =	vadd.f32 v9, v1;
	v7 =	vmul.f32 v7, v62;
	v9 =	vld [tilespmem:s8+$0x4A10]  }
0x38f: {  	v16 =	vmul.f32 v18, v55;
	v18 =	vld [tilespmem:s8+$0xC700]  }
0x390: {  	v11 =	vmul.f32 v11, v58;
	v0 =	vadd.f32 v7, v0;
	v7 =	vld [tilespmem:s8+$0xC990]  }
0x391: {  	v6 =	vadd.f32 v16, v6;
	v16 =	vld [tilespmem:s8+$0xC800];
	v12 =	vmul.f32 v12, v57  }
0x392: {  	v1 =	vadd.f32 v11, v1;
	v11 =	vld [tilespmem:s8+$0xCA10]  }
0x393: {  	v15 =	vmul.f32 v15, v3;
	v0 =	vadd.f32 v12, v0;
	v12 =	vld [tilespmem:s8+$0xC900];
	v9 =	vmul.f32 v9, v5  }
0x394: {  	v18 =	vmul.f32 v18, v44;
	v19 =	vld [tilespmem:s2+$0x47D0]  }
0x395: {  	v9 =	vadd.f32 v9, v15;
	v7 =	vmul.f32 v7, v4;
	v15 =	vld [tilespmem:s2+$0x4850]  }
0x396: {  	v6 =	vadd.f32 v18, v6;
	v16 =	vmul.f32 v16, v52;
	v18 =	vor.u32 s4, v48;
	v20 =	vld [tilespmem:s2+$0x48D0]  }
0x397: {  	v21 =	vor.u32 s1, v48;
	v7 =	vadd.f32 v7, v9;
	v9 =	vmul.f32 v11, v63;
	v11 =	vld [tilespmem:s2+$0x4950]  }
0x398: {  	[tilespmem:v8+s25+$0x0] =	vst.idx.msk $0xffff, v6;
	v1 =	vadd.f32 v16, v1;
	v6 =	vor.u32 s11, v48;
	v8 =	vmul.f32 v12, v51;
	v12 =	vld [tilespmem:s2+$0x46D0]  }
0x399: {  	v22 =	vor.u32 s3, v48;
	v16 =	vld [tilespmem:s8+$0x4690];
	v7 =	vadd.f32 v9, v7;
	v9 =	vmul.f32 v19, v43;
	v43 =	vmovc v60  }
0x39a: {  	v19 =	vld [tilespmem:s8+$0x4710];
	[tilespmem:v13+s25+$0x0] =	vst.idx.msk $0xffff, v1;
	v0 =	vadd.f32 v8, v0;
	v1 =	vmul.f32 v15, v40;
	v40 =	vmov v2  }
0x39b: {  	v2 =	vld [tilespmem:s8+$0x4790];
	[tilespmem:v18+s25+$0x0] =	vst.idx.msk $0xffff, v7;
	v7 =	vmul.f32 v20, v41;
	v41 =	vmov v61  }
0x39c: {  	[tilespmem:v17+s25+$0x0] =	vst.idx.msk $0xffff, v0;
	v0 =	vld [tilespmem:s8+$0x49A0];
	v1 =	vadd.f32 v1, v9;
	v8 =	vmul.f32 v11, v42;
	v42 =	vmov v62  }
0x39d: {  	v9 =	vld [tilespmem:s8+$0x4A20];
	v11 =	vmul.f32 v12, v38;
	v38 =	vmov v59  }
0x39e: {  	v12 =	vmul.f32 v16, v38;
	v13 =	vld [tilespmem:s8+$0x4810];
	v8 =	vadd.f32 v8, v7  }
0x39f: {  	v7 =	vmul.f32 v19, v56;
	v15 =	vld [tilespmem:s8+$0xC9A0]  }
0x3a0: {  	v2 =	vmul.f32 v2, v43;
	v16 =	vld [tilespmem:s8+$0x4890]  }
0x3a1: {  	v12 =	vadd.f32 v7, v12;
	v7 =	vld [tilespmem:s8+$0xCA20]  }
0x3a2: {  	v0 =	vmul.f32 v0, v3;
	v17 =	vld [tilespmem:s8+$0x4910];
	v9 =	vmul.f32 v9, v5  }
0x3a3: {  	v13 =	vmul.f32 v13, v40;
	v18 =	vld [tilespmem:s8+$0xC790]  }
0x3a4: {  	v19 =	vld [tilespmem:s8+$0xC890];
	v0 =	vadd.f32 v9, v0;
	v9 =	vmul.f32 v15, v4  }
0x3a5: {  	v15 =	vld [tilespmem:s8+$0xC690];
	v2 =	vadd.f32 v13, v2;
	v13 =	vmul.f32 v16, v41;
	v16 =	vor.u32 s4, v47  }
0x3a6: {  	v59 =	vor.u32 s1, v47;
	v20 =	vld [tilespmem:s8+$0xC810];
	v0 =	vadd.f32 v9, v0;
	v9 =	vmul.f32 v7, v63  }
0x3a7: {  	v60 =	vor.u32 s3, v47;
	v7 =	vor.u32 s11, v47;
	v17 =	vmul.f32 v17, v42;
	v23 =	vld [tilespmem:s8+$0xC910]  }
0x3a8: {  	v24 =	vld [tilespmem:s8+$0xC710];
	v18 =	vmul.f32 v18, v58;
	v0 =	vadd.f32 v9, v0  }
0x3a9: {  	v9 =	vadd.f32 v17, v13;
	v13 =	vmul.f32 v19, v57;
	v17 =	vld [tilespmem:s2+$0x4750]  }
0x3aa: {  	v15 =	vmul.f32 v15, v55;
	v2 =	vadd.f32 v18, v2;
	[tilespmem:v16+s25+$0x0] =	vst.idx.msk $0xffff, v0;
	v0 =	vld [tilespmem:s2+$0xC7D0]  }
0x3ab: {  	v16 =	vmul.f32 v20, v52;
	v9 =	vadd.f32 v13, v9;
	v13 =	vld [tilespmem:s8+$0x49B0]  }
0x3ac: {  	v12 =	vadd.f32 v15, v12;
	v15 =	vmul.f32 v23, v51;
	v18 =	vld [tilespmem:s8+$0x4A30]  }
0x3ad: {  	v19 =	vmul.f32 v24, v44;
	v2 =	vadd.f32 v16, v2;
	v16 =	vld [tilespmem:s2+$0xC8D0]  }
0x3ae: {  	v9 =	vadd.f32 v15, v9;
	v15 =	vld [tilespmem:s8+$0xC9B0];
	v17 =	vmul.f32 v17, v35;
	v35 =	vmov v56  }
0x3af: {  	v12 =	vadd.f32 v19, v12;
	[tilespmem:v6+s25+$0x0] =	vst.idx.msk $0xffff, v2;
	v6 =	vld [tilespmem:s2+$0xC6D0];
	v0 =	vmul.f32 v0, v36;
	v36 =	vmov v58  }
0x3b0: {  	[tilespmem:v22+s25+$0x0] =	vst.idx.msk $0xffff, v9;
	v19 =	vld [tilespmem:s8+$0xCA30];
	v17 =	vadd.f32 v17, v11  }
0x3b1: {  	v2 =	vmul.f32 v13, v3;
	[tilespmem:v21+s25+$0x0] =	vst.idx.msk $0xffff, v12;
	v12 =	vld [tilespmem:s8+$0x47A0];
	v9 =	vmul.f32 v18, v5  }
0x3b2: {  	v0 =	vadd.f32 v0, v1;
	v13 =	vld [tilespmem:s8+$0x4820];
	v1 =	vmul.f32 v16, v37;
	v37 =	vmov v57  }
0x3b3: {  	v16 =	vld [tilespmem:s8+$0x48A0];
	v18 =	vadd.f32 v9, v2;
	v15 =	vmul.f32 v15, v4  }
0x3b4: {  	v21 =	vor.u32 s4, v46;
	v2 =	vor.u32 s1, v46;
	v9 =	vor.u32 s11, v46;
	v20 =	vld [tilespmem:s8+$0x4920]  }
0x3b5: {  	v11 =	vor.u32 s3, v46;
	v22 =	vld [tilespmem:s8+$0x46A0];
	v15 =	vadd.f32 v15, v18;
	v18 =	vmul.f32 v19, v63  }
0x3b6: {  	v6 =	vmul.f32 v6, v33;
	v1 =	vadd.f32 v1, v8;
	v33 =	vmovc v55;
	v19 =	vld [tilespmem:s8+$0x4720];
	v12 =	vmul.f32 v12, v43  }
0x3b7: {  	v8 =	vmul.f32 v13, v40;
	v13 =	vld [tilespmem:s8+$0xC7A0];
	v15 =	vadd.f32 v18, v15  }
0x3b8: {  	v17 =	vadd.f32 v6, v17;
	v16 =	vmul.f32 v16, v41;
	v18 =	vld [tilespmem:s8+$0xC8A0]  }
0x3b9: {  	v6 =	vld [tilespmem:s8+$0xC6A0];
	v8 =	vadd.f32 v8, v12;
	v12 =	vmul.f32 v20, v42;
	[tilespmem:v21+s25+$0x0] =	vst.idx.msk $0xffff, v15  }
0x3ba: {  	v15 =	vmul.f32 v22, v38;
	v20 =	vld [tilespmem:s8+$0x49C0]  }
0x3bb: {  	v19 =	vmul.f32 v19, v35;
	v12 =	vadd.f32 v12, v16;
	v16 =	vld [tilespmem:s8+$0x4A40]  }
0x3bc: {  	v13 =	vmul.f32 v13, v36;
	v21 =	vld [tilespmem:s8+$0xC820]  }
0x3bd: {  	v15 =	vadd.f32 v19, v15;
	v18 =	vmul.f32 v18, v37;
	v19 =	vld [tilespmem:s8+$0xC9C0]  }
0x3be: {  	v22 =	vmov s16;
	v6 =	vmul.f32 v6, v33;
	v8 =	vadd.f32 v13, v8;
	v13 =	vld [tilespmem:s8+$0xC920]  }
0x3bf: {  	v22 =	vor.u32 $0x80, v22;
	v12 =	vadd.f32 v18, v12;
	v18 =	vld [tilespmem:s8+$0xCA40]  }
0x3c0: {  	v15 =	vadd.f32 v6, v15;
	v23 =	vld [tilespmem:s8+$0xC720];
	v6 =	vmul.f32 v20, v3;
	v16 =	vmul.f32 v16, v5  }
0x3c1: {  	v20 =	vmul.f32 v21, v52;
	v21 =	vld [tilespmem:s2+$0xC850]  }
0x3c2: {  	v16 =	vadd.f32 v16, v6;
	v19 =	vmul.f32 v19, v4;
	v24 =	vld [tilespmem:s2+$0xC950]  }
0x3c3: {  	v8 =	vadd.f32 v20, v8;
	v13 =	vmul.f32 v13, v51;
	v20 =	vor.u32 s4, v45;
	v25 =	vld [tilespmem:s2+$0xC750];
	s2 =	smov.u32 s8  }
0x3c4: {  	v6 =	vor.u32 s1, v45;
	v26 =	vld.idx.msk [tilespmem:v22+s24+$0x0], $0xffff;
	v16 =	vadd.f32 v19, v16;
	v18 =	vmul.f32 v18, v63  }
0x3c5: {  	v19 =	vmul.f32 v23, v44;
	[tilespmem:v7+s25+$0x0] =	vst.idx.msk $0xffff, v8;
	v8 =	vor.u32 s11, v45;
	v12 =	vadd.f32 v13, v12  }
0x3c6: {  	v7 =	vor.u32 s3, v45;
	v13 =	vld [tilespmem:s2+$0x47B0];
	v16 =	vadd.f32 v18, v16;
	v18 =	vmul.f32 v21, v34;
	v34 =	vmovc v52  }
0x3c7: {  	v15 =	vadd.f32 v19, v15;
	v19 =	vld [tilespmem:s2+$0x4830];
	[tilespmem:v60+s25+$0x0] =	vst.idx.msk $0xffff, v12;
	v12 =	vmul.f32 v24, v39;
	v39 =	vmov v51  }
0x3c8: {  	v21 =	vld [tilespmem:s2+$0x48B0];
	[tilespmem:v20+s25+$0x0] =	vst.idx.msk $0xffff, v16;
	v16 =	vmul.f32 v25, v32;
	v0 =	vadd.f32 v18, v0;
	v32 =	vmov v44  }
0x3c9: {  	[tilespmem:v59+s25+$0x0] =	vst.idx.msk $0xffff, v15;
	v15 =	vld [tilespmem:s2+$0x49D0];
	v1 =	vadd.f32 v12, v1  }
0x3ca: {  	v44 =	vmov v26;
	v12 =	vld [tilespmem:s2+$0x4A50];
	v16 =	vadd.f32 v16, v17;
	[tilespmem:v54+s25+$0x0] =	vst.idx.msk $0xffff, v0  }
0x3cb: {  	v0 =	vmul.f32 v13, v43;
	v13 =	vld [tilespmem:s2+$0x4930];
	[tilespmem:v53+s25+$0x0] =	vst.idx.msk $0xffff, v1  }
0x3cc: {  	v1 =	vmul.f32 v19, v40;
	v17 =	vld [tilespmem:s2+$0xC9D0];
	[tilespmem:v50+s25+$0x0] =	vst.idx.msk $0xffff, v16  }
0x3cd: {  	v16 =	vld [tilespmem:s2+$0x46B0];
	v18 =	vmul.f32 v21, v41  }
0x3ce: {  	s8 =	sadd.s32 $0x1, s16;
	v0 =	vadd.f32 v1, v0;
	v1 =	vld [tilespmem:s2+$0xCA50]  }
0x3cf: {  	s17 =	sadd.s32 $0x2, s16;
	v19 =	vmov s8;
	v3 =	vmul.f32 v15, v3;
	v20 =	vld [tilespmem:s2+$0x4730];
	v5 =	vmul.f32 v12, v5  }
0x3d0: {  	v15 =	vmov s17;
	v12 =	vor.u32 $0x80, v19;
	v19 =	vld [tilespmem:s2+$0xC7B0];
	v13 =	vmul.f32 v13, v42  }
0x3d1: {  	v21 =	vld [tilespmem:s2+$0xC8B0];
	v3 =	vadd.f32 v5, v3;
	v4 =	vmul.f32 v17, v4  }
0x3d2: {  	v17 =	vor.u32 s4, v31;
	v5 =	vmul.f32 v16, v38;
	v16 =	vld [tilespmem:s2+$0xC6B0];
	v13 =	vadd.f32 v13, v18  }
0x3d3: {  	v50 =	vor.u32 s1, v31;
	s1 =	smov.u32 s16;
	v18 =	vld [tilespmem:s2+$0xC830];
	v3 =	vadd.f32 v4, v3;
	v1 =	vmul.f32 v1, v63  }
0x3d4: {  	v54 =	vor.u32 s11, v31;
	s11 =	smov.u32 s8;
	v53 =	vor.u32 s3, v31;
	s3 =	smov.u32 s17;
	v4 =	vmul.f32 v20, v35;
	v20 =	vld [tilespmem:s2+$0xC930]  }
0x3d5: {  	v15 =	vor.u32 $0x80, v15;
	v23 =	vld [tilespmem:s2+$0xC730];
	v19 =	vmul.f32 v19, v36;
	v1 =	vadd.f32 v1, v3  }
0x3d6: {  	v55 =	vld.idx.msk [tilespmem:v22+s22+$0x0], $0xffff;
	v3 =	vadd.f32 v4, v5;
	v4 =	vmul.f32 v21, v37  }
0x3d7: {  	v59 =	vld.idx.msk [tilespmem:v22+s21+$0x0], $0xffff;
	v5 =	vmul.f32 v16, v33;
	v0 =	vadd.f32 v19, v0;
	[tilespmem:v17+s25+$0x0] =	vst.idx.msk $0xffff, v1  }
0x3d8: {  	v56 =	vld.idx.msk [tilespmem:v22+s23+$0x0], $0xffff;
	v1 =	vmul.f32 v18, v34;
	v4 =	vadd.f32 v4, v13  }
0x3d9: {  	v52 =	vld.idx.msk [tilespmem:v12+s24+$0x0], $0xffff;
	v3 =	vadd.f32 v5, v3;
	v5 =	vmul.f32 v20, v39  }
0x3da: {  	v51 =	vld.idx.msk [tilespmem:v15+s24+$0x0], $0xffff;
	v13 =	vmul.f32 v23, v32;
	v0 =	vadd.f32 v1, v0  }
0x3db: {  	v58 =	vld.idx.msk [tilespmem:v12+s22+$0x0], $0xffff;
	v1 =	vadd.f32 v5, v4  }
0x3dc: {  	v57 =	vld.idx.msk [tilespmem:v15+s22+$0x0], $0xffff;
	v3 =	vadd.f32 v13, v3;
	[tilespmem:v9+s25+$0x0] =	vst.idx.msk $0xffff, v0  }
0x3dd: {  	v0 =	vld [tilespmem:s2+$0x47C0];
	[tilespmem:v11+s25+$0x0] =	vst.idx.msk $0xffff, v1  }
0x3de: {  	[tilespmem:v2+s25+$0x0] =	vst.idx.msk $0xffff, v3;
	v1 =	vld [tilespmem:s2+$0x4840]  }
0x3df: {  	v2 =	vld [tilespmem:s2+$0x48C0]  }
0x3e0: {  	v3 =	vld [tilespmem:s2+$0x4940]  }
0x3e1: {  	v4 =	vld [tilespmem:s2+$0x46C0]  }
0x3e2: {  	v5 =	vld [tilespmem:s2+$0x4740];
	v0 =	vmul.f32 v0, v43  }
0x3e3: {  	v1 =	vmul.f32 v1, v40;
	v9 =	vld [tilespmem:s2+$0xC7C0]  }
0x3e4: {  	v2 =	vmul.f32 v2, v41;
	v11 =	vld [tilespmem:s2+$0xC8C0]  }
0x3e5: {  	v13 =	vld [tilespmem:s2+$0xC6C0];
	v0 =	vadd.f32 v1, v0;
	v1 =	vmul.f32 v3, v42  }
0x3e6: {  	v3 =	vmul.f32 v4, v38;
	v4 =	vld [tilespmem:s2+$0xC840]  }
0x3e7: {  	s4 =	sadd.s32 $0x3, s16;
	v5 =	vmul.f32 v5, v35;
	v1 =	vadd.f32 v1, v2;
	v16 =	vld [tilespmem:s2+$0xC940]  }
0x3e8: {  	v2 =	vmov s4;
	v18 =	vld [tilespmem:s2+$0xC740];
	v17 =	vmul.f32 v9, v36  }
.Ltmp2:
0x3e9: {  	v9 =	vor.u32 $0x80, v2;
	v60 =	vld.idx.msk [tilespmem:v12+s21+$0x0], $0xffff;
	v3 =	vadd.f32 v5, v3;
	v5 =	vmul.f32 v11, v37;
	(pc) =	sbr.rel @p0 .LBB2_7-.Ltmp2, $4  }
0x3ea: {  	v2 =	vld.idx.msk [tilespmem:v12+s23+$0x0], $0xffff;
	v12 =	vmul.f32 v13, v33;
	v0 =	vadd.f32 v17, v0  }
0x3eb: {  	s15 =	sadd.s32 $0x1000, s15;
	v61 =	vld.idx.msk [tilespmem:v15+s21+$0x0], $0xffff;
	v4 =	vmul.f32 v4, v34;
	v11 =	vadd.f32 v5, v1  }
0x3ec: {  	s8 =	sshra.s32 s15, $0x2;
	v62 =	vld.idx.msk [tilespmem:v15+s23+$0x0], $0xffff;
	v12 =	vadd.f32 v12, v3;
	v15 =	vmul.f32 v16, v39  }
0x3ed: {  	s16 =	sadd.s32 $0x4, s16;
	v17 =	vld [tilespmem:s8+$0x4980];
	v13 =	vmul.f32 v18, v32;
	v16 =	vadd.f32 v4, v0  }
0x3ee: {  	_ =	sdelay $0x3  }
0x3ef: {  	v5 =	vld.idx.msk [tilespmem:v9+s21+$0x0], $0xffff  }
0x3f0: {  	v63 =	vld.idx.msk [tilespmem:v9+s23+$0x0], $0xffff  }
0x3f1: {  	v0 =	vld [tilespmem:s8+$0x4A00]  }
0x3f2: {  	v3 =	vld.idx.msk [tilespmem:v9+s22+$0x0], $0xffff  }
0x3f3: {  	v1 =	vld [tilespmem:s8+$0xC980]  }
0x3f4: {  	v4 =	vld.idx.msk [tilespmem:v9+s24+$0x0], $0xffff  }
0x3f5: {  	v9 =	vld [tilespmem:s8+$0xCA00]  }
0x3f6: {  	v18 =	vld [tilespmem:s8+$0x4680]  }
0x3f7: {  	v19 =	vld [tilespmem:s8+$0x4700]  }
0x3f8: {  	v20 =	vld [tilespmem:s8+$0x4780]  }
0x3f9: {  	v22 =	vld [tilespmem:s8+$0x4880];
	v11 =	vadd.f32 v15, v11;
	v17 =	vmul.f32 v17, v5;
	v0 =	vmul.f32 v0, v63  }
0x3fa: {  	v23 =	vld [tilespmem:s8+$0xC680];
	[tilespmem:v8+s25+$0x0] =	vst.idx.msk $0xffff, v16;
	v12 =	vadd.f32 v13, v12  }
0x3fb: {  	v24 =	vld [tilespmem:s8+$0xC880];
	[tilespmem:v7+s25+$0x0] =	vst.idx.msk $0xffff, v11;
	v1 =	vmul.f32 v1, v3;
	v0 =	vadd.f32 v0, v17  }
0x3fc: {  	v21 =	vor.u32 s4, v49;
	v7 =	vld [tilespmem:s2+$0x47D0];
	[tilespmem:v6+s25+$0x0] =	vst.idx.msk $0xffff, v12  }
0x3fd: {  	v6 =	vld [tilespmem:s2+$0x46D0];
	v0 =	vadd.f32 v1, v0;
	v1 =	vmul.f32 v9, v4  }
0x3fe: {  	v17 =	vld [tilespmem:s8+$0x4800]  }
0x3ff: {  	v9 =	vld [tilespmem:s8+$0x4900];
	v0 =	vadd.f32 v1, v0  }
0x400: {  	v1 =	vld [tilespmem:s8+$0xC780]  }
0x401: {  	v18 =	vmul.f32 v18, v59;
	[tilespmem:v21+s25+$0x0] =	vst.idx.msk $0xffff, v0;
	v21 =	vld [tilespmem:s8+$0xC700]  }
0x402: {  	v19 =	vmul.f32 v19, v56;
	v15 =	vmul.f32 v20, v60;
	v20 =	vld [tilespmem:s8+$0xC800]  }
0x403: {  	v16 =	vor.u32 s1, v49;
	v22 =	vmul.f32 v22, v61;
	v17 =	vmul.f32 v17, v2;
	v0 =	vld [tilespmem:s8+$0x4990]  }
0x404: {  	v8 =	vadd.f32 v19, v18;
	v18 =	vmul.f32 v23, v55;
	v25 =	vld [tilespmem:s8+$0x4A10];
	v9 =	vmul.f32 v9, v62  }
0x405: {  	v11 =	vmul.f32 v24, v57;
	v15 =	vadd.f32 v17, v15;
	v17 =	vld [tilespmem:s8+$0xC900];
	v1 =	vmul.f32 v1, v58  }
0x406: {  	v8 =	vadd.f32 v18, v8;
	v19 =	vld [tilespmem:s8+$0xC990];
	v9 =	vadd.f32 v9, v22;
	v21 =	vmul.f32 v21, v44  }
0x407: {  	v23 =	vor.u32 s11, v49;
	v18 =	vld [tilespmem:s8+$0xCA10];
	v1 =	vadd.f32 v1, v15  }
0x408: {  	v20 =	vmul.f32 v20, v52;
	v22 =	vadd.f32 v11, v9;
	v9 =	vld [tilespmem:s2+$0x48D0];
	v15 =	vadd.f32 v21, v8  }
0x409: {  	v11 =	vld [tilespmem:s2+$0x4950];
	v21 =	vor.u32 s3, v49  }
0x40a: {  	v8 =	vld [tilespmem:s2+$0x4850];
	v1 =	vadd.f32 v20, v1;
	[tilespmem:v16+s25+$0x0] =	vst.idx.msk $0xffff, v15;
	v15 =	vmul.f32 v17, v51  }
0x40b: {  	v0 =	vmul.f32 v0, v5;
	v16 =	vld [tilespmem:s8+$0x4690]  }
0x40c: {  	v49 =	vmul.f32 v25, v63;
	[tilespmem:v23+s25+$0x0] =	vst.idx.msk $0xffff, v1;
	v17 =	vld [tilespmem:s8+$0x4710];
	v1 =	vadd.f32 v15, v22  }
0x40d: {  	v15 =	vld [tilespmem:s8+$0x4790]  }
0x40e: {  	v19 =	vmul.f32 v19, v3;
	v0 =	vadd.f32 v49, v0;
	[tilespmem:v21+s25+$0x0] =	vst.idx.msk $0xffff, v1;
	v1 =	vld [tilespmem:s8+$0x4810]  }
0x40f: {  	v49 =	vor.u32 s4, v48;
	v23 =	vld [tilespmem:s8+$0xC790]  }
0x410: {  	v18 =	vmul.f32 v18, v4;
	v0 =	vadd.f32 v19, v0;
	v21 =	vld [tilespmem:s8+$0x4890]  }
0x411: {  	v20 =	vld [tilespmem:s8+$0x4910]  }
0x412: {  	v13 =	vld [tilespmem:s8+$0xC810];
	v0 =	vadd.f32 v18, v0  }
0x413: {  	v19 =	vld [tilespmem:s8+$0xC890];
	v15 =	vmul.f32 v15, v60;
	v1 =	vmul.f32 v1, v2  }
0x414: {  	v18 =	vld [tilespmem:s8+$0xC690];
	[tilespmem:v49+s25+$0x0] =	vst.idx.msk $0xffff, v0  }
0x415: {  	v12 =	vmul.f32 v21, v61;
	v21 =	vld [tilespmem:s8+$0xC910];
	v0 =	vadd.f32 v1, v15;
	v1 =	vmul.f32 v23, v58  }
0x416: {  	v24 =	vor.u32 s11, v48;
	v49 =	vmul.f32 v17, v56;
	v17 =	vld [tilespmem:s8+$0xC710];
	v20 =	vmul.f32 v20, v62  }
0x417: {  	v22 =	vld [tilespmem:s8+$0x4A20];
	v15 =	vmul.f32 v16, v59;
	v0 =	vadd.f32 v1, v0;
	v1 =	vmul.f32 v13, v52  }
0x418: {  	v19 =	vmul.f32 v19, v57;
	v12 =	vadd.f32 v20, v12;
	v20 =	vld [tilespmem:s8+$0x49A0];
	v13 =	vor.u32 s3, v48  }
0x419: {  	v15 =	vadd.f32 v49, v15;
	v49 =	vmul.f32 v18, v55;
	v18 =	vld [tilespmem:s8+$0xC9A0];
	v0 =	vadd.f32 v1, v0  }
0x41a: {  	v12 =	vadd.f32 v19, v12;
	v19 =	vmul.f32 v21, v51;
	v21 =	vld [tilespmem:s8+$0xCA20]  }
0x41b: {  	v1 =	vor.u32 s1, v48;
	v48 =	vld [tilespmem:s2+$0x4750];
	[tilespmem:v24+s25+$0x0] =	vst.idx.msk $0xffff, v0  }
0x41c: {  	v23 =	vmul.f32 v22, v63;
	v12 =	vadd.f32 v19, v12;
	v0 =	vld [tilespmem:s8+$0x47A0]  }
0x41d: {  	v15 =	vadd.f32 v49, v15;
	v49 =	vmul.f32 v17, v44;
	v20 =	vmul.f32 v20, v5;
	v22 =	vld [tilespmem:s8+$0xC820]  }
0x41e: {  	[tilespmem:v13+s25+$0x0] =	vst.idx.msk $0xffff, v12;
	v12 =	vld [tilespmem:s8+$0x4820]  }
0x41f: {  	v15 =	vadd.f32 v49, v15;
	v16 =	vadd.f32 v23, v20;
	v20 =	vld [tilespmem:s8+$0xC7A0]  }
0x420: {  	v13 =	vld [tilespmem:s8+$0x48A0]  }
0x421: {  	v49 =	vmul.f32 v18, v3;
	[tilespmem:v1+s25+$0x0] =	vst.idx.msk $0xffff, v15;
	v1 =	vld [tilespmem:s8+$0x4920]  }
0x422: {  	v19 =	vor.u32 s4, v47;
	v15 =	vld [tilespmem:s8+$0x46A0]  }
0x423: {  	v18 =	vld [tilespmem:s8+$0x4720];
	v16 =	vadd.f32 v49, v16;
	v49 =	vmul.f32 v21, v4  }
0x424: {  	v21 =	vld [tilespmem:s8+$0xC8A0]  }
0x425: {  	v24 =	vld [tilespmem:s8+$0xC920];
	v16 =	vadd.f32 v49, v16;
	v0 =	vmul.f32 v0, v60;
	v49 =	vmul.f32 v12, v2  }
0x426: {  	v23 =	vld [tilespmem:s8+$0xC6A0];
	v13 =	vmul.f32 v13, v61;
	v1 =	vmul.f32 v1, v62  }
0x427: {  	v12 =	vld [tilespmem:s2+$0xC7D0];
	[tilespmem:v19+s25+$0x0] =	vst.idx.msk $0xffff, v16;
	v16 =	vor.u32 s11, v47;
	v0 =	vadd.f32 v49, v0;
	v49 =	vmul.f32 v20, v58  }
0x428: {  	v19 =	vld [tilespmem:s8+$0xC720];
	v15 =	vmul.f32 v15, v59;
	v18 =	vmul.f32 v18, v56;
	v1 =	vadd.f32 v1, v13  }
0x429: {  	v20 =	vld [tilespmem:s8+$0x49B0];
	v13 =	vmul.f32 v21, v57;
	v0 =	vadd.f32 v49, v0;
	v49 =	vmul.f32 v22, v52  }
0x42a: {  	v21 =	vor.u32 s3, v47;
	v15 =	vadd.f32 v18, v15;
	v18 =	vld [tilespmem:s8+$0x4A30]  }
0x42b: {  	v22 =	vmul.f32 v23, v55;
	v1 =	vadd.f32 v13, v1;
	v13 =	vld [tilespmem:s2+$0xC8D0];
	v0 =	vadd.f32 v49, v0  }
0x42c: {  	v49 =	vmul.f32 v24, v51;
	v24 =	vld [tilespmem:s8+$0xC9B0]  }
0x42d: {  	v47 =	vor.u32 s1, v47;
	v15 =	vadd.f32 v22, v15;
	v22 =	vld [tilespmem:s8+$0xCA30];
	[tilespmem:v16+s25+$0x0] =	vst.idx.msk $0xffff, v0  }
0x42e: {  	v19 =	vmul.f32 v19, v44;
	v49 =	vadd.f32 v49, v1;
	v1 =	vld [tilespmem:s8+$0x47B0]  }
0x42f: {  	v16 =	vld [tilespmem:s8+$0x4830]  }
0x430: {  	v15 =	vadd.f32 v19, v15;
	[tilespmem:v21+s25+$0x0] =	vst.idx.msk $0xffff, v49;
	v21 =	vmul.f32 v20, v5;
	v20 =	vld [tilespmem:s8+$0xC7B0]  }
0x431: {  	v18 =	vmul.f32 v18, v63;
	v0 =	vld [tilespmem:s8+$0x48B0]  }
0x432: {  	[tilespmem:v47+s25+$0x0] =	vst.idx.msk $0xffff, v15;
	v15 =	vld [tilespmem:s8+$0x4930]  }
0x433: {  	v19 =	vld [tilespmem:s8+$0x46B0];
	v47 =	vmul.f32 v24, v3;
	v17 =	vadd.f32 v18, v21  }
0x434: {  	v23 =	vld [tilespmem:s8+$0x4730];
	v21 =	vor.u32 s4, v46  }
0x435: {  	v49 =	vmul.f32 v22, v4;
	v22 =	vld [tilespmem:s8+$0xC830];
	v17 =	vadd.f32 v47, v17  }
0x436: {  	v24 =	vld [tilespmem:s8+$0xC8B0];
	v1 =	vmul.f32 v1, v60;
	v16 =	vmul.f32 v16, v2  }
0x437: {  	v18 =	vld [tilespmem:s8+$0xC6B0];
	v17 =	vadd.f32 v49, v17  }
0x438: {  	v47 =	vld [tilespmem:s8+$0xC930];
	v20 =	vmul.f32 v20, v58;
	v0 =	vmul.f32 v0, v61;
	v1 =	vadd.f32 v16, v1  }
0x439: {  	v49 =	vor.u32 s11, v46;
	v15 =	vmul.f32 v15, v62;
	v19 =	vmul.f32 v19, v59;
	[tilespmem:v21+s25+$0x0] =	vst.idx.msk $0xffff, v17;
	v17 =	vld [tilespmem:s2+$0xC6D0]  }
0x43a: {  	v23 =	vmul.f32 v23, v56;
	v22 =	vmul.f32 v22, v52;
	v1 =	vadd.f32 v20, v1;
	v20 =	vld [tilespmem:s8+$0xC730]  }
0x43b: {  	v24 =	vmul.f32 v24, v57;
	v0 =	vadd.f32 v15, v0;
	v15 =	vld [tilespmem:s8+$0x49C0]  }
0x43c: {  	v18 =	vmul.f32 v18, v55;
	v19 =	vadd.f32 v23, v19;
	v1 =	vadd.f32 v22, v1;
	v22 =	vld [tilespmem:s8+$0x4A40]  }
0x43d: {  	v0 =	vadd.f32 v24, v0;
	v24 =	vld [tilespmem:s8+$0xC9C0]  }
0x43e: {  	v23 =	vor.u32 s3, v46;
	v16 =	vmul.f32 v47, v51;
	v18 =	vadd.f32 v18, v19;
	v19 =	vld [tilespmem:s2+$0xC850]  }
0x43f: {  	[tilespmem:v49+s25+$0x0] =	vst.idx.msk $0xffff, v1;
	v49 =	vld [tilespmem:s8+$0xCA40]  }
0x440: {  	v47 =	vor.u32 s1, v46;
	v0 =	vadd.f32 v16, v0;
	v16 =	vld [tilespmem:s8+$0x47C0]  }
0x441: {  	v20 =	vmul.f32 v20, v44;
	v25 =	vld [tilespmem:s8+$0xC7C0]  }
0x442: {  	v26 =	vld [tilespmem:s8+$0xC840]  }
0x443: {  	[tilespmem:v23+s25+$0x0] =	vst.idx.msk $0xffff, v0;
	v0 =	vld [tilespmem:s8+$0x4840];
	v18 =	vadd.f32 v20, v18  }
0x444: {  	v15 =	vmul.f32 v15, v5;
	v20 =	vld [tilespmem:s8+$0x48C0];
	v22 =	vmul.f32 v22, v63  }
0x445: {  	v46 =	vld [tilespmem:s8+$0x4940];
	[tilespmem:v47+s25+$0x0] =	vst.idx.msk $0xffff, v18  }
0x446: {  	v15 =	vadd.f32 v22, v15;
	v47 =	vmul.f32 v24, v3;
	v21 =	vmul.f32 v49, v4;
	v49 =	vld [tilespmem:s8+$0xC8C0]  }
0x447: {  	v24 =	vor.u32 s4, v45;
	v18 =	vld [tilespmem:s8+$0x46C0]  }
0x448: {  	v7 =	vmul.f32 v7, v43;
	v23 =	vld [tilespmem:s8+$0x4740];
	v16 =	vmul.f32 v16, v60;
	v15 =	vadd.f32 v47, v15  }
0x449: {  	v0 =	vmul.f32 v0, v2;
	v47 =	vmul.f32 v25, v58;
	v25 =	vld [tilespmem:s2+$0xC750]  }
0x44a: {  	v20 =	vmul.f32 v20, v61;
	v1 =	vmul.f32 v46, v62;
	v46 =	vld [tilespmem:s8+$0xC940];
	v15 =	vadd.f32 v21, v15  }
0x44b: {  	v6 =	vmul.f32 v6, v38;
	v9 =	vmul.f32 v9, v41;
	v21 =	vld [tilespmem:s8+$0xC6C0];
	v0 =	vadd.f32 v0, v16  }
0x44c: {  	v1 =	vadd.f32 v1, v20;
	v20 =	vld [tilespmem:s8+$0xC740];
	v22 =	vmul.f32 v49, v57;
	[tilespmem:v24+s25+$0x0] =	vst.idx.msk $0xffff, v15;
	v24 =	vor.u32 s11, v45  }
0x44d: {  	v11 =	vmul.f32 v11, v42;
	v49 =	vmul.f32 v26, v52;
	v15 =	vld [tilespmem:s2+$0xC950];
	v0 =	vadd.f32 v47, v0  }
0x44e: {  	v18 =	vmul.f32 v18, v59;
	v23 =	vmul.f32 v23, v56;
	v1 =	vadd.f32 v22, v1;
	v22 =	vld [tilespmem:s8+$0x4A50]  }
0x44f: {  	v8 =	vmul.f32 v8, v40;
	v26 =	vor.u32 s3, v45;
	v47 =	vld [tilespmem:s8+$0xCA50];
	v0 =	vadd.f32 v49, v0  }
0x450: {  	v9 =	vadd.f32 v11, v9;
	v18 =	vadd.f32 v23, v18;
	v23 =	vld [tilespmem:s8+$0x49D0];
	v40 =	vmul.f32 v46, v51  }
0x451: {  	v42 =	vmul.f32 v13, v37;
	v45 =	vor.u32 s1, v45;
	v46 =	vld [tilespmem:s8+$0xC9D0];
	v21 =	vmul.f32 v21, v55;
	[tilespmem:v24+s25+$0x0] =	vst.idx.msk $0xffff, v0  }
0x452: {  	v49 =	vadd.f32 v8, v7;
	v8 =	vmul.f32 v12, v36;
	v1 =	vadd.f32 v40, v1;
	v12 =	vld [tilespmem:s8+$0x47D0]  }
0x453: {  	v7 =	vadd.f32 v42, v9;
	v20 =	vmul.f32 v20, v44;
	v18 =	vadd.f32 v21, v18;
	v41 =	vld [tilespmem:s8+$0x4850]  }
0x454: {  	v40 =	vmul.f32 v48, v35;
	v9 =	vmul.f32 v15, v39;
	[tilespmem:v26+s25+$0x0] =	vst.idx.msk $0xffff, v1;
	v48 =	vld [tilespmem:s8+$0xC850]  }
0x455: {  	v13 =	vmul.f32 v17, v33;
	v0 =	vadd.f32 v8, v49;
	v11 =	vadd.f32 v20, v18;
	v8 =	vld [tilespmem:s8+$0x48D0]  }
0x456: {  	v43 =	vmul.f32 v19, v34;
	v6 =	vadd.f32 v40, v6;
	v7 =	vadd.f32 v9, v7;
	v9 =	vld [tilespmem:s8+$0xC7D0]  }
0x457: {  	v5 =	vmul.f32 v23, v5;
	[tilespmem:v45+s25+$0x0] =	vst.idx.msk $0xffff, v11;
	v11 =	vld [tilespmem:s8+$0x4950]  }
0x458: {  	v0 =	vadd.f32 v43, v0;
	v6 =	vadd.f32 v13, v6;
	v13 =	vmul.f32 v22, v63;
	v45 =	vld [tilespmem:s8+$0x4750]  }
0x459: {  	v15 =	vmul.f32 v25, v32;
	v4 =	vmul.f32 v47, v4;
	v47 =	vor.u32 s1, v31;
	v16 =	vld [tilespmem:s8+$0x46D0]  }
0x45a: {  	v3 =	vmul.f32 v46, v3;
	[tilespmem:v54+s25+$0x0] =	vst.idx.msk $0xffff, v0;
	v54 =	vor.u32 s11, v31;
	v5 =	vadd.f32 v13, v5;
	v13 =	vld [tilespmem:s8+$0xC8D0]  }
0x45b: {  	v6 =	vadd.f32 v15, v6;
	v46 =	vld [tilespmem:s8+$0xC6D0];
	v12 =	vmul.f32 v12, v60;
	v1 =	vmul.f32 v41, v2  }
0x45c: {  	[tilespmem:v53+s25+$0x0] =	vst.idx.msk $0xffff, v7;
	v15 =	vor.u32 s4, v31;
	v49 =	vmul.f32 v8, v61;
	v8 =	vmul.f32 v11, v62;
	v11 =	vld [tilespmem:s8+$0xC950]  }
0x45d: {  	v2 =	vmul.f32 v48, v52;
	v3 =	vadd.f32 v3, v5;
	v18 =	vmul.f32 v45, v56;
	v56 =	vld [tilespmem:s8+$0xC750]  }
0x45e: {  	v9 =	vmul.f32 v9, v58;
	v1 =	vadd.f32 v1, v12;
	v16 =	vmul.f32 v16, v59  }
0x45f: {  	[tilespmem:v50+s25+$0x0] =	vst.idx.msk $0xffff, v6;
	v59 =	vor.u32 s3, v31;
	v12 =	vmul.f32 v13, v57;
	v5 =	vadd.f32 v8, v49  }
0x460: {  	v1 =	vadd.f32 v9, v1;
	v9 =	vmul.f32 v46, v55;
	v8 =	vadd.f32 v18, v16  }
0x461: {  	v3 =	vadd.f32 v4, v3;
	v60 =	vadd.f32 v12, v5;
	v61 =	vmul.f32 v11, v51  }
0x462: {  	s30 =	sadd.s32 s10, s31;
	v1 =	vadd.f32 v2, v1;
	v8 =	vadd.f32 v9, v8;
	v9 =	vmul.f32 v56, v44  }
0x463: {  	s1 =	sshll.u32 s30, $0xA;
	[tilespmem:v15+s25+$0x0] =	vst.idx.msk $0xffff, v3;
	v62 =	vadd.f32 v61, v60  }
0x464: {  	s31 =	sadd.s32 $0x1, s31;
	s1 =	sadd.s32 s9, s1;
	[tilespmem:v54+s25+$0x0] =	vst.idx.msk $0xffff, v1;
	v63 =	vadd.f32 v9, v8  }
0x465: {  	p0 =	sne.s32 s31, $0xC4;
	s1 =	sshrl.u32 s1, $0x3;
	[tilespmem:v59+s25+$0x0] =	vst.idx.msk $0xffff, v62  }
.Ltmp3:
0x466: {  	s1 =	sadd.s32 s6, s1;
	[tilespmem:v47+s25+$0x0] =	vst.idx.msk $0xffff, v63;
	(pc) =	sbr.rel @p0 .LBB2_2-.Ltmp3, $4  }
0x467: {  	[hbm4b:s1+s28] =	stream.strided.scatter [tilespmem:s25], [sflag:$0x3], $0x3000, s29, s28, $0x38;
	[tilespmem:$0x13680] =	vst v63  }
0x468: {  	_ =	swait.ge [sflag:s12], $0x3000  }
0x469: {  	[sflag:s12] =	ssyncset.done $0x0  }
0x46a: {  	[sflag:s12] =	ssyncadd.s32 $0xFFFFD000  }
0x46b: {  	s2 =	rddreg [dreg:$0x5]  }
0x46c: {  	s1 =	rddreg [dreg:$0x4];
	s2 =	sadd.s32 $0x1, s2  }
0x46d: {  	p0 =	sne.s32 s2, s1  }
.Ltmp4:
0x46e: {  	_ = 	snop;
	(pc) =	sbr.rel @p0 .LBB2_1-.Ltmp4, $1  }
0x46f: {  	_ =	sdelay $0x3  }
0x470: {  	_ =	sfence.sel $0x180000  }
0x471: {  	[bflag:$0x0] =	sbarrier.arrive $0xFFFF  }
0x472: {  	_ =	strace $0x90000047  }
0x473: {  	s0 =	stileid.u32;
	[bflag:$0x2] =	sbarrier.arrive $0xFFFF  }
0x474: {  	p0 =	sne.s32 s0, $0x0;
	s0 =	rddreg [dreg:$0x2]  }
0x475: {  	s0 =	sadd.s32 @!p0 $0x100000, s0  }
0x476: {  	[sflag:s0] =	ssyncadd.tile.s32 @!p0 $0x1;
	_ =	shalt  }
.Lfunc_end2:
_tile_overlayer_lowered:
.L_overlay_start_2:
0x477: {  	(tag) =	ssettag $0x2  }
0x478: {  	s0 =	rddreg [dreg:$0x0];
	s2 =	stileid.u32  }
0x479: {  	s1 =	rddreg [dreg:$0x1];
	p0 =	sne.s32 s2, $0x0  }
0x47a: {  	s3 =	rddreg [dreg:$0x2];
	[bflag:$0x3] =	sbarrier.arrive $0xFFFF;
	s2 =	simm.s32 @!p0 $0x1C03  }
0x47b: {  	[timem:s3], [sflag:s2] =	dma.local @!p0 [hbm:s0], s1  }
0x47c: {  	s0 =	simm.s32 @!p0 $0x3  }
0x47d: {  	_ =	swait.ge @!p0 [sflag:s0], s1  }
0x47e: {  	s1 =	ssub.s32 @!p0 $0x0, s1;
	[sflag:s0] =	ssyncset.done @!p0 $0x0  }
0x47f: {  	[sflag:s0] =	ssyncadd.s32 @!p0 s1  }
0x480: {  	[bflag:$0x3] =	sbarrier.arrive $0xFFFF  }
0x481: {  	_ =	shalt  }

</sc_bundles>
